<compile_context>
chip_gen: v7x
topology: tpu7x:2x2x1
jax: 0.10.2.dev20260603
libtpu: 0.0.44.dev20260713+nightly
codegen_flags: <defaults>
</compile_context>

<pallas_src>
import jax
import jax.numpy as jnp
from jax import lax
from jax.experimental import pallas as pl
from jax.experimental.pallas import tpu as pltpu
from jax.experimental.pallas import tpu_sc as plsc

N = 10000
NP = 10112
E = 320000
NCORES = 2
NTILES = 16
NW = NCORES * NTILES
CHUNK = 128
KCH = 80
DCH = 512
DKCH = 20
EPT = KCH * CHUNK
EPAD = EPT * NW
RPT = NP // NTILES
HID = 64
RB = 2528
GRID = NP // RB

_sc_mesh = plsc.VectorSubcoreMesh(core_axis_name="c", subcore_axis_name="s")
_sc_params = pltpu.CompilerParams(use_tc_tiling_on_sc=False)



def _agg_body(y_hbm, src_hbm, dst_hbm, zeros_hbm, out_hbm,
              sidx_v, didx_v, bufa_v, acc_sh, y_sh, gsem):
    c = lax.axis_index("c")
    s = lax.axis_index("s")
    wid = c * NTILES + s
    pltpu.sync_copy(zeros_hbm.at[pl.ds(s * RPT, RPT)],
                    acc_sh.at[pl.ds(s * RPT, RPT)])
    pltpu.sync_copy(y_hbm.at[pl.ds(s * RPT, RPT)],
                    y_sh.at[pl.ds(s * RPT, RPT)])
    pltpu.sync_copy(src_hbm.at[wid], sidx_v)
    pltpu.sync_copy(dst_hbm.at[wid], didx_v)
    plsc.subcore_barrier()

    pltpu.async_copy(y_sh.at[sidx_v.at[0]], bufa_v.at[0], gsem)

    def body(j, carry):
        b = lax.rem(j, 2)
        buf = bufa_v.at[b]
        pltpu.make_async_copy(y_sh.at[sidx_v.at[j]], buf, gsem).wait()
        pltpu.async_copy(y_sh.at[sidx_v.at[j + 1]], bufa_v.at[1 - b], gsem)
        pltpu.sync_copy(buf, acc_sh.at[didx_v.at[j]], add=True)
        return carry

    lax.fori_loop(0, KCH - 1, body, 0)
    last = bufa_v.at[(KCH - 1) % 2]
    pltpu.make_async_copy(y_sh.at[sidx_v.at[KCH - 1]], last, gsem).wait()
    pltpu.sync_copy(last, acc_sh.at[didx_v.at[KCH - 1]], add=True)
    plsc.subcore_barrier()
    pltpu.sync_copy(acc_sh.at[pl.ds(s * RPT, RPT)],
                    out_hbm.at[c, pl.ds(s * RPT, RPT)])


_agg = pl.kernel(
    _agg_body,
    out_type=jax.ShapeDtypeStruct((NCORES, NP, HID), jnp.float32),
    mesh=_sc_mesh,
    compiler_params=_sc_params,
    scratch_types=[
        pltpu.VMEM((KCH, CHUNK), jnp.int32),
        pltpu.VMEM((KCH, CHUNK), jnp.int32),
        pltpu.VMEM((2, CHUNK, HID), jnp.float32),
        pltpu.VMEM_SHARED((NP, HID), jnp.float32),
        pltpu.VMEM_SHARED((NP, HID), jnp.float32),
        pltpu.SemaphoreType.DMA,
    ],
)


def _deg_body(src_hbm, dst_hbm, ones_hbm, zeros_hbm, out_hbm,
              sidx_v, didx_v, ones_v, acc_out, acc_in, ssem):
    c = lax.axis_index("c")
    s = lax.axis_index("s")
    wid = c * NTILES + s
    pltpu.sync_copy(zeros_hbm.at[pl.ds(s * RPT, RPT)],
                    acc_out.at[pl.ds(s * RPT, RPT)])
    pltpu.sync_copy(zeros_hbm.at[pl.ds(s * RPT, RPT)],
                    acc_in.at[pl.ds(s * RPT, RPT)])
    pltpu.sync_copy(src_hbm.at[wid], sidx_v)
    pltpu.sync_copy(dst_hbm.at[wid], didx_v)
    pltpu.sync_copy(ones_hbm, ones_v)
    plsc.subcore_barrier()

    def body(j, carry):
        pltpu.async_copy(ones_v, acc_out.at[sidx_v.at[j]], ssem, add=True)
        pltpu.async_copy(ones_v, acc_in.at[didx_v.at[j]], ssem, add=True)
        return carry

    lax.fori_loop(0, DKCH, body, 0)

    def drain(j, carry):
        pltpu.make_async_copy(ones_hbm, ones_v, ssem).wait()
        return carry

    lax.fori_loop(0, 2 * DKCH, drain, 0)
    plsc.subcore_barrier()
    pltpu.sync_copy(acc_out.at[pl.ds(s * RPT, RPT)],
                    out_hbm.at[c, 0, pl.ds(s * RPT, RPT)])
    pltpu.sync_copy(acc_in.at[pl.ds(s * RPT, RPT)],
                    out_hbm.at[c, 1, pl.ds(s * RPT, RPT)])


_deg = pl.kernel(
    _deg_body,
    out_type=jax.ShapeDtypeStruct((NCORES, 2, NP, 16), jnp.float32),
    mesh=_sc_mesh,
    compiler_params=_sc_params,
    scratch_types=[
        pltpu.VMEM((DKCH, DCH), jnp.int32),
        pltpu.VMEM((DKCH, DCH), jnp.int32),
        pltpu.VMEM((DCH, 16), jnp.float32),
        pltpu.VMEM_SHARED((NP, 16), jnp.float32),
        pltpu.VMEM_SHARED((NP, 16), jnp.float32),
        pltpu.SemaphoreType.DMA,
    ],
)



def _l0_body(x_ref, w_ref, d00, d01, d10, d11, m_ref, y_ref, so_ref, si_ref):
    mask = m_ref[...]
    so = lax.rsqrt(jnp.maximum(d00[:, :1] + d01[:, :1], 1.0)) * mask
    si = lax.rsqrt(jnp.maximum(d10[:, :1] + d11[:, :1], 1.0)) * mask
    so_ref[...] = so
    si_ref[...] = si
    y_ref[...] = jnp.dot(x_ref[...] * so, w_ref[...],
                         preferred_element_type=jnp.float32)


_l0 = pl.pallas_call(
    _l0_body,
    grid=(GRID,),
    in_specs=[pl.BlockSpec((RB, 128), lambda i: (i, 0)),
              pl.BlockSpec((128, HID), lambda i: (0, 0)),
              pl.BlockSpec((RB, 16), lambda i: (i, 0)),
              pl.BlockSpec((RB, 16), lambda i: (i, 0)),
              pl.BlockSpec((RB, 16), lambda i: (i, 0)),
              pl.BlockSpec((RB, 16), lambda i: (i, 0)),
              pl.BlockSpec((RB, 1), lambda i: (i, 0))],
    out_specs=(pl.BlockSpec((RB, HID), lambda i: (i, 0)),
               pl.BlockSpec((RB, 1), lambda i: (i, 0)),
               pl.BlockSpec((RB, 1), lambda i: (i, 0))),
    out_shape=(jax.ShapeDtypeStruct((NP, HID), jnp.float32),
               jax.ShapeDtypeStruct((NP, 1), jnp.float32),
               jax.ShapeDtypeStruct((NP, 1), jnp.float32)),
)


def _mid_body(p0_ref, p1_ref, si_ref, b_ref, so_ref, w_ref, o_ref):
    x = jnp.maximum((p0_ref[...] + p1_ref[...]) * si_ref[...] + b_ref[...],
                    0.0) * so_ref[...]
    o_ref[...] = jnp.dot(x, w_ref[...], preferred_element_type=jnp.float32)


_mid = pl.pallas_call(
    _mid_body,
    grid=(GRID,),
    in_specs=[pl.BlockSpec((RB, HID), lambda i: (i, 0)),
              pl.BlockSpec((RB, HID), lambda i: (i, 0)),
              pl.BlockSpec((RB, 1), lambda i: (i, 0)),
              pl.BlockSpec((1, HID), lambda i: (0, 0)),
              pl.BlockSpec((RB, 1), lambda i: (i, 0)),
              pl.BlockSpec((HID, HID), lambda i: (0, 0))],
    out_specs=pl.BlockSpec((RB, HID), lambda i: (i, 0)),
    out_shape=jax.ShapeDtypeStruct((NP, HID), jnp.float32),
)


def _last_body(p0_ref, p1_ref, si_ref, w_ref, b_ref, o_ref):
    x = (p0_ref[...] + p1_ref[...]) * si_ref[...]
    o_ref[...] = jax.nn.sigmoid(
        jnp.dot(x, w_ref[...], preferred_element_type=jnp.float32) + b_ref[...])


_last = pl.pallas_call(
    _last_body,
    grid=(GRID,),
    in_specs=[pl.BlockSpec((RB, HID), lambda i: (i, 0)),
              pl.BlockSpec((RB, HID), lambda i: (i, 0)),
              pl.BlockSpec((RB, 1), lambda i: (i, 0)),
              pl.BlockSpec((HID, 128), lambda i: (0, 0)),
              pl.BlockSpec((1, 128), lambda i: (0, 0))],
    out_specs=pl.BlockSpec((RB, 128), lambda i: (i, 0)),
    out_shape=jax.ShapeDtypeStruct((NP, 128), jnp.float32),
)



def kernel(features, edge_index, Ws, bs):
    pad = jnp.full((EPAD - E,), N, jnp.int32)
    src3 = jnp.concatenate([edge_index[0], pad]).reshape(NW, KCH, CHUNK)
    dst3 = jnp.concatenate([edge_index[1], pad]).reshape(NW, KCH, CHUNK)
    feats_p = jnp.pad(features, ((0, NP - N), (0, 0)))
    zeros64 = jnp.zeros((NP, HID), jnp.float32)
    zeros16 = jnp.zeros((NP, 16), jnp.float32)
    ones16 = jnp.ones((DCH, 16), jnp.float32)
    mask = jnp.pad(jnp.ones((N, 1), jnp.float32), ((0, NP - N), (0, 0)))

    deg = _deg(src3.reshape(NW, DKCH, DCH), dst3.reshape(NW, DKCH, DCH),
               ones16, zeros16)
    y, so, si = _l0(feats_p, Ws[0], deg[0, 0], deg[1, 0], deg[0, 1],
                    deg[1, 1], mask)
    for i in range(1, 7):
        p = _agg(y, src3, dst3, zeros64)
        y = _mid(p[0], p[1], si, bs[i - 1].reshape(1, HID), so, Ws[i])
    p = _agg(y, src3, dst3, zeros64)
    h7 = _mid(p[0], p[1], si, bs[6].reshape(1, HID), so,
              jnp.eye(HID, dtype=jnp.float32))
    q = _agg(h7, src3, dst3, zeros64)
    out = _last(q[0], q[1], si, Ws[7], bs[7].reshape(1, 128))
    return out[:N]

# --- scband reference (transcript-rebuilt; emitter-appended) ---
"""Pipeline reference for scband-graph-conv-net-20306605375975 (READ-ONLY COPY).

The authoritative reference and input builder live on the scoring server;
editing this copy changes nothing except your own understanding.
"""

import jax, jax.numpy as jnp
import numpy as np

N_NODES = 10000
N_EDGES = 320000
D_IN = 128
HID = 64
D_OUT = 128
NUM_LAYERS = 6  # number of middle hidden->hidden layers; total GraphConv layers = NUM_LAYERS + 2


def _glorot(key, fan_in, fan_out):
    scale = jnp.sqrt(2.0 / (fan_in + fan_out))
    return jax.random.normal(key, (fan_in, fan_out), dtype=jnp.float32) * scale


def setup_inputs(seed: int = 0) -> dict:
    key = jax.random.key(seed)
    keys = jax.random.split(key, 2 + NUM_LAYERS + 2)
    features = jax.random.normal(keys[0], (N_NODES, D_IN), dtype=jnp.float32)
    edge_index = jax.random.randint(keys[1], (2, N_EDGES), 0, N_NODES, dtype=jnp.int32)
    # layer dims: 128 -> 64, (64 -> 64) x NUM_LAYERS, 64 -> 128
    dims = [D_IN] + [HID] * (NUM_LAYERS + 1) + [D_OUT]
    Ws = []
    bs = []
    for i in range(len(dims) - 1):
        Ws.append(_glorot(keys[2 + i], dims[i], dims[i + 1]))
        bs.append(jnp.zeros((dims[i + 1],), dtype=jnp.float32))
    return {"features": features, "edge_index": edge_index, "Ws": Ws, "bs": bs}


def _graph_conv(x, src, dst, inv_sqrt_out, inv_sqrt_in, W, b, n):
    # DGL GraphConv with norm='both', allow_zero_in_degree=True:
    # h = D_in^{-1/2} * A * D_out^{-1/2} * x * W + b
    h = x * inv_sqrt_out[:, None]
    m = jax.ops.segment_sum(h[src], dst, num_segments=n)
    h = m * inv_sqrt_in[:, None]
    return h @ W + b


def reference(features, edge_index, Ws, bs):
    n = features.shape[0]
    src = edge_index[0]
    dst = edge_index[1]
    ones = jnp.ones((src.shape[0],), dtype=features.dtype)
    out_deg = jax.ops.segment_sum(ones, src, num_segments=n)
    in_deg = jax.ops.segment_sum(ones, dst, num_segments=n)
    inv_sqrt_out = jnp.power(jnp.clip(out_deg, 1.0, None), -0.5)
    inv_sqrt_in = jnp.power(jnp.clip(in_deg, 1.0, None), -0.5)

    x = jax.nn.relu(_graph_conv(features, src, dst, inv_sqrt_out, inv_sqrt_in, Ws[0], bs[0], n))
    for i in range(1, len(Ws) - 1):
        x = jax.nn.relu(_graph_conv(x, src, dst, inv_sqrt_out, inv_sqrt_in, Ws[i], bs[i], n))
    # dropout(p=0.25) treated as identity (eval-mode determinism)
    x = _graph_conv(x, src, dst, inv_sqrt_out, inv_sqrt_in, Ws[-1], bs[-1], n)
    return jax.nn.sigmoid(x)

if __name__ == "__main__":
    import jax
    _d = setup_inputs()
    print(jax.jit(kernel)(*tuple(_d.values())))

</pallas_src>

<mosaic_0001>
#map = affine_map<(d0, d1) -> (0, 0)>
#map1 = affine_map<(d0, d1) -> (0, 0, 0)>
module attributes {stable_mosaic.version = 14 : i64} {
  func.func @_agg_body(%arg0: i32, %arg1: i32, %arg2: memref<10112x64xf32, #tpu.memory_space<hbm>>, %arg3: memref<32x80x128xi32, #tpu.memory_space<hbm>>, %arg4: memref<32x80x128xi32, #tpu.memory_space<hbm>>, %arg5: memref<10112x64xf32, #tpu.memory_space<hbm>>, %arg6: memref<2x10112x64xf32, #tpu.memory_space<hbm>>, %arg7: memref<80x128xi32, #tpu.memory_space<vmem>>, %arg8: memref<80x128xi32, #tpu.memory_space<vmem>>, %arg9: memref<2x128x64xf32, #tpu.memory_space<vmem>>, %arg10: memref<10112x64xf32, #tpu.memory_space<vmem_shared>>, %arg11: memref<10112x64xf32, #tpu.memory_space<vmem_shared>>, %arg12: memref<!tpu.dma_semaphore, #tpu.memory_space<semaphore_mem>>) attributes {dimension_semantics = [#tpu.dimension_semantics<core_parallel>, #tpu.dimension_semantics<subcore_parallel>], iteration_bounds = array<i64: 2, 16>, scalar_prefetch = 0 : i64, scratch_operands = 6 : i64, tpu.core_type = #tpu.core_type<sc_vector_subcore>, window_params = [{transform_indices = #map}, {transform_indices = #map1}, {transform_indices = #map1}, {transform_indices = #map}, {transform_indices = #map1}]} {
    %mul3A = arith.constant 16 : i32
    %mul3A_0 = arith.muli %arg0, %mul3A : i32
    %add3A = arith.addi %mul3A_0, %arg1 : i32
    %mul3A_1 = arith.constant 632 : i32
    %mul3A_2 = arith.muli %arg1, %mul3A_1 : i32
    %mul3A_3 = arith.constant 632 : i32
    %mul3A_4 = arith.muli %arg1, %mul3A_3 : i32
    "tpu.region"() ({
      %run_scoped3A_42 = tpu.sem_alloc : memref<!tpu.dma_semaphore, #tpu.memory_space<semaphore_mem>>
      %dma_start3A_43 = arith.constant 0 : i32
      %dma_start3A_44 = tpu.memref_slice %arg10[%mul3A_4, %dma_start3A_43] : memref<10112x64xf32, #tpu.memory_space<vmem_shared>> -> memref<632x64xf32, #tpu.memory_space<vmem_shared>>
      %dma_start3A_45 = arith.constant 0 : i32
      %dma_start3A_46 = tpu.memref_slice %arg5[%mul3A_2, %dma_start3A_45] : memref<10112x64xf32, #tpu.memory_space<hbm>> -> memref<632x64xf32, #tpu.memory_space<hbm>>
      tpu.enqueue_dma source(%dma_start3A_46 : memref<632x64xf32, #tpu.memory_space<hbm>>) target(%dma_start3A_44 : memref<632x64xf32, #tpu.memory_space<vmem_shared>>) target_semaphore(%run_scoped3A_42 : memref<!tpu.dma_semaphore, #tpu.memory_space<semaphore_mem>>)
      %dma_wait3A_47 = arith.constant 0 : i32
      %dma_wait3A_48 = tpu.memref_slice %arg10[%mul3A_4, %dma_wait3A_47] : memref<10112x64xf32, #tpu.memory_space<vmem_shared>> -> memref<632x64xf32, #tpu.memory_space<vmem_shared>>
      %dma_wait3A_49 = arith.constant 0 : i32
      %dma_wait3A_50 = tpu.memref_slice %arg5[%mul3A_2, %dma_wait3A_49] : memref<10112x64xf32, #tpu.memory_space<hbm>> -> memref<632x64xf32, #tpu.memory_space<hbm>>
      tpu.wait_dma2 semaphore(%run_scoped3A_42 : memref<!tpu.dma_semaphore, #tpu.memory_space<semaphore_mem>>) src(%dma_wait3A_50 : memref<632x64xf32, #tpu.memory_space<hbm>>) dst(%dma_wait3A_48 : memref<632x64xf32, #tpu.memory_space<vmem_shared>>)
      tpu.yield
    }) : () -> ()
    %mul3A_5 = arith.constant 632 : i32
    %mul3A_6 = arith.muli %arg1, %mul3A_5 : i32
    %mul3A_7 = arith.constant 632 : i32
    %mul3A_8 = arith.muli %arg1, %mul3A_7 : i32
    "tpu.region"() ({
      %run_scoped3A_42 = tpu.sem_alloc : memref<!tpu.dma_semaphore, #tpu.memory_space<semaphore_mem>>
      %dma_start3A_43 = arith.constant 0 : i32
      %dma_start3A_44 = tpu.memref_slice %arg11[%mul3A_8, %dma_start3A_43] : memref<10112x64xf32, #tpu.memory_space<vmem_shared>> -> memref<632x64xf32, #tpu.memory_space<vmem_shared>>
      %dma_start3A_45 = arith.constant 0 : i32
      %dma_start3A_46 = tpu.memref_slice %arg2[%mul3A_6, %dma_start3A_45] : memref<10112x64xf32, #tpu.memory_space<hbm>> -> memref<632x64xf32, #tpu.memory_space<hbm>>
      tpu.enqueue_dma source(%dma_start3A_46 : memref<632x64xf32, #tpu.memory_space<hbm>>) target(%dma_start3A_44 : memref<632x64xf32, #tpu.memory_space<vmem_shared>>) target_semaphore(%run_scoped3A_42 : memref<!tpu.dma_semaphore, #tpu.memory_space<semaphore_mem>>)
      %dma_wait3A_47 = arith.constant 0 : i32
      %dma_wait3A_48 = tpu.memref_slice %arg11[%mul3A_8, %dma_wait3A_47] : memref<10112x64xf32, #tpu.memory_space<vmem_shared>> -> memref<632x64xf32, #tpu.memory_space<vmem_shared>>
      %dma_wait3A_49 = arith.constant 0 : i32
      %dma_wait3A_50 = tpu.memref_slice %arg2[%mul3A_6, %dma_wait3A_49] : memref<10112x64xf32, #tpu.memory_space<hbm>> -> memref<632x64xf32, #tpu.memory_space<hbm>>
      tpu.wait_dma2 semaphore(%run_scoped3A_42 : memref<!tpu.dma_semaphore, #tpu.memory_space<semaphore_mem>>) src(%dma_wait3A_50 : memref<632x64xf32, #tpu.memory_space<hbm>>) dst(%dma_wait3A_48 : memref<632x64xf32, #tpu.memory_space<vmem_shared>>)
      tpu.yield
    }) : () -> ()
    "tpu.region"() ({
      %run_scoped3A_42 = tpu.sem_alloc : memref<!tpu.dma_semaphore, #tpu.memory_space<semaphore_mem>>
      %dma_start3A_43 = arith.constant 0 : i32
      %dma_start3A_44 = arith.constant 0 : i32
      %dma_start3A_45 = tpu.memref_slice %arg3[%add3A, %dma_start3A_43, %dma_start3A_44] : memref<32x80x128xi32, #tpu.memory_space<hbm>> -> memref<1x80x128xi32, #tpu.memory_space<hbm>>
      %dma_start3A_46 = tpu.memref_squeeze %dma_start3A_45 : memref<1x80x128xi32, #tpu.memory_space<hbm>> -> memref<80x128xi32, #tpu.memory_space<hbm>>
      %dma_start3A_47 = arith.constant 0 : i32
      %dma_start3A_48 = arith.constant 0 : i32
      %dma_start3A_49 = tpu.memref_slice %arg3[%add3A, %dma_start3A_47, %dma_start3A_48] : memref<32x80x128xi32, #tpu.memory_space<hbm>> -> memref<1x80x128xi32, #tpu.memory_space<hbm>>
      %dma_start3A_50 = tpu.memref_squeeze %dma_start3A_49 : memref<1x80x128xi32, #tpu.memory_space<hbm>> -> memref<80x128xi32, #tpu.memory_space<hbm>>
      tpu.enqueue_dma source(%dma_start3A_50 : memref<80x128xi32, #tpu.memory_space<hbm>>) target(%arg7 : memref<80x128xi32, #tpu.memory_space<vmem>>) target_semaphore(%run_scoped3A_42 : memref<!tpu.dma_semaphore, #tpu.memory_space<semaphore_mem>>)
      %dma_wait3A_51 = arith.constant 0 : i32
      %dma_wait3A_52 = arith.constant 0 : i32
      %dma_wait3A_53 = tpu.memref_slice %arg3[%add3A, %dma_wait3A_51, %dma_wait3A_52] : memref<32x80x128xi32, #tpu.memory_space<hbm>> -> memref<1x80x128xi32, #tpu.memory_space<hbm>>
      %dma_wait3A_54 = tpu.memref_squeeze %dma_wait3A_53 : memref<1x80x128xi32, #tpu.memory_space<hbm>> -> memref<80x128xi32, #tpu.memory_space<hbm>>
      %dma_wait3A_55 = arith.constant 0 : i32
      %dma_wait3A_56 = arith.constant 0 : i32
      %dma_wait3A_57 = tpu.memref_slice %arg3[%add3A, %dma_wait3A_55, %dma_wait3A_56] : memref<32x80x128xi32, #tpu.memory_space<hbm>> -> memref<1x80x128xi32, #tpu.memory_space<hbm>>
      %dma_wait3A_58 = tpu.memref_squeeze %dma_wait3A_57 : memref<1x80x128xi32, #tpu.memory_space<hbm>> -> memref<80x128xi32, #tpu.memory_space<hbm>>
      tpu.wait_dma2 semaphore(%run_scoped3A_42 : memref<!tpu.dma_semaphore, #tpu.memory_space<semaphore_mem>>) src(%dma_wait3A_58 : memref<80x128xi32, #tpu.memory_space<hbm>>) dst(%arg7 : memref<80x128xi32, #tpu.memory_space<vmem>>)
      tpu.yield
    }) : () -> ()
    "tpu.region"() ({
      %run_scoped3A_42 = tpu.sem_alloc : memref<!tpu.dma_semaphore, #tpu.memory_space<semaphore_mem>>
      %dma_start3A_43 = arith.constant 0 : i32
      %dma_start3A_44 = arith.constant 0 : i32
      %dma_start3A_45 = tpu.memref_slice %arg4[%add3A, %dma_start3A_43, %dma_start3A_44] : memref<32x80x128xi32, #tpu.memory_space<hbm>> -> memref<1x80x128xi32, #tpu.memory_space<hbm>>
      %dma_start3A_46 = tpu.memref_squeeze %dma_start3A_45 : memref<1x80x128xi32, #tpu.memory_space<hbm>> -> memref<80x128xi32, #tpu.memory_space<hbm>>
      %dma_start3A_47 = arith.constant 0 : i32
      %dma_start3A_48 = arith.constant 0 : i32
      %dma_start3A_49 = tpu.memref_slice %arg4[%add3A, %dma_start3A_47, %dma_start3A_48] : memref<32x80x128xi32, #tpu.memory_space<hbm>> -> memref<1x80x128xi32, #tpu.memory_space<hbm>>
      %dma_start3A_50 = tpu.memref_squeeze %dma_start3A_49 : memref<1x80x128xi32, #tpu.memory_space<hbm>> -> memref<80x128xi32, #tpu.memory_space<hbm>>
      tpu.enqueue_dma source(%dma_start3A_50 : memref<80x128xi32, #tpu.memory_space<hbm>>) target(%arg8 : memref<80x128xi32, #tpu.memory_space<vmem>>) target_semaphore(%run_scoped3A_42 : memref<!tpu.dma_semaphore, #tpu.memory_space<semaphore_mem>>)
      %dma_wait3A_51 = arith.constant 0 : i32
      %dma_wait3A_52 = arith.constant 0 : i32
      %dma_wait3A_53 = tpu.memref_slice %arg4[%add3A, %dma_wait3A_51, %dma_wait3A_52] : memref<32x80x128xi32, #tpu.memory_space<hbm>> -> memref<1x80x128xi32, #tpu.memory_space<hbm>>
      %dma_wait3A_54 = tpu.memref_squeeze %dma_wait3A_53 : memref<1x80x128xi32, #tpu.memory_space<hbm>> -> memref<80x128xi32, #tpu.memory_space<hbm>>
      %dma_wait3A_55 = arith.constant 0 : i32
      %dma_wait3A_56 = arith.constant 0 : i32
      %dma_wait3A_57 = tpu.memref_slice %arg4[%add3A, %dma_wait3A_55, %dma_wait3A_56] : memref<32x80x128xi32, #tpu.memory_space<hbm>> -> memref<1x80x128xi32, #tpu.memory_space<hbm>>
      %dma_wait3A_58 = tpu.memref_squeeze %dma_wait3A_57 : memref<1x80x128xi32, #tpu.memory_space<hbm>> -> memref<80x128xi32, #tpu.memory_space<hbm>>
      tpu.wait_dma2 semaphore(%run_scoped3A_42 : memref<!tpu.dma_semaphore, #tpu.memory_space<semaphore_mem>>) src(%dma_wait3A_58 : memref<80x128xi32, #tpu.memory_space<hbm>>) dst(%arg8 : memref<80x128xi32, #tpu.memory_space<vmem>>)
      tpu.yield
    }) : () -> ()
    %barrier3A = arith.constant 0 : index
    tpu.barrier barrier_id(%barrier3A)
    %dma_start3A = arith.constant 0 : i32
    %dma_start3A_9 = arith.constant 0 : i32
    %dma_start3A_10 = arith.constant 0 : i32
    %dma_start3A_11 = arith.constant 0 : i32
    %dma_start3A_12 = tpu.memref_slice %arg9[%dma_start3A_9, %dma_start3A_10, %dma_start3A_11] : memref<2x128x64xf32, #tpu.memory_space<vmem>> -> memref<1x128x64xf32, #tpu.memory_space<vmem>>
    %dma_start3A_13 = tpu.memref_squeeze %dma_start3A_12 : memref<1x128x64xf32, #tpu.memory_space<vmem>> -> memref<128x64xf32, #tpu.memory_space<vmem>>
    %dma_start3A_14 = arith.constant 0 : i32
    %dma_start3A_15 = tpu.memref_slice %arg7[%dma_start3A, %dma_start3A_14] : memref<80x128xi32, #tpu.memory_space<vmem>> -> memref<1x128xi32, #tpu.memory_space<vmem>>
    %dma_start3A_16 = tpu.memref_squeeze %dma_start3A_15 : memref<1x128xi32, #tpu.memory_space<vmem>> -> memref<128xi32, #tpu.memory_space<vmem>>
    %dma_start3A_17 = arith.constant 0 : i32
    %dma_start3A_18 = arith.constant 0 : i32
    %dma_start3A_19 = tpu.memref_slice %arg11[%dma_start3A_17, %dma_start3A_18] : memref<10112x64xf32, #tpu.memory_space<vmem_shared>> -> memref<10112x64xf32, #tpu.memory_space<vmem_shared>>
    tpu.enqueue_indirect_dma source(%dma_start3A_19 : memref<10112x64xf32, #tpu.memory_space<vmem_shared>>) target(%dma_start3A_13 : memref<128x64xf32, #tpu.memory_space<vmem>>) offsets(%dma_start3A_16 : memref<128xi32, #tpu.memory_space<vmem>>) semaphore(%arg12 : memref<!tpu.dma_semaphore, #tpu.memory_space<semaphore_mem>>)
    %scan3A = arith.constant 0 : i32
    %scan3A_20 = arith.constant 0 : i32
    %scan3A_21 = arith.constant 79 : i32
    %scan3A_22 = arith.addi %scan3A_20, %scan3A_21 : i32
    %scan3A_23 = arith.constant 1 : i32
    scf.for %scan3A_42 = %scan3A_20 to %scan3A_22 step %scan3A_23  : i32 {
      %rem3A = arith.constant 2 : i32
      %rem3A_43 = arith.remsi %scan3A_42, %rem3A : i32
      %dma_wait3A_44 = arith.constant 0 : i32
      %dma_wait3A_45 = arith.constant 0 : i32
      %dma_wait3A_46 = tpu.memref_slice %arg9[%rem3A_43, %dma_wait3A_44, %dma_wait3A_45] : memref<2x128x64xf32, #tpu.memory_space<vmem>> -> memref<1x128x64xf32, #tpu.memory_space<vmem>>
      %dma_wait3A_47 = tpu.memref_squeeze %dma_wait3A_46 : memref<1x128x64xf32, #tpu.memory_space<vmem>> -> memref<128x64xf32, #tpu.memory_space<vmem>>
      %dma_wait3A_48 = arith.constant 0 : i32
      %dma_wait3A_49 = tpu.memref_slice %arg7[%scan3A_42, %dma_wait3A_48] : memref<80x128xi32, #tpu.memory_space<vmem>> -> memref<1x128xi32, #tpu.memory_space<vmem>>
      %dma_wait3A_50 = tpu.memref_squeeze %dma_wait3A_49 : memref<1x128xi32, #tpu.memory_space<vmem>> -> memref<128xi32, #tpu.memory_space<vmem>>
      %dma_wait3A_51 = arith.constant 0 : i32
      %dma_wait3A_52 = arith.constant 0 : i32
      %dma_wait3A_53 = tpu.memref_slice %arg11[%dma_wait3A_51, %dma_wait3A_52] : memref<10112x64xf32, #tpu.memory_space<vmem_shared>> -> memref<10112x64xf32, #tpu.memory_space<vmem_shared>>
      tpu.wait_indirect_dma semaphore(%arg12 : memref<!tpu.dma_semaphore, #tpu.memory_space<semaphore_mem>>) src(%dma_wait3A_53 : memref<10112x64xf32, #tpu.memory_space<vmem_shared>>) dst(%dma_wait3A_47 : memref<128x64xf32, #tpu.memory_space<vmem>>)
      %add3A_54 = arith.constant 1 : i32
      %add3A_55 = arith.addi %scan3A_42, %add3A_54 : i32
      %sub3A = arith.constant 1 : i32
      %sub3A_56 = arith.subi %sub3A, %rem3A_43 : i32
      %dma_start3A_57 = arith.constant 0 : i32
      %dma_start3A_58 = arith.constant 0 : i32
      %dma_start3A_59 = tpu.memref_slice %arg9[%sub3A_56, %dma_start3A_57, %dma_start3A_58] : memref<2x128x64xf32, #tpu.memory_space<vmem>> -> memref<1x128x64xf32, #tpu.memory_space<vmem>>
      %dma_start3A_60 = tpu.memref_squeeze %dma_start3A_59 : memref<1x128x64xf32, #tpu.memory_space<vmem>> -> memref<128x64xf32, #tpu.memory_space<vmem>>
      %dma_start3A_61 = arith.constant 0 : i32
      %dma_start3A_62 = tpu.memref_slice %arg7[%add3A_55, %dma_start3A_61] : memref<80x128xi32, #tpu.memory_space<vmem>> -> memref<1x128xi32, #tpu.memory_space<vmem>>
      %dma_start3A_63 = tpu.memref_squeeze %dma_start3A_62 : memref<1x128xi32, #tpu.memory_space<vmem>> -> memref<128xi32, #tpu.memory_space<vmem>>
      %dma_start3A_64 = arith.constant 0 : i32
      %dma_start3A_65 = arith.constant 0 : i32
      %dma_start3A_66 = tpu.memref_slice %arg11[%dma_start3A_64, %dma_start3A_65] : memref<10112x64xf32, #tpu.memory_space<vmem_shared>> -> memref<10112x64xf32, #tpu.memory_space<vmem_shared>>
      tpu.enqueue_indirect_dma source(%dma_start3A_66 : memref<10112x64xf32, #tpu.memory_space<vmem_shared>>) target(%dma_start3A_60 : memref<128x64xf32, #tpu.memory_space<vmem>>) offsets(%dma_start3A_63 : memref<128xi32, #tpu.memory_space<vmem>>) semaphore(%arg12 : memref<!tpu.dma_semaphore, #tpu.memory_space<semaphore_mem>>)
      "tpu.region"() ({
        %run_scoped3A_67 = tpu.sem_alloc : memref<!tpu.dma_semaphore, #tpu.memory_space<semaphore_mem>>
        %dma_start3A_68 = arith.constant 0 : i32
        %dma_start3A_69 = arith.constant 0 : i32
        %dma_start3A_70 = tpu.memref_slice %arg9[%rem3A_43, %dma_start3A_68, %dma_start3A_69] : memref<2x128x64xf32, #tpu.memory_space<vmem>> -> memref<1x128x64xf32, #tpu.memory_space<vmem>>
        %dma_start3A_71 = tpu.memref_squeeze %dma_start3A_70 : memref<1x128x64xf32, #tpu.memory_space<vmem>> -> memref<128x64xf32, #tpu.memory_space<vmem>>
        %dma_start3A_72 = arith.constant 0 : i32
        %dma_start3A_73 = tpu.memref_slice %arg8[%scan3A_42, %dma_start3A_72] : memref<80x128xi32, #tpu.memory_space<vmem>> -> memref<1x128xi32, #tpu.memory_space<vmem>>
        %dma_start3A_74 = tpu.memref_squeeze %dma_start3A_73 : memref<1x128xi32, #tpu.memory_space<vmem>> -> memref<128xi32, #tpu.memory_space<vmem>>
        %dma_start3A_75 = arith.constant 0 : i32
        %dma_start3A_76 = arith.constant 0 : i32
        %dma_start3A_77 = tpu.memref_slice %arg10[%dma_start3A_75, %dma_start3A_76] : memref<10112x64xf32, #tpu.memory_space<vmem_shared>> -> memref<10112x64xf32, #tpu.memory_space<vmem_shared>>
        tpu.enqueue_indirect_dma source(%dma_start3A_71 : memref<128x64xf32, #tpu.memory_space<vmem>>) target(%dma_start3A_77 : memref<10112x64xf32, #tpu.memory_space<vmem_shared>>) offsets(%dma_start3A_74 : memref<128xi32, #tpu.memory_space<vmem>>) semaphore(%run_scoped3A_67 : memref<!tpu.dma_semaphore, #tpu.memory_space<semaphore_mem>>) {add = true}
        %dma_wait3A_78 = arith.constant 0 : i32
        %dma_wait3A_79 = arith.constant 0 : i32
        %dma_wait3A_80 = tpu.memref_slice %arg9[%rem3A_43, %dma_wait3A_78, %dma_wait3A_79] : memref<2x128x64xf32, #tpu.memory_space<vmem>> -> memref<1x128x64xf32, #tpu.memory_space<vmem>>
        %dma_wait3A_81 = tpu.memref_squeeze %dma_wait3A_80 : memref<1x128x64xf32, #tpu.memory_space<vmem>> -> memref<128x64xf32, #tpu.memory_space<vmem>>
        %dma_wait3A_82 = arith.constant 0 : i32
        %dma_wait3A_83 = tpu.memref_slice %arg8[%scan3A_42, %dma_wait3A_82] : memref<80x128xi32, #tpu.memory_space<vmem>> -> memref<1x128xi32, #tpu.memory_space<vmem>>
        %dma_wait3A_84 = tpu.memref_squeeze %dma_wait3A_83 : memref<1x128xi32, #tpu.memory_space<vmem>> -> memref<128xi32, #tpu.memory_space<vmem>>
        %dma_wait3A_85 = arith.constant 0 : i32
        %dma_wait3A_86 = arith.constant 0 : i32
        %dma_wait3A_87 = tpu.memref_slice %arg10[%dma_wait3A_85, %dma_wait3A_86] : memref<10112x64xf32, #tpu.memory_space<vmem_shared>> -> memref<10112x64xf32, #tpu.memory_space<vmem_shared>>
        tpu.wait_indirect_dma semaphore(%run_scoped3A_67 : memref<!tpu.dma_semaphore, #tpu.memory_space<semaphore_mem>>) src(%dma_wait3A_81 : memref<128x64xf32, #tpu.memory_space<vmem>>) dst(%dma_wait3A_87 : memref<10112x64xf32, #tpu.memory_space<vmem_shared>>)
        tpu.yield
      }) : () -> ()
    }
    %scan3A_24 = arith.constant 79 : i32
    %dma_wait3A = arith.constant 79 : i32
    %dma_wait3A_25 = arith.constant 1 : i32
    %dma_wait3A_26 = arith.constant 0 : i32
    %dma_wait3A_27 = arith.constant 0 : i32
    %dma_wait3A_28 = tpu.memref_slice %arg9[%dma_wait3A_25, %dma_wait3A_26, %dma_wait3A_27] : memref<2x128x64xf32, #tpu.memory_space<vmem>> -> memref<1x128x64xf32, #tpu.memory_space<vmem>>
    %dma_wait3A_29 = tpu.memref_squeeze %dma_wait3A_28 : memref<1x128x64xf32, #tpu.memory_space<vmem>> -> memref<128x64xf32, #tpu.memory_space<vmem>>
    %dma_wait3A_30 = arith.constant 0 : i32
    %dma_wait3A_31 = tpu.memref_slice %arg7[%dma_wait3A, %dma_wait3A_30] : memref<80x128xi32, #tpu.memory_space<vmem>> -> memref<1x128xi32, #tpu.memory_space<vmem>>
    %dma_wait3A_32 = tpu.memref_squeeze %dma_wait3A_31 : memref<1x128xi32, #tpu.memory_space<vmem>> -> memref<128xi32, #tpu.memory_space<vmem>>
    %dma_wait3A_33 = arith.constant 0 : i32
    %dma_wait3A_34 = arith.constant 0 : i32
    %dma_wait3A_35 = tpu.memref_slice %arg11[%dma_wait3A_33, %dma_wait3A_34] : memref<10112x64xf32, #tpu.memory_space<vmem_shared>> -> memref<10112x64xf32, #tpu.memory_space<vmem_shared>>
    tpu.wait_indirect_dma semaphore(%arg12 : memref<!tpu.dma_semaphore, #tpu.memory_space<semaphore_mem>>) src(%dma_wait3A_35 : memref<10112x64xf32, #tpu.memory_space<vmem_shared>>) dst(%dma_wait3A_29 : memref<128x64xf32, #tpu.memory_space<vmem>>)
    %run_scoped3A = arith.constant 1 : i32
    %run_scoped3A_36 = arith.constant 79 : i32
    "tpu.region"() ({
      %run_scoped3A_42 = tpu.sem_alloc : memref<!tpu.dma_semaphore, #tpu.memory_space<semaphore_mem>>
      %dma_start3A_43 = arith.constant 0 : i32
      %dma_start3A_44 = arith.constant 0 : i32
      %dma_start3A_45 = tpu.memref_slice %arg9[%run_scoped3A, %dma_start3A_43, %dma_start3A_44] : memref<2x128x64xf32, #tpu.memory_space<vmem>> -> memref<1x128x64xf32, #tpu.memory_space<vmem>>
      %dma_start3A_46 = tpu.memref_squeeze %dma_start3A_45 : memref<1x128x64xf32, #tpu.memory_space<vmem>> -> memref<128x64xf32, #tpu.memory_space<vmem>>
      %dma_start3A_47 = arith.constant 0 : i32
      %dma_start3A_48 = tpu.memref_slice %arg8[%run_scoped3A_36, %dma_start3A_47] : memref<80x128xi32, #tpu.memory_space<vmem>> -> memref<1x128xi32, #tpu.memory_space<vmem>>
      %dma_start3A_49 = tpu.memref_squeeze %dma_start3A_48 : memref<1x128xi32, #tpu.memory_space<vmem>> -> memref<128xi32, #tpu.memory_space<vmem>>
      %dma_start3A_50 = arith.constant 0 : i32
      %dma_start3A_51 = arith.constant 0 : i32
      %dma_start3A_52 = tpu.memref_slice %arg10[%dma_start3A_50, %dma_start3A_51] : memref<10112x64xf32, #tpu.memory_space<vmem_shared>> -> memref<10112x64xf32, #tpu.memory_space<vmem_shared>>
      tpu.enqueue_indirect_dma source(%dma_start3A_46 : memref<128x64xf32, #tpu.memory_space<vmem>>) target(%dma_start3A_52 : memref<10112x64xf32, #tpu.memory_space<vmem_shared>>) offsets(%dma_start3A_49 : memref<128xi32, #tpu.memory_space<vmem>>) semaphore(%run_scoped3A_42 : memref<!tpu.dma_semaphore, #tpu.memory_space<semaphore_mem>>) {add = true}
      %dma_wait3A_53 = arith.constant 0 : i32
      %dma_wait3A_54 = arith.constant 0 : i32
      %dma_wait3A_55 = tpu.memref_slice %arg9[%run_scoped3A, %dma_wait3A_53, %dma_wait3A_54] : memref<2x128x64xf32, #tpu.memory_space<vmem>> -> memref<1x128x64xf32, #tpu.memory_space<vmem>>
      %dma_wait3A_56 = tpu.memref_squeeze %dma_wait3A_55 : memref<1x128x64xf32, #tpu.memory_space<vmem>> -> memref<128x64xf32, #tpu.memory_space<vmem>>
      %dma_wait3A_57 = arith.constant 0 : i32
      %dma_wait3A_58 = tpu.memref_slice %arg8[%run_scoped3A_36, %dma_wait3A_57] : memref<80x128xi32, #tpu.memory_space<vmem>> -> memref<1x128xi32, #tpu.memory_space<vmem>>
      %dma_wait3A_59 = tpu.memref_squeeze %dma_wait3A_58 : memref<1x128xi32, #tpu.memory_space<vmem>> -> memref<128xi32, #tpu.memory_space<vmem>>
      %dma_wait3A_60 = arith.constant 0 : i32
      %dma_wait3A_61 = arith.constant 0 : i32
      %dma_wait3A_62 = tpu.memref_slice %arg10[%dma_wait3A_60, %dma_wait3A_61] : memref<10112x64xf32, #tpu.memory_space<vmem_shared>> -> memref<10112x64xf32, #tpu.memory_space<vmem_shared>>
      tpu.wait_indirect_dma semaphore(%run_scoped3A_42 : memref<!tpu.dma_semaphore, #tpu.memory_space<semaphore_mem>>) src(%dma_wait3A_56 : memref<128x64xf32, #tpu.memory_space<vmem>>) dst(%dma_wait3A_62 : memref<10112x64xf32, #tpu.memory_space<vmem_shared>>)
      tpu.yield
    }) : () -> ()
    %barrier3A_37 = arith.constant 0 : index
    tpu.barrier barrier_id(%barrier3A_37)
    %mul3A_38 = arith.constant 632 : i32
    %mul3A_39 = arith.muli %arg1, %mul3A_38 : i32
    %mul3A_40 = arith.constant 632 : i32
    %mul3A_41 = arith.muli %arg1, %mul3A_40 : i32
    "tpu.region"() ({
      %run_scoped3A_42 = tpu.sem_alloc : memref<!tpu.dma_semaphore, #tpu.memory_space<semaphore_mem>>
      %dma_start3A_43 = arith.constant 0 : i32
      %dma_start3A_44 = tpu.memref_slice %arg6[%arg0, %mul3A_41, %dma_start3A_43] : memref<2x10112x64xf32, #tpu.memory_space<hbm>> -> memref<1x632x64xf32, #tpu.memory_space<hbm>>
      %dma_start3A_45 = tpu.memref_squeeze %dma_start3A_44 : memref<1x632x64xf32, #tpu.memory_space<hbm>> -> memref<632x64xf32, #tpu.memory_space<hbm>>
      %dma_start3A_46 = arith.constant 0 : i32
      %dma_start3A_47 = tpu.memref_slice %arg10[%mul3A_39, %dma_start3A_46] : memref<10112x64xf32, #tpu.memory_space<vmem_shared>> -> memref<632x64xf32, #tpu.memory_space<vmem_shared>>
      tpu.enqueue_dma source(%dma_start3A_47 : memref<632x64xf32, #tpu.memory_space<vmem_shared>>) target(%dma_start3A_45 : memref<632x64xf32, #tpu.memory_space<hbm>>) target_semaphore(%run_scoped3A_42 : memref<!tpu.dma_semaphore, #tpu.memory_space<semaphore_mem>>)
      %dma_wait3A_48 = arith.constant 0 : i32
      %dma_wait3A_49 = tpu.memref_slice %arg6[%arg0, %mul3A_41, %dma_wait3A_48] : memref<2x10112x64xf32, #tpu.memory_space<hbm>> -> memref<1x632x64xf32, #tpu.memory_space<hbm>>
      %dma_wait3A_50 = tpu.memref_squeeze %dma_wait3A_49 : memref<1x632x64xf32, #tpu.memory_space<hbm>> -> memref<632x64xf32, #tpu.memory_space<hbm>>
      %dma_wait3A_51 = arith.constant 0 : i32
      %dma_wait3A_52 = tpu.memref_slice %arg10[%mul3A_39, %dma_wait3A_51] : memref<10112x64xf32, #tpu.memory_space<vmem_shared>> -> memref<632x64xf32, #tpu.memory_space<vmem_shared>>
      tpu.wait_dma2 semaphore(%run_scoped3A_42 : memref<!tpu.dma_semaphore, #tpu.memory_space<semaphore_mem>>) src(%dma_wait3A_52 : memref<632x64xf32, #tpu.memory_space<vmem_shared>>) dst(%dma_wait3A_50 : memref<632x64xf32, #tpu.memory_space<hbm>>)
      tpu.yield
    }) : () -> ()
    return
  }
}

#map = affine_map<(d0, d1) -> (0, 0, 0)>
#map1 = affine_map<(d0, d1) -> (0, 0)>
#map2 = affine_map<(d0, d1) -> (0, 0, 0, 0)>
module attributes {stable_mosaic.version = 14 : i64} {
  func.func @_deg_body(%arg0: i32, %arg1: i32, %arg2: memref<32x20x512xi32, #tpu.memory_space<hbm>>, %arg3: memref<32x20x512xi32, #tpu.memory_space<hbm>>, %arg4: memref<512x16xf32, #tpu.memory_space<hbm>>, %arg5: memref<10112x16xf32, #tpu.memory_space<hbm>>, %arg6: memref<2x2x10112x16xf32, #tpu.memory_space<hbm>>, %arg7: memref<20x512xi32, #tpu.memory_space<vmem>>, %arg8: memref<20x512xi32, #tpu.memory_space<vmem>>, %arg9: memref<512x16xf32, #tpu.memory_space<vmem>>, %arg10: memref<10112x16xf32, #tpu.memory_space<vmem_shared>>, %arg11: memref<10112x16xf32, #tpu.memory_space<vmem_shared>>, %arg12: memref<!tpu.dma_semaphore, #tpu.memory_space<semaphore_mem>>) attributes {dimension_semantics = [#tpu.dimension_semantics<core_parallel>, #tpu.dimension_semantics<subcore_parallel>], iteration_bounds = array<i64: 2, 16>, scalar_prefetch = 0 : i64, scratch_operands = 6 : i64, tpu.core_type = #tpu.core_type<sc_vector_subcore>, window_params = [{transform_indices = #map}, {transform_indices = #map}, {transform_indices = #map1}, {transform_indices = #map1}, {transform_indices = #map2}]} {
    %mul3A = arith.constant 16 : i32
    %mul3A_0 = arith.muli %arg0, %mul3A : i32
    %add3A = arith.addi %mul3A_0, %arg1 : i32
    %mul3A_1 = arith.constant 632 : i32
    %mul3A_2 = arith.muli %arg1, %mul3A_1 : i32
    %mul3A_3 = arith.constant 632 : i32
    %mul3A_4 = arith.muli %arg1, %mul3A_3 : i32
    "tpu.region"() ({
      %run_scoped3A_30 = tpu.sem_alloc : memref<!tpu.dma_semaphore, #tpu.memory_space<semaphore_mem>>
      %dma_start3A = arith.constant 0 : i32
      %dma_start3A_31 = tpu.memref_slice %arg10[%mul3A_4, %dma_start3A] : memref<10112x16xf32, #tpu.memory_space<vmem_shared>> -> memref<632x16xf32, #tpu.memory_space<vmem_shared>>
      %dma_start3A_32 = arith.constant 0 : i32
      %dma_start3A_33 = tpu.memref_slice %arg5[%mul3A_2, %dma_start3A_32] : memref<10112x16xf32, #tpu.memory_space<hbm>> -> memref<632x16xf32, #tpu.memory_space<hbm>>
      tpu.enqueue_dma source(%dma_start3A_33 : memref<632x16xf32, #tpu.memory_space<hbm>>) target(%dma_start3A_31 : memref<632x16xf32, #tpu.memory_space<vmem_shared>>) target_semaphore(%run_scoped3A_30 : memref<!tpu.dma_semaphore, #tpu.memory_space<semaphore_mem>>)
      %dma_wait3A = arith.constant 0 : i32
      %dma_wait3A_34 = tpu.memref_slice %arg10[%mul3A_4, %dma_wait3A] : memref<10112x16xf32, #tpu.memory_space<vmem_shared>> -> memref<632x16xf32, #tpu.memory_space<vmem_shared>>
      %dma_wait3A_35 = arith.constant 0 : i32
      %dma_wait3A_36 = tpu.memref_slice %arg5[%mul3A_2, %dma_wait3A_35] : memref<10112x16xf32, #tpu.memory_space<hbm>> -> memref<632x16xf32, #tpu.memory_space<hbm>>
      tpu.wait_dma2 semaphore(%run_scoped3A_30 : memref<!tpu.dma_semaphore, #tpu.memory_space<semaphore_mem>>) src(%dma_wait3A_36 : memref<632x16xf32, #tpu.memory_space<hbm>>) dst(%dma_wait3A_34 : memref<632x16xf32, #tpu.memory_space<vmem_shared>>)
      tpu.yield
    }) : () -> ()
    %mul3A_5 = arith.constant 632 : i32
    %mul3A_6 = arith.muli %arg1, %mul3A_5 : i32
    %mul3A_7 = arith.constant 632 : i32
    %mul3A_8 = arith.muli %arg1, %mul3A_7 : i32
    "tpu.region"() ({
      %run_scoped3A_30 = tpu.sem_alloc : memref<!tpu.dma_semaphore, #tpu.memory_space<semaphore_mem>>
      %dma_start3A = arith.constant 0 : i32
      %dma_start3A_31 = tpu.memref_slice %arg11[%mul3A_8, %dma_start3A] : memref<10112x16xf32, #tpu.memory_space<vmem_shared>> -> memref<632x16xf32, #tpu.memory_space<vmem_shared>>
      %dma_start3A_32 = arith.constant 0 : i32
      %dma_start3A_33 = tpu.memref_slice %arg5[%mul3A_6, %dma_start3A_32] : memref<10112x16xf32, #tpu.memory_space<hbm>> -> memref<632x16xf32, #tpu.memory_space<hbm>>
      tpu.enqueue_dma source(%dma_start3A_33 : memref<632x16xf32, #tpu.memory_space<hbm>>) target(%dma_start3A_31 : memref<632x16xf32, #tpu.memory_space<vmem_shared>>) target_semaphore(%run_scoped3A_30 : memref<!tpu.dma_semaphore, #tpu.memory_space<semaphore_mem>>)
      %dma_wait3A = arith.constant 0 : i32
      %dma_wait3A_34 = tpu.memref_slice %arg11[%mul3A_8, %dma_wait3A] : memref<10112x16xf32, #tpu.memory_space<vmem_shared>> -> memref<632x16xf32, #tpu.memory_space<vmem_shared>>
      %dma_wait3A_35 = arith.constant 0 : i32
      %dma_wait3A_36 = tpu.memref_slice %arg5[%mul3A_6, %dma_wait3A_35] : memref<10112x16xf32, #tpu.memory_space<hbm>> -> memref<632x16xf32, #tpu.memory_space<hbm>>
      tpu.wait_dma2 semaphore(%run_scoped3A_30 : memref<!tpu.dma_semaphore, #tpu.memory_space<semaphore_mem>>) src(%dma_wait3A_36 : memref<632x16xf32, #tpu.memory_space<hbm>>) dst(%dma_wait3A_34 : memref<632x16xf32, #tpu.memory_space<vmem_shared>>)
      tpu.yield
    }) : () -> ()
    "tpu.region"() ({
      %run_scoped3A_30 = tpu.sem_alloc : memref<!tpu.dma_semaphore, #tpu.memory_space<semaphore_mem>>
      %dma_start3A = arith.constant 0 : i32
      %dma_start3A_31 = arith.constant 0 : i32
      %dma_start3A_32 = tpu.memref_slice %arg2[%add3A, %dma_start3A, %dma_start3A_31] : memref<32x20x512xi32, #tpu.memory_space<hbm>> -> memref<1x20x512xi32, #tpu.memory_space<hbm>>
      %dma_start3A_33 = tpu.memref_squeeze %dma_start3A_32 : memref<1x20x512xi32, #tpu.memory_space<hbm>> -> memref<20x512xi32, #tpu.memory_space<hbm>>
      %dma_start3A_34 = arith.constant 0 : i32
      %dma_start3A_35 = arith.constant 0 : i32
      %dma_start3A_36 = tpu.memref_slice %arg2[%add3A, %dma_start3A_34, %dma_start3A_35] : memref<32x20x512xi32, #tpu.memory_space<hbm>> -> memref<1x20x512xi32, #tpu.memory_space<hbm>>
      %dma_start3A_37 = tpu.memref_squeeze %dma_start3A_36 : memref<1x20x512xi32, #tpu.memory_space<hbm>> -> memref<20x512xi32, #tpu.memory_space<hbm>>
      tpu.enqueue_dma source(%dma_start3A_37 : memref<20x512xi32, #tpu.memory_space<hbm>>) target(%arg7 : memref<20x512xi32, #tpu.memory_space<vmem>>) target_semaphore(%run_scoped3A_30 : memref<!tpu.dma_semaphore, #tpu.memory_space<semaphore_mem>>)
      %dma_wait3A = arith.constant 0 : i32
      %dma_wait3A_38 = arith.constant 0 : i32
      %dma_wait3A_39 = tpu.memref_slice %arg2[%add3A, %dma_wait3A, %dma_wait3A_38] : memref<32x20x512xi32, #tpu.memory_space<hbm>> -> memref<1x20x512xi32, #tpu.memory_space<hbm>>
      %dma_wait3A_40 = tpu.memref_squeeze %dma_wait3A_39 : memref<1x20x512xi32, #tpu.memory_space<hbm>> -> memref<20x512xi32, #tpu.memory_space<hbm>>
      %dma_wait3A_41 = arith.constant 0 : i32
      %dma_wait3A_42 = arith.constant 0 : i32
      %dma_wait3A_43 = tpu.memref_slice %arg2[%add3A, %dma_wait3A_41, %dma_wait3A_42] : memref<32x20x512xi32, #tpu.memory_space<hbm>> -> memref<1x20x512xi32, #tpu.memory_space<hbm>>
      %dma_wait3A_44 = tpu.memref_squeeze %dma_wait3A_43 : memref<1x20x512xi32, #tpu.memory_space<hbm>> -> memref<20x512xi32, #tpu.memory_space<hbm>>
      tpu.wait_dma2 semaphore(%run_scoped3A_30 : memref<!tpu.dma_semaphore, #tpu.memory_space<semaphore_mem>>) src(%dma_wait3A_44 : memref<20x512xi32, #tpu.memory_space<hbm>>) dst(%arg7 : memref<20x512xi32, #tpu.memory_space<vmem>>)
      tpu.yield
    }) : () -> ()
    "tpu.region"() ({
      %run_scoped3A_30 = tpu.sem_alloc : memref<!tpu.dma_semaphore, #tpu.memory_space<semaphore_mem>>
      %dma_start3A = arith.constant 0 : i32
      %dma_start3A_31 = arith.constant 0 : i32
      %dma_start3A_32 = tpu.memref_slice %arg3[%add3A, %dma_start3A, %dma_start3A_31] : memref<32x20x512xi32, #tpu.memory_space<hbm>> -> memref<1x20x512xi32, #tpu.memory_space<hbm>>
      %dma_start3A_33 = tpu.memref_squeeze %dma_start3A_32 : memref<1x20x512xi32, #tpu.memory_space<hbm>> -> memref<20x512xi32, #tpu.memory_space<hbm>>
      %dma_start3A_34 = arith.constant 0 : i32
      %dma_start3A_35 = arith.constant 0 : i32
      %dma_start3A_36 = tpu.memref_slice %arg3[%add3A, %dma_start3A_34, %dma_start3A_35] : memref<32x20x512xi32, #tpu.memory_space<hbm>> -> memref<1x20x512xi32, #tpu.memory_space<hbm>>
      %dma_start3A_37 = tpu.memref_squeeze %dma_start3A_36 : memref<1x20x512xi32, #tpu.memory_space<hbm>> -> memref<20x512xi32, #tpu.memory_space<hbm>>
      tpu.enqueue_dma source(%dma_start3A_37 : memref<20x512xi32, #tpu.memory_space<hbm>>) target(%arg8 : memref<20x512xi32, #tpu.memory_space<vmem>>) target_semaphore(%run_scoped3A_30 : memref<!tpu.dma_semaphore, #tpu.memory_space<semaphore_mem>>)
      %dma_wait3A = arith.constant 0 : i32
      %dma_wait3A_38 = arith.constant 0 : i32
      %dma_wait3A_39 = tpu.memref_slice %arg3[%add3A, %dma_wait3A, %dma_wait3A_38] : memref<32x20x512xi32, #tpu.memory_space<hbm>> -> memref<1x20x512xi32, #tpu.memory_space<hbm>>
      %dma_wait3A_40 = tpu.memref_squeeze %dma_wait3A_39 : memref<1x20x512xi32, #tpu.memory_space<hbm>> -> memref<20x512xi32, #tpu.memory_space<hbm>>
      %dma_wait3A_41 = arith.constant 0 : i32
      %dma_wait3A_42 = arith.constant 0 : i32
      %dma_wait3A_43 = tpu.memref_slice %arg3[%add3A, %dma_wait3A_41, %dma_wait3A_42] : memref<32x20x512xi32, #tpu.memory_space<hbm>> -> memref<1x20x512xi32, #tpu.memory_space<hbm>>
      %dma_wait3A_44 = tpu.memref_squeeze %dma_wait3A_43 : memref<1x20x512xi32, #tpu.memory_space<hbm>> -> memref<20x512xi32, #tpu.memory_space<hbm>>
      tpu.wait_dma2 semaphore(%run_scoped3A_30 : memref<!tpu.dma_semaphore, #tpu.memory_space<semaphore_mem>>) src(%dma_wait3A_44 : memref<20x512xi32, #tpu.memory_space<hbm>>) dst(%arg8 : memref<20x512xi32, #tpu.memory_space<vmem>>)
      tpu.yield
    }) : () -> ()
    "tpu.region"() ({
      %run_scoped3A_30 = tpu.sem_alloc : memref<!tpu.dma_semaphore, #tpu.memory_space<semaphore_mem>>
      tpu.enqueue_dma source(%arg4 : memref<512x16xf32, #tpu.memory_space<hbm>>) target(%arg9 : memref<512x16xf32, #tpu.memory_space<vmem>>) target_semaphore(%run_scoped3A_30 : memref<!tpu.dma_semaphore, #tpu.memory_space<semaphore_mem>>)
      tpu.wait_dma2 semaphore(%run_scoped3A_30 : memref<!tpu.dma_semaphore, #tpu.memory_space<semaphore_mem>>) src(%arg4 : memref<512x16xf32, #tpu.memory_space<hbm>>) dst(%arg9 : memref<512x16xf32, #tpu.memory_space<vmem>>)
      tpu.yield
    }) : () -> ()
    %barrier3A = arith.constant 0 : index
    tpu.barrier barrier_id(%barrier3A)
    %scan3A = arith.constant 0 : i32
    %scan3A_9 = arith.constant 0 : i32
    %scan3A_10 = arith.constant 20 : i32
    %scan3A_11 = arith.addi %scan3A_9, %scan3A_10 : i32
    %scan3A_12 = arith.constant 1 : i32
    scf.for %scan3A_30 = %scan3A_9 to %scan3A_11 step %scan3A_12  : i32 {
      %dma_start3A = arith.constant 0 : i32
      %dma_start3A_31 = tpu.memref_slice %arg7[%scan3A_30, %dma_start3A] : memref<20x512xi32, #tpu.memory_space<vmem>> -> memref<1x512xi32, #tpu.memory_space<vmem>>
      %dma_start3A_32 = tpu.memref_squeeze %dma_start3A_31 : memref<1x512xi32, #tpu.memory_space<vmem>> -> memref<512xi32, #tpu.memory_space<vmem>>
      %dma_start3A_33 = arith.constant 0 : i32
      %dma_start3A_34 = arith.constant 0 : i32
      %dma_start3A_35 = tpu.memref_slice %arg10[%dma_start3A_33, %dma_start3A_34] : memref<10112x16xf32, #tpu.memory_space<vmem_shared>> -> memref<10112x16xf32, #tpu.memory_space<vmem_shared>>
      tpu.enqueue_indirect_dma source(%arg9 : memref<512x16xf32, #tpu.memory_space<vmem>>) target(%dma_start3A_35 : memref<10112x16xf32, #tpu.memory_space<vmem_shared>>) offsets(%dma_start3A_32 : memref<512xi32, #tpu.memory_space<vmem>>) semaphore(%arg12 : memref<!tpu.dma_semaphore, #tpu.memory_space<semaphore_mem>>) {add = true}
      %dma_start3A_36 = arith.constant 0 : i32
      %dma_start3A_37 = tpu.memref_slice %arg8[%scan3A_30, %dma_start3A_36] : memref<20x512xi32, #tpu.memory_space<vmem>> -> memref<1x512xi32, #tpu.memory_space<vmem>>
      %dma_start3A_38 = tpu.memref_squeeze %dma_start3A_37 : memref<1x512xi32, #tpu.memory_space<vmem>> -> memref<512xi32, #tpu.memory_space<vmem>>
      %dma_start3A_39 = arith.constant 0 : i32
      %dma_start3A_40 = arith.constant 0 : i32
      %dma_start3A_41 = tpu.memref_slice %arg11[%dma_start3A_39, %dma_start3A_40] : memref<10112x16xf32, #tpu.memory_space<vmem_shared>> -> memref<10112x16xf32, #tpu.memory_space<vmem_shared>>
      tpu.enqueue_indirect_dma source(%arg9 : memref<512x16xf32, #tpu.memory_space<vmem>>) target(%dma_start3A_41 : memref<10112x16xf32, #tpu.memory_space<vmem_shared>>) offsets(%dma_start3A_38 : memref<512xi32, #tpu.memory_space<vmem>>) semaphore(%arg12 : memref<!tpu.dma_semaphore, #tpu.memory_space<semaphore_mem>>) {add = true}
    }
    %scan3A_13 = arith.constant 20 : i32
    %scan3A_14 = arith.constant 0 : i32
    %scan3A_15 = arith.constant 0 : i32
    %scan3A_16 = arith.constant 40 : i32
    %scan3A_17 = arith.addi %scan3A_15, %scan3A_16 : i32
    %scan3A_18 = arith.constant 1 : i32
    scf.for %scan3A_30 = %scan3A_15 to %scan3A_17 step %scan3A_18  : i32 {
      tpu.wait_dma2 semaphore(%arg12 : memref<!tpu.dma_semaphore, #tpu.memory_space<semaphore_mem>>) src(%arg4 : memref<512x16xf32, #tpu.memory_space<hbm>>) dst(%arg9 : memref<512x16xf32, #tpu.memory_space<vmem>>)
    }
    %scan3A_19 = arith.constant 40 : i32
    %barrier3A_20 = arith.constant 0 : index
    tpu.barrier barrier_id(%barrier3A_20)
    %mul3A_21 = arith.constant 632 : i32
    %mul3A_22 = arith.muli %arg1, %mul3A_21 : i32
    %mul3A_23 = arith.constant 632 : i32
    %mul3A_24 = arith.muli %arg1, %mul3A_23 : i32
    %run_scoped3A = arith.constant 0 : i32
    "tpu.region"() ({
      %run_scoped3A_30 = tpu.sem_alloc : memref<!tpu.dma_semaphore, #tpu.memory_space<semaphore_mem>>
      %dma_start3A = arith.constant 0 : i32
      %dma_start3A_31 = tpu.memref_slice %arg6[%arg0, %run_scoped3A, %mul3A_24, %dma_start3A] : memref<2x2x10112x16xf32, #tpu.memory_space<hbm>> -> memref<1x1x632x16xf32, #tpu.memory_space<hbm>>
      %dma_start3A_32 = tpu.memref_squeeze %dma_start3A_31 : memref<1x1x632x16xf32, #tpu.memory_space<hbm>> -> memref<632x16xf32, #tpu.memory_space<hbm>>
      %dma_start3A_33 = arith.constant 0 : i32
      %dma_start3A_34 = tpu.memref_slice %arg10[%mul3A_22, %dma_start3A_33] : memref<10112x16xf32, #tpu.memory_space<vmem_shared>> -> memref<632x16xf32, #tpu.memory_space<vmem_shared>>
      tpu.enqueue_dma source(%dma_start3A_34 : memref<632x16xf32, #tpu.memory_space<vmem_shared>>) target(%dma_start3A_32 : memref<632x16xf32, #tpu.memory_space<hbm>>) target_semaphore(%run_scoped3A_30 : memref<!tpu.dma_semaphore, #tpu.memory_space<semaphore_mem>>)
      %dma_wait3A = arith.constant 0 : i32
      %dma_wait3A_35 = tpu.memref_slice %arg6[%arg0, %run_scoped3A, %mul3A_24, %dma_wait3A] : memref<2x2x10112x16xf32, #tpu.memory_space<hbm>> -> memref<1x1x632x16xf32, #tpu.memory_space<hbm>>
      %dma_wait3A_36 = tpu.memref_squeeze %dma_wait3A_35 : memref<1x1x632x16xf32, #tpu.memory_space<hbm>> -> memref<632x16xf32, #tpu.memory_space<hbm>>
      %dma_wait3A_37 = arith.constant 0 : i32
      %dma_wait3A_38 = tpu.memref_slice %arg10[%mul3A_22, %dma_wait3A_37] : memref<10112x16xf32, #tpu.memory_space<vmem_shared>> -> memref<632x16xf32, #tpu.memory_space<vmem_shared>>
      tpu.wait_dma2 semaphore(%run_scoped3A_30 : memref<!tpu.dma_semaphore, #tpu.memory_space<semaphore_mem>>) src(%dma_wait3A_38 : memref<632x16xf32, #tpu.memory_space<vmem_shared>>) dst(%dma_wait3A_36 : memref<632x16xf32, #tpu.memory_space<hbm>>)
      tpu.yield
    }) : () -> ()
    %mul3A_25 = arith.constant 632 : i32
    %mul3A_26 = arith.muli %arg1, %mul3A_25 : i32
    %mul3A_27 = arith.constant 632 : i32
    %mul3A_28 = arith.muli %arg1, %mul3A_27 : i32
    %run_scoped3A_29 = arith.constant 1 : i32
    "tpu.region"() ({
      %run_scoped3A_30 = tpu.sem_alloc : memref<!tpu.dma_semaphore, #tpu.memory_space<semaphore_mem>>
      %dma_start3A = arith.constant 0 : i32
      %dma_start3A_31 = tpu.memref_slice %arg6[%arg0, %run_scoped3A_29, %mul3A_28, %dma_start3A] : memref<2x2x10112x16xf32, #tpu.memory_space<hbm>> -> memref<1x1x632x16xf32, #tpu.memory_space<hbm>>
      %dma_start3A_32 = tpu.memref_squeeze %dma_start3A_31 : memref<1x1x632x16xf32, #tpu.memory_space<hbm>> -> memref<632x16xf32, #tpu.memory_space<hbm>>
      %dma_start3A_33 = arith.constant 0 : i32
      %dma_start3A_34 = tpu.memref_slice %arg11[%mul3A_26, %dma_start3A_33] : memref<10112x16xf32, #tpu.memory_space<vmem_shared>> -> memref<632x16xf32, #tpu.memory_space<vmem_shared>>
      tpu.enqueue_dma source(%dma_start3A_34 : memref<632x16xf32, #tpu.memory_space<vmem_shared>>) target(%dma_start3A_32 : memref<632x16xf32, #tpu.memory_space<hbm>>) target_semaphore(%run_scoped3A_30 : memref<!tpu.dma_semaphore, #tpu.memory_space<semaphore_mem>>)
      %dma_wait3A = arith.constant 0 : i32
      %dma_wait3A_35 = tpu.memref_slice %arg6[%arg0, %run_scoped3A_29, %mul3A_28, %dma_wait3A] : memref<2x2x10112x16xf32, #tpu.memory_space<hbm>> -> memref<1x1x632x16xf32, #tpu.memory_space<hbm>>
      %dma_wait3A_36 = tpu.memref_squeeze %dma_wait3A_35 : memref<1x1x632x16xf32, #tpu.memory_space<hbm>> -> memref<632x16xf32, #tpu.memory_space<hbm>>
      %dma_wait3A_37 = arith.constant 0 : i32
      %dma_wait3A_38 = tpu.memref_slice %arg11[%mul3A_26, %dma_wait3A_37] : memref<10112x16xf32, #tpu.memory_space<vmem_shared>> -> memref<632x16xf32, #tpu.memory_space<vmem_shared>>
      tpu.wait_dma2 semaphore(%run_scoped3A_30 : memref<!tpu.dma_semaphore, #tpu.memory_space<semaphore_mem>>) src(%dma_wait3A_38 : memref<632x16xf32, #tpu.memory_space<vmem_shared>>) dst(%dma_wait3A_36 : memref<632x16xf32, #tpu.memory_space<hbm>>)
      tpu.yield
    }) : () -> ()
    return
  }
}

#map = affine_map<(d0, d1) -> (0, 0)>
#map1 = affine_map<(d0, d1) -> (0, 0, 0)>
module attributes {stable_mosaic.version = 14 : i64} {
  func.func @_agg_body(%arg0: i32, %arg1: i32, %arg2: memref<10112x64xf32, #tpu.memory_space<hbm>>, %arg3: memref<32x80x128xi32, #tpu.memory_space<hbm>>, %arg4: memref<32x80x128xi32, #tpu.memory_space<hbm>>, %arg5: memref<10112x64xf32, #tpu.memory_space<hbm>>, %arg6: memref<2x10112x64xf32, #tpu.memory_space<hbm>>, %arg7: memref<80x128xi32, #tpu.memory_space<vmem>>, %arg8: memref<80x128xi32, #tpu.memory_space<vmem>>, %arg9: memref<2x128x64xf32, #tpu.memory_space<vmem>>, %arg10: memref<10112x64xf32, #tpu.memory_space<vmem_shared>>, %arg11: memref<10112x64xf32, #tpu.memory_space<vmem_shared>>, %arg12: memref<!tpu.dma_semaphore, #tpu.memory_space<semaphore_mem>>) attributes {dimension_semantics = [#tpu.dimension_semantics<core_parallel>, #tpu.dimension_semantics<subcore_parallel>], iteration_bounds = array<i64: 2, 16>, scalar_prefetch = 0 : i64, scratch_operands = 6 : i64, tpu.core_type = #tpu.core_type<sc_vector_subcore>, window_params = [{transform_indices = #map}, {transform_indices = #map1}, {transform_indices = #map1}, {transform_indices = #map}, {transform_indices = #map1}]} {
    %mul3A = arith.constant 16 : i32
    %mul3A_0 = arith.muli %arg0, %mul3A : i32
    %add3A = arith.addi %mul3A_0, %arg1 : i32
    %mul3A_1 = arith.constant 632 : i32
    %mul3A_2 = arith.muli %arg1, %mul3A_1 : i32
    %mul3A_3 = arith.constant 632 : i32
    %mul3A_4 = arith.muli %arg1, %mul3A_3 : i32
    "tpu.region"() ({
      %run_scoped3A_42 = tpu.sem_alloc : memref<!tpu.dma_semaphore, #tpu.memory_space<semaphore_mem>>
      %dma_start3A_43 = arith.constant 0 : i32
      %dma_start3A_44 = tpu.memref_slice %arg10[%mul3A_4, %dma_start3A_43] : memref<10112x64xf32, #tpu.memory_space<vmem_shared>> -> memref<632x64xf32, #tpu.memory_space<vmem_shared>>
      %dma_start3A_45 = arith.constant 0 : i32
      %dma_start3A_46 = tpu.memref_slice %arg5[%mul3A_2, %dma_start3A_45] : memref<10112x64xf32, #tpu.memory_space<hbm>> -> memref<632x64xf32, #tpu.memory_space<hbm>>
      tpu.enqueue_dma source(%dma_start3A_46 : memref<632x64xf32, #tpu.memory_space<hbm>>) target(%dma_start3A_44 : memref<632x64xf32, #tpu.memory_space<vmem_shared>>) target_semaphore(%run_scoped3A_42 : memref<!tpu.dma_semaphore, #tpu.memory_space<semaphore_mem>>)
      %dma_wait3A_47 = arith.constant 0 : i32
      %dma_wait3A_48 = tpu.memref_slice %arg10[%mul3A_4, %dma_wait3A_47] : memref<10112x64xf32, #tpu.memory_space<vmem_shared>> -> memref<632x64xf32, #tpu.memory_space<vmem_shared>>
      %dma_wait3A_49 = arith.constant 0 : i32
      %dma_wait3A_50 = tpu.memref_slice %arg5[%mul3A_2, %dma_wait3A_49] : memref<10112x64xf32, #tpu.memory_space<hbm>> -> memref<632x64xf32, #tpu.memory_space<hbm>>
      tpu.wait_dma2 semaphore(%run_scoped3A_42 : memref<!tpu.dma_semaphore, #tpu.memory_space<semaphore_mem>>) src(%dma_wait3A_50 : memref<632x64xf32, #tpu.memory_space<hbm>>) dst(%dma_wait3A_48 : memref<632x64xf32, #tpu.memory_space<vmem_shared>>)
      tpu.yield
    }) : () -> ()
    %mul3A_5 = arith.constant 632 : i32
    %mul3A_6 = arith.muli %arg1, %mul3A_5 : i32
    %mul3A_7 = arith.constant 632 : i32
    %mul3A_8 = arith.muli %arg1, %mul3A_7 : i32
    "tpu.region"() ({
      %run_scoped3A_42 = tpu.sem_alloc : memref<!tpu.dma_semaphore, #tpu.memory_space<semaphore_mem>>
      %dma_start3A_43 = arith.constant 0 : i32
      %dma_start3A_44 = tpu.memref_slice %arg11[%mul3A_8, %dma_start3A_43] : memref<10112x64xf32, #tpu.memory_space<vmem_shared>> -> memref<632x64xf32, #tpu.memory_space<vmem_shared>>
      %dma_start3A_45 = arith.constant 0 : i32
      %dma_start3A_46 = tpu.memref_slice %arg2[%mul3A_6, %dma_start3A_45] : memref<10112x64xf32, #tpu.memory_space<hbm>> -> memref<632x64xf32, #tpu.memory_space<hbm>>
      tpu.enqueue_dma source(%dma_start3A_46 : memref<632x64xf32, #tpu.memory_space<hbm>>) target(%dma_start3A_44 : memref<632x64xf32, #tpu.memory_space<vmem_shared>>) target_semaphore(%run_scoped3A_42 : memref<!tpu.dma_semaphore, #tpu.memory_space<semaphore_mem>>)
      %dma_wait3A_47 = arith.constant 0 : i32
      %dma_wait3A_48 = tpu.memref_slice %arg11[%mul3A_8, %dma_wait3A_47] : memref<10112x64xf32, #tpu.memory_space<vmem_shared>> -> memref<632x64xf32, #tpu.memory_space<vmem_shared>>
      %dma_wait3A_49 = arith.constant 0 : i32
      %dma_wait3A_50 = tpu.memref_slice %arg2[%mul3A_6, %dma_wait3A_49] : memref<10112x64xf32, #tpu.memory_space<hbm>> -> memref<632x64xf32, #tpu.memory_space<hbm>>
      tpu.wait_dma2 semaphore(%run_scoped3A_42 : memref<!tpu.dma_semaphore, #tpu.memory_space<semaphore_mem>>) src(%dma_wait3A_50 : memref<632x64xf32, #tpu.memory_space<hbm>>) dst(%dma_wait3A_48 : memref<632x64xf32, #tpu.memory_space<vmem_shared>>)
      tpu.yield
    }) : () -> ()
    "tpu.region"() ({
      %run_scoped3A_42 = tpu.sem_alloc : memref<!tpu.dma_semaphore, #tpu.memory_space<semaphore_mem>>
      %dma_start3A_43 = arith.constant 0 : i32
      %dma_start3A_44 = arith.constant 0 : i32
      %dma_start3A_45 = tpu.memref_slice %arg3[%add3A, %dma_start3A_43, %dma_start3A_44] : memref<32x80x128xi32, #tpu.memory_space<hbm>> -> memref<1x80x128xi32, #tpu.memory_space<hbm>>
      %dma_start3A_46 = tpu.memref_squeeze %dma_start3A_45 : memref<1x80x128xi32, #tpu.memory_space<hbm>> -> memref<80x128xi32, #tpu.memory_space<hbm>>
      %dma_start3A_47 = arith.constant 0 : i32
      %dma_start3A_48 = arith.constant 0 : i32
      %dma_start3A_49 = tpu.memref_slice %arg3[%add3A, %dma_start3A_47, %dma_start3A_48] : memref<32x80x128xi32, #tpu.memory_space<hbm>> -> memref<1x80x128xi32, #tpu.memory_space<hbm>>
      %dma_start3A_50 = tpu.memref_squeeze %dma_start3A_49 : memref<1x80x128xi32, #tpu.memory_space<hbm>> -> memref<80x128xi32, #tpu.memory_space<hbm>>
      tpu.enqueue_dma source(%dma_start3A_50 : memref<80x128xi32, #tpu.memory_space<hbm>>) target(%arg7 : memref<80x128xi32, #tpu.memory_space<vmem>>) target_semaphore(%run_scoped3A_42 : memref<!tpu.dma_semaphore, #tpu.memory_space<semaphore_mem>>)
      %dma_wait3A_51 = arith.constant 0 : i32
      %dma_wait3A_52 = arith.constant 0 : i32
      %dma_wait3A_53 = tpu.memref_slice %arg3[%add3A, %dma_wait3A_51, %dma_wait3A_52] : memref<32x80x128xi32, #tpu.memory_space<hbm>> -> memref<1x80x128xi32, #tpu.memory_space<hbm>>
      %dma_wait3A_54 = tpu.memref_squeeze %dma_wait3A_53 : memref<1x80x128xi32, #tpu.memory_space<hbm>> -> memref<80x128xi32, #tpu.memory_space<hbm>>
      %dma_wait3A_55 = arith.constant 0 : i32
      %dma_wait3A_56 = arith.constant 0 : i32
      %dma_wait3A_57 = tpu.memref_slice %arg3[%add3A, %dma_wait3A_55, %dma_wait3A_56] : memref<32x80x128xi32, #tpu.memory_space<hbm>> -> memref<1x80x128xi32, #tpu.memory_space<hbm>>
      %dma_wait3A_58 = tpu.memref_squeeze %dma_wait3A_57 : memref<1x80x128xi32, #tpu.memory_space<hbm>> -> memref<80x128xi32, #tpu.memory_space<hbm>>
      tpu.wait_dma2 semaphore(%run_scoped3A_42 : memref<!tpu.dma_semaphore, #tpu.memory_space<semaphore_mem>>) src(%dma_wait3A_58 : memref<80x128xi32, #tpu.memory_space<hbm>>) dst(%arg7 : memref<80x128xi32, #tpu.memory_space<vmem>>)
      tpu.yield
    }) : () -> ()
    "tpu.region"() ({
      %run_scoped3A_42 = tpu.sem_alloc : memref<!tpu.dma_semaphore, #tpu.memory_space<semaphore_mem>>
      %dma_start3A_43 = arith.constant 0 : i32
      %dma_start3A_44 = arith.constant 0 : i32
      %dma_start3A_45 = tpu.memref_slice %arg4[%add3A, %dma_start3A_43, %dma_start3A_44] : memref<32x80x128xi32, #tpu.memory_space<hbm>> -> memref<1x80x128xi32, #tpu.memory_space<hbm>>
      %dma_start3A_46 = tpu.memref_squeeze %dma_start3A_45 : memref<1x80x128xi32, #tpu.memory_space<hbm>> -> memref<80x128xi32, #tpu.memory_space<hbm>>
      %dma_start3A_47 = arith.constant 0 : i32
      %dma_start3A_48 = arith.constant 0 : i32
      %dma_start3A_49 = tpu.memref_slice %arg4[%add3A, %dma_start3A_47, %dma_start3A_48] : memref<32x80x128xi32, #tpu.memory_space<hbm>> -> memref<1x80x128xi32, #tpu.memory_space<hbm>>
      %dma_start3A_50 = tpu.memref_squeeze %dma_start3A_49 : memref<1x80x128xi32, #tpu.memory_space<hbm>> -> memref<80x128xi32, #tpu.memory_space<hbm>>
      tpu.enqueue_dma source(%dma_start3A_50 : memref<80x128xi32, #tpu.memory_space<hbm>>) target(%arg8 : memref<80x128xi32, #tpu.memory_space<vmem>>) target_semaphore(%run_scoped3A_42 : memref<!tpu.dma_semaphore, #tpu.memory_space<semaphore_mem>>)
      %dma_wait3A_51 = arith.constant 0 : i32
      %dma_wait3A_52 = arith.constant 0 : i32
      %dma_wait3A_53 = tpu.memref_slice %arg4[%add3A, %dma_wait3A_51, %dma_wait3A_52] : memref<32x80x128xi32, #tpu.memory_space<hbm>> -> memref<1x80x128xi32, #tpu.memory_space<hbm>>
      %dma_wait3A_54 = tpu.memref_squeeze %dma_wait3A_53 : memref<1x80x128xi32, #tpu.memory_space<hbm>> -> memref<80x128xi32, #tpu.memory_space<hbm>>
      %dma_wait3A_55 = arith.constant 0 : i32
      %dma_wait3A_56 = arith.constant 0 : i32
      %dma_wait3A_57 = tpu.memref_slice %arg4[%add3A, %dma_wait3A_55, %dma_wait3A_56] : memref<32x80x128xi32, #tpu.memory_space<hbm>> -> memref<1x80x128xi32, #tpu.memory_space<hbm>>
      %dma_wait3A_58 = tpu.memref_squeeze %dma_wait3A_57 : memref<1x80x128xi32, #tpu.memory_space<hbm>> -> memref<80x128xi32, #tpu.memory_space<hbm>>
      tpu.wait_dma2 semaphore(%run_scoped3A_42 : memref<!tpu.dma_semaphore, #tpu.memory_space<semaphore_mem>>) src(%dma_wait3A_58 : memref<80x128xi32, #tpu.memory_space<hbm>>) dst(%arg8 : memref<80x128xi32, #tpu.memory_space<vmem>>)
      tpu.yield
    }) : () -> ()
    %barrier3A = arith.constant 0 : index
    tpu.barrier barrier_id(%barrier3A)
    %dma_start3A = arith.constant 0 : i32
    %dma_start3A_9 = arith.constant 0 : i32
    %dma_start3A_10 = arith.constant 0 : i32
    %dma_start3A_11 = arith.constant 0 : i32
    %dma_start3A_12 = tpu.memref_slice %arg9[%dma_start3A_9, %dma_start3A_10, %dma_start3A_11] : memref<2x128x64xf32, #tpu.memory_space<vmem>> -> memref<1x128x64xf32, #tpu.memory_space<vmem>>
    %dma_start3A_13 = tpu.memref_squeeze %dma_start3A_12 : memref<1x128x64xf32, #tpu.memory_space<vmem>> -> memref<128x64xf32, #tpu.memory_space<vmem>>
    %dma_start3A_14 = arith.constant 0 : i32
    %dma_start3A_15 = tpu.memref_slice %arg7[%dma_start3A, %dma_start3A_14] : memref<80x128xi32, #tpu.memory_space<vmem>> -> memref<1x128xi32, #tpu.memory_space<vmem>>
    %dma_start3A_16 = tpu.memref_squeeze %dma_start3A_15 : memref<1x128xi32, #tpu.memory_space<vmem>> -> memref<128xi32, #tpu.memory_space<vmem>>
    %dma_start3A_17 = arith.constant 0 : i32
    %dma_start3A_18 = arith.constant 0 : i32
    %dma_start3A_19 = tpu.memref_slice %arg11[%dma_start3A_17, %dma_start3A_18] : memref<10112x64xf32, #tpu.memory_space<vmem_shared>> -> memref<10112x64xf32, #tpu.memory_space<vmem_shared>>
    tpu.enqueue_indirect_dma source(%dma_start3A_19 : memref<10112x64xf32, #tpu.memory_space<vmem_shared>>) target(%dma_start3A_13 : memref<128x64xf32, #tpu.memory_space<vmem>>) offsets(%dma_start3A_16 : memref<128xi32, #tpu.memory_space<vmem>>) semaphore(%arg12 : memref<!tpu.dma_semaphore, #tpu.memory_space<semaphore_mem>>)
    %scan3A = arith.constant 0 : i32
    %scan3A_20 = arith.constant 0 : i32
    %scan3A_21 = arith.constant 79 : i32
    %scan3A_22 = arith.addi %scan3A_20, %scan3A_21 : i32
    %scan3A_23 = arith.constant 1 : i32
    scf.for %scan3A_42 = %scan3A_20 to %scan3A_22 step %scan3A_23  : i32 {
      %rem3A = arith.constant 2 : i32
      %rem3A_43 = arith.remsi %scan3A_42, %rem3A : i32
      %dma_wait3A_44 = arith.constant 0 : i32
      %dma_wait3A_45 = arith.constant 0 : i32
      %dma_wait3A_46 = tpu.memref_slice %arg9[%rem3A_43, %dma_wait3A_44, %dma_wait3A_45] : memref<2x128x64xf32, #tpu.memory_space<vmem>> -> memref<1x128x64xf32, #tpu.memory_space<vmem>>
      %dma_wait3A_47 = tpu.memref_squeeze %dma_wait3A_46 : memref<1x128x64xf32, #tpu.memory_space<vmem>> -> memref<128x64xf32, #tpu.memory_space<vmem>>
      %dma_wait3A_48 = arith.constant 0 : i32
      %dma_wait3A_49 = tpu.memref_slice %arg7[%scan3A_42, %dma_wait3A_48] : memref<80x128xi32, #tpu.memory_space<vmem>> -> memref<1x128xi32, #tpu.memory_space<vmem>>
      %dma_wait3A_50 = tpu.memref_squeeze %dma_wait3A_49 : memref<1x128xi32, #tpu.memory_space<vmem>> -> memref<128xi32, #tpu.memory_space<vmem>>
      %dma_wait3A_51 = arith.constant 0 : i32
      %dma_wait3A_52 = arith.constant 0 : i32
      %dma_wait3A_53 = tpu.memref_slice %arg11[%dma_wait3A_51, %dma_wait3A_52] : memref<10112x64xf32, #tpu.memory_space<vmem_shared>> -> memref<10112x64xf32, #tpu.memory_space<vmem_shared>>
      tpu.wait_indirect_dma semaphore(%arg12 : memref<!tpu.dma_semaphore, #tpu.memory_space<semaphore_mem>>) src(%dma_wait3A_53 : memref<10112x64xf32, #tpu.memory_space<vmem_shared>>) dst(%dma_wait3A_47 : memref<128x64xf32, #tpu.memory_space<vmem>>)
      %add3A_54 = arith.constant 1 : i32
      %add3A_55 = arith.addi %scan3A_42, %add3A_54 : i32
      %sub3A = arith.constant 1 : i32
      %sub3A_56 = arith.subi %sub3A, %rem3A_43 : i32
      %dma_start3A_57 = arith.constant 0 : i32
      %dma_start3A_58 = arith.constant 0 : i32
      %dma_start3A_59 = tpu.memref_slice %arg9[%sub3A_56, %dma_start3A_57, %dma_start3A_58] : memref<2x128x64xf32, #tpu.memory_space<vmem>> -> memref<1x128x64xf32, #tpu.memory_space<vmem>>
      %dma_start3A_60 = tpu.memref_squeeze %dma_start3A_59 : memref<1x128x64xf32, #tpu.memory_space<vmem>> -> memref<128x64xf32, #tpu.memory_space<vmem>>
      %dma_start3A_61 = arith.constant 0 : i32
      %dma_start3A_62 = tpu.memref_slice %arg7[%add3A_55, %dma_start3A_61] : memref<80x128xi32, #tpu.memory_space<vmem>> -> memref<1x128xi32, #tpu.memory_space<vmem>>
      %dma_start3A_63 = tpu.memref_squeeze %dma_start3A_62 : memref<1x128xi32, #tpu.memory_space<vmem>> -> memref<128xi32, #tpu.memory_space<vmem>>
      %dma_start3A_64 = arith.constant 0 : i32
      %dma_start3A_65 = arith.constant 0 : i32
      %dma_start3A_66 = tpu.memref_slice %arg11[%dma_start3A_64, %dma_start3A_65] : memref<10112x64xf32, #tpu.memory_space<vmem_shared>> -> memref<10112x64xf32, #tpu.memory_space<vmem_shared>>
      tpu.enqueue_indirect_dma source(%dma_start3A_66 : memref<10112x64xf32, #tpu.memory_space<vmem_shared>>) target(%dma_start3A_60 : memref<128x64xf32, #tpu.memory_space<vmem>>) offsets(%dma_start3A_63 : memref<128xi32, #tpu.memory_space<vmem>>) semaphore(%arg12 : memref<!tpu.dma_semaphore, #tpu.memory_space<semaphore_mem>>)
      "tpu.region"() ({
        %run_scoped3A_67 = tpu.sem_alloc : memref<!tpu.dma_semaphore, #tpu.memory_space<semaphore_mem>>
        %dma_start3A_68 = arith.constant 0 : i32
        %dma_start3A_69 = arith.constant 0 : i32
        %dma_start3A_70 = tpu.memref_slice %arg9[%rem3A_43, %dma_start3A_68, %dma_start3A_69] : memref<2x128x64xf32, #tpu.memory_space<vmem>> -> memref<1x128x64xf32, #tpu.memory_space<vmem>>
        %dma_start3A_71 = tpu.memref_squeeze %dma_start3A_70 : memref<1x128x64xf32, #tpu.memory_space<vmem>> -> memref<128x64xf32, #tpu.memory_space<vmem>>
        %dma_start3A_72 = arith.constant 0 : i32
        %dma_start3A_73 = tpu.memref_slice %arg8[%scan3A_42, %dma_start3A_72] : memref<80x128xi32, #tpu.memory_space<vmem>> -> memref<1x128xi32, #tpu.memory_space<vmem>>
        %dma_start3A_74 = tpu.memref_squeeze %dma_start3A_73 : memref<1x128xi32, #tpu.memory_space<vmem>> -> memref<128xi32, #tpu.memory_space<vmem>>
        %dma_start3A_75 = arith.constant 0 : i32
        %dma_start3A_76 = arith.constant 0 : i32
        %dma_start3A_77 = tpu.memref_slice %arg10[%dma_start3A_75, %dma_start3A_76] : memref<10112x64xf32, #tpu.memory_space<vmem_shared>> -> memref<10112x64xf32, #tpu.memory_space<vmem_shared>>
        tpu.enqueue_indirect_dma source(%dma_start3A_71 : memref<128x64xf32, #tpu.memory_space<vmem>>) target(%dma_start3A_77 : memref<10112x64xf32, #tpu.memory_space<vmem_shared>>) offsets(%dma_start3A_74 : memref<128xi32, #tpu.memory_space<vmem>>) semaphore(%run_scoped3A_67 : memref<!tpu.dma_semaphore, #tpu.memory_space<semaphore_mem>>) {add = true}
        %dma_wait3A_78 = arith.constant 0 : i32
        %dma_wait3A_79 = arith.constant 0 : i32
        %dma_wait3A_80 = tpu.memref_slice %arg9[%rem3A_43, %dma_wait3A_78, %dma_wait3A_79] : memref<2x128x64xf32, #tpu.memory_space<vmem>> -> memref<1x128x64xf32, #tpu.memory_space<vmem>>
        %dma_wait3A_81 = tpu.memref_squeeze %dma_wait3A_80 : memref<1x128x64xf32, #tpu.memory_space<vmem>> -> memref<128x64xf32, #tpu.memory_space<vmem>>
        %dma_wait3A_82 = arith.constant 0 : i32
        %dma_wait3A_83 = tpu.memref_slice %arg8[%scan3A_42, %dma_wait3A_82] : memref<80x128xi32, #tpu.memory_space<vmem>> -> memref<1x128xi32, #tpu.memory_space<vmem>>
        %dma_wait3A_84 = tpu.memref_squeeze %dma_wait3A_83 : memref<1x128xi32, #tpu.memory_space<vmem>> -> memref<128xi32, #tpu.memory_space<vmem>>
        %dma_wait3A_85 = arith.constant 0 : i32
        %dma_wait3A_86 = arith.constant 0 : i32
        %dma_wait3A_87 = tpu.memref_slice %arg10[%dma_wait3A_85, %dma_wait3A_86] : memref<10112x64xf32, #tpu.memory_space<vmem_shared>> -> memref<10112x64xf32, #tpu.memory_space<vmem_shared>>
        tpu.wait_indirect_dma semaphore(%run_scoped3A_67 : memref<!tpu.dma_semaphore, #tpu.memory_space<semaphore_mem>>) src(%dma_wait3A_81 : memref<128x64xf32, #tpu.memory_space<vmem>>) dst(%dma_wait3A_87 : memref<10112x64xf32, #tpu.memory_space<vmem_shared>>)
        tpu.yield
      }) : () -> ()
    }
    %scan3A_24 = arith.constant 79 : i32
    %dma_wait3A = arith.constant 79 : i32
    %dma_wait3A_25 = arith.constant 1 : i32
    %dma_wait3A_26 = arith.constant 0 : i32
    %dma_wait3A_27 = arith.constant 0 : i32
    %dma_wait3A_28 = tpu.memref_slice %arg9[%dma_wait3A_25, %dma_wait3A_26, %dma_wait3A_27] : memref<2x128x64xf32, #tpu.memory_space<vmem>> -> memref<1x128x64xf32, #tpu.memory_space<vmem>>
    %dma_wait3A_29 = tpu.memref_squeeze %dma_wait3A_28 : memref<1x128x64xf32, #tpu.memory_space<vmem>> -> memref<128x64xf32, #tpu.memory_space<vmem>>
    %dma_wait3A_30 = arith.constant 0 : i32
    %dma_wait3A_31 = tpu.memref_slice %arg7[%dma_wait3A, %dma_wait3A_30] : memref<80x128xi32, #tpu.memory_space<vmem>> -> memref<1x128xi32, #tpu.memory_space<vmem>>
    %dma_wait3A_32 = tpu.memref_squeeze %dma_wait3A_31 : memref<1x128xi32, #tpu.memory_space<vmem>> -> memref<128xi32, #tpu.memory_space<vmem>>
    %dma_wait3A_33 = arith.constant 0 : i32
    %dma_wait3A_34 = arith.constant 0 : i32
    %dma_wait3A_35 = tpu.memref_slice %arg11[%dma_wait3A_33, %dma_wait3A_34] : memref<10112x64xf32, #tpu.memory_space<vmem_shared>> -> memref<10112x64xf32, #tpu.memory_space<vmem_shared>>
    tpu.wait_indirect_dma semaphore(%arg12 : memref<!tpu.dma_semaphore, #tpu.memory_space<semaphore_mem>>) src(%dma_wait3A_35 : memref<10112x64xf32, #tpu.memory_space<vmem_shared>>) dst(%dma_wait3A_29 : memref<128x64xf32, #tpu.memory_space<vmem>>)
    %run_scoped3A = arith.constant 1 : i32
    %run_scoped3A_36 = arith.constant 79 : i32
    "tpu.region"() ({
      %run_scoped3A_42 = tpu.sem_alloc : memref<!tpu.dma_semaphore, #tpu.memory_space<semaphore_mem>>
      %dma_start3A_43 = arith.constant 0 : i32
      %dma_start3A_44 = arith.constant 0 : i32
      %dma_start3A_45 = tpu.memref_slice %arg9[%run_scoped3A, %dma_start3A_43, %dma_start3A_44] : memref<2x128x64xf32, #tpu.memory_space<vmem>> -> memref<1x128x64xf32, #tpu.memory_space<vmem>>
      %dma_start3A_46 = tpu.memref_squeeze %dma_start3A_45 : memref<1x128x64xf32, #tpu.memory_space<vmem>> -> memref<128x64xf32, #tpu.memory_space<vmem>>
      %dma_start3A_47 = arith.constant 0 : i32
      %dma_start3A_48 = tpu.memref_slice %arg8[%run_scoped3A_36, %dma_start3A_47] : memref<80x128xi32, #tpu.memory_space<vmem>> -> memref<1x128xi32, #tpu.memory_space<vmem>>
      %dma_start3A_49 = tpu.memref_squeeze %dma_start3A_48 : memref<1x128xi32, #tpu.memory_space<vmem>> -> memref<128xi32, #tpu.memory_space<vmem>>
      %dma_start3A_50 = arith.constant 0 : i32
      %dma_start3A_51 = arith.constant 0 : i32
      %dma_start3A_52 = tpu.memref_slice %arg10[%dma_start3A_50, %dma_start3A_51] : memref<10112x64xf32, #tpu.memory_space<vmem_shared>> -> memref<10112x64xf32, #tpu.memory_space<vmem_shared>>
      tpu.enqueue_indirect_dma source(%dma_start3A_46 : memref<128x64xf32, #tpu.memory_space<vmem>>) target(%dma_start3A_52 : memref<10112x64xf32, #tpu.memory_space<vmem_shared>>) offsets(%dma_start3A_49 : memref<128xi32, #tpu.memory_space<vmem>>) semaphore(%run_scoped3A_42 : memref<!tpu.dma_semaphore, #tpu.memory_space<semaphore_mem>>) {add = true}
      %dma_wait3A_53 = arith.constant 0 : i32
      %dma_wait3A_54 = arith.constant 0 : i32
      %dma_wait3A_55 = tpu.memref_slice %arg9[%run_scoped3A, %dma_wait3A_53, %dma_wait3A_54] : memref<2x128x64xf32, #tpu.memory_space<vmem>> -> memref<1x128x64xf32, #tpu.memory_space<vmem>>
      %dma_wait3A_56 = tpu.memref_squeeze %dma_wait3A_55 : memref<1x128x64xf32, #tpu.memory_space<vmem>> -> memref<128x64xf32, #tpu.memory_space<vmem>>
      %dma_wait3A_57 = arith.constant 0 : i32
      %dma_wait3A_58 = tpu.memref_slice %arg8[%run_scoped3A_36, %dma_wait3A_57] : memref<80x128xi32, #tpu.memory_space<vmem>> -> memref<1x128xi32, #tpu.memory_space<vmem>>
      %dma_wait3A_59 = tpu.memref_squeeze %dma_wait3A_58 : memref<1x128xi32, #tpu.memory_space<vmem>> -> memref<128xi32, #tpu.memory_space<vmem>>
      %dma_wait3A_60 = arith.constant 0 : i32
      %dma_wait3A_61 = arith.constant 0 : i32
      %dma_wait3A_62 = tpu.memref_slice %arg10[%dma_wait3A_60, %dma_wait3A_61] : memref<10112x64xf32, #tpu.memory_space<vmem_shared>> -> memref<10112x64xf32, #tpu.memory_space<vmem_shared>>
      tpu.wait_indirect_dma semaphore(%run_scoped3A_42 : memref<!tpu.dma_semaphore, #tpu.memory_space<semaphore_mem>>) src(%dma_wait3A_56 : memref<128x64xf32, #tpu.memory_space<vmem>>) dst(%dma_wait3A_62 : memref<10112x64xf32, #tpu.memory_space<vmem_shared>>)
      tpu.yield
    }) : () -> ()
    %barrier3A_37 = arith.constant 0 : index
    tpu.barrier barrier_id(%barrier3A_37)
    %mul3A_38 = arith.constant 632 : i32
    %mul3A_39 = arith.muli %arg1, %mul3A_38 : i32
    %mul3A_40 = arith.constant 632 : i32
    %mul3A_41 = arith.muli %arg1, %mul3A_40 : i32
    "tpu.region"() ({
      %run_scoped3A_42 = tpu.sem_alloc : memref<!tpu.dma_semaphore, #tpu.memory_space<semaphore_mem>>
      %dma_start3A_43 = arith.constant 0 : i32
      %dma_start3A_44 = tpu.memref_slice %arg6[%arg0, %mul3A_41, %dma_start3A_43] : memref<2x10112x64xf32, #tpu.memory_space<hbm>> -> memref<1x632x64xf32, #tpu.memory_space<hbm>>
      %dma_start3A_45 = tpu.memref_squeeze %dma_start3A_44 : memref<1x632x64xf32, #tpu.memory_space<hbm>> -> memref<632x64xf32, #tpu.memory_space<hbm>>
      %dma_start3A_46 = arith.constant 0 : i32
      %dma_start3A_47 = tpu.memref_slice %arg10[%mul3A_39, %dma_start3A_46] : memref<10112x64xf32, #tpu.memory_space<vmem_shared>> -> memref<632x64xf32, #tpu.memory_space<vmem_shared>>
      tpu.enqueue_dma source(%dma_start3A_47 : memref<632x64xf32, #tpu.memory_space<vmem_shared>>) target(%dma_start3A_45 : memref<632x64xf32, #tpu.memory_space<hbm>>) target_semaphore(%run_scoped3A_42 : memref<!tpu.dma_semaphore, #tpu.memory_space<semaphore_mem>>)
      %dma_wait3A_48 = arith.constant 0 : i32
      %dma_wait3A_49 = tpu.memref_slice %arg6[%arg0, %mul3A_41, %dma_wait3A_48] : memref<2x10112x64xf32, #tpu.memory_space<hbm>> -> memref<1x632x64xf32, #tpu.memory_space<hbm>>
      %dma_wait3A_50 = tpu.memref_squeeze %dma_wait3A_49 : memref<1x632x64xf32, #tpu.memory_space<hbm>> -> memref<632x64xf32, #tpu.memory_space<hbm>>
      %dma_wait3A_51 = arith.constant 0 : i32
      %dma_wait3A_52 = tpu.memref_slice %arg10[%mul3A_39, %dma_wait3A_51] : memref<10112x64xf32, #tpu.memory_space<vmem_shared>> -> memref<632x64xf32, #tpu.memory_space<vmem_shared>>
      tpu.wait_dma2 semaphore(%run_scoped3A_42 : memref<!tpu.dma_semaphore, #tpu.memory_space<semaphore_mem>>) src(%dma_wait3A_52 : memref<632x64xf32, #tpu.memory_space<vmem_shared>>) dst(%dma_wait3A_50 : memref<632x64xf32, #tpu.memory_space<hbm>>)
      tpu.yield
    }) : () -> ()
    return
  }
}

#map = affine_map<(d0, d1) -> (0, 0)>
#map1 = affine_map<(d0, d1) -> (0, 0, 0)>
module attributes {stable_mosaic.version = 14 : i64} {
  func.func @_agg_body(%arg0: i32, %arg1: i32, %arg2: memref<10112x64xf32, #tpu.memory_space<hbm>>, %arg3: memref<32x80x128xi32, #tpu.memory_space<hbm>>, %arg4: memref<32x80x128xi32, #tpu.memory_space<hbm>>, %arg5: memref<10112x64xf32, #tpu.memory_space<hbm>>, %arg6: memref<2x10112x64xf32, #tpu.memory_space<hbm>>, %arg7: memref<80x128xi32, #tpu.memory_space<vmem>>, %arg8: memref<80x128xi32, #tpu.memory_space<vmem>>, %arg9: memref<2x128x64xf32, #tpu.memory_space<vmem>>, %arg10: memref<10112x64xf32, #tpu.memory_space<vmem_shared>>, %arg11: memref<10112x64xf32, #tpu.memory_space<vmem_shared>>, %arg12: memref<!tpu.dma_semaphore, #tpu.memory_space<semaphore_mem>>) attributes {dimension_semantics = [#tpu.dimension_semantics<core_parallel>, #tpu.dimension_semantics<subcore_parallel>], iteration_bounds = array<i64: 2, 16>, scalar_prefetch = 0 : i64, scratch_operands = 6 : i64, tpu.core_type = #tpu.core_type<sc_vector_subcore>, window_params = [{transform_indices = #map}, {transform_indices = #map1}, {transform_indices = #map1}, {transform_indices = #map}, {transform_indices = #map1}]} {
    %mul3A = arith.constant 16 : i32
    %mul3A_0 = arith.muli %arg0, %mul3A : i32
    %add3A = arith.addi %mul3A_0, %arg1 : i32
    %mul3A_1 = arith.constant 632 : i32
    %mul3A_2 = arith.muli %arg1, %mul3A_1 : i32
    %mul3A_3 = arith.constant 632 : i32
    %mul3A_4 = arith.muli %arg1, %mul3A_3 : i32
    "tpu.region"() ({
      %run_scoped3A_42 = tpu.sem_alloc : memref<!tpu.dma_semaphore, #tpu.memory_space<semaphore_mem>>
      %dma_start3A_43 = arith.constant 0 : i32
      %dma_start3A_44 = tpu.memref_slice %arg10[%mul3A_4, %dma_start3A_43] : memref<10112x64xf32, #tpu.memory_space<vmem_shared>> -> memref<632x64xf32, #tpu.memory_space<vmem_shared>>
      %dma_start3A_45 = arith.constant 0 : i32
      %dma_start3A_46 = tpu.memref_slice %arg5[%mul3A_2, %dma_start3A_45] : memref<10112x64xf32, #tpu.memory_space<hbm>> -> memref<632x64xf32, #tpu.memory_space<hbm>>
      tpu.enqueue_dma source(%dma_start3A_46 : memref<632x64xf32, #tpu.memory_space<hbm>>) target(%dma_start3A_44 : memref<632x64xf32, #tpu.memory_space<vmem_shared>>) target_semaphore(%run_scoped3A_42 : memref<!tpu.dma_semaphore, #tpu.memory_space<semaphore_mem>>)
      %dma_wait3A_47 = arith.constant 0 : i32
      %dma_wait3A_48 = tpu.memref_slice %arg10[%mul3A_4, %dma_wait3A_47] : memref<10112x64xf32, #tpu.memory_space<vmem_shared>> -> memref<632x64xf32, #tpu.memory_space<vmem_shared>>
      %dma_wait3A_49 = arith.constant 0 : i32
      %dma_wait3A_50 = tpu.memref_slice %arg5[%mul3A_2, %dma_wait3A_49] : memref<10112x64xf32, #tpu.memory_space<hbm>> -> memref<632x64xf32, #tpu.memory_space<hbm>>
      tpu.wait_dma2 semaphore(%run_scoped3A_42 : memref<!tpu.dma_semaphore, #tpu.memory_space<semaphore_mem>>) src(%dma_wait3A_50 : memref<632x64xf32, #tpu.memory_space<hbm>>) dst(%dma_wait3A_48 : memref<632x64xf32, #tpu.memory_space<vmem_shared>>)
      tpu.yield
    }) : () -> ()
    %mul3A_5 = arith.constant 632 : i32
    %mul3A_6 = arith.muli %arg1, %mul3A_5 : i32
    %mul3A_7 = arith.constant 632 : i32
    %mul3A_8 = arith.muli %arg1, %mul3A_7 : i32
    "tpu.region"() ({
      %run_scoped3A_42 = tpu.sem_alloc : memref<!tpu.dma_semaphore, #tpu.memory_space<semaphore_mem>>
      %dma_start3A_43 = arith.constant 0 : i32
      %dma_start3A_44 = tpu.memref_slice %arg11[%mul3A_8, %dma_start3A_43] : memref<10112x64xf32, #tpu.memory_space<vmem_shared>> -> memref<632x64xf32, #tpu.memory_space<vmem_shared>>
      %dma_start3A_45 = arith.constant 0 : i32
      %dma_start3A_46 = tpu.memref_slice %arg2[%mul3A_6, %dma_start3A_45] : memref<10112x64xf32, #tpu.memory_space<hbm>> -> memref<632x64xf32, #tpu.memory_space<hbm>>
      tpu.enqueue_dma source(%dma_start3A_46 : memref<632x64xf32, #tpu.memory_space<hbm>>) target(%dma_start3A_44 : memref<632x64xf32, #tpu.memory_space<vmem_shared>>) target_semaphore(%run_scoped3A_42 : memref<!tpu.dma_semaphore, #tpu.memory_space<semaphore_mem>>)
      %dma_wait3A_47 = arith.constant 0 : i32
      %dma_wait3A_48 = tpu.memref_slice %arg11[%mul3A_8, %dma_wait3A_47] : memref<10112x64xf32, #tpu.memory_space<vmem_shared>> -> memref<632x64xf32, #tpu.memory_space<vmem_shared>>
      %dma_wait3A_49 = arith.constant 0 : i32
      %dma_wait3A_50 = tpu.memref_slice %arg2[%mul3A_6, %dma_wait3A_49] : memref<10112x64xf32, #tpu.memory_space<hbm>> -> memref<632x64xf32, #tpu.memory_space<hbm>>
      tpu.wait_dma2 semaphore(%run_scoped3A_42 : memref<!tpu.dma_semaphore, #tpu.memory_space<semaphore_mem>>) src(%dma_wait3A_50 : memref<632x64xf32, #tpu.memory_space<hbm>>) dst(%dma_wait3A_48 : memref<632x64xf32, #tpu.memory_space<vmem_shared>>)
      tpu.yield
    }) : () -> ()
    "tpu.region"() ({
      %run_scoped3A_42 = tpu.sem_alloc : memref<!tpu.dma_semaphore, #tpu.memory_space<semaphore_mem>>
      %dma_start3A_43 = arith.constant 0 : i32
      %dma_start3A_44 = arith.constant 0 : i32
      %dma_start3A_45 = tpu.memref_slice %arg3[%add3A, %dma_start3A_43, %dma_start3A_44] : memref<32x80x128xi32, #tpu.memory_space<hbm>> -> memref<1x80x128xi32, #tpu.memory_space<hbm>>
      %dma_start3A_46 = tpu.memref_squeeze %dma_start3A_45 : memref<1x80x128xi32, #tpu.memory_space<hbm>> -> memref<80x128xi32, #tpu.memory_space<hbm>>
      %dma_start3A_47 = arith.constant 0 : i32
      %dma_start3A_48 = arith.constant 0 : i32
      %dma_start3A_49 = tpu.memref_slice %arg3[%add3A, %dma_start3A_47, %dma_start3A_48] : memref<32x80x128xi32, #tpu.memory_space<hbm>> -> memref<1x80x128xi32, #tpu.memory_space<hbm>>
      %dma_start3A_50 = tpu.memref_squeeze %dma_start3A_49 : memref<1x80x128xi32, #tpu.memory_space<hbm>> -> memref<80x128xi32, #tpu.memory_space<hbm>>
      tpu.enqueue_dma source(%dma_start3A_50 : memref<80x128xi32, #tpu.memory_space<hbm>>) target(%arg7 : memref<80x128xi32, #tpu.memory_space<vmem>>) target_semaphore(%run_scoped3A_42 : memref<!tpu.dma_semaphore, #tpu.memory_space<semaphore_mem>>)
      %dma_wait3A_51 = arith.constant 0 : i32
      %dma_wait3A_52 = arith.constant 0 : i32
      %dma_wait3A_53 = tpu.memref_slice %arg3[%add3A, %dma_wait3A_51, %dma_wait3A_52] : memref<32x80x128xi32, #tpu.memory_space<hbm>> -> memref<1x80x128xi32, #tpu.memory_space<hbm>>
      %dma_wait3A_54 = tpu.memref_squeeze %dma_wait3A_53 : memref<1x80x128xi32, #tpu.memory_space<hbm>> -> memref<80x128xi32, #tpu.memory_space<hbm>>
      %dma_wait3A_55 = arith.constant 0 : i32
      %dma_wait3A_56 = arith.constant 0 : i32
      %dma_wait3A_57 = tpu.memref_slice %arg3[%add3A, %dma_wait3A_55, %dma_wait3A_56] : memref<32x80x128xi32, #tpu.memory_space<hbm>> -> memref<1x80x128xi32, #tpu.memory_space<hbm>>
      %dma_wait3A_58 = tpu.memref_squeeze %dma_wait3A_57 : memref<1x80x128xi32, #tpu.memory_space<hbm>> -> memref<80x128xi32, #tpu.memory_space<hbm>>
      tpu.wait_dma2 semaphore(%run_scoped3A_42 : memref<!tpu.dma_semaphore, #tpu.memory_space<semaphore_mem>>) src(%dma_wait3A_58 : memref<80x128xi32, #tpu.memory_space<hbm>>) dst(%arg7 : memref<80x128xi32, #tpu.memory_space<vmem>>)
      tpu.yield
    }) : () -> ()
    "tpu.region"() ({
      %run_scoped3A_42 = tpu.sem_alloc : memref<!tpu.dma_semaphore, #tpu.memory_space<semaphore_mem>>
      %dma_start3A_43 = arith.constant 0 : i32
      %dma_start3A_44 = arith.constant 0 : i32
      %dma_start3A_45 = tpu.memref_slice %arg4[%add3A, %dma_start3A_43, %dma_start3A_44] : memref<32x80x128xi32, #tpu.memory_space<hbm>> -> memref<1x80x128xi32, #tpu.memory_space<hbm>>
      %dma_start3A_46 = tpu.memref_squeeze %dma_start3A_45 : memref<1x80x128xi32, #tpu.memory_space<hbm>> -> memref<80x128xi32, #tpu.memory_space<hbm>>
      %dma_start3A_47 = arith.constant 0 : i32
      %dma_start3A_48 = arith.constant 0 : i32
      %dma_start3A_49 = tpu.memref_slice %arg4[%add3A, %dma_start3A_47, %dma_start3A_48] : memref<32x80x128xi32, #tpu.memory_space<hbm>> -> memref<1x80x128xi32, #tpu.memory_space<hbm>>
      %dma_start3A_50 = tpu.memref_squeeze %dma_start3A_49 : memref<1x80x128xi32, #tpu.memory_space<hbm>> -> memref<80x128xi32, #tpu.memory_space<hbm>>
      tpu.enqueue_dma source(%dma_start3A_50 : memref<80x128xi32, #tpu.memory_space<hbm>>) target(%arg8 : memref<80x128xi32, #tpu.memory_space<vmem>>) target_semaphore(%run_scoped3A_42 : memref<!tpu.dma_semaphore, #tpu.memory_space<semaphore_mem>>)
      %dma_wait3A_51 = arith.constant 0 : i32
      %dma_wait3A_52 = arith.constant 0 : i32
      %dma_wait3A_53 = tpu.memref_slice %arg4[%add3A, %dma_wait3A_51, %dma_wait3A_52] : memref<32x80x128xi32, #tpu.memory_space<hbm>> -> memref<1x80x128xi32, #tpu.memory_space<hbm>>
      %dma_wait3A_54 = tpu.memref_squeeze %dma_wait3A_53 : memref<1x80x128xi32, #tpu.memory_space<hbm>> -> memref<80x128xi32, #tpu.memory_space<hbm>>
      %dma_wait3A_55 = arith.constant 0 : i32
      %dma_wait3A_56 = arith.constant 0 : i32
      %dma_wait3A_57 = tpu.memref_slice %arg4[%add3A, %dma_wait3A_55, %dma_wait3A_56] : memref<32x80x128xi32, #tpu.memory_space<hbm>> -> memref<1x80x128xi32, #tpu.memory_space<hbm>>
      %dma_wait3A_58 = tpu.memref_squeeze %dma_wait3A_57 : memref<1x80x128xi32, #tpu.memory_space<hbm>> -> memref<80x128xi32, #tpu.memory_space<hbm>>
      tpu.wait_dma2 semaphore(%run_scoped3A_42 : memref<!tpu.dma_semaphore, #tpu.memory_space<semaphore_mem>>) src(%dma_wait3A_58 : memref<80x128xi32, #tpu.memory_space<hbm>>) dst(%arg8 : memref<80x128xi32, #tpu.memory_space<vmem>>)
      tpu.yield
    }) : () -> ()
    %barrier3A = arith.constant 0 : index
    tpu.barrier barrier_id(%barrier3A)
    %dma_start3A = arith.constant 0 : i32
    %dma_start3A_9 = arith.constant 0 : i32
    %dma_start3A_10 = arith.constant 0 : i32
    %dma_start3A_11 = arith.constant 0 : i32
    %dma_start3A_12 = tpu.memref_slice %arg9[%dma_start3A_9, %dma_start3A_10, %dma_start3A_11] : memref<2x128x64xf32, #tpu.memory_space<vmem>> -> memref<1x128x64xf32, #tpu.memory_space<vmem>>
    %dma_start3A_13 = tpu.memref_squeeze %dma_start3A_12 : memref<1x128x64xf32, #tpu.memory_space<vmem>> -> memref<128x64xf32, #tpu.memory_space<vmem>>
    %dma_start3A_14 = arith.constant 0 : i32
    %dma_start3A_15 = tpu.memref_slice %arg7[%dma_start3A, %dma_start3A_14] : memref<80x128xi32, #tpu.memory_space<vmem>> -> memref<1x128xi32, #tpu.memory_space<vmem>>
    %dma_start3A_16 = tpu.memref_squeeze %dma_start3A_15 : memref<1x128xi32, #tpu.memory_space<vmem>> -> memref<128xi32, #tpu.memory_space<vmem>>
    %dma_start3A_17 = arith.constant 0 : i32
    %dma_start3A_18 = arith.constant 0 : i32
    %dma_start3A_19 = tpu.memref_slice %arg11[%dma_start3A_17, %dma_start3A_18] : memref<10112x64xf32, #tpu.memory_space<vmem_shared>> -> memref<10112x64xf32, #tpu.memory_space<vmem_shared>>
    tpu.enqueue_indirect_dma source(%dma_start3A_19 : memref<10112x64xf32, #tpu.memory_space<vmem_shared>>) target(%dma_start3A_13 : memref<128x64xf32, #tpu.memory_space<vmem>>) offsets(%dma_start3A_16 : memref<128xi32, #tpu.memory_space<vmem>>) semaphore(%arg12 : memref<!tpu.dma_semaphore, #tpu.memory_space<semaphore_mem>>)
    %scan3A = arith.constant 0 : i32
    %scan3A_20 = arith.constant 0 : i32
    %scan3A_21 = arith.constant 79 : i32
    %scan3A_22 = arith.addi %scan3A_20, %scan3A_21 : i32
    %scan3A_23 = arith.constant 1 : i32
    scf.for %scan3A_42 = %scan3A_20 to %scan3A_22 step %scan3A_23  : i32 {
      %rem3A = arith.constant 2 : i32
      %rem3A_43 = arith.remsi %scan3A_42, %rem3A : i32
      %dma_wait3A_44 = arith.constant 0 : i32
      %dma_wait3A_45 = arith.constant 0 : i32
      %dma_wait3A_46 = tpu.memref_slice %arg9[%rem3A_43, %dma_wait3A_44, %dma_wait3A_45] : memref<2x128x64xf32, #tpu.memory_space<vmem>> -> memref<1x128x64xf32, #tpu.memory_space<vmem>>
      %dma_wait3A_47 = tpu.memref_squeeze %dma_wait3A_46 : memref<1x128x64xf32, #tpu.memory_space<vmem>> -> memref<128x64xf32, #tpu.memory_space<vmem>>
      %dma_wait3A_48 = arith.constant 0 : i32
      %dma_wait3A_49 = tpu.memref_slice %arg7[%scan3A_42, %dma_wait3A_48] : memref<80x128xi32, #tpu.memory_space<vmem>> -> memref<1x128xi32, #tpu.memory_space<vmem>>
      %dma_wait3A_50 = tpu.memref_squeeze %dma_wait3A_49 : memref<1x128xi32, #tpu.memory_space<vmem>> -> memref<128xi32, #tpu.memory_space<vmem>>
      %dma_wait3A_51 = arith.constant 0 : i32
      %dma_wait3A_52 = arith.constant 0 : i32
      %dma_wait3A_53 = tpu.memref_slice %arg11[%dma_wait3A_51, %dma_wait3A_52] : memref<10112x64xf32, #tpu.memory_space<vmem_shared>> -> memref<10112x64xf32, #tpu.memory_space<vmem_shared>>
      tpu.wait_indirect_dma semaphore(%arg12 : memref<!tpu.dma_semaphore, #tpu.memory_space<semaphore_mem>>) src(%dma_wait3A_53 : memref<10112x64xf32, #tpu.memory_space<vmem_shared>>) dst(%dma_wait3A_47 : memref<128x64xf32, #tpu.memory_space<vmem>>)
      %add3A_54 = arith.constant 1 : i32
      %add3A_55 = arith.addi %scan3A_42, %add3A_54 : i32
      %sub3A = arith.constant 1 : i32
      %sub3A_56 = arith.subi %sub3A, %rem3A_43 : i32
      %dma_start3A_57 = arith.constant 0 : i32
      %dma_start3A_58 = arith.constant 0 : i32
      %dma_start3A_59 = tpu.memref_slice %arg9[%sub3A_56, %dma_start3A_57, %dma_start3A_58] : memref<2x128x64xf32, #tpu.memory_space<vmem>> -> memref<1x128x64xf32, #tpu.memory_space<vmem>>
      %dma_start3A_60 = tpu.memref_squeeze %dma_start3A_59 : memref<1x128x64xf32, #tpu.memory_space<vmem>> -> memref<128x64xf32, #tpu.memory_space<vmem>>
      %dma_start3A_61 = arith.constant 0 : i32
      %dma_start3A_62 = tpu.memref_slice %arg7[%add3A_55, %dma_start3A_61] : memref<80x128xi32, #tpu.memory_space<vmem>> -> memref<1x128xi32, #tpu.memory_space<vmem>>
      %dma_start3A_63 = tpu.memref_squeeze %dma_start3A_62 : memref<1x128xi32, #tpu.memory_space<vmem>> -> memref<128xi32, #tpu.memory_space<vmem>>
      %dma_start3A_64 = arith.constant 0 : i32
      %dma_start3A_65 = arith.constant 0 : i32
      %dma_start3A_66 = tpu.memref_slice %arg11[%dma_start3A_64, %dma_start3A_65] : memref<10112x64xf32, #tpu.memory_space<vmem_shared>> -> memref<10112x64xf32, #tpu.memory_space<vmem_shared>>
      tpu.enqueue_indirect_dma source(%dma_start3A_66 : memref<10112x64xf32, #tpu.memory_space<vmem_shared>>) target(%dma_start3A_60 : memref<128x64xf32, #tpu.memory_space<vmem>>) offsets(%dma_start3A_63 : memref<128xi32, #tpu.memory_space<vmem>>) semaphore(%arg12 : memref<!tpu.dma_semaphore, #tpu.memory_space<semaphore_mem>>)
      "tpu.region"() ({
        %run_scoped3A_67 = tpu.sem_alloc : memref<!tpu.dma_semaphore, #tpu.memory_space<semaphore_mem>>
        %dma_start3A_68 = arith.constant 0 : i32
        %dma_start3A_69 = arith.constant 0 : i32
        %dma_start3A_70 = tpu.memref_slice %arg9[%rem3A_43, %dma_start3A_68, %dma_start3A_69] : memref<2x128x64xf32, #tpu.memory_space<vmem>> -> memref<1x128x64xf32, #tpu.memory_space<vmem>>
        %dma_start3A_71 = tpu.memref_squeeze %dma_start3A_70 : memref<1x128x64xf32, #tpu.memory_space<vmem>> -> memref<128x64xf32, #tpu.memory_space<vmem>>
        %dma_start3A_72 = arith.constant 0 : i32
        %dma_start3A_73 = tpu.memref_slice %arg8[%scan3A_42, %dma_start3A_72] : memref<80x128xi32, #tpu.memory_space<vmem>> -> memref<1x128xi32, #tpu.memory_space<vmem>>
        %dma_start3A_74 = tpu.memref_squeeze %dma_start3A_73 : memref<1x128xi32, #tpu.memory_space<vmem>> -> memref<128xi32, #tpu.memory_space<vmem>>
        %dma_start3A_75 = arith.constant 0 : i32
        %dma_start3A_76 = arith.constant 0 : i32
        %dma_start3A_77 = tpu.memref_slice %arg10[%dma_start3A_75, %dma_start3A_76] : memref<10112x64xf32, #tpu.memory_space<vmem_shared>> -> memref<10112x64xf32, #tpu.memory_space<vmem_shared>>
        tpu.enqueue_indirect_dma source(%dma_start3A_71 : memref<128x64xf32, #tpu.memory_space<vmem>>) target(%dma_start3A_77 : memref<10112x64xf32, #tpu.memory_space<vmem_shared>>) offsets(%dma_start3A_74 : memref<128xi32, #tpu.memory_space<vmem>>) semaphore(%run_scoped3A_67 : memref<!tpu.dma_semaphore, #tpu.memory_space<semaphore_mem>>) {add = true}
        %dma_wait3A_78 = arith.constant 0 : i32
        %dma_wait3A_79 = arith.constant 0 : i32
        %dma_wait3A_80 = tpu.memref_slice %arg9[%rem3A_43, %dma_wait3A_78, %dma_wait3A_79] : memref<2x128x64xf32, #tpu.memory_space<vmem>> -> memref<1x128x64xf32, #tpu.memory_space<vmem>>
        %dma_wait3A_81 = tpu.memref_squeeze %dma_wait3A_80 : memref<1x128x64xf32, #tpu.memory_space<vmem>> -> memref<128x64xf32, #tpu.memory_space<vmem>>
        %dma_wait3A_82 = arith.constant 0 : i32
        %dma_wait3A_83 = tpu.memref_slice %arg8[%scan3A_42, %dma_wait3A_82] : memref<80x128xi32, #tpu.memory_space<vmem>> -> memref<1x128xi32, #tpu.memory_space<vmem>>
        %dma_wait3A_84 = tpu.memref_squeeze %dma_wait3A_83 : memref<1x128xi32, #tpu.memory_space<vmem>> -> memref<128xi32, #tpu.memory_space<vmem>>
        %dma_wait3A_85 = arith.constant 0 : i32
        %dma_wait3A_86 = arith.constant 0 : i32
        %dma_wait3A_87 = tpu.memref_slice %arg10[%dma_wait3A_85, %dma_wait3A_86] : memref<10112x64xf32, #tpu.memory_space<vmem_shared>> -> memref<10112x64xf32, #tpu.memory_space<vmem_shared>>
        tpu.wait_indirect_dma semaphore(%run_scoped3A_67 : memref<!tpu.dma_semaphore, #tpu.memory_space<semaphore_mem>>) src(%dma_wait3A_81 : memref<128x64xf32, #tpu.memory_space<vmem>>) dst(%dma_wait3A_87 : memref<10112x64xf32, #tpu.memory_space<vmem_shared>>)
        tpu.yield
      }) : () -> ()
    }
    %scan3A_24 = arith.constant 79 : i32
    %dma_wait3A = arith.constant 79 : i32
    %dma_wait3A_25 = arith.constant 1 : i32
    %dma_wait3A_26 = arith.constant 0 : i32
    %dma_wait3A_27 = arith.constant 0 : i32
    %dma_wait3A_28 = tpu.memref_slice %arg9[%dma_wait3A_25, %dma_wait3A_26, %dma_wait3A_27] : memref<2x128x64xf32, #tpu.memory_space<vmem>> -> memref<1x128x64xf32, #tpu.memory_space<vmem>>
    %dma_wait3A_29 = tpu.memref_squeeze %dma_wait3A_28 : memref<1x128x64xf32, #tpu.memory_space<vmem>> -> memref<128x64xf32, #tpu.memory_space<vmem>>
    %dma_wait3A_30 = arith.constant 0 : i32
    %dma_wait3A_31 = tpu.memref_slice %arg7[%dma_wait3A, %dma_wait3A_30] : memref<80x128xi32, #tpu.memory_space<vmem>> -> memref<1x128xi32, #tpu.memory_space<vmem>>
    %dma_wait3A_32 = tpu.memref_squeeze %dma_wait3A_31 : memref<1x128xi32, #tpu.memory_space<vmem>> -> memref<128xi32, #tpu.memory_space<vmem>>
    %dma_wait3A_33 = arith.constant 0 : i32
    %dma_wait3A_34 = arith.constant 0 : i32
    %dma_wait3A_35 = tpu.memref_slice %arg11[%dma_wait3A_33, %dma_wait3A_34] : memref<10112x64xf32, #tpu.memory_space<vmem_shared>> -> memref<10112x64xf32, #tpu.memory_space<vmem_shared>>
    tpu.wait_indirect_dma semaphore(%arg12 : memref<!tpu.dma_semaphore, #tpu.memory_space<semaphore_mem>>) src(%dma_wait3A_35 : memref<10112x64xf32, #tpu.memory_space<vmem_shared>>) dst(%dma_wait3A_29 : memref<128x64xf32, #tpu.memory_space<vmem>>)
    %run_scoped3A = arith.constant 1 : i32
    %run_scoped3A_36 = arith.constant 79 : i32
    "tpu.region"() ({
      %run_scoped3A_42 = tpu.sem_alloc : memref<!tpu.dma_semaphore, #tpu.memory_space<semaphore_mem>>
      %dma_start3A_43 = arith.constant 0 : i32
      %dma_start3A_44 = arith.constant 0 : i32
      %dma_start3A_45 = tpu.memref_slice %arg9[%run_scoped3A, %dma_start3A_43, %dma_start3A_44] : memref<2x128x64xf32, #tpu.memory_space<vmem>> -> memref<1x128x64xf32, #tpu.memory_space<vmem>>
      %dma_start3A_46 = tpu.memref_squeeze %dma_start3A_45 : memref<1x128x64xf32, #tpu.memory_space<vmem>> -> memref<128x64xf32, #tpu.memory_space<vmem>>
      %dma_start3A_47 = arith.constant 0 : i32
      %dma_start3A_48 = tpu.memref_slice %arg8[%run_scoped3A_36, %dma_start3A_47] : memref<80x128xi32, #tpu.memory_space<vmem>> -> memref<1x128xi32, #tpu.memory_space<vmem>>
      %dma_start3A_49 = tpu.memref_squeeze %dma_start3A_48 : memref<1x128xi32, #tpu.memory_space<vmem>> -> memref<128xi32, #tpu.memory_space<vmem>>
      %dma_start3A_50 = arith.constant 0 : i32
      %dma_start3A_51 = arith.constant 0 : i32
      %dma_start3A_52 = tpu.memref_slice %arg10[%dma_start3A_50, %dma_start3A_51] : memref<10112x64xf32, #tpu.memory_space<vmem_shared>> -> memref<10112x64xf32, #tpu.memory_space<vmem_shared>>
      tpu.enqueue_indirect_dma source(%dma_start3A_46 : memref<128x64xf32, #tpu.memory_space<vmem>>) target(%dma_start3A_52 : memref<10112x64xf32, #tpu.memory_space<vmem_shared>>) offsets(%dma_start3A_49 : memref<128xi32, #tpu.memory_space<vmem>>) semaphore(%run_scoped3A_42 : memref<!tpu.dma_semaphore, #tpu.memory_space<semaphore_mem>>) {add = true}
      %dma_wait3A_53 = arith.constant 0 : i32
      %dma_wait3A_54 = arith.constant 0 : i32
      %dma_wait3A_55 = tpu.memref_slice %arg9[%run_scoped3A, %dma_wait3A_53, %dma_wait3A_54] : memref<2x128x64xf32, #tpu.memory_space<vmem>> -> memref<1x128x64xf32, #tpu.memory_space<vmem>>
      %dma_wait3A_56 = tpu.memref_squeeze %dma_wait3A_55 : memref<1x128x64xf32, #tpu.memory_space<vmem>> -> memref<128x64xf32, #tpu.memory_space<vmem>>
      %dma_wait3A_57 = arith.constant 0 : i32
      %dma_wait3A_58 = tpu.memref_slice %arg8[%run_scoped3A_36, %dma_wait3A_57] : memref<80x128xi32, #tpu.memory_space<vmem>> -> memref<1x128xi32, #tpu.memory_space<vmem>>
      %dma_wait3A_59 = tpu.memref_squeeze %dma_wait3A_58 : memref<1x128xi32, #tpu.memory_space<vmem>> -> memref<128xi32, #tpu.memory_space<vmem>>
      %dma_wait3A_60 = arith.constant 0 : i32
      %dma_wait3A_61 = arith.constant 0 : i32
      %dma_wait3A_62 = tpu.memref_slice %arg10[%dma_wait3A_60, %dma_wait3A_61] : memref<10112x64xf32, #tpu.memory_space<vmem_shared>> -> memref<10112x64xf32, #tpu.memory_space<vmem_shared>>
      tpu.wait_indirect_dma semaphore(%run_scoped3A_42 : memref<!tpu.dma_semaphore, #tpu.memory_space<semaphore_mem>>) src(%dma_wait3A_56 : memref<128x64xf32, #tpu.memory_space<vmem>>) dst(%dma_wait3A_62 : memref<10112x64xf32, #tpu.memory_space<vmem_shared>>)
      tpu.yield
    }) : () -> ()
    %barrier3A_37 = arith.constant 0 : index
    tpu.barrier barrier_id(%barrier3A_37)
    %mul3A_38 = arith.constant 632 : i32
    %mul3A_39 = arith.muli %arg1, %mul3A_38 : i32
    %mul3A_40 = arith.constant 632 : i32
    %mul3A_41 = arith.muli %arg1, %mul3A_40 : i32
    "tpu.region"() ({
      %run_scoped3A_42 = tpu.sem_alloc : memref<!tpu.dma_semaphore, #tpu.memory_space<semaphore_mem>>
      %dma_start3A_43 = arith.constant 0 : i32
      %dma_start3A_44 = tpu.memref_slice %arg6[%arg0, %mul3A_41, %dma_start3A_43] : memref<2x10112x64xf32, #tpu.memory_space<hbm>> -> memref<1x632x64xf32, #tpu.memory_space<hbm>>
      %dma_start3A_45 = tpu.memref_squeeze %dma_start3A_44 : memref<1x632x64xf32, #tpu.memory_space<hbm>> -> memref<632x64xf32, #tpu.memory_space<hbm>>
      %dma_start3A_46 = arith.constant 0 : i32
      %dma_start3A_47 = tpu.memref_slice %arg10[%mul3A_39, %dma_start3A_46] : memref<10112x64xf32, #tpu.memory_space<vmem_shared>> -> memref<632x64xf32, #tpu.memory_space<vmem_shared>>
      tpu.enqueue_dma source(%dma_start3A_47 : memref<632x64xf32, #tpu.memory_space<vmem_shared>>) target(%dma_start3A_45 : memref<632x64xf32, #tpu.memory_space<hbm>>) target_semaphore(%run_scoped3A_42 : memref<!tpu.dma_semaphore, #tpu.memory_space<semaphore_mem>>)
      %dma_wait3A_48 = arith.constant 0 : i32
      %dma_wait3A_49 = tpu.memref_slice %arg6[%arg0, %mul3A_41, %dma_wait3A_48] : memref<2x10112x64xf32, #tpu.memory_space<hbm>> -> memref<1x632x64xf32, #tpu.memory_space<hbm>>
      %dma_wait3A_50 = tpu.memref_squeeze %dma_wait3A_49 : memref<1x632x64xf32, #tpu.memory_space<hbm>> -> memref<632x64xf32, #tpu.memory_space<hbm>>
      %dma_wait3A_51 = arith.constant 0 : i32
      %dma_wait3A_52 = tpu.memref_slice %arg10[%mul3A_39, %dma_wait3A_51] : memref<10112x64xf32, #tpu.memory_space<vmem_shared>> -> memref<632x64xf32, #tpu.memory_space<vmem_shared>>
      tpu.wait_dma2 semaphore(%run_scoped3A_42 : memref<!tpu.dma_semaphore, #tpu.memory_space<semaphore_mem>>) src(%dma_wait3A_52 : memref<632x64xf32, #tpu.memory_space<vmem_shared>>) dst(%dma_wait3A_50 : memref<632x64xf32, #tpu.memory_space<hbm>>)
      tpu.yield
    }) : () -> ()
    return
  }
}

#map = affine_map<(d0, d1) -> (0, 0)>
#map1 = affine_map<(d0, d1) -> (0, 0, 0)>
module attributes {stable_mosaic.version = 14 : i64} {
  func.func @_agg_body(%arg0: i32, %arg1: i32, %arg2: memref<10112x64xf32, #tpu.memory_space<hbm>>, %arg3: memref<32x80x128xi32, #tpu.memory_space<hbm>>, %arg4: memref<32x80x128xi32, #tpu.memory_space<hbm>>, %arg5: memref<10112x64xf32, #tpu.memory_space<hbm>>, %arg6: memref<2x10112x64xf32, #tpu.memory_space<hbm>>, %arg7: memref<80x128xi32, #tpu.memory_space<vmem>>, %arg8: memref<80x128xi32, #tpu.memory_space<vmem>>, %arg9: memref<2x128x64xf32, #tpu.memory_space<vmem>>, %arg10: memref<10112x64xf32, #tpu.memory_space<vmem_shared>>, %arg11: memref<10112x64xf32, #tpu.memory_space<vmem_shared>>, %arg12: memref<!tpu.dma_semaphore, #tpu.memory_space<semaphore_mem>>) attributes {dimension_semantics = [#tpu.dimension_semantics<core_parallel>, #tpu.dimension_semantics<subcore_parallel>], iteration_bounds = array<i64: 2, 16>, scalar_prefetch = 0 : i64, scratch_operands = 6 : i64, tpu.core_type = #tpu.core_type<sc_vector_subcore>, window_params = [{transform_indices = #map}, {transform_indices = #map1}, {transform_indices = #map1}, {transform_indices = #map}, {transform_indices = #map1}]} {
    %mul3A = arith.constant 16 : i32
    %mul3A_0 = arith.muli %arg0, %mul3A : i32
    %add3A = arith.addi %mul3A_0, %arg1 : i32
    %mul3A_1 = arith.constant 632 : i32
    %mul3A_2 = arith.muli %arg1, %mul3A_1 : i32
    %mul3A_3 = arith.constant 632 : i32
    %mul3A_4 = arith.muli %arg1, %mul3A_3 : i32
    "tpu.region"() ({
      %run_scoped3A_42 = tpu.sem_alloc : memref<!tpu.dma_semaphore, #tpu.memory_space<semaphore_mem>>
      %dma_start3A_43 = arith.constant 0 : i32
      %dma_start3A_44 = tpu.memref_slice %arg10[%mul3A_4, %dma_start3A_43] : memref<10112x64xf32, #tpu.memory_space<vmem_shared>> -> memref<632x64xf32, #tpu.memory_space<vmem_shared>>
      %dma_start3A_45 = arith.constant 0 : i32
      %dma_start3A_46 = tpu.memref_slice %arg5[%mul3A_2, %dma_start3A_45] : memref<10112x64xf32, #tpu.memory_space<hbm>> -> memref<632x64xf32, #tpu.memory_space<hbm>>
      tpu.enqueue_dma source(%dma_start3A_46 : memref<632x64xf32, #tpu.memory_space<hbm>>) target(%dma_start3A_44 : memref<632x64xf32, #tpu.memory_space<vmem_shared>>) target_semaphore(%run_scoped3A_42 : memref<!tpu.dma_semaphore, #tpu.memory_space<semaphore_mem>>)
      %dma_wait3A_47 = arith.constant 0 : i32
      %dma_wait3A_48 = tpu.memref_slice %arg10[%mul3A_4, %dma_wait3A_47] : memref<10112x64xf32, #tpu.memory_space<vmem_shared>> -> memref<632x64xf32, #tpu.memory_space<vmem_shared>>
      %dma_wait3A_49 = arith.constant 0 : i32
      %dma_wait3A_50 = tpu.memref_slice %arg5[%mul3A_2, %dma_wait3A_49] : memref<10112x64xf32, #tpu.memory_space<hbm>> -> memref<632x64xf32, #tpu.memory_space<hbm>>
      tpu.wait_dma2 semaphore(%run_scoped3A_42 : memref<!tpu.dma_semaphore, #tpu.memory_space<semaphore_mem>>) src(%dma_wait3A_50 : memref<632x64xf32, #tpu.memory_space<hbm>>) dst(%dma_wait3A_48 : memref<632x64xf32, #tpu.memory_space<vmem_shared>>)
      tpu.yield
    }) : () -> ()
    %mul3A_5 = arith.constant 632 : i32
    %mul3A_6 = arith.muli %arg1, %mul3A_5 : i32
    %mul3A_7 = arith.constant 632 : i32
    %mul3A_8 = arith.muli %arg1, %mul3A_7 : i32
    "tpu.region"() ({
      %run_scoped3A_42 = tpu.sem_alloc : memref<!tpu.dma_semaphore, #tpu.memory_space<semaphore_mem>>
      %dma_start3A_43 = arith.constant 0 : i32
      %dma_start3A_44 = tpu.memref_slice %arg11[%mul3A_8, %dma_start3A_43] : memref<10112x64xf32, #tpu.memory_space<vmem_shared>> -> memref<632x64xf32, #tpu.memory_space<vmem_shared>>
      %dma_start3A_45 = arith.constant 0 : i32
      %dma_start3A_46 = tpu.memref_slice %arg2[%mul3A_6, %dma_start3A_45] : memref<10112x64xf32, #tpu.memory_space<hbm>> -> memref<632x64xf32, #tpu.memory_space<hbm>>
      tpu.enqueue_dma source(%dma_start3A_46 : memref<632x64xf32, #tpu.memory_space<hbm>>) target(%dma_start3A_44 : memref<632x64xf32, #tpu.memory_space<vmem_shared>>) target_semaphore(%run_scoped3A_42 : memref<!tpu.dma_semaphore, #tpu.memory_space<semaphore_mem>>)
      %dma_wait3A_47 = arith.constant 0 : i32
      %dma_wait3A_48 = tpu.memref_slice %arg11[%mul3A_8, %dma_wait3A_47] : memref<10112x64xf32, #tpu.memory_space<vmem_shared>> -> memref<632x64xf32, #tpu.memory_space<vmem_shared>>
      %dma_wait3A_49 = arith.constant 0 : i32
      %dma_wait3A_50 = tpu.memref_slice %arg2[%mul3A_6, %dma_wait3A_49] : memref<10112x64xf32, #tpu.memory_space<hbm>> -> memref<632x64xf32, #tpu.memory_space<hbm>>
      tpu.wait_dma2 semaphore(%run_scoped3A_42 : memref<!tpu.dma_semaphore, #tpu.memory_space<semaphore_mem>>) src(%dma_wait3A_50 : memref<632x64xf32, #tpu.memory_space<hbm>>) dst(%dma_wait3A_48 : memref<632x64xf32, #tpu.memory_space<vmem_shared>>)
      tpu.yield
    }) : () -> ()
    "tpu.region"() ({
      %run_scoped3A_42 = tpu.sem_alloc : memref<!tpu.dma_semaphore, #tpu.memory_space<semaphore_mem>>
      %dma_start3A_43 = arith.constant 0 : i32
      %dma_start3A_44 = arith.constant 0 : i32
      %dma_start3A_45 = tpu.memref_slice %arg3[%add3A, %dma_start3A_43, %dma_start3A_44] : memref<32x80x128xi32, #tpu.memory_space<hbm>> -> memref<1x80x128xi32, #tpu.memory_space<hbm>>
      %dma_start3A_46 = tpu.memref_squeeze %dma_start3A_45 : memref<1x80x128xi32, #tpu.memory_space<hbm>> -> memref<80x128xi32, #tpu.memory_space<hbm>>
      %dma_start3A_47 = arith.constant 0 : i32
      %dma_start3A_48 = arith.constant 0 : i32
      %dma_start3A_49 = tpu.memref_slice %arg3[%add3A, %dma_start3A_47, %dma_start3A_48] : memref<32x80x128xi32, #tpu.memory_space<hbm>> -> memref<1x80x128xi32, #tpu.memory_space<hbm>>
      %dma_start3A_50 = tpu.memref_squeeze %dma_start3A_49 : memref<1x80x128xi32, #tpu.memory_space<hbm>> -> memref<80x128xi32, #tpu.memory_space<hbm>>
      tpu.enqueue_dma source(%dma_start3A_50 : memref<80x128xi32, #tpu.memory_space<hbm>>) target(%arg7 : memref<80x128xi32, #tpu.memory_space<vmem>>) target_semaphore(%run_scoped3A_42 : memref<!tpu.dma_semaphore, #tpu.memory_space<semaphore_mem>>)
      %dma_wait3A_51 = arith.constant 0 : i32
      %dma_wait3A_52 = arith.constant 0 : i32
      %dma_wait3A_53 = tpu.memref_slice %arg3[%add3A, %dma_wait3A_51, %dma_wait3A_52] : memref<32x80x128xi32, #tpu.memory_space<hbm>> -> memref<1x80x128xi32, #tpu.memory_space<hbm>>
      %dma_wait3A_54 = tpu.memref_squeeze %dma_wait3A_53 : memref<1x80x128xi32, #tpu.memory_space<hbm>> -> memref<80x128xi32, #tpu.memory_space<hbm>>
      %dma_wait3A_55 = arith.constant 0 : i32
      %dma_wait3A_56 = arith.constant 0 : i32
      %dma_wait3A_57 = tpu.memref_slice %arg3[%add3A, %dma_wait3A_55, %dma_wait3A_56] : memref<32x80x128xi32, #tpu.memory_space<hbm>> -> memref<1x80x128xi32, #tpu.memory_space<hbm>>
      %dma_wait3A_58 = tpu.memref_squeeze %dma_wait3A_57 : memref<1x80x128xi32, #tpu.memory_space<hbm>> -> memref<80x128xi32, #tpu.memory_space<hbm>>
      tpu.wait_dma2 semaphore(%run_scoped3A_42 : memref<!tpu.dma_semaphore, #tpu.memory_space<semaphore_mem>>) src(%dma_wait3A_58 : memref<80x128xi32, #tpu.memory_space<hbm>>) dst(%arg7 : memref<80x128xi32, #tpu.memory_space<vmem>>)
      tpu.yield
    }) : () -> ()
    "tpu.region"() ({
      %run_scoped3A_42 = tpu.sem_alloc : memref<!tpu.dma_semaphore, #tpu.memory_space<semaphore_mem>>
      %dma_start3A_43 = arith.constant 0 : i32
      %dma_start3A_44 = arith.constant 0 : i32
      %dma_start3A_45 = tpu.memref_slice %arg4[%add3A, %dma_start3A_43, %dma_start3A_44] : memref<32x80x128xi32, #tpu.memory_space<hbm>> -> memref<1x80x128xi32, #tpu.memory_space<hbm>>
      %dma_start3A_46 = tpu.memref_squeeze %dma_start3A_45 : memref<1x80x128xi32, #tpu.memory_space<hbm>> -> memref<80x128xi32, #tpu.memory_space<hbm>>
      %dma_start3A_47 = arith.constant 0 : i32
      %dma_start3A_48 = arith.constant 0 : i32
      %dma_start3A_49 = tpu.memref_slice %arg4[%add3A, %dma_start3A_47, %dma_start3A_48] : memref<32x80x128xi32, #tpu.memory_space<hbm>> -> memref<1x80x128xi32, #tpu.memory_space<hbm>>
      %dma_start3A_50 = tpu.memref_squeeze %dma_start3A_49 : memref<1x80x128xi32, #tpu.memory_space<hbm>> -> memref<80x128xi32, #tpu.memory_space<hbm>>
      tpu.enqueue_dma source(%dma_start3A_50 : memref<80x128xi32, #tpu.memory_space<hbm>>) target(%arg8 : memref<80x128xi32, #tpu.memory_space<vmem>>) target_semaphore(%run_scoped3A_42 : memref<!tpu.dma_semaphore, #tpu.memory_space<semaphore_mem>>)
      %dma_wait3A_51 = arith.constant 0 : i32
      %dma_wait3A_52 = arith.constant 0 : i32
      %dma_wait3A_53 = tpu.memref_slice %arg4[%add3A, %dma_wait3A_51, %dma_wait3A_52] : memref<32x80x128xi32, #tpu.memory_space<hbm>> -> memref<1x80x128xi32, #tpu.memory_space<hbm>>
      %dma_wait3A_54 = tpu.memref_squeeze %dma_wait3A_53 : memref<1x80x128xi32, #tpu.memory_space<hbm>> -> memref<80x128xi32, #tpu.memory_space<hbm>>
      %dma_wait3A_55 = arith.constant 0 : i32
      %dma_wait3A_56 = arith.constant 0 : i32
      %dma_wait3A_57 = tpu.memref_slice %arg4[%add3A, %dma_wait3A_55, %dma_wait3A_56] : memref<32x80x128xi32, #tpu.memory_space<hbm>> -> memref<1x80x128xi32, #tpu.memory_space<hbm>>
      %dma_wait3A_58 = tpu.memref_squeeze %dma_wait3A_57 : memref<1x80x128xi32, #tpu.memory_space<hbm>> -> memref<80x128xi32, #tpu.memory_space<hbm>>
      tpu.wait_dma2 semaphore(%run_scoped3A_42 : memref<!tpu.dma_semaphore, #tpu.memory_space<semaphore_mem>>) src(%dma_wait3A_58 : memref<80x128xi32, #tpu.memory_space<hbm>>) dst(%arg8 : memref<80x128xi32, #tpu.memory_space<vmem>>)
      tpu.yield
    }) : () -> ()
    %barrier3A = arith.constant 0 : index
    tpu.barrier barrier_id(%barrier3A)
    %dma_start3A = arith.constant 0 : i32
    %dma_start3A_9 = arith.constant 0 : i32
    %dma_start3A_10 = arith.constant 0 : i32
    %dma_start3A_11 = arith.constant 0 : i32
    %dma_start3A_12 = tpu.memref_slice %arg9[%dma_start3A_9, %dma_start3A_10, %dma_start3A_11] : memref<2x128x64xf32, #tpu.memory_space<vmem>> -> memref<1x128x64xf32, #tpu.memory_space<vmem>>
    %dma_start3A_13 = tpu.memref_squeeze %dma_start3A_12 : memref<1x128x64xf32, #tpu.memory_space<vmem>> -> memref<128x64xf32, #tpu.memory_space<vmem>>
    %dma_start3A_14 = arith.constant 0 : i32
    %dma_start3A_15 = tpu.memref_slice %arg7[%dma_start3A, %dma_start3A_14] : memref<80x128xi32, #tpu.memory_space<vmem>> -> memref<1x128xi32, #tpu.memory_space<vmem>>
    %dma_start3A_16 = tpu.memref_squeeze %dma_start3A_15 : memref<1x128xi32, #tpu.memory_space<vmem>> -> memref<128xi32, #tpu.memory_space<vmem>>
    %dma_start3A_17 = arith.constant 0 : i32
    %dma_start3A_18 = arith.constant 0 : i32
    %dma_start3A_19 = tpu.memref_slice %arg11[%dma_start3A_17, %dma_start3A_18] : memref<10112x64xf32, #tpu.memory_space<vmem_shared>> -> memref<10112x64xf32, #tpu.memory_space<vmem_shared>>
    tpu.enqueue_indirect_dma source(%dma_start3A_19 : memref<10112x64xf32, #tpu.memory_space<vmem_shared>>) target(%dma_start3A_13 : memref<128x64xf32, #tpu.memory_space<vmem>>) offsets(%dma_start3A_16 : memref<128xi32, #tpu.memory_space<vmem>>) semaphore(%arg12 : memref<!tpu.dma_semaphore, #tpu.memory_space<semaphore_mem>>)
    %scan3A = arith.constant 0 : i32
    %scan3A_20 = arith.constant 0 : i32
    %scan3A_21 = arith.constant 79 : i32
    %scan3A_22 = arith.addi %scan3A_20, %scan3A_21 : i32
    %scan3A_23 = arith.constant 1 : i32
    scf.for %scan3A_42 = %scan3A_20 to %scan3A_22 step %scan3A_23  : i32 {
      %rem3A = arith.constant 2 : i32
      %rem3A_43 = arith.remsi %scan3A_42, %rem3A : i32
      %dma_wait3A_44 = arith.constant 0 : i32
      %dma_wait3A_45 = arith.constant 0 : i32
      %dma_wait3A_46 = tpu.memref_slice %arg9[%rem3A_43, %dma_wait3A_44, %dma_wait3A_45] : memref<2x128x64xf32, #tpu.memory_space<vmem>> -> memref<1x128x64xf32, #tpu.memory_space<vmem>>
      %dma_wait3A_47 = tpu.memref_squeeze %dma_wait3A_46 : memref<1x128x64xf32, #tpu.memory_space<vmem>> -> memref<128x64xf32, #tpu.memory_space<vmem>>
      %dma_wait3A_48 = arith.constant 0 : i32
      %dma_wait3A_49 = tpu.memref_slice %arg7[%scan3A_42, %dma_wait3A_48] : memref<80x128xi32, #tpu.memory_space<vmem>> -> memref<1x128xi32, #tpu.memory_space<vmem>>
      %dma_wait3A_50 = tpu.memref_squeeze %dma_wait3A_49 : memref<1x128xi32, #tpu.memory_space<vmem>> -> memref<128xi32, #tpu.memory_space<vmem>>
      %dma_wait3A_51 = arith.constant 0 : i32
      %dma_wait3A_52 = arith.constant 0 : i32
      %dma_wait3A_53 = tpu.memref_slice %arg11[%dma_wait3A_51, %dma_wait3A_52] : memref<10112x64xf32, #tpu.memory_space<vmem_shared>> -> memref<10112x64xf32, #tpu.memory_space<vmem_shared>>
      tpu.wait_indirect_dma semaphore(%arg12 : memref<!tpu.dma_semaphore, #tpu.memory_space<semaphore_mem>>) src(%dma_wait3A_53 : memref<10112x64xf32, #tpu.memory_space<vmem_shared>>) dst(%dma_wait3A_47 : memref<128x64xf32, #tpu.memory_space<vmem>>)
      %add3A_54 = arith.constant 1 : i32
      %add3A_55 = arith.addi %scan3A_42, %add3A_54 : i32
      %sub3A = arith.constant 1 : i32
      %sub3A_56 = arith.subi %sub3A, %rem3A_43 : i32
      %dma_start3A_57 = arith.constant 0 : i32
      %dma_start3A_58 = arith.constant 0 : i32
      %dma_start3A_59 = tpu.memref_slice %arg9[%sub3A_56, %dma_start3A_57, %dma_start3A_58] : memref<2x128x64xf32, #tpu.memory_space<vmem>> -> memref<1x128x64xf32, #tpu.memory_space<vmem>>
      %dma_start3A_60 = tpu.memref_squeeze %dma_start3A_59 : memref<1x128x64xf32, #tpu.memory_space<vmem>> -> memref<128x64xf32, #tpu.memory_space<vmem>>
      %dma_start3A_61 = arith.constant 0 : i32
      %dma_start3A_62 = tpu.memref_slice %arg7[%add3A_55, %dma_start3A_61] : memref<80x128xi32, #tpu.memory_space<vmem>> -> memref<1x128xi32, #tpu.memory_space<vmem>>
      %dma_start3A_63 = tpu.memref_squeeze %dma_start3A_62 : memref<1x128xi32, #tpu.memory_space<vmem>> -> memref<128xi32, #tpu.memory_space<vmem>>
      %dma_start3A_64 = arith.constant 0 : i32
      %dma_start3A_65 = arith.constant 0 : i32
      %dma_start3A_66 = tpu.memref_slice %arg11[%dma_start3A_64, %dma_start3A_65] : memref<10112x64xf32, #tpu.memory_space<vmem_shared>> -> memref<10112x64xf32, #tpu.memory_space<vmem_shared>>
      tpu.enqueue_indirect_dma source(%dma_start3A_66 : memref<10112x64xf32, #tpu.memory_space<vmem_shared>>) target(%dma_start3A_60 : memref<128x64xf32, #tpu.memory_space<vmem>>) offsets(%dma_start3A_63 : memref<128xi32, #tpu.memory_space<vmem>>) semaphore(%arg12 : memref<!tpu.dma_semaphore, #tpu.memory_space<semaphore_mem>>)
      "tpu.region"() ({
        %run_scoped3A_67 = tpu.sem_alloc : memref<!tpu.dma_semaphore, #tpu.memory_space<semaphore_mem>>
        %dma_start3A_68 = arith.constant 0 : i32
        %dma_start3A_69 = arith.constant 0 : i32
        %dma_start3A_70 = tpu.memref_slice %arg9[%rem3A_43, %dma_start3A_68, %dma_start3A_69] : memref<2x128x64xf32, #tpu.memory_space<vmem>> -> memref<1x128x64xf32, #tpu.memory_space<vmem>>
        %dma_start3A_71 = tpu.memref_squeeze %dma_start3A_70 : memref<1x128x64xf32, #tpu.memory_space<vmem>> -> memref<128x64xf32, #tpu.memory_space<vmem>>
        %dma_start3A_72 = arith.constant 0 : i32
        %dma_start3A_73 = tpu.memref_slice %arg8[%scan3A_42, %dma_start3A_72] : memref<80x128xi32, #tpu.memory_space<vmem>> -> memref<1x128xi32, #tpu.memory_space<vmem>>
        %dma_start3A_74 = tpu.memref_squeeze %dma_start3A_73 : memref<1x128xi32, #tpu.memory_space<vmem>> -> memref<128xi32, #tpu.memory_space<vmem>>
        %dma_start3A_75 = arith.constant 0 : i32
        %dma_start3A_76 = arith.constant 0 : i32
        %dma_start3A_77 = tpu.memref_slice %arg10[%dma_start3A_75, %dma_start3A_76] : memref<10112x64xf32, #tpu.memory_space<vmem_shared>> -> memref<10112x64xf32, #tpu.memory_space<vmem_shared>>
        tpu.enqueue_indirect_dma source(%dma_start3A_71 : memref<128x64xf32, #tpu.memory_space<vmem>>) target(%dma_start3A_77 : memref<10112x64xf32, #tpu.memory_space<vmem_shared>>) offsets(%dma_start3A_74 : memref<128xi32, #tpu.memory_space<vmem>>) semaphore(%run_scoped3A_67 : memref<!tpu.dma_semaphore, #tpu.memory_space<semaphore_mem>>) {add = true}
        %dma_wait3A_78 = arith.constant 0 : i32
        %dma_wait3A_79 = arith.constant 0 : i32
        %dma_wait3A_80 = tpu.memref_slice %arg9[%rem3A_43, %dma_wait3A_78, %dma_wait3A_79] : memref<2x128x64xf32, #tpu.memory_space<vmem>> -> memref<1x128x64xf32, #tpu.memory_space<vmem>>
        %dma_wait3A_81 = tpu.memref_squeeze %dma_wait3A_80 : memref<1x128x64xf32, #tpu.memory_space<vmem>> -> memref<128x64xf32, #tpu.memory_space<vmem>>
        %dma_wait3A_82 = arith.constant 0 : i32
        %dma_wait3A_83 = tpu.memref_slice %arg8[%scan3A_42, %dma_wait3A_82] : memref<80x128xi32, #tpu.memory_space<vmem>> -> memref<1x128xi32, #tpu.memory_space<vmem>>
        %dma_wait3A_84 = tpu.memref_squeeze %dma_wait3A_83 : memref<1x128xi32, #tpu.memory_space<vmem>> -> memref<128xi32, #tpu.memory_space<vmem>>
        %dma_wait3A_85 = arith.constant 0 : i32
        %dma_wait3A_86 = arith.constant 0 : i32
        %dma_wait3A_87 = tpu.memref_slice %arg10[%dma_wait3A_85, %dma_wait3A_86] : memref<10112x64xf32, #tpu.memory_space<vmem_shared>> -> memref<10112x64xf32, #tpu.memory_space<vmem_shared>>
        tpu.wait_indirect_dma semaphore(%run_scoped3A_67 : memref<!tpu.dma_semaphore, #tpu.memory_space<semaphore_mem>>) src(%dma_wait3A_81 : memref<128x64xf32, #tpu.memory_space<vmem>>) dst(%dma_wait3A_87 : memref<10112x64xf32, #tpu.memory_space<vmem_shared>>)
        tpu.yield
      }) : () -> ()
    }
    %scan3A_24 = arith.constant 79 : i32
    %dma_wait3A = arith.constant 79 : i32
    %dma_wait3A_25 = arith.constant 1 : i32
    %dma_wait3A_26 = arith.constant 0 : i32
    %dma_wait3A_27 = arith.constant 0 : i32
    %dma_wait3A_28 = tpu.memref_slice %arg9[%dma_wait3A_25, %dma_wait3A_26, %dma_wait3A_27] : memref<2x128x64xf32, #tpu.memory_space<vmem>> -> memref<1x128x64xf32, #tpu.memory_space<vmem>>
    %dma_wait3A_29 = tpu.memref_squeeze %dma_wait3A_28 : memref<1x128x64xf32, #tpu.memory_space<vmem>> -> memref<128x64xf32, #tpu.memory_space<vmem>>
    %dma_wait3A_30 = arith.constant 0 : i32
    %dma_wait3A_31 = tpu.memref_slice %arg7[%dma_wait3A, %dma_wait3A_30] : memref<80x128xi32, #tpu.memory_space<vmem>> -> memref<1x128xi32, #tpu.memory_space<vmem>>
    %dma_wait3A_32 = tpu.memref_squeeze %dma_wait3A_31 : memref<1x128xi32, #tpu.memory_space<vmem>> -> memref<128xi32, #tpu.memory_space<vmem>>
    %dma_wait3A_33 = arith.constant 0 : i32
    %dma_wait3A_34 = arith.constant 0 : i32
    %dma_wait3A_35 = tpu.memref_slice %arg11[%dma_wait3A_33, %dma_wait3A_34] : memref<10112x64xf32, #tpu.memory_space<vmem_shared>> -> memref<10112x64xf32, #tpu.memory_space<vmem_shared>>
    tpu.wait_indirect_dma semaphore(%arg12 : memref<!tpu.dma_semaphore, #tpu.memory_space<semaphore_mem>>) src(%dma_wait3A_35 : memref<10112x64xf32, #tpu.memory_space<vmem_shared>>) dst(%dma_wait3A_29 : memref<128x64xf32, #tpu.memory_space<vmem>>)
    %run_scoped3A = arith.constant 1 : i32
    %run_scoped3A_36 = arith.constant 79 : i32
    "tpu.region"() ({
      %run_scoped3A_42 = tpu.sem_alloc : memref<!tpu.dma_semaphore, #tpu.memory_space<semaphore_mem>>
      %dma_start3A_43 = arith.constant 0 : i32
      %dma_start3A_44 = arith.constant 0 : i32
      %dma_start3A_45 = tpu.memref_slice %arg9[%run_scoped3A, %dma_start3A_43, %dma_start3A_44] : memref<2x128x64xf32, #tpu.memory_space<vmem>> -> memref<1x128x64xf32, #tpu.memory_space<vmem>>
      %dma_start3A_46 = tpu.memref_squeeze %dma_start3A_45 : memref<1x128x64xf32, #tpu.memory_space<vmem>> -> memref<128x64xf32, #tpu.memory_space<vmem>>
      %dma_start3A_47 = arith.constant 0 : i32
      %dma_start3A_48 = tpu.memref_slice %arg8[%run_scoped3A_36, %dma_start3A_47] : memref<80x128xi32, #tpu.memory_space<vmem>> -> memref<1x128xi32, #tpu.memory_space<vmem>>
      %dma_start3A_49 = tpu.memref_squeeze %dma_start3A_48 : memref<1x128xi32, #tpu.memory_space<vmem>> -> memref<128xi32, #tpu.memory_space<vmem>>
      %dma_start3A_50 = arith.constant 0 : i32
      %dma_start3A_51 = arith.constant 0 : i32
      %dma_start3A_52 = tpu.memref_slice %arg10[%dma_start3A_50, %dma_start3A_51] : memref<10112x64xf32, #tpu.memory_space<vmem_shared>> -> memref<10112x64xf32, #tpu.memory_space<vmem_shared>>
      tpu.enqueue_indirect_dma source(%dma_start3A_46 : memref<128x64xf32, #tpu.memory_space<vmem>>) target(%dma_start3A_52 : memref<10112x64xf32, #tpu.memory_space<vmem_shared>>) offsets(%dma_start3A_49 : memref<128xi32, #tpu.memory_space<vmem>>) semaphore(%run_scoped3A_42 : memref<!tpu.dma_semaphore, #tpu.memory_space<semaphore_mem>>) {add = true}
      %dma_wait3A_53 = arith.constant 0 : i32
      %dma_wait3A_54 = arith.constant 0 : i32
      %dma_wait3A_55 = tpu.memref_slice %arg9[%run_scoped3A, %dma_wait3A_53, %dma_wait3A_54] : memref<2x128x64xf32, #tpu.memory_space<vmem>> -> memref<1x128x64xf32, #tpu.memory_space<vmem>>
      %dma_wait3A_56 = tpu.memref_squeeze %dma_wait3A_55 : memref<1x128x64xf32, #tpu.memory_space<vmem>> -> memref<128x64xf32, #tpu.memory_space<vmem>>
      %dma_wait3A_57 = arith.constant 0 : i32
      %dma_wait3A_58 = tpu.memref_slice %arg8[%run_scoped3A_36, %dma_wait3A_57] : memref<80x128xi32, #tpu.memory_space<vmem>> -> memref<1x128xi32, #tpu.memory_space<vmem>>
      %dma_wait3A_59 = tpu.memref_squeeze %dma_wait3A_58 : memref<1x128xi32, #tpu.memory_space<vmem>> -> memref<128xi32, #tpu.memory_space<vmem>>
      %dma_wait3A_60 = arith.constant 0 : i32
      %dma_wait3A_61 = arith.constant 0 : i32
      %dma_wait3A_62 = tpu.memref_slice %arg10[%dma_wait3A_60, %dma_wait3A_61] : memref<10112x64xf32, #tpu.memory_space<vmem_shared>> -> memref<10112x64xf32, #tpu.memory_space<vmem_shared>>
      tpu.wait_indirect_dma semaphore(%run_scoped3A_42 : memref<!tpu.dma_semaphore, #tpu.memory_space<semaphore_mem>>) src(%dma_wait3A_56 : memref<128x64xf32, #tpu.memory_space<vmem>>) dst(%dma_wait3A_62 : memref<10112x64xf32, #tpu.memory_space<vmem_shared>>)
      tpu.yield
    }) : () -> ()
    %barrier3A_37 = arith.constant 0 : index
    tpu.barrier barrier_id(%barrier3A_37)
    %mul3A_38 = arith.constant 632 : i32
    %mul3A_39 = arith.muli %arg1, %mul3A_38 : i32
    %mul3A_40 = arith.constant 632 : i32
    %mul3A_41 = arith.muli %arg1, %mul3A_40 : i32
    "tpu.region"() ({
      %run_scoped3A_42 = tpu.sem_alloc : memref<!tpu.dma_semaphore, #tpu.memory_space<semaphore_mem>>
      %dma_start3A_43 = arith.constant 0 : i32
      %dma_start3A_44 = tpu.memref_slice %arg6[%arg0, %mul3A_41, %dma_start3A_43] : memref<2x10112x64xf32, #tpu.memory_space<hbm>> -> memref<1x632x64xf32, #tpu.memory_space<hbm>>
      %dma_start3A_45 = tpu.memref_squeeze %dma_start3A_44 : memref<1x632x64xf32, #tpu.memory_space<hbm>> -> memref<632x64xf32, #tpu.memory_space<hbm>>
      %dma_start3A_46 = arith.constant 0 : i32
      %dma_start3A_47 = tpu.memref_slice %arg10[%mul3A_39, %dma_start3A_46] : memref<10112x64xf32, #tpu.memory_space<vmem_shared>> -> memref<632x64xf32, #tpu.memory_space<vmem_shared>>
      tpu.enqueue_dma source(%dma_start3A_47 : memref<632x64xf32, #tpu.memory_space<vmem_shared>>) target(%dma_start3A_45 : memref<632x64xf32, #tpu.memory_space<hbm>>) target_semaphore(%run_scoped3A_42 : memref<!tpu.dma_semaphore, #tpu.memory_space<semaphore_mem>>)
      %dma_wait3A_48 = arith.constant 0 : i32
      %dma_wait3A_49 = tpu.memref_slice %arg6[%arg0, %mul3A_41, %dma_wait3A_48] : memref<2x10112x64xf32, #tpu.memory_space<hbm>> -> memref<1x632x64xf32, #tpu.memory_space<hbm>>
      %dma_wait3A_50 = tpu.memref_squeeze %dma_wait3A_49 : memref<1x632x64xf32, #tpu.memory_space<hbm>> -> memref<632x64xf32, #tpu.memory_space<hbm>>
      %dma_wait3A_51 = arith.constant 0 : i32
      %dma_wait3A_52 = tpu.memref_slice %arg10[%mul3A_39, %dma_wait3A_51] : memref<10112x64xf32, #tpu.memory_space<vmem_shared>> -> memref<632x64xf32, #tpu.memory_space<vmem_shared>>
      tpu.wait_dma2 semaphore(%run_scoped3A_42 : memref<!tpu.dma_semaphore, #tpu.memory_space<semaphore_mem>>) src(%dma_wait3A_52 : memref<632x64xf32, #tpu.memory_space<vmem_shared>>) dst(%dma_wait3A_50 : memref<632x64xf32, #tpu.memory_space<hbm>>)
      tpu.yield
    }) : () -> ()
    return
  }
}

#map = affine_map<(d0, d1) -> (0, 0)>
#map1 = affine_map<(d0, d1) -> (0, 0, 0)>
module attributes {stable_mosaic.version = 14 : i64} {
  func.func @_agg_body(%arg0: i32, %arg1: i32, %arg2: memref<10112x64xf32, #tpu.memory_space<hbm>>, %arg3: memref<32x80x128xi32, #tpu.memory_space<hbm>>, %arg4: memref<32x80x128xi32, #tpu.memory_space<hbm>>, %arg5: memref<10112x64xf32, #tpu.memory_space<hbm>>, %arg6: memref<2x10112x64xf32, #tpu.memory_space<hbm>>, %arg7: memref<80x128xi32, #tpu.memory_space<vmem>>, %arg8: memref<80x128xi32, #tpu.memory_space<vmem>>, %arg9: memref<2x128x64xf32, #tpu.memory_space<vmem>>, %arg10: memref<10112x64xf32, #tpu.memory_space<vmem_shared>>, %arg11: memref<10112x64xf32, #tpu.memory_space<vmem_shared>>, %arg12: memref<!tpu.dma_semaphore, #tpu.memory_space<semaphore_mem>>) attributes {dimension_semantics = [#tpu.dimension_semantics<core_parallel>, #tpu.dimension_semantics<subcore_parallel>], iteration_bounds = array<i64: 2, 16>, scalar_prefetch = 0 : i64, scratch_operands = 6 : i64, tpu.core_type = #tpu.core_type<sc_vector_subcore>, window_params = [{transform_indices = #map}, {transform_indices = #map1}, {transform_indices = #map1}, {transform_indices = #map}, {transform_indices = #map1}]} {
    %mul3A = arith.constant 16 : i32
    %mul3A_0 = arith.muli %arg0, %mul3A : i32
    %add3A = arith.addi %mul3A_0, %arg1 : i32
    %mul3A_1 = arith.constant 632 : i32
    %mul3A_2 = arith.muli %arg1, %mul3A_1 : i32
    %mul3A_3 = arith.constant 632 : i32
    %mul3A_4 = arith.muli %arg1, %mul3A_3 : i32
    "tpu.region"() ({
      %run_scoped3A_42 = tpu.sem_alloc : memref<!tpu.dma_semaphore, #tpu.memory_space<semaphore_mem>>
      %dma_start3A_43 = arith.constant 0 : i32
      %dma_start3A_44 = tpu.memref_slice %arg10[%mul3A_4, %dma_start3A_43] : memref<10112x64xf32, #tpu.memory_space<vmem_shared>> -> memref<632x64xf32, #tpu.memory_space<vmem_shared>>
      %dma_start3A_45 = arith.constant 0 : i32
      %dma_start3A_46 = tpu.memref_slice %arg5[%mul3A_2, %dma_start3A_45] : memref<10112x64xf32, #tpu.memory_space<hbm>> -> memref<632x64xf32, #tpu.memory_space<hbm>>
      tpu.enqueue_dma source(%dma_start3A_46 : memref<632x64xf32, #tpu.memory_space<hbm>>) target(%dma_start3A_44 : memref<632x64xf32, #tpu.memory_space<vmem_shared>>) target_semaphore(%run_scoped3A_42 : memref<!tpu.dma_semaphore, #tpu.memory_space<semaphore_mem>>)
      %dma_wait3A_47 = arith.constant 0 : i32
      %dma_wait3A_48 = tpu.memref_slice %arg10[%mul3A_4, %dma_wait3A_47] : memref<10112x64xf32, #tpu.memory_space<vmem_shared>> -> memref<632x64xf32, #tpu.memory_space<vmem_shared>>
      %dma_wait3A_49 = arith.constant 0 : i32
      %dma_wait3A_50 = tpu.memref_slice %arg5[%mul3A_2, %dma_wait3A_49] : memref<10112x64xf32, #tpu.memory_space<hbm>> -> memref<632x64xf32, #tpu.memory_space<hbm>>
      tpu.wait_dma2 semaphore(%run_scoped3A_42 : memref<!tpu.dma_semaphore, #tpu.memory_space<semaphore_mem>>) src(%dma_wait3A_50 : memref<632x64xf32, #tpu.memory_space<hbm>>) dst(%dma_wait3A_48 : memref<632x64xf32, #tpu.memory_space<vmem_shared>>)
      tpu.yield
    }) : () -> ()
    %mul3A_5 = arith.constant 632 : i32
    %mul3A_6 = arith.muli %arg1, %mul3A_5 : i32
    %mul3A_7 = arith.constant 632 : i32
    %mul3A_8 = arith.muli %arg1, %mul3A_7 : i32
    "tpu.region"() ({
      %run_scoped3A_42 = tpu.sem_alloc : memref<!tpu.dma_semaphore, #tpu.memory_space<semaphore_mem>>
      %dma_start3A_43 = arith.constant 0 : i32
      %dma_start3A_44 = tpu.memref_slice %arg11[%mul3A_8, %dma_start3A_43] : memref<10112x64xf32, #tpu.memory_space<vmem_shared>> -> memref<632x64xf32, #tpu.memory_space<vmem_shared>>
      %dma_start3A_45 = arith.constant 0 : i32
      %dma_start3A_46 = tpu.memref_slice %arg2[%mul3A_6, %dma_start3A_45] : memref<10112x64xf32, #tpu.memory_space<hbm>> -> memref<632x64xf32, #tpu.memory_space<hbm>>
      tpu.enqueue_dma source(%dma_start3A_46 : memref<632x64xf32, #tpu.memory_space<hbm>>) target(%dma_start3A_44 : memref<632x64xf32, #tpu.memory_space<vmem_shared>>) target_semaphore(%run_scoped3A_42 : memref<!tpu.dma_semaphore, #tpu.memory_space<semaphore_mem>>)
      %dma_wait3A_47 = arith.constant 0 : i32
      %dma_wait3A_48 = tpu.memref_slice %arg11[%mul3A_8, %dma_wait3A_47] : memref<10112x64xf32, #tpu.memory_space<vmem_shared>> -> memref<632x64xf32, #tpu.memory_space<vmem_shared>>
      %dma_wait3A_49 = arith.constant 0 : i32
      %dma_wait3A_50 = tpu.memref_slice %arg2[%mul3A_6, %dma_wait3A_49] : memref<10112x64xf32, #tpu.memory_space<hbm>> -> memref<632x64xf32, #tpu.memory_space<hbm>>
      tpu.wait_dma2 semaphore(%run_scoped3A_42 : memref<!tpu.dma_semaphore, #tpu.memory_space<semaphore_mem>>) src(%dma_wait3A_50 : memref<632x64xf32, #tpu.memory_space<hbm>>) dst(%dma_wait3A_48 : memref<632x64xf32, #tpu.memory_space<vmem_shared>>)
      tpu.yield
    }) : () -> ()
    "tpu.region"() ({
      %run_scoped3A_42 = tpu.sem_alloc : memref<!tpu.dma_semaphore, #tpu.memory_space<semaphore_mem>>
      %dma_start3A_43 = arith.constant 0 : i32
      %dma_start3A_44 = arith.constant 0 : i32
      %dma_start3A_45 = tpu.memref_slice %arg3[%add3A, %dma_start3A_43, %dma_start3A_44] : memref<32x80x128xi32, #tpu.memory_space<hbm>> -> memref<1x80x128xi32, #tpu.memory_space<hbm>>
      %dma_start3A_46 = tpu.memref_squeeze %dma_start3A_45 : memref<1x80x128xi32, #tpu.memory_space<hbm>> -> memref<80x128xi32, #tpu.memory_space<hbm>>
      %dma_start3A_47 = arith.constant 0 : i32
      %dma_start3A_48 = arith.constant 0 : i32
      %dma_start3A_49 = tpu.memref_slice %arg3[%add3A, %dma_start3A_47, %dma_start3A_48] : memref<32x80x128xi32, #tpu.memory_space<hbm>> -> memref<1x80x128xi32, #tpu.memory_space<hbm>>
      %dma_start3A_50 = tpu.memref_squeeze %dma_start3A_49 : memref<1x80x128xi32, #tpu.memory_space<hbm>> -> memref<80x128xi32, #tpu.memory_space<hbm>>
      tpu.enqueue_dma source(%dma_start3A_50 : memref<80x128xi32, #tpu.memory_space<hbm>>) target(%arg7 : memref<80x128xi32, #tpu.memory_space<vmem>>) target_semaphore(%run_scoped3A_42 : memref<!tpu.dma_semaphore, #tpu.memory_space<semaphore_mem>>)
      %dma_wait3A_51 = arith.constant 0 : i32
      %dma_wait3A_52 = arith.constant 0 : i32
      %dma_wait3A_53 = tpu.memref_slice %arg3[%add3A, %dma_wait3A_51, %dma_wait3A_52] : memref<32x80x128xi32, #tpu.memory_space<hbm>> -> memref<1x80x128xi32, #tpu.memory_space<hbm>>
      %dma_wait3A_54 = tpu.memref_squeeze %dma_wait3A_53 : memref<1x80x128xi32, #tpu.memory_space<hbm>> -> memref<80x128xi32, #tpu.memory_space<hbm>>
      %dma_wait3A_55 = arith.constant 0 : i32
      %dma_wait3A_56 = arith.constant 0 : i32
      %dma_wait3A_57 = tpu.memref_slice %arg3[%add3A, %dma_wait3A_55, %dma_wait3A_56] : memref<32x80x128xi32, #tpu.memory_space<hbm>> -> memref<1x80x128xi32, #tpu.memory_space<hbm>>
      %dma_wait3A_58 = tpu.memref_squeeze %dma_wait3A_57 : memref<1x80x128xi32, #tpu.memory_space<hbm>> -> memref<80x128xi32, #tpu.memory_space<hbm>>
      tpu.wait_dma2 semaphore(%run_scoped3A_42 : memref<!tpu.dma_semaphore, #tpu.memory_space<semaphore_mem>>) src(%dma_wait3A_58 : memref<80x128xi32, #tpu.memory_space<hbm>>) dst(%arg7 : memref<80x128xi32, #tpu.memory_space<vmem>>)
      tpu.yield
    }) : () -> ()
    "tpu.region"() ({
      %run_scoped3A_42 = tpu.sem_alloc : memref<!tpu.dma_semaphore, #tpu.memory_space<semaphore_mem>>
      %dma_start3A_43 = arith.constant 0 : i32
      %dma_start3A_44 = arith.constant 0 : i32
      %dma_start3A_45 = tpu.memref_slice %arg4[%add3A, %dma_start3A_43, %dma_start3A_44] : memref<32x80x128xi32, #tpu.memory_space<hbm>> -> memref<1x80x128xi32, #tpu.memory_space<hbm>>
      %dma_start3A_46 = tpu.memref_squeeze %dma_start3A_45 : memref<1x80x128xi32, #tpu.memory_space<hbm>> -> memref<80x128xi32, #tpu.memory_space<hbm>>
      %dma_start3A_47 = arith.constant 0 : i32
      %dma_start3A_48 = arith.constant 0 : i32
      %dma_start3A_49 = tpu.memref_slice %arg4[%add3A, %dma_start3A_47, %dma_start3A_48] : memref<32x80x128xi32, #tpu.memory_space<hbm>> -> memref<1x80x128xi32, #tpu.memory_space<hbm>>
      %dma_start3A_50 = tpu.memref_squeeze %dma_start3A_49 : memref<1x80x128xi32, #tpu.memory_space<hbm>> -> memref<80x128xi32, #tpu.memory_space<hbm>>
      tpu.enqueue_dma source(%dma_start3A_50 : memref<80x128xi32, #tpu.memory_space<hbm>>) target(%arg8 : memref<80x128xi32, #tpu.memory_space<vmem>>) target_semaphore(%run_scoped3A_42 : memref<!tpu.dma_semaphore, #tpu.memory_space<semaphore_mem>>)
      %dma_wait3A_51 = arith.constant 0 : i32
      %dma_wait3A_52 = arith.constant 0 : i32
      %dma_wait3A_53 = tpu.memref_slice %arg4[%add3A, %dma_wait3A_51, %dma_wait3A_52] : memref<32x80x128xi32, #tpu.memory_space<hbm>> -> memref<1x80x128xi32, #tpu.memory_space<hbm>>
      %dma_wait3A_54 = tpu.memref_squeeze %dma_wait3A_53 : memref<1x80x128xi32, #tpu.memory_space<hbm>> -> memref<80x128xi32, #tpu.memory_space<hbm>>
      %dma_wait3A_55 = arith.constant 0 : i32
      %dma_wait3A_56 = arith.constant 0 : i32
      %dma_wait3A_57 = tpu.memref_slice %arg4[%add3A, %dma_wait3A_55, %dma_wait3A_56] : memref<32x80x128xi32, #tpu.memory_space<hbm>> -> memref<1x80x128xi32, #tpu.memory_space<hbm>>
      %dma_wait3A_58 = tpu.memref_squeeze %dma_wait3A_57 : memref<1x80x128xi32, #tpu.memory_space<hbm>> -> memref<80x128xi32, #tpu.memory_space<hbm>>
      tpu.wait_dma2 semaphore(%run_scoped3A_42 : memref<!tpu.dma_semaphore, #tpu.memory_space<semaphore_mem>>) src(%dma_wait3A_58 : memref<80x128xi32, #tpu.memory_space<hbm>>) dst(%arg8 : memref<80x128xi32, #tpu.memory_space<vmem>>)
      tpu.yield
    }) : () -> ()
    %barrier3A = arith.constant 0 : index
    tpu.barrier barrier_id(%barrier3A)
    %dma_start3A = arith.constant 0 : i32
    %dma_start3A_9 = arith.constant 0 : i32
    %dma_start3A_10 = arith.constant 0 : i32
    %dma_start3A_11 = arith.constant 0 : i32
    %dma_start3A_12 = tpu.memref_slice %arg9[%dma_start3A_9, %dma_start3A_10, %dma_start3A_11] : memref<2x128x64xf32, #tpu.memory_space<vmem>> -> memref<1x128x64xf32, #tpu.memory_space<vmem>>
    %dma_start3A_13 = tpu.memref_squeeze %dma_start3A_12 : memref<1x128x64xf32, #tpu.memory_space<vmem>> -> memref<128x64xf32, #tpu.memory_space<vmem>>
    %dma_start3A_14 = arith.constant 0 : i32
    %dma_start3A_15 = tpu.memref_slice %arg7[%dma_start3A, %dma_start3A_14] : memref<80x128xi32, #tpu.memory_space<vmem>> -> memref<1x128xi32, #tpu.memory_space<vmem>>
    %dma_start3A_16 = tpu.memref_squeeze %dma_start3A_15 : memref<1x128xi32, #tpu.memory_space<vmem>> -> memref<128xi32, #tpu.memory_space<vmem>>
    %dma_start3A_17 = arith.constant 0 : i32
    %dma_start3A_18 = arith.constant 0 : i32
    %dma_start3A_19 = tpu.memref_slice %arg11[%dma_start3A_17, %dma_start3A_18] : memref<10112x64xf32, #tpu.memory_space<vmem_shared>> -> memref<10112x64xf32, #tpu.memory_space<vmem_shared>>
    tpu.enqueue_indirect_dma source(%dma_start3A_19 : memref<10112x64xf32, #tpu.memory_space<vmem_shared>>) target(%dma_start3A_13 : memref<128x64xf32, #tpu.memory_space<vmem>>) offsets(%dma_start3A_16 : memref<128xi32, #tpu.memory_space<vmem>>) semaphore(%arg12 : memref<!tpu.dma_semaphore, #tpu.memory_space<semaphore_mem>>)
    %scan3A = arith.constant 0 : i32
    %scan3A_20 = arith.constant 0 : i32
    %scan3A_21 = arith.constant 79 : i32
    %scan3A_22 = arith.addi %scan3A_20, %scan3A_21 : i32
    %scan3A_23 = arith.constant 1 : i32
    scf.for %scan3A_42 = %scan3A_20 to %scan3A_22 step %scan3A_23  : i32 {
      %rem3A = arith.constant 2 : i32
      %rem3A_43 = arith.remsi %scan3A_42, %rem3A : i32
      %dma_wait3A_44 = arith.constant 0 : i32
      %dma_wait3A_45 = arith.constant 0 : i32
      %dma_wait3A_46 = tpu.memref_slice %arg9[%rem3A_43, %dma_wait3A_44, %dma_wait3A_45] : memref<2x128x64xf32, #tpu.memory_space<vmem>> -> memref<1x128x64xf32, #tpu.memory_space<vmem>>
      %dma_wait3A_47 = tpu.memref_squeeze %dma_wait3A_46 : memref<1x128x64xf32, #tpu.memory_space<vmem>> -> memref<128x64xf32, #tpu.memory_space<vmem>>
      %dma_wait3A_48 = arith.constant 0 : i32
      %dma_wait3A_49 = tpu.memref_slice %arg7[%scan3A_42, %dma_wait3A_48] : memref<80x128xi32, #tpu.memory_space<vmem>> -> memref<1x128xi32, #tpu.memory_space<vmem>>
      %dma_wait3A_50 = tpu.memref_squeeze %dma_wait3A_49 : memref<1x128xi32, #tpu.memory_space<vmem>> -> memref<128xi32, #tpu.memory_space<vmem>>
      %dma_wait3A_51 = arith.constant 0 : i32
      %dma_wait3A_52 = arith.constant 0 : i32
      %dma_wait3A_53 = tpu.memref_slice %arg11[%dma_wait3A_51, %dma_wait3A_52] : memref<10112x64xf32, #tpu.memory_space<vmem_shared>> -> memref<10112x64xf32, #tpu.memory_space<vmem_shared>>
      tpu.wait_indirect_dma semaphore(%arg12 : memref<!tpu.dma_semaphore, #tpu.memory_space<semaphore_mem>>) src(%dma_wait3A_53 : memref<10112x64xf32, #tpu.memory_space<vmem_shared>>) dst(%dma_wait3A_47 : memref<128x64xf32, #tpu.memory_space<vmem>>)
      %add3A_54 = arith.constant 1 : i32
      %add3A_55 = arith.addi %scan3A_42, %add3A_54 : i32
      %sub3A = arith.constant 1 : i32
      %sub3A_56 = arith.subi %sub3A, %rem3A_43 : i32
      %dma_start3A_57 = arith.constant 0 : i32
      %dma_start3A_58 = arith.constant 0 : i32
      %dma_start3A_59 = tpu.memref_slice %arg9[%sub3A_56, %dma_start3A_57, %dma_start3A_58] : memref<2x128x64xf32, #tpu.memory_space<vmem>> -> memref<1x128x64xf32, #tpu.memory_space<vmem>>
      %dma_start3A_60 = tpu.memref_squeeze %dma_start3A_59 : memref<1x128x64xf32, #tpu.memory_space<vmem>> -> memref<128x64xf32, #tpu.memory_space<vmem>>
      %dma_start3A_61 = arith.constant 0 : i32
      %dma_start3A_62 = tpu.memref_slice %arg7[%add3A_55, %dma_start3A_61] : memref<80x128xi32, #tpu.memory_space<vmem>> -> memref<1x128xi32, #tpu.memory_space<vmem>>
      %dma_start3A_63 = tpu.memref_squeeze %dma_start3A_62 : memref<1x128xi32, #tpu.memory_space<vmem>> -> memref<128xi32, #tpu.memory_space<vmem>>
      %dma_start3A_64 = arith.constant 0 : i32
      %dma_start3A_65 = arith.constant 0 : i32
      %dma_start3A_66 = tpu.memref_slice %arg11[%dma_start3A_64, %dma_start3A_65] : memref<10112x64xf32, #tpu.memory_space<vmem_shared>> -> memref<10112x64xf32, #tpu.memory_space<vmem_shared>>
      tpu.enqueue_indirect_dma source(%dma_start3A_66 : memref<10112x64xf32, #tpu.memory_space<vmem_shared>>) target(%dma_start3A_60 : memref<128x64xf32, #tpu.memory_space<vmem>>) offsets(%dma_start3A_63 : memref<128xi32, #tpu.memory_space<vmem>>) semaphore(%arg12 : memref<!tpu.dma_semaphore, #tpu.memory_space<semaphore_mem>>)
      "tpu.region"() ({
        %run_scoped3A_67 = tpu.sem_alloc : memref<!tpu.dma_semaphore, #tpu.memory_space<semaphore_mem>>
        %dma_start3A_68 = arith.constant 0 : i32
        %dma_start3A_69 = arith.constant 0 : i32
        %dma_start3A_70 = tpu.memref_slice %arg9[%rem3A_43, %dma_start3A_68, %dma_start3A_69] : memref<2x128x64xf32, #tpu.memory_space<vmem>> -> memref<1x128x64xf32, #tpu.memory_space<vmem>>
        %dma_start3A_71 = tpu.memref_squeeze %dma_start3A_70 : memref<1x128x64xf32, #tpu.memory_space<vmem>> -> memref<128x64xf32, #tpu.memory_space<vmem>>
        %dma_start3A_72 = arith.constant 0 : i32
        %dma_start3A_73 = tpu.memref_slice %arg8[%scan3A_42, %dma_start3A_72] : memref<80x128xi32, #tpu.memory_space<vmem>> -> memref<1x128xi32, #tpu.memory_space<vmem>>
        %dma_start3A_74 = tpu.memref_squeeze %dma_start3A_73 : memref<1x128xi32, #tpu.memory_space<vmem>> -> memref<128xi32, #tpu.memory_space<vmem>>
        %dma_start3A_75 = arith.constant 0 : i32
        %dma_start3A_76 = arith.constant 0 : i32
        %dma_start3A_77 = tpu.memref_slice %arg10[%dma_start3A_75, %dma_start3A_76] : memref<10112x64xf32, #tpu.memory_space<vmem_shared>> -> memref<10112x64xf32, #tpu.memory_space<vmem_shared>>
        tpu.enqueue_indirect_dma source(%dma_start3A_71 : memref<128x64xf32, #tpu.memory_space<vmem>>) target(%dma_start3A_77 : memref<10112x64xf32, #tpu.memory_space<vmem_shared>>) offsets(%dma_start3A_74 : memref<128xi32, #tpu.memory_space<vmem>>) semaphore(%run_scoped3A_67 : memref<!tpu.dma_semaphore, #tpu.memory_space<semaphore_mem>>) {add = true}
        %dma_wait3A_78 = arith.constant 0 : i32
        %dma_wait3A_79 = arith.constant 0 : i32
        %dma_wait3A_80 = tpu.memref_slice %arg9[%rem3A_43, %dma_wait3A_78, %dma_wait3A_79] : memref<2x128x64xf32, #tpu.memory_space<vmem>> -> memref<1x128x64xf32, #tpu.memory_space<vmem>>
        %dma_wait3A_81 = tpu.memref_squeeze %dma_wait3A_80 : memref<1x128x64xf32, #tpu.memory_space<vmem>> -> memref<128x64xf32, #tpu.memory_space<vmem>>
        %dma_wait3A_82 = arith.constant 0 : i32
        %dma_wait3A_83 = tpu.memref_slice %arg8[%scan3A_42, %dma_wait3A_82] : memref<80x128xi32, #tpu.memory_space<vmem>> -> memref<1x128xi32, #tpu.memory_space<vmem>>
        %dma_wait3A_84 = tpu.memref_squeeze %dma_wait3A_83 : memref<1x128xi32, #tpu.memory_space<vmem>> -> memref<128xi32, #tpu.memory_space<vmem>>
        %dma_wait3A_85 = arith.constant 0 : i32
        %dma_wait3A_86 = arith.constant 0 : i32
        %dma_wait3A_87 = tpu.memref_slice %arg10[%dma_wait3A_85, %dma_wait3A_86] : memref<10112x64xf32, #tpu.memory_space<vmem_shared>> -> memref<10112x64xf32, #tpu.memory_space<vmem_shared>>
        tpu.wait_indirect_dma semaphore(%run_scoped3A_67 : memref<!tpu.dma_semaphore, #tpu.memory_space<semaphore_mem>>) src(%dma_wait3A_81 : memref<128x64xf32, #tpu.memory_space<vmem>>) dst(%dma_wait3A_87 : memref<10112x64xf32, #tpu.memory_space<vmem_shared>>)
        tpu.yield
      }) : () -> ()
    }
    %scan3A_24 = arith.constant 79 : i32
    %dma_wait3A = arith.constant 79 : i32
    %dma_wait3A_25 = arith.constant 1 : i32
    %dma_wait3A_26 = arith.constant 0 : i32
    %dma_wait3A_27 = arith.constant 0 : i32
    %dma_wait3A_28 = tpu.memref_slice %arg9[%dma_wait3A_25, %dma_wait3A_26, %dma_wait3A_27] : memref<2x128x64xf32, #tpu.memory_space<vmem>> -> memref<1x128x64xf32, #tpu.memory_space<vmem>>
    %dma_wait3A_29 = tpu.memref_squeeze %dma_wait3A_28 : memref<1x128x64xf32, #tpu.memory_space<vmem>> -> memref<128x64xf32, #tpu.memory_space<vmem>>
    %dma_wait3A_30 = arith.constant 0 : i32
    %dma_wait3A_31 = tpu.memref_slice %arg7[%dma_wait3A, %dma_wait3A_30] : memref<80x128xi32, #tpu.memory_space<vmem>> -> memref<1x128xi32, #tpu.memory_space<vmem>>
    %dma_wait3A_32 = tpu.memref_squeeze %dma_wait3A_31 : memref<1x128xi32, #tpu.memory_space<vmem>> -> memref<128xi32, #tpu.memory_space<vmem>>
    %dma_wait3A_33 = arith.constant 0 : i32
    %dma_wait3A_34 = arith.constant 0 : i32
    %dma_wait3A_35 = tpu.memref_slice %arg11[%dma_wait3A_33, %dma_wait3A_34] : memref<10112x64xf32, #tpu.memory_space<vmem_shared>> -> memref<10112x64xf32, #tpu.memory_space<vmem_shared>>
    tpu.wait_indirect_dma semaphore(%arg12 : memref<!tpu.dma_semaphore, #tpu.memory_space<semaphore_mem>>) src(%dma_wait3A_35 : memref<10112x64xf32, #tpu.memory_space<vmem_shared>>) dst(%dma_wait3A_29 : memref<128x64xf32, #tpu.memory_space<vmem>>)
    %run_scoped3A = arith.constant 1 : i32
    %run_scoped3A_36 = arith.constant 79 : i32
    "tpu.region"() ({
      %run_scoped3A_42 = tpu.sem_alloc : memref<!tpu.dma_semaphore, #tpu.memory_space<semaphore_mem>>
      %dma_start3A_43 = arith.constant 0 : i32
      %dma_start3A_44 = arith.constant 0 : i32
      %dma_start3A_45 = tpu.memref_slice %arg9[%run_scoped3A, %dma_start3A_43, %dma_start3A_44] : memref<2x128x64xf32, #tpu.memory_space<vmem>> -> memref<1x128x64xf32, #tpu.memory_space<vmem>>
      %dma_start3A_46 = tpu.memref_squeeze %dma_start3A_45 : memref<1x128x64xf32, #tpu.memory_space<vmem>> -> memref<128x64xf32, #tpu.memory_space<vmem>>
      %dma_start3A_47 = arith.constant 0 : i32
      %dma_start3A_48 = tpu.memref_slice %arg8[%run_scoped3A_36, %dma_start3A_47] : memref<80x128xi32, #tpu.memory_space<vmem>> -> memref<1x128xi32, #tpu.memory_space<vmem>>
      %dma_start3A_49 = tpu.memref_squeeze %dma_start3A_48 : memref<1x128xi32, #tpu.memory_space<vmem>> -> memref<128xi32, #tpu.memory_space<vmem>>
      %dma_start3A_50 = arith.constant 0 : i32
      %dma_start3A_51 = arith.constant 0 : i32
      %dma_start3A_52 = tpu.memref_slice %arg10[%dma_start3A_50, %dma_start3A_51] : memref<10112x64xf32, #tpu.memory_space<vmem_shared>> -> memref<10112x64xf32, #tpu.memory_space<vmem_shared>>
      tpu.enqueue_indirect_dma source(%dma_start3A_46 : memref<128x64xf32, #tpu.memory_space<vmem>>) target(%dma_start3A_52 : memref<10112x64xf32, #tpu.memory_space<vmem_shared>>) offsets(%dma_start3A_49 : memref<128xi32, #tpu.memory_space<vmem>>) semaphore(%run_scoped3A_42 : memref<!tpu.dma_semaphore, #tpu.memory_space<semaphore_mem>>) {add = true}
      %dma_wait3A_53 = arith.constant 0 : i32
      %dma_wait3A_54 = arith.constant 0 : i32
      %dma_wait3A_55 = tpu.memref_slice %arg9[%run_scoped3A, %dma_wait3A_53, %dma_wait3A_54] : memref<2x128x64xf32, #tpu.memory_space<vmem>> -> memref<1x128x64xf32, #tpu.memory_space<vmem>>
      %dma_wait3A_56 = tpu.memref_squeeze %dma_wait3A_55 : memref<1x128x64xf32, #tpu.memory_space<vmem>> -> memref<128x64xf32, #tpu.memory_space<vmem>>
      %dma_wait3A_57 = arith.constant 0 : i32
      %dma_wait3A_58 = tpu.memref_slice %arg8[%run_scoped3A_36, %dma_wait3A_57] : memref<80x128xi32, #tpu.memory_space<vmem>> -> memref<1x128xi32, #tpu.memory_space<vmem>>
      %dma_wait3A_59 = tpu.memref_squeeze %dma_wait3A_58 : memref<1x128xi32, #tpu.memory_space<vmem>> -> memref<128xi32, #tpu.memory_space<vmem>>
      %dma_wait3A_60 = arith.constant 0 : i32
      %dma_wait3A_61 = arith.constant 0 : i32
      %dma_wait3A_62 = tpu.memref_slice %arg10[%dma_wait3A_60, %dma_wait3A_61] : memref<10112x64xf32, #tpu.memory_space<vmem_shared>> -> memref<10112x64xf32, #tpu.memory_space<vmem_shared>>
      tpu.wait_indirect_dma semaphore(%run_scoped3A_42 : memref<!tpu.dma_semaphore, #tpu.memory_space<semaphore_mem>>) src(%dma_wait3A_56 : memref<128x64xf32, #tpu.memory_space<vmem>>) dst(%dma_wait3A_62 : memref<10112x64xf32, #tpu.memory_space<vmem_shared>>)
      tpu.yield
    }) : () -> ()
    %barrier3A_37 = arith.constant 0 : index
    tpu.barrier barrier_id(%barrier3A_37)
    %mul3A_38 = arith.constant 632 : i32
    %mul3A_39 = arith.muli %arg1, %mul3A_38 : i32
    %mul3A_40 = arith.constant 632 : i32
    %mul3A_41 = arith.muli %arg1, %mul3A_40 : i32
    "tpu.region"() ({
      %run_scoped3A_42 = tpu.sem_alloc : memref<!tpu.dma_semaphore, #tpu.memory_space<semaphore_mem>>
      %dma_start3A_43 = arith.constant 0 : i32
      %dma_start3A_44 = tpu.memref_slice %arg6[%arg0, %mul3A_41, %dma_start3A_43] : memref<2x10112x64xf32, #tpu.memory_space<hbm>> -> memref<1x632x64xf32, #tpu.memory_space<hbm>>
      %dma_start3A_45 = tpu.memref_squeeze %dma_start3A_44 : memref<1x632x64xf32, #tpu.memory_space<hbm>> -> memref<632x64xf32, #tpu.memory_space<hbm>>
      %dma_start3A_46 = arith.constant 0 : i32
      %dma_start3A_47 = tpu.memref_slice %arg10[%mul3A_39, %dma_start3A_46] : memref<10112x64xf32, #tpu.memory_space<vmem_shared>> -> memref<632x64xf32, #tpu.memory_space<vmem_shared>>
      tpu.enqueue_dma source(%dma_start3A_47 : memref<632x64xf32, #tpu.memory_space<vmem_shared>>) target(%dma_start3A_45 : memref<632x64xf32, #tpu.memory_space<hbm>>) target_semaphore(%run_scoped3A_42 : memref<!tpu.dma_semaphore, #tpu.memory_space<semaphore_mem>>)
      %dma_wait3A_48 = arith.constant 0 : i32
      %dma_wait3A_49 = tpu.memref_slice %arg6[%arg0, %mul3A_41, %dma_wait3A_48] : memref<2x10112x64xf32, #tpu.memory_space<hbm>> -> memref<1x632x64xf32, #tpu.memory_space<hbm>>
      %dma_wait3A_50 = tpu.memref_squeeze %dma_wait3A_49 : memref<1x632x64xf32, #tpu.memory_space<hbm>> -> memref<632x64xf32, #tpu.memory_space<hbm>>
      %dma_wait3A_51 = arith.constant 0 : i32
      %dma_wait3A_52 = tpu.memref_slice %arg10[%mul3A_39, %dma_wait3A_51] : memref<10112x64xf32, #tpu.memory_space<vmem_shared>> -> memref<632x64xf32, #tpu.memory_space<vmem_shared>>
      tpu.wait_dma2 semaphore(%run_scoped3A_42 : memref<!tpu.dma_semaphore, #tpu.memory_space<semaphore_mem>>) src(%dma_wait3A_52 : memref<632x64xf32, #tpu.memory_space<vmem_shared>>) dst(%dma_wait3A_50 : memref<632x64xf32, #tpu.memory_space<hbm>>)
      tpu.yield
    }) : () -> ()
    return
  }
}

#map = affine_map<(d0, d1) -> (0, 0)>
#map1 = affine_map<(d0, d1) -> (0, 0, 0)>
module attributes {stable_mosaic.version = 14 : i64} {
  func.func @_agg_body(%arg0: i32, %arg1: i32, %arg2: memref<10112x64xf32, #tpu.memory_space<hbm>>, %arg3: memref<32x80x128xi32, #tpu.memory_space<hbm>>, %arg4: memref<32x80x128xi32, #tpu.memory_space<hbm>>, %arg5: memref<10112x64xf32, #tpu.memory_space<hbm>>, %arg6: memref<2x10112x64xf32, #tpu.memory_space<hbm>>, %arg7: memref<80x128xi32, #tpu.memory_space<vmem>>, %arg8: memref<80x128xi32, #tpu.memory_space<vmem>>, %arg9: memref<2x128x64xf32, #tpu.memory_space<vmem>>, %arg10: memref<10112x64xf32, #tpu.memory_space<vmem_shared>>, %arg11: memref<10112x64xf32, #tpu.memory_space<vmem_shared>>, %arg12: memref<!tpu.dma_semaphore, #tpu.memory_space<semaphore_mem>>) attributes {dimension_semantics = [#tpu.dimension_semantics<core_parallel>, #tpu.dimension_semantics<subcore_parallel>], iteration_bounds = array<i64: 2, 16>, scalar_prefetch = 0 : i64, scratch_operands = 6 : i64, tpu.core_type = #tpu.core_type<sc_vector_subcore>, window_params = [{transform_indices = #map}, {transform_indices = #map1}, {transform_indices = #map1}, {transform_indices = #map}, {transform_indices = #map1}]} {
    %mul3A = arith.constant 16 : i32
    %mul3A_0 = arith.muli %arg0, %mul3A : i32
    %add3A = arith.addi %mul3A_0, %arg1 : i32
    %mul3A_1 = arith.constant 632 : i32
    %mul3A_2 = arith.muli %arg1, %mul3A_1 : i32
    %mul3A_3 = arith.constant 632 : i32
    %mul3A_4 = arith.muli %arg1, %mul3A_3 : i32
    "tpu.region"() ({
      %run_scoped3A_42 = tpu.sem_alloc : memref<!tpu.dma_semaphore, #tpu.memory_space<semaphore_mem>>
      %dma_start3A_43 = arith.constant 0 : i32
      %dma_start3A_44 = tpu.memref_slice %arg10[%mul3A_4, %dma_start3A_43] : memref<10112x64xf32, #tpu.memory_space<vmem_shared>> -> memref<632x64xf32, #tpu.memory_space<vmem_shared>>
      %dma_start3A_45 = arith.constant 0 : i32
      %dma_start3A_46 = tpu.memref_slice %arg5[%mul3A_2, %dma_start3A_45] : memref<10112x64xf32, #tpu.memory_space<hbm>> -> memref<632x64xf32, #tpu.memory_space<hbm>>
      tpu.enqueue_dma source(%dma_start3A_46 : memref<632x64xf32, #tpu.memory_space<hbm>>) target(%dma_start3A_44 : memref<632x64xf32, #tpu.memory_space<vmem_shared>>) target_semaphore(%run_scoped3A_42 : memref<!tpu.dma_semaphore, #tpu.memory_space<semaphore_mem>>)
      %dma_wait3A_47 = arith.constant 0 : i32
      %dma_wait3A_48 = tpu.memref_slice %arg10[%mul3A_4, %dma_wait3A_47] : memref<10112x64xf32, #tpu.memory_space<vmem_shared>> -> memref<632x64xf32, #tpu.memory_space<vmem_shared>>
      %dma_wait3A_49 = arith.constant 0 : i32
      %dma_wait3A_50 = tpu.memref_slice %arg5[%mul3A_2, %dma_wait3A_49] : memref<10112x64xf32, #tpu.memory_space<hbm>> -> memref<632x64xf32, #tpu.memory_space<hbm>>
      tpu.wait_dma2 semaphore(%run_scoped3A_42 : memref<!tpu.dma_semaphore, #tpu.memory_space<semaphore_mem>>) src(%dma_wait3A_50 : memref<632x64xf32, #tpu.memory_space<hbm>>) dst(%dma_wait3A_48 : memref<632x64xf32, #tpu.memory_space<vmem_shared>>)
      tpu.yield
    }) : () -> ()
    %mul3A_5 = arith.constant 632 : i32
    %mul3A_6 = arith.muli %arg1, %mul3A_5 : i32
    %mul3A_7 = arith.constant 632 : i32
    %mul3A_8 = arith.muli %arg1, %mul3A_7 : i32
    "tpu.region"() ({
      %run_scoped3A_42 = tpu.sem_alloc : memref<!tpu.dma_semaphore, #tpu.memory_space<semaphore_mem>>
      %dma_start3A_43 = arith.constant 0 : i32
      %dma_start3A_44 = tpu.memref_slice %arg11[%mul3A_8, %dma_start3A_43] : memref<10112x64xf32, #tpu.memory_space<vmem_shared>> -> memref<632x64xf32, #tpu.memory_space<vmem_shared>>
      %dma_start3A_45 = arith.constant 0 : i32
      %dma_start3A_46 = tpu.memref_slice %arg2[%mul3A_6, %dma_start3A_45] : memref<10112x64xf32, #tpu.memory_space<hbm>> -> memref<632x64xf32, #tpu.memory_space<hbm>>
      tpu.enqueue_dma source(%dma_start3A_46 : memref<632x64xf32, #tpu.memory_space<hbm>>) target(%dma_start3A_44 : memref<632x64xf32, #tpu.memory_space<vmem_shared>>) target_semaphore(%run_scoped3A_42 : memref<!tpu.dma_semaphore, #tpu.memory_space<semaphore_mem>>)
      %dma_wait3A_47 = arith.constant 0 : i32
      %dma_wait3A_48 = tpu.memref_slice %arg11[%mul3A_8, %dma_wait3A_47] : memref<10112x64xf32, #tpu.memory_space<vmem_shared>> -> memref<632x64xf32, #tpu.memory_space<vmem_shared>>
      %dma_wait3A_49 = arith.constant 0 : i32
      %dma_wait3A_50 = tpu.memref_slice %arg2[%mul3A_6, %dma_wait3A_49] : memref<10112x64xf32, #tpu.memory_space<hbm>> -> memref<632x64xf32, #tpu.memory_space<hbm>>
      tpu.wait_dma2 semaphore(%run_scoped3A_42 : memref<!tpu.dma_semaphore, #tpu.memory_space<semaphore_mem>>) src(%dma_wait3A_50 : memref<632x64xf32, #tpu.memory_space<hbm>>) dst(%dma_wait3A_48 : memref<632x64xf32, #tpu.memory_space<vmem_shared>>)
      tpu.yield
    }) : () -> ()
    "tpu.region"() ({
      %run_scoped3A_42 = tpu.sem_alloc : memref<!tpu.dma_semaphore, #tpu.memory_space<semaphore_mem>>
      %dma_start3A_43 = arith.constant 0 : i32
      %dma_start3A_44 = arith.constant 0 : i32
      %dma_start3A_45 = tpu.memref_slice %arg3[%add3A, %dma_start3A_43, %dma_start3A_44] : memref<32x80x128xi32, #tpu.memory_space<hbm>> -> memref<1x80x128xi32, #tpu.memory_space<hbm>>
      %dma_start3A_46 = tpu.memref_squeeze %dma_start3A_45 : memref<1x80x128xi32, #tpu.memory_space<hbm>> -> memref<80x128xi32, #tpu.memory_space<hbm>>
      %dma_start3A_47 = arith.constant 0 : i32
      %dma_start3A_48 = arith.constant 0 : i32
      %dma_start3A_49 = tpu.memref_slice %arg3[%add3A, %dma_start3A_47, %dma_start3A_48] : memref<32x80x128xi32, #tpu.memory_space<hbm>> -> memref<1x80x128xi32, #tpu.memory_space<hbm>>
      %dma_start3A_50 = tpu.memref_squeeze %dma_start3A_49 : memref<1x80x128xi32, #tpu.memory_space<hbm>> -> memref<80x128xi32, #tpu.memory_space<hbm>>
      tpu.enqueue_dma source(%dma_start3A_50 : memref<80x128xi32, #tpu.memory_space<hbm>>) target(%arg7 : memref<80x128xi32, #tpu.memory_space<vmem>>) target_semaphore(%run_scoped3A_42 : memref<!tpu.dma_semaphore, #tpu.memory_space<semaphore_mem>>)
      %dma_wait3A_51 = arith.constant 0 : i32
      %dma_wait3A_52 = arith.constant 0 : i32
      %dma_wait3A_53 = tpu.memref_slice %arg3[%add3A, %dma_wait3A_51, %dma_wait3A_52] : memref<32x80x128xi32, #tpu.memory_space<hbm>> -> memref<1x80x128xi32, #tpu.memory_space<hbm>>
      %dma_wait3A_54 = tpu.memref_squeeze %dma_wait3A_53 : memref<1x80x128xi32, #tpu.memory_space<hbm>> -> memref<80x128xi32, #tpu.memory_space<hbm>>
      %dma_wait3A_55 = arith.constant 0 : i32
      %dma_wait3A_56 = arith.constant 0 : i32
      %dma_wait3A_57 = tpu.memref_slice %arg3[%add3A, %dma_wait3A_55, %dma_wait3A_56] : memref<32x80x128xi32, #tpu.memory_space<hbm>> -> memref<1x80x128xi32, #tpu.memory_space<hbm>>
      %dma_wait3A_58 = tpu.memref_squeeze %dma_wait3A_57 : memref<1x80x128xi32, #tpu.memory_space<hbm>> -> memref<80x128xi32, #tpu.memory_space<hbm>>
      tpu.wait_dma2 semaphore(%run_scoped3A_42 : memref<!tpu.dma_semaphore, #tpu.memory_space<semaphore_mem>>) src(%dma_wait3A_58 : memref<80x128xi32, #tpu.memory_space<hbm>>) dst(%arg7 : memref<80x128xi32, #tpu.memory_space<vmem>>)
      tpu.yield
    }) : () -> ()
    "tpu.region"() ({
      %run_scoped3A_42 = tpu.sem_alloc : memref<!tpu.dma_semaphore, #tpu.memory_space<semaphore_mem>>
      %dma_start3A_43 = arith.constant 0 : i32
      %dma_start3A_44 = arith.constant 0 : i32
      %dma_start3A_45 = tpu.memref_slice %arg4[%add3A, %dma_start3A_43, %dma_start3A_44] : memref<32x80x128xi32, #tpu.memory_space<hbm>> -> memref<1x80x128xi32, #tpu.memory_space<hbm>>
      %dma_start3A_46 = tpu.memref_squeeze %dma_start3A_45 : memref<1x80x128xi32, #tpu.memory_space<hbm>> -> memref<80x128xi32, #tpu.memory_space<hbm>>
      %dma_start3A_47 = arith.constant 0 : i32
      %dma_start3A_48 = arith.constant 0 : i32
      %dma_start3A_49 = tpu.memref_slice %arg4[%add3A, %dma_start3A_47, %dma_start3A_48] : memref<32x80x128xi32, #tpu.memory_space<hbm>> -> memref<1x80x128xi32, #tpu.memory_space<hbm>>
      %dma_start3A_50 = tpu.memref_squeeze %dma_start3A_49 : memref<1x80x128xi32, #tpu.memory_space<hbm>> -> memref<80x128xi32, #tpu.memory_space<hbm>>
      tpu.enqueue_dma source(%dma_start3A_50 : memref<80x128xi32, #tpu.memory_space<hbm>>) target(%arg8 : memref<80x128xi32, #tpu.memory_space<vmem>>) target_semaphore(%run_scoped3A_42 : memref<!tpu.dma_semaphore, #tpu.memory_space<semaphore_mem>>)
      %dma_wait3A_51 = arith.constant 0 : i32
      %dma_wait3A_52 = arith.constant 0 : i32
      %dma_wait3A_53 = tpu.memref_slice %arg4[%add3A, %dma_wait3A_51, %dma_wait3A_52] : memref<32x80x128xi32, #tpu.memory_space<hbm>> -> memref<1x80x128xi32, #tpu.memory_space<hbm>>
      %dma_wait3A_54 = tpu.memref_squeeze %dma_wait3A_53 : memref<1x80x128xi32, #tpu.memory_space<hbm>> -> memref<80x128xi32, #tpu.memory_space<hbm>>
      %dma_wait3A_55 = arith.constant 0 : i32
      %dma_wait3A_56 = arith.constant 0 : i32
      %dma_wait3A_57 = tpu.memref_slice %arg4[%add3A, %dma_wait3A_55, %dma_wait3A_56] : memref<32x80x128xi32, #tpu.memory_space<hbm>> -> memref<1x80x128xi32, #tpu.memory_space<hbm>>
      %dma_wait3A_58 = tpu.memref_squeeze %dma_wait3A_57 : memref<1x80x128xi32, #tpu.memory_space<hbm>> -> memref<80x128xi32, #tpu.memory_space<hbm>>
      tpu.wait_dma2 semaphore(%run_scoped3A_42 : memref<!tpu.dma_semaphore, #tpu.memory_space<semaphore_mem>>) src(%dma_wait3A_58 : memref<80x128xi32, #tpu.memory_space<hbm>>) dst(%arg8 : memref<80x128xi32, #tpu.memory_space<vmem>>)
      tpu.yield
    }) : () -> ()
    %barrier3A = arith.constant 0 : index
    tpu.barrier barrier_id(%barrier3A)
    %dma_start3A = arith.constant 0 : i32
    %dma_start3A_9 = arith.constant 0 : i32
    %dma_start3A_10 = arith.constant 0 : i32
    %dma_start3A_11 = arith.constant 0 : i32
    %dma_start3A_12 = tpu.memref_slice %arg9[%dma_start3A_9, %dma_start3A_10, %dma_start3A_11] : memref<2x128x64xf32, #tpu.memory_space<vmem>> -> memref<1x128x64xf32, #tpu.memory_space<vmem>>
    %dma_start3A_13 = tpu.memref_squeeze %dma_start3A_12 : memref<1x128x64xf32, #tpu.memory_space<vmem>> -> memref<128x64xf32, #tpu.memory_space<vmem>>
    %dma_start3A_14 = arith.constant 0 : i32
    %dma_start3A_15 = tpu.memref_slice %arg7[%dma_start3A, %dma_start3A_14] : memref<80x128xi32, #tpu.memory_space<vmem>> -> memref<1x128xi32, #tpu.memory_space<vmem>>
    %dma_start3A_16 = tpu.memref_squeeze %dma_start3A_15 : memref<1x128xi32, #tpu.memory_space<vmem>> -> memref<128xi32, #tpu.memory_space<vmem>>
    %dma_start3A_17 = arith.constant 0 : i32
    %dma_start3A_18 = arith.constant 0 : i32
    %dma_start3A_19 = tpu.memref_slice %arg11[%dma_start3A_17, %dma_start3A_18] : memref<10112x64xf32, #tpu.memory_space<vmem_shared>> -> memref<10112x64xf32, #tpu.memory_space<vmem_shared>>
    tpu.enqueue_indirect_dma source(%dma_start3A_19 : memref<10112x64xf32, #tpu.memory_space<vmem_shared>>) target(%dma_start3A_13 : memref<128x64xf32, #tpu.memory_space<vmem>>) offsets(%dma_start3A_16 : memref<128xi32, #tpu.memory_space<vmem>>) semaphore(%arg12 : memref<!tpu.dma_semaphore, #tpu.memory_space<semaphore_mem>>)
    %scan3A = arith.constant 0 : i32
    %scan3A_20 = arith.constant 0 : i32
    %scan3A_21 = arith.constant 79 : i32
    %scan3A_22 = arith.addi %scan3A_20, %scan3A_21 : i32
    %scan3A_23 = arith.constant 1 : i32
    scf.for %scan3A_42 = %scan3A_20 to %scan3A_22 step %scan3A_23  : i32 {
      %rem3A = arith.constant 2 : i32
      %rem3A_43 = arith.remsi %scan3A_42, %rem3A : i32
      %dma_wait3A_44 = arith.constant 0 : i32
      %dma_wait3A_45 = arith.constant 0 : i32
      %dma_wait3A_46 = tpu.memref_slice %arg9[%rem3A_43, %dma_wait3A_44, %dma_wait3A_45] : memref<2x128x64xf32, #tpu.memory_space<vmem>> -> memref<1x128x64xf32, #tpu.memory_space<vmem>>
      %dma_wait3A_47 = tpu.memref_squeeze %dma_wait3A_46 : memref<1x128x64xf32, #tpu.memory_space<vmem>> -> memref<128x64xf32, #tpu.memory_space<vmem>>
      %dma_wait3A_48 = arith.constant 0 : i32
      %dma_wait3A_49 = tpu.memref_slice %arg7[%scan3A_42, %dma_wait3A_48] : memref<80x128xi32, #tpu.memory_space<vmem>> -> memref<1x128xi32, #tpu.memory_space<vmem>>
      %dma_wait3A_50 = tpu.memref_squeeze %dma_wait3A_49 : memref<1x128xi32, #tpu.memory_space<vmem>> -> memref<128xi32, #tpu.memory_space<vmem>>
      %dma_wait3A_51 = arith.constant 0 : i32
      %dma_wait3A_52 = arith.constant 0 : i32
      %dma_wait3A_53 = tpu.memref_slice %arg11[%dma_wait3A_51, %dma_wait3A_52] : memref<10112x64xf32, #tpu.memory_space<vmem_shared>> -> memref<10112x64xf32, #tpu.memory_space<vmem_shared>>
      tpu.wait_indirect_dma semaphore(%arg12 : memref<!tpu.dma_semaphore, #tpu.memory_space<semaphore_mem>>) src(%dma_wait3A_53 : memref<10112x64xf32, #tpu.memory_space<vmem_shared>>) dst(%dma_wait3A_47 : memref<128x64xf32, #tpu.memory_space<vmem>>)
      %add3A_54 = arith.constant 1 : i32
      %add3A_55 = arith.addi %scan3A_42, %add3A_54 : i32
      %sub3A = arith.constant 1 : i32
      %sub3A_56 = arith.subi %sub3A, %rem3A_43 : i32
      %dma_start3A_57 = arith.constant 0 : i32
      %dma_start3A_58 = arith.constant 0 : i32
      %dma_start3A_59 = tpu.memref_slice %arg9[%sub3A_56, %dma_start3A_57, %dma_start3A_58] : memref<2x128x64xf32, #tpu.memory_space<vmem>> -> memref<1x128x64xf32, #tpu.memory_space<vmem>>
      %dma_start3A_60 = tpu.memref_squeeze %dma_start3A_59 : memref<1x128x64xf32, #tpu.memory_space<vmem>> -> memref<128x64xf32, #tpu.memory_space<vmem>>
      %dma_start3A_61 = arith.constant 0 : i32
      %dma_start3A_62 = tpu.memref_slice %arg7[%add3A_55, %dma_start3A_61] : memref<80x128xi32, #tpu.memory_space<vmem>> -> memref<1x128xi32, #tpu.memory_space<vmem>>
      %dma_start3A_63 = tpu.memref_squeeze %dma_start3A_62 : memref<1x128xi32, #tpu.memory_space<vmem>> -> memref<128xi32, #tpu.memory_space<vmem>>
      %dma_start3A_64 = arith.constant 0 : i32
      %dma_start3A_65 = arith.constant 0 : i32
      %dma_start3A_66 = tpu.memref_slice %arg11[%dma_start3A_64, %dma_start3A_65] : memref<10112x64xf32, #tpu.memory_space<vmem_shared>> -> memref<10112x64xf32, #tpu.memory_space<vmem_shared>>
      tpu.enqueue_indirect_dma source(%dma_start3A_66 : memref<10112x64xf32, #tpu.memory_space<vmem_shared>>) target(%dma_start3A_60 : memref<128x64xf32, #tpu.memory_space<vmem>>) offsets(%dma_start3A_63 : memref<128xi32, #tpu.memory_space<vmem>>) semaphore(%arg12 : memref<!tpu.dma_semaphore, #tpu.memory_space<semaphore_mem>>)
      "tpu.region"() ({
        %run_scoped3A_67 = tpu.sem_alloc : memref<!tpu.dma_semaphore, #tpu.memory_space<semaphore_mem>>
        %dma_start3A_68 = arith.constant 0 : i32
        %dma_start3A_69 = arith.constant 0 : i32
        %dma_start3A_70 = tpu.memref_slice %arg9[%rem3A_43, %dma_start3A_68, %dma_start3A_69] : memref<2x128x64xf32, #tpu.memory_space<vmem>> -> memref<1x128x64xf32, #tpu.memory_space<vmem>>
        %dma_start3A_71 = tpu.memref_squeeze %dma_start3A_70 : memref<1x128x64xf32, #tpu.memory_space<vmem>> -> memref<128x64xf32, #tpu.memory_space<vmem>>
        %dma_start3A_72 = arith.constant 0 : i32
        %dma_start3A_73 = tpu.memref_slice %arg8[%scan3A_42, %dma_start3A_72] : memref<80x128xi32, #tpu.memory_space<vmem>> -> memref<1x128xi32, #tpu.memory_space<vmem>>
        %dma_start3A_74 = tpu.memref_squeeze %dma_start3A_73 : memref<1x128xi32, #tpu.memory_space<vmem>> -> memref<128xi32, #tpu.memory_space<vmem>>
        %dma_start3A_75 = arith.constant 0 : i32
        %dma_start3A_76 = arith.constant 0 : i32
        %dma_start3A_77 = tpu.memref_slice %arg10[%dma_start3A_75, %dma_start3A_76] : memref<10112x64xf32, #tpu.memory_space<vmem_shared>> -> memref<10112x64xf32, #tpu.memory_space<vmem_shared>>
        tpu.enqueue_indirect_dma source(%dma_start3A_71 : memref<128x64xf32, #tpu.memory_space<vmem>>) target(%dma_start3A_77 : memref<10112x64xf32, #tpu.memory_space<vmem_shared>>) offsets(%dma_start3A_74 : memref<128xi32, #tpu.memory_space<vmem>>) semaphore(%run_scoped3A_67 : memref<!tpu.dma_semaphore, #tpu.memory_space<semaphore_mem>>) {add = true}
        %dma_wait3A_78 = arith.constant 0 : i32
        %dma_wait3A_79 = arith.constant 0 : i32
        %dma_wait3A_80 = tpu.memref_slice %arg9[%rem3A_43, %dma_wait3A_78, %dma_wait3A_79] : memref<2x128x64xf32, #tpu.memory_space<vmem>> -> memref<1x128x64xf32, #tpu.memory_space<vmem>>
        %dma_wait3A_81 = tpu.memref_squeeze %dma_wait3A_80 : memref<1x128x64xf32, #tpu.memory_space<vmem>> -> memref<128x64xf32, #tpu.memory_space<vmem>>
        %dma_wait3A_82 = arith.constant 0 : i32
        %dma_wait3A_83 = tpu.memref_slice %arg8[%scan3A_42, %dma_wait3A_82] : memref<80x128xi32, #tpu.memory_space<vmem>> -> memref<1x128xi32, #tpu.memory_space<vmem>>
        %dma_wait3A_84 = tpu.memref_squeeze %dma_wait3A_83 : memref<1x128xi32, #tpu.memory_space<vmem>> -> memref<128xi32, #tpu.memory_space<vmem>>
        %dma_wait3A_85 = arith.constant 0 : i32
        %dma_wait3A_86 = arith.constant 0 : i32
        %dma_wait3A_87 = tpu.memref_slice %arg10[%dma_wait3A_85, %dma_wait3A_86] : memref<10112x64xf32, #tpu.memory_space<vmem_shared>> -> memref<10112x64xf32, #tpu.memory_space<vmem_shared>>
        tpu.wait_indirect_dma semaphore(%run_scoped3A_67 : memref<!tpu.dma_semaphore, #tpu.memory_space<semaphore_mem>>) src(%dma_wait3A_81 : memref<128x64xf32, #tpu.memory_space<vmem>>) dst(%dma_wait3A_87 : memref<10112x64xf32, #tpu.memory_space<vmem_shared>>)
        tpu.yield
      }) : () -> ()
    }
    %scan3A_24 = arith.constant 79 : i32
    %dma_wait3A = arith.constant 79 : i32
    %dma_wait3A_25 = arith.constant 1 : i32
    %dma_wait3A_26 = arith.constant 0 : i32
    %dma_wait3A_27 = arith.constant 0 : i32
    %dma_wait3A_28 = tpu.memref_slice %arg9[%dma_wait3A_25, %dma_wait3A_26, %dma_wait3A_27] : memref<2x128x64xf32, #tpu.memory_space<vmem>> -> memref<1x128x64xf32, #tpu.memory_space<vmem>>
    %dma_wait3A_29 = tpu.memref_squeeze %dma_wait3A_28 : memref<1x128x64xf32, #tpu.memory_space<vmem>> -> memref<128x64xf32, #tpu.memory_space<vmem>>
    %dma_wait3A_30 = arith.constant 0 : i32
    %dma_wait3A_31 = tpu.memref_slice %arg7[%dma_wait3A, %dma_wait3A_30] : memref<80x128xi32, #tpu.memory_space<vmem>> -> memref<1x128xi32, #tpu.memory_space<vmem>>
    %dma_wait3A_32 = tpu.memref_squeeze %dma_wait3A_31 : memref<1x128xi32, #tpu.memory_space<vmem>> -> memref<128xi32, #tpu.memory_space<vmem>>
    %dma_wait3A_33 = arith.constant 0 : i32
    %dma_wait3A_34 = arith.constant 0 : i32
    %dma_wait3A_35 = tpu.memref_slice %arg11[%dma_wait3A_33, %dma_wait3A_34] : memref<10112x64xf32, #tpu.memory_space<vmem_shared>> -> memref<10112x64xf32, #tpu.memory_space<vmem_shared>>
    tpu.wait_indirect_dma semaphore(%arg12 : memref<!tpu.dma_semaphore, #tpu.memory_space<semaphore_mem>>) src(%dma_wait3A_35 : memref<10112x64xf32, #tpu.memory_space<vmem_shared>>) dst(%dma_wait3A_29 : memref<128x64xf32, #tpu.memory_space<vmem>>)
    %run_scoped3A = arith.constant 1 : i32
    %run_scoped3A_36 = arith.constant 79 : i32
    "tpu.region"() ({
      %run_scoped3A_42 = tpu.sem_alloc : memref<!tpu.dma_semaphore, #tpu.memory_space<semaphore_mem>>
      %dma_start3A_43 = arith.constant 0 : i32
      %dma_start3A_44 = arith.constant 0 : i32
      %dma_start3A_45 = tpu.memref_slice %arg9[%run_scoped3A, %dma_start3A_43, %dma_start3A_44] : memref<2x128x64xf32, #tpu.memory_space<vmem>> -> memref<1x128x64xf32, #tpu.memory_space<vmem>>
      %dma_start3A_46 = tpu.memref_squeeze %dma_start3A_45 : memref<1x128x64xf32, #tpu.memory_space<vmem>> -> memref<128x64xf32, #tpu.memory_space<vmem>>
      %dma_start3A_47 = arith.constant 0 : i32
      %dma_start3A_48 = tpu.memref_slice %arg8[%run_scoped3A_36, %dma_start3A_47] : memref<80x128xi32, #tpu.memory_space<vmem>> -> memref<1x128xi32, #tpu.memory_space<vmem>>
      %dma_start3A_49 = tpu.memref_squeeze %dma_start3A_48 : memref<1x128xi32, #tpu.memory_space<vmem>> -> memref<128xi32, #tpu.memory_space<vmem>>
      %dma_start3A_50 = arith.constant 0 : i32
      %dma_start3A_51 = arith.constant 0 : i32
      %dma_start3A_52 = tpu.memref_slice %arg10[%dma_start3A_50, %dma_start3A_51] : memref<10112x64xf32, #tpu.memory_space<vmem_shared>> -> memref<10112x64xf32, #tpu.memory_space<vmem_shared>>
      tpu.enqueue_indirect_dma source(%dma_start3A_46 : memref<128x64xf32, #tpu.memory_space<vmem>>) target(%dma_start3A_52 : memref<10112x64xf32, #tpu.memory_space<vmem_shared>>) offsets(%dma_start3A_49 : memref<128xi32, #tpu.memory_space<vmem>>) semaphore(%run_scoped3A_42 : memref<!tpu.dma_semaphore, #tpu.memory_space<semaphore_mem>>) {add = true}
      %dma_wait3A_53 = arith.constant 0 : i32
      %dma_wait3A_54 = arith.constant 0 : i32
      %dma_wait3A_55 = tpu.memref_slice %arg9[%run_scoped3A, %dma_wait3A_53, %dma_wait3A_54] : memref<2x128x64xf32, #tpu.memory_space<vmem>> -> memref<1x128x64xf32, #tpu.memory_space<vmem>>
      %dma_wait3A_56 = tpu.memref_squeeze %dma_wait3A_55 : memref<1x128x64xf32, #tpu.memory_space<vmem>> -> memref<128x64xf32, #tpu.memory_space<vmem>>
      %dma_wait3A_57 = arith.constant 0 : i32
      %dma_wait3A_58 = tpu.memref_slice %arg8[%run_scoped3A_36, %dma_wait3A_57] : memref<80x128xi32, #tpu.memory_space<vmem>> -> memref<1x128xi32, #tpu.memory_space<vmem>>
      %dma_wait3A_59 = tpu.memref_squeeze %dma_wait3A_58 : memref<1x128xi32, #tpu.memory_space<vmem>> -> memref<128xi32, #tpu.memory_space<vmem>>
      %dma_wait3A_60 = arith.constant 0 : i32
      %dma_wait3A_61 = arith.constant 0 : i32
      %dma_wait3A_62 = tpu.memref_slice %arg10[%dma_wait3A_60, %dma_wait3A_61] : memref<10112x64xf32, #tpu.memory_space<vmem_shared>> -> memref<10112x64xf32, #tpu.memory_space<vmem_shared>>
      tpu.wait_indirect_dma semaphore(%run_scoped3A_42 : memref<!tpu.dma_semaphore, #tpu.memory_space<semaphore_mem>>) src(%dma_wait3A_56 : memref<128x64xf32, #tpu.memory_space<vmem>>) dst(%dma_wait3A_62 : memref<10112x64xf32, #tpu.memory_space<vmem_shared>>)
      tpu.yield
    }) : () -> ()
    %barrier3A_37 = arith.constant 0 : index
    tpu.barrier barrier_id(%barrier3A_37)
    %mul3A_38 = arith.constant 632 : i32
    %mul3A_39 = arith.muli %arg1, %mul3A_38 : i32
    %mul3A_40 = arith.constant 632 : i32
    %mul3A_41 = arith.muli %arg1, %mul3A_40 : i32
    "tpu.region"() ({
      %run_scoped3A_42 = tpu.sem_alloc : memref<!tpu.dma_semaphore, #tpu.memory_space<semaphore_mem>>
      %dma_start3A_43 = arith.constant 0 : i32
      %dma_start3A_44 = tpu.memref_slice %arg6[%arg0, %mul3A_41, %dma_start3A_43] : memref<2x10112x64xf32, #tpu.memory_space<hbm>> -> memref<1x632x64xf32, #tpu.memory_space<hbm>>
      %dma_start3A_45 = tpu.memref_squeeze %dma_start3A_44 : memref<1x632x64xf32, #tpu.memory_space<hbm>> -> memref<632x64xf32, #tpu.memory_space<hbm>>
      %dma_start3A_46 = arith.constant 0 : i32
      %dma_start3A_47 = tpu.memref_slice %arg10[%mul3A_39, %dma_start3A_46] : memref<10112x64xf32, #tpu.memory_space<vmem_shared>> -> memref<632x64xf32, #tpu.memory_space<vmem_shared>>
      tpu.enqueue_dma source(%dma_start3A_47 : memref<632x64xf32, #tpu.memory_space<vmem_shared>>) target(%dma_start3A_45 : memref<632x64xf32, #tpu.memory_space<hbm>>) target_semaphore(%run_scoped3A_42 : memref<!tpu.dma_semaphore, #tpu.memory_space<semaphore_mem>>)
      %dma_wait3A_48 = arith.constant 0 : i32
      %dma_wait3A_49 = tpu.memref_slice %arg6[%arg0, %mul3A_41, %dma_wait3A_48] : memref<2x10112x64xf32, #tpu.memory_space<hbm>> -> memref<1x632x64xf32, #tpu.memory_space<hbm>>
      %dma_wait3A_50 = tpu.memref_squeeze %dma_wait3A_49 : memref<1x632x64xf32, #tpu.memory_space<hbm>> -> memref<632x64xf32, #tpu.memory_space<hbm>>
      %dma_wait3A_51 = arith.constant 0 : i32
      %dma_wait3A_52 = tpu.memref_slice %arg10[%mul3A_39, %dma_wait3A_51] : memref<10112x64xf32, #tpu.memory_space<vmem_shared>> -> memref<632x64xf32, #tpu.memory_space<vmem_shared>>
      tpu.wait_dma2 semaphore(%run_scoped3A_42 : memref<!tpu.dma_semaphore, #tpu.memory_space<semaphore_mem>>) src(%dma_wait3A_52 : memref<632x64xf32, #tpu.memory_space<vmem_shared>>) dst(%dma_wait3A_50 : memref<632x64xf32, #tpu.memory_space<hbm>>)
      tpu.yield
    }) : () -> ()
    return
  }
}

#map = affine_map<(d0, d1) -> (0, 0)>
#map1 = affine_map<(d0, d1) -> (0, 0, 0)>
module attributes {stable_mosaic.version = 14 : i64} {
  func.func @_agg_body(%arg0: i32, %arg1: i32, %arg2: memref<10112x64xf32, #tpu.memory_space<hbm>>, %arg3: memref<32x80x128xi32, #tpu.memory_space<hbm>>, %arg4: memref<32x80x128xi32, #tpu.memory_space<hbm>>, %arg5: memref<10112x64xf32, #tpu.memory_space<hbm>>, %arg6: memref<2x10112x64xf32, #tpu.memory_space<hbm>>, %arg7: memref<80x128xi32, #tpu.memory_space<vmem>>, %arg8: memref<80x128xi32, #tpu.memory_space<vmem>>, %arg9: memref<2x128x64xf32, #tpu.memory_space<vmem>>, %arg10: memref<10112x64xf32, #tpu.memory_space<vmem_shared>>, %arg11: memref<10112x64xf32, #tpu.memory_space<vmem_shared>>, %arg12: memref<!tpu.dma_semaphore, #tpu.memory_space<semaphore_mem>>) attributes {dimension_semantics = [#tpu.dimension_semantics<core_parallel>, #tpu.dimension_semantics<subcore_parallel>], iteration_bounds = array<i64: 2, 16>, scalar_prefetch = 0 : i64, scratch_operands = 6 : i64, tpu.core_type = #tpu.core_type<sc_vector_subcore>, window_params = [{transform_indices = #map}, {transform_indices = #map1}, {transform_indices = #map1}, {transform_indices = #map}, {transform_indices = #map1}]} {
    %mul3A = arith.constant 16 : i32
    %mul3A_0 = arith.muli %arg0, %mul3A : i32
    %add3A = arith.addi %mul3A_0, %arg1 : i32
    %mul3A_1 = arith.constant 632 : i32
    %mul3A_2 = arith.muli %arg1, %mul3A_1 : i32
    %mul3A_3 = arith.constant 632 : i32
    %mul3A_4 = arith.muli %arg1, %mul3A_3 : i32
    "tpu.region"() ({
      %run_scoped3A_42 = tpu.sem_alloc : memref<!tpu.dma_semaphore, #tpu.memory_space<semaphore_mem>>
      %dma_start3A_43 = arith.constant 0 : i32
      %dma_start3A_44 = tpu.memref_slice %arg10[%mul3A_4, %dma_start3A_43] : memref<10112x64xf32, #tpu.memory_space<vmem_shared>> -> memref<632x64xf32, #tpu.memory_space<vmem_shared>>
      %dma_start3A_45 = arith.constant 0 : i32
      %dma_start3A_46 = tpu.memref_slice %arg5[%mul3A_2, %dma_start3A_45] : memref<10112x64xf32, #tpu.memory_space<hbm>> -> memref<632x64xf32, #tpu.memory_space<hbm>>
      tpu.enqueue_dma source(%dma_start3A_46 : memref<632x64xf32, #tpu.memory_space<hbm>>) target(%dma_start3A_44 : memref<632x64xf32, #tpu.memory_space<vmem_shared>>) target_semaphore(%run_scoped3A_42 : memref<!tpu.dma_semaphore, #tpu.memory_space<semaphore_mem>>)
      %dma_wait3A_47 = arith.constant 0 : i32
      %dma_wait3A_48 = tpu.memref_slice %arg10[%mul3A_4, %dma_wait3A_47] : memref<10112x64xf32, #tpu.memory_space<vmem_shared>> -> memref<632x64xf32, #tpu.memory_space<vmem_shared>>
      %dma_wait3A_49 = arith.constant 0 : i32
      %dma_wait3A_50 = tpu.memref_slice %arg5[%mul3A_2, %dma_wait3A_49] : memref<10112x64xf32, #tpu.memory_space<hbm>> -> memref<632x64xf32, #tpu.memory_space<hbm>>
      tpu.wait_dma2 semaphore(%run_scoped3A_42 : memref<!tpu.dma_semaphore, #tpu.memory_space<semaphore_mem>>) src(%dma_wait3A_50 : memref<632x64xf32, #tpu.memory_space<hbm>>) dst(%dma_wait3A_48 : memref<632x64xf32, #tpu.memory_space<vmem_shared>>)
      tpu.yield
    }) : () -> ()
    %mul3A_5 = arith.constant 632 : i32
    %mul3A_6 = arith.muli %arg1, %mul3A_5 : i32
    %mul3A_7 = arith.constant 632 : i32
    %mul3A_8 = arith.muli %arg1, %mul3A_7 : i32
    "tpu.region"() ({
      %run_scoped3A_42 = tpu.sem_alloc : memref<!tpu.dma_semaphore, #tpu.memory_space<semaphore_mem>>
      %dma_start3A_43 = arith.constant 0 : i32
      %dma_start3A_44 = tpu.memref_slice %arg11[%mul3A_8, %dma_start3A_43] : memref<10112x64xf32, #tpu.memory_space<vmem_shared>> -> memref<632x64xf32, #tpu.memory_space<vmem_shared>>
      %dma_start3A_45 = arith.constant 0 : i32
      %dma_start3A_46 = tpu.memref_slice %arg2[%mul3A_6, %dma_start3A_45] : memref<10112x64xf32, #tpu.memory_space<hbm>> -> memref<632x64xf32, #tpu.memory_space<hbm>>
      tpu.enqueue_dma source(%dma_start3A_46 : memref<632x64xf32, #tpu.memory_space<hbm>>) target(%dma_start3A_44 : memref<632x64xf32, #tpu.memory_space<vmem_shared>>) target_semaphore(%run_scoped3A_42 : memref<!tpu.dma_semaphore, #tpu.memory_space<semaphore_mem>>)
      %dma_wait3A_47 = arith.constant 0 : i32
      %dma_wait3A_48 = tpu.memref_slice %arg11[%mul3A_8, %dma_wait3A_47] : memref<10112x64xf32, #tpu.memory_space<vmem_shared>> -> memref<632x64xf32, #tpu.memory_space<vmem_shared>>
      %dma_wait3A_49 = arith.constant 0 : i32
      %dma_wait3A_50 = tpu.memref_slice %arg2[%mul3A_6, %dma_wait3A_49] : memref<10112x64xf32, #tpu.memory_space<hbm>> -> memref<632x64xf32, #tpu.memory_space<hbm>>
      tpu.wait_dma2 semaphore(%run_scoped3A_42 : memref<!tpu.dma_semaphore, #tpu.memory_space<semaphore_mem>>) src(%dma_wait3A_50 : memref<632x64xf32, #tpu.memory_space<hbm>>) dst(%dma_wait3A_48 : memref<632x64xf32, #tpu.memory_space<vmem_shared>>)
      tpu.yield
    }) : () -> ()
    "tpu.region"() ({
      %run_scoped3A_42 = tpu.sem_alloc : memref<!tpu.dma_semaphore, #tpu.memory_space<semaphore_mem>>
      %dma_start3A_43 = arith.constant 0 : i32
      %dma_start3A_44 = arith.constant 0 : i32
      %dma_start3A_45 = tpu.memref_slice %arg3[%add3A, %dma_start3A_43, %dma_start3A_44] : memref<32x80x128xi32, #tpu.memory_space<hbm>> -> memref<1x80x128xi32, #tpu.memory_space<hbm>>
      %dma_start3A_46 = tpu.memref_squeeze %dma_start3A_45 : memref<1x80x128xi32, #tpu.memory_space<hbm>> -> memref<80x128xi32, #tpu.memory_space<hbm>>
      %dma_start3A_47 = arith.constant 0 : i32
      %dma_start3A_48 = arith.constant 0 : i32
      %dma_start3A_49 = tpu.memref_slice %arg3[%add3A, %dma_start3A_47, %dma_start3A_48] : memref<32x80x128xi32, #tpu.memory_space<hbm>> -> memref<1x80x128xi32, #tpu.memory_space<hbm>>
      %dma_start3A_50 = tpu.memref_squeeze %dma_start3A_49 : memref<1x80x128xi32, #tpu.memory_space<hbm>> -> memref<80x128xi32, #tpu.memory_space<hbm>>
      tpu.enqueue_dma source(%dma_start3A_50 : memref<80x128xi32, #tpu.memory_space<hbm>>) target(%arg7 : memref<80x128xi32, #tpu.memory_space<vmem>>) target_semaphore(%run_scoped3A_42 : memref<!tpu.dma_semaphore, #tpu.memory_space<semaphore_mem>>)
      %dma_wait3A_51 = arith.constant 0 : i32
      %dma_wait3A_52 = arith.constant 0 : i32
      %dma_wait3A_53 = tpu.memref_slice %arg3[%add3A, %dma_wait3A_51, %dma_wait3A_52] : memref<32x80x128xi32, #tpu.memory_space<hbm>> -> memref<1x80x128xi32, #tpu.memory_space<hbm>>
      %dma_wait3A_54 = tpu.memref_squeeze %dma_wait3A_53 : memref<1x80x128xi32, #tpu.memory_space<hbm>> -> memref<80x128xi32, #tpu.memory_space<hbm>>
      %dma_wait3A_55 = arith.constant 0 : i32
      %dma_wait3A_56 = arith.constant 0 : i32
      %dma_wait3A_57 = tpu.memref_slice %arg3[%add3A, %dma_wait3A_55, %dma_wait3A_56] : memref<32x80x128xi32, #tpu.memory_space<hbm>> -> memref<1x80x128xi32, #tpu.memory_space<hbm>>
      %dma_wait3A_58 = tpu.memref_squeeze %dma_wait3A_57 : memref<1x80x128xi32, #tpu.memory_space<hbm>> -> memref<80x128xi32, #tpu.memory_space<hbm>>
      tpu.wait_dma2 semaphore(%run_scoped3A_42 : memref<!tpu.dma_semaphore, #tpu.memory_space<semaphore_mem>>) src(%dma_wait3A_58 : memref<80x128xi32, #tpu.memory_space<hbm>>) dst(%arg7 : memref<80x128xi32, #tpu.memory_space<vmem>>)
      tpu.yield
    }) : () -> ()
    "tpu.region"() ({
      %run_scoped3A_42 = tpu.sem_alloc : memref<!tpu.dma_semaphore, #tpu.memory_space<semaphore_mem>>
      %dma_start3A_43 = arith.constant 0 : i32
      %dma_start3A_44 = arith.constant 0 : i32
      %dma_start3A_45 = tpu.memref_slice %arg4[%add3A, %dma_start3A_43, %dma_start3A_44] : memref<32x80x128xi32, #tpu.memory_space<hbm>> -> memref<1x80x128xi32, #tpu.memory_space<hbm>>
      %dma_start3A_46 = tpu.memref_squeeze %dma_start3A_45 : memref<1x80x128xi32, #tpu.memory_space<hbm>> -> memref<80x128xi32, #tpu.memory_space<hbm>>
      %dma_start3A_47 = arith.constant 0 : i32
      %dma_start3A_48 = arith.constant 0 : i32
      %dma_start3A_49 = tpu.memref_slice %arg4[%add3A, %dma_start3A_47, %dma_start3A_48] : memref<32x80x128xi32, #tpu.memory_space<hbm>> -> memref<1x80x128xi32, #tpu.memory_space<hbm>>
      %dma_start3A_50 = tpu.memref_squeeze %dma_start3A_49 : memref<1x80x128xi32, #tpu.memory_space<hbm>> -> memref<80x128xi32, #tpu.memory_space<hbm>>
      tpu.enqueue_dma source(%dma_start3A_50 : memref<80x128xi32, #tpu.memory_space<hbm>>) target(%arg8 : memref<80x128xi32, #tpu.memory_space<vmem>>) target_semaphore(%run_scoped3A_42 : memref<!tpu.dma_semaphore, #tpu.memory_space<semaphore_mem>>)
      %dma_wait3A_51 = arith.constant 0 : i32
      %dma_wait3A_52 = arith.constant 0 : i32
      %dma_wait3A_53 = tpu.memref_slice %arg4[%add3A, %dma_wait3A_51, %dma_wait3A_52] : memref<32x80x128xi32, #tpu.memory_space<hbm>> -> memref<1x80x128xi32, #tpu.memory_space<hbm>>
      %dma_wait3A_54 = tpu.memref_squeeze %dma_wait3A_53 : memref<1x80x128xi32, #tpu.memory_space<hbm>> -> memref<80x128xi32, #tpu.memory_space<hbm>>
      %dma_wait3A_55 = arith.constant 0 : i32
      %dma_wait3A_56 = arith.constant 0 : i32
      %dma_wait3A_57 = tpu.memref_slice %arg4[%add3A, %dma_wait3A_55, %dma_wait3A_56] : memref<32x80x128xi32, #tpu.memory_space<hbm>> -> memref<1x80x128xi32, #tpu.memory_space<hbm>>
      %dma_wait3A_58 = tpu.memref_squeeze %dma_wait3A_57 : memref<1x80x128xi32, #tpu.memory_space<hbm>> -> memref<80x128xi32, #tpu.memory_space<hbm>>
      tpu.wait_dma2 semaphore(%run_scoped3A_42 : memref<!tpu.dma_semaphore, #tpu.memory_space<semaphore_mem>>) src(%dma_wait3A_58 : memref<80x128xi32, #tpu.memory_space<hbm>>) dst(%arg8 : memref<80x128xi32, #tpu.memory_space<vmem>>)
      tpu.yield
    }) : () -> ()
    %barrier3A = arith.constant 0 : index
    tpu.barrier barrier_id(%barrier3A)
    %dma_start3A = arith.constant 0 : i32
    %dma_start3A_9 = arith.constant 0 : i32
    %dma_start3A_10 = arith.constant 0 : i32
    %dma_start3A_11 = arith.constant 0 : i32
    %dma_start3A_12 = tpu.memref_slice %arg9[%dma_start3A_9, %dma_start3A_10, %dma_start3A_11] : memref<2x128x64xf32, #tpu.memory_space<vmem>> -> memref<1x128x64xf32, #tpu.memory_space<vmem>>
    %dma_start3A_13 = tpu.memref_squeeze %dma_start3A_12 : memref<1x128x64xf32, #tpu.memory_space<vmem>> -> memref<128x64xf32, #tpu.memory_space<vmem>>
    %dma_start3A_14 = arith.constant 0 : i32
    %dma_start3A_15 = tpu.memref_slice %arg7[%dma_start3A, %dma_start3A_14] : memref<80x128xi32, #tpu.memory_space<vmem>> -> memref<1x128xi32, #tpu.memory_space<vmem>>
    %dma_start3A_16 = tpu.memref_squeeze %dma_start3A_15 : memref<1x128xi32, #tpu.memory_space<vmem>> -> memref<128xi32, #tpu.memory_space<vmem>>
    %dma_start3A_17 = arith.constant 0 : i32
    %dma_start3A_18 = arith.constant 0 : i32
    %dma_start3A_19 = tpu.memref_slice %arg11[%dma_start3A_17, %dma_start3A_18] : memref<10112x64xf32, #tpu.memory_space<vmem_shared>> -> memref<10112x64xf32, #tpu.memory_space<vmem_shared>>
    tpu.enqueue_indirect_dma source(%dma_start3A_19 : memref<10112x64xf32, #tpu.memory_space<vmem_shared>>) target(%dma_start3A_13 : memref<128x64xf32, #tpu.memory_space<vmem>>) offsets(%dma_start3A_16 : memref<128xi32, #tpu.memory_space<vmem>>) semaphore(%arg12 : memref<!tpu.dma_semaphore, #tpu.memory_space<semaphore_mem>>)
    %scan3A = arith.constant 0 : i32
    %scan3A_20 = arith.constant 0 : i32
    %scan3A_21 = arith.constant 79 : i32
    %scan3A_22 = arith.addi %scan3A_20, %scan3A_21 : i32
    %scan3A_23 = arith.constant 1 : i32
    scf.for %scan3A_42 = %scan3A_20 to %scan3A_22 step %scan3A_23  : i32 {
      %rem3A = arith.constant 2 : i32
      %rem3A_43 = arith.remsi %scan3A_42, %rem3A : i32
      %dma_wait3A_44 = arith.constant 0 : i32
      %dma_wait3A_45 = arith.constant 0 : i32
      %dma_wait3A_46 = tpu.memref_slice %arg9[%rem3A_43, %dma_wait3A_44, %dma_wait3A_45] : memref<2x128x64xf32, #tpu.memory_space<vmem>> -> memref<1x128x64xf32, #tpu.memory_space<vmem>>
      %dma_wait3A_47 = tpu.memref_squeeze %dma_wait3A_46 : memref<1x128x64xf32, #tpu.memory_space<vmem>> -> memref<128x64xf32, #tpu.memory_space<vmem>>
      %dma_wait3A_48 = arith.constant 0 : i32
      %dma_wait3A_49 = tpu.memref_slice %arg7[%scan3A_42, %dma_wait3A_48] : memref<80x128xi32, #tpu.memory_space<vmem>> -> memref<1x128xi32, #tpu.memory_space<vmem>>
      %dma_wait3A_50 = tpu.memref_squeeze %dma_wait3A_49 : memref<1x128xi32, #tpu.memory_space<vmem>> -> memref<128xi32, #tpu.memory_space<vmem>>
      %dma_wait3A_51 = arith.constant 0 : i32
      %dma_wait3A_52 = arith.constant 0 : i32
      %dma_wait3A_53 = tpu.memref_slice %arg11[%dma_wait3A_51, %dma_wait3A_52] : memref<10112x64xf32, #tpu.memory_space<vmem_shared>> -> memref<10112x64xf32, #tpu.memory_space<vmem_shared>>
      tpu.wait_indirect_dma semaphore(%arg12 : memref<!tpu.dma_semaphore, #tpu.memory_space<semaphore_mem>>) src(%dma_wait3A_53 : memref<10112x64xf32, #tpu.memory_space<vmem_shared>>) dst(%dma_wait3A_47 : memref<128x64xf32, #tpu.memory_space<vmem>>)
      %add3A_54 = arith.constant 1 : i32
      %add3A_55 = arith.addi %scan3A_42, %add3A_54 : i32
      %sub3A = arith.constant 1 : i32
      %sub3A_56 = arith.subi %sub3A, %rem3A_43 : i32
      %dma_start3A_57 = arith.constant 0 : i32
      %dma_start3A_58 = arith.constant 0 : i32
      %dma_start3A_59 = tpu.memref_slice %arg9[%sub3A_56, %dma_start3A_57, %dma_start3A_58] : memref<2x128x64xf32, #tpu.memory_space<vmem>> -> memref<1x128x64xf32, #tpu.memory_space<vmem>>
      %dma_start3A_60 = tpu.memref_squeeze %dma_start3A_59 : memref<1x128x64xf32, #tpu.memory_space<vmem>> -> memref<128x64xf32, #tpu.memory_space<vmem>>
      %dma_start3A_61 = arith.constant 0 : i32
      %dma_start3A_62 = tpu.memref_slice %arg7[%add3A_55, %dma_start3A_61] : memref<80x128xi32, #tpu.memory_space<vmem>> -> memref<1x128xi32, #tpu.memory_space<vmem>>
      %dma_start3A_63 = tpu.memref_squeeze %dma_start3A_62 : memref<1x128xi32, #tpu.memory_space<vmem>> -> memref<128xi32, #tpu.memory_space<vmem>>
      %dma_start3A_64 = arith.constant 0 : i32
      %dma_start3A_65 = arith.constant 0 : i32
      %dma_start3A_66 = tpu.memref_slice %arg11[%dma_start3A_64, %dma_start3A_65] : memref<10112x64xf32, #tpu.memory_space<vmem_shared>> -> memref<10112x64xf32, #tpu.memory_space<vmem_shared>>
      tpu.enqueue_indirect_dma source(%dma_start3A_66 : memref<10112x64xf32, #tpu.memory_space<vmem_shared>>) target(%dma_start3A_60 : memref<128x64xf32, #tpu.memory_space<vmem>>) offsets(%dma_start3A_63 : memref<128xi32, #tpu.memory_space<vmem>>) semaphore(%arg12 : memref<!tpu.dma_semaphore, #tpu.memory_space<semaphore_mem>>)
      "tpu.region"() ({
        %run_scoped3A_67 = tpu.sem_alloc : memref<!tpu.dma_semaphore, #tpu.memory_space<semaphore_mem>>
        %dma_start3A_68 = arith.constant 0 : i32
        %dma_start3A_69 = arith.constant 0 : i32
        %dma_start3A_70 = tpu.memref_slice %arg9[%rem3A_43, %dma_start3A_68, %dma_start3A_69] : memref<2x128x64xf32, #tpu.memory_space<vmem>> -> memref<1x128x64xf32, #tpu.memory_space<vmem>>
        %dma_start3A_71 = tpu.memref_squeeze %dma_start3A_70 : memref<1x128x64xf32, #tpu.memory_space<vmem>> -> memref<128x64xf32, #tpu.memory_space<vmem>>
        %dma_start3A_72 = arith.constant 0 : i32
        %dma_start3A_73 = tpu.memref_slice %arg8[%scan3A_42, %dma_start3A_72] : memref<80x128xi32, #tpu.memory_space<vmem>> -> memref<1x128xi32, #tpu.memory_space<vmem>>
        %dma_start3A_74 = tpu.memref_squeeze %dma_start3A_73 : memref<1x128xi32, #tpu.memory_space<vmem>> -> memref<128xi32, #tpu.memory_space<vmem>>
        %dma_start3A_75 = arith.constant 0 : i32
        %dma_start3A_76 = arith.constant 0 : i32
        %dma_start3A_77 = tpu.memref_slice %arg10[%dma_start3A_75, %dma_start3A_76] : memref<10112x64xf32, #tpu.memory_space<vmem_shared>> -> memref<10112x64xf32, #tpu.memory_space<vmem_shared>>
        tpu.enqueue_indirect_dma source(%dma_start3A_71 : memref<128x64xf32, #tpu.memory_space<vmem>>) target(%dma_start3A_77 : memref<10112x64xf32, #tpu.memory_space<vmem_shared>>) offsets(%dma_start3A_74 : memref<128xi32, #tpu.memory_space<vmem>>) semaphore(%run_scoped3A_67 : memref<!tpu.dma_semaphore, #tpu.memory_space<semaphore_mem>>) {add = true}
        %dma_wait3A_78 = arith.constant 0 : i32
        %dma_wait3A_79 = arith.constant 0 : i32
        %dma_wait3A_80 = tpu.memref_slice %arg9[%rem3A_43, %dma_wait3A_78, %dma_wait3A_79] : memref<2x128x64xf32, #tpu.memory_space<vmem>> -> memref<1x128x64xf32, #tpu.memory_space<vmem>>
        %dma_wait3A_81 = tpu.memref_squeeze %dma_wait3A_80 : memref<1x128x64xf32, #tpu.memory_space<vmem>> -> memref<128x64xf32, #tpu.memory_space<vmem>>
        %dma_wait3A_82 = arith.constant 0 : i32
        %dma_wait3A_83 = tpu.memref_slice %arg8[%scan3A_42, %dma_wait3A_82] : memref<80x128xi32, #tpu.memory_space<vmem>> -> memref<1x128xi32, #tpu.memory_space<vmem>>
        %dma_wait3A_84 = tpu.memref_squeeze %dma_wait3A_83 : memref<1x128xi32, #tpu.memory_space<vmem>> -> memref<128xi32, #tpu.memory_space<vmem>>
        %dma_wait3A_85 = arith.constant 0 : i32
        %dma_wait3A_86 = arith.constant 0 : i32
        %dma_wait3A_87 = tpu.memref_slice %arg10[%dma_wait3A_85, %dma_wait3A_86] : memref<10112x64xf32, #tpu.memory_space<vmem_shared>> -> memref<10112x64xf32, #tpu.memory_space<vmem_shared>>
        tpu.wait_indirect_dma semaphore(%run_scoped3A_67 : memref<!tpu.dma_semaphore, #tpu.memory_space<semaphore_mem>>) src(%dma_wait3A_81 : memref<128x64xf32, #tpu.memory_space<vmem>>) dst(%dma_wait3A_87 : memref<10112x64xf32, #tpu.memory_space<vmem_shared>>)
        tpu.yield
      }) : () -> ()
    }
    %scan3A_24 = arith.constant 79 : i32
    %dma_wait3A = arith.constant 79 : i32
    %dma_wait3A_25 = arith.constant 1 : i32
    %dma_wait3A_26 = arith.constant 0 : i32
    %dma_wait3A_27 = arith.constant 0 : i32
    %dma_wait3A_28 = tpu.memref_slice %arg9[%dma_wait3A_25, %dma_wait3A_26, %dma_wait3A_27] : memref<2x128x64xf32, #tpu.memory_space<vmem>> -> memref<1x128x64xf32, #tpu.memory_space<vmem>>
    %dma_wait3A_29 = tpu.memref_squeeze %dma_wait3A_28 : memref<1x128x64xf32, #tpu.memory_space<vmem>> -> memref<128x64xf32, #tpu.memory_space<vmem>>
    %dma_wait3A_30 = arith.constant 0 : i32
    %dma_wait3A_31 = tpu.memref_slice %arg7[%dma_wait3A, %dma_wait3A_30] : memref<80x128xi32, #tpu.memory_space<vmem>> -> memref<1x128xi32, #tpu.memory_space<vmem>>
    %dma_wait3A_32 = tpu.memref_squeeze %dma_wait3A_31 : memref<1x128xi32, #tpu.memory_space<vmem>> -> memref<128xi32, #tpu.memory_space<vmem>>
    %dma_wait3A_33 = arith.constant 0 : i32
    %dma_wait3A_34 = arith.constant 0 : i32
    %dma_wait3A_35 = tpu.memref_slice %arg11[%dma_wait3A_33, %dma_wait3A_34] : memref<10112x64xf32, #tpu.memory_space<vmem_shared>> -> memref<10112x64xf32, #tpu.memory_space<vmem_shared>>
    tpu.wait_indirect_dma semaphore(%arg12 : memref<!tpu.dma_semaphore, #tpu.memory_space<semaphore_mem>>) src(%dma_wait3A_35 : memref<10112x64xf32, #tpu.memory_space<vmem_shared>>) dst(%dma_wait3A_29 : memref<128x64xf32, #tpu.memory_space<vmem>>)
    %run_scoped3A = arith.constant 1 : i32
    %run_scoped3A_36 = arith.constant 79 : i32
    "tpu.region"() ({
      %run_scoped3A_42 = tpu.sem_alloc : memref<!tpu.dma_semaphore, #tpu.memory_space<semaphore_mem>>
      %dma_start3A_43 = arith.constant 0 : i32
      %dma_start3A_44 = arith.constant 0 : i32
      %dma_start3A_45 = tpu.memref_slice %arg9[%run_scoped3A, %dma_start3A_43, %dma_start3A_44] : memref<2x128x64xf32, #tpu.memory_space<vmem>> -> memref<1x128x64xf32, #tpu.memory_space<vmem>>
      %dma_start3A_46 = tpu.memref_squeeze %dma_start3A_45 : memref<1x128x64xf32, #tpu.memory_space<vmem>> -> memref<128x64xf32, #tpu.memory_space<vmem>>
      %dma_start3A_47 = arith.constant 0 : i32
      %dma_start3A_48 = tpu.memref_slice %arg8[%run_scoped3A_36, %dma_start3A_47] : memref<80x128xi32, #tpu.memory_space<vmem>> -> memref<1x128xi32, #tpu.memory_space<vmem>>
      %dma_start3A_49 = tpu.memref_squeeze %dma_start3A_48 : memref<1x128xi32, #tpu.memory_space<vmem>> -> memref<128xi32, #tpu.memory_space<vmem>>
      %dma_start3A_50 = arith.constant 0 : i32
      %dma_start3A_51 = arith.constant 0 : i32
      %dma_start3A_52 = tpu.memref_slice %arg10[%dma_start3A_50, %dma_start3A_51] : memref<10112x64xf32, #tpu.memory_space<vmem_shared>> -> memref<10112x64xf32, #tpu.memory_space<vmem_shared>>
      tpu.enqueue_indirect_dma source(%dma_start3A_46 : memref<128x64xf32, #tpu.memory_space<vmem>>) target(%dma_start3A_52 : memref<10112x64xf32, #tpu.memory_space<vmem_shared>>) offsets(%dma_start3A_49 : memref<128xi32, #tpu.memory_space<vmem>>) semaphore(%run_scoped3A_42 : memref<!tpu.dma_semaphore, #tpu.memory_space<semaphore_mem>>) {add = true}
      %dma_wait3A_53 = arith.constant 0 : i32
      %dma_wait3A_54 = arith.constant 0 : i32
      %dma_wait3A_55 = tpu.memref_slice %arg9[%run_scoped3A, %dma_wait3A_53, %dma_wait3A_54] : memref<2x128x64xf32, #tpu.memory_space<vmem>> -> memref<1x128x64xf32, #tpu.memory_space<vmem>>
      %dma_wait3A_56 = tpu.memref_squeeze %dma_wait3A_55 : memref<1x128x64xf32, #tpu.memory_space<vmem>> -> memref<128x64xf32, #tpu.memory_space<vmem>>
      %dma_wait3A_57 = arith.constant 0 : i32
      %dma_wait3A_58 = tpu.memref_slice %arg8[%run_scoped3A_36, %dma_wait3A_57] : memref<80x128xi32, #tpu.memory_space<vmem>> -> memref<1x128xi32, #tpu.memory_space<vmem>>
      %dma_wait3A_59 = tpu.memref_squeeze %dma_wait3A_58 : memref<1x128xi32, #tpu.memory_space<vmem>> -> memref<128xi32, #tpu.memory_space<vmem>>
      %dma_wait3A_60 = arith.constant 0 : i32
      %dma_wait3A_61 = arith.constant 0 : i32
      %dma_wait3A_62 = tpu.memref_slice %arg10[%dma_wait3A_60, %dma_wait3A_61] : memref<10112x64xf32, #tpu.memory_space<vmem_shared>> -> memref<10112x64xf32, #tpu.memory_space<vmem_shared>>
      tpu.wait_indirect_dma semaphore(%run_scoped3A_42 : memref<!tpu.dma_semaphore, #tpu.memory_space<semaphore_mem>>) src(%dma_wait3A_56 : memref<128x64xf32, #tpu.memory_space<vmem>>) dst(%dma_wait3A_62 : memref<10112x64xf32, #tpu.memory_space<vmem_shared>>)
      tpu.yield
    }) : () -> ()
    %barrier3A_37 = arith.constant 0 : index
    tpu.barrier barrier_id(%barrier3A_37)
    %mul3A_38 = arith.constant 632 : i32
    %mul3A_39 = arith.muli %arg1, %mul3A_38 : i32
    %mul3A_40 = arith.constant 632 : i32
    %mul3A_41 = arith.muli %arg1, %mul3A_40 : i32
    "tpu.region"() ({
      %run_scoped3A_42 = tpu.sem_alloc : memref<!tpu.dma_semaphore, #tpu.memory_space<semaphore_mem>>
      %dma_start3A_43 = arith.constant 0 : i32
      %dma_start3A_44 = tpu.memref_slice %arg6[%arg0, %mul3A_41, %dma_start3A_43] : memref<2x10112x64xf32, #tpu.memory_space<hbm>> -> memref<1x632x64xf32, #tpu.memory_space<hbm>>
      %dma_start3A_45 = tpu.memref_squeeze %dma_start3A_44 : memref<1x632x64xf32, #tpu.memory_space<hbm>> -> memref<632x64xf32, #tpu.memory_space<hbm>>
      %dma_start3A_46 = arith.constant 0 : i32
      %dma_start3A_47 = tpu.memref_slice %arg10[%mul3A_39, %dma_start3A_46] : memref<10112x64xf32, #tpu.memory_space<vmem_shared>> -> memref<632x64xf32, #tpu.memory_space<vmem_shared>>
      tpu.enqueue_dma source(%dma_start3A_47 : memref<632x64xf32, #tpu.memory_space<vmem_shared>>) target(%dma_start3A_45 : memref<632x64xf32, #tpu.memory_space<hbm>>) target_semaphore(%run_scoped3A_42 : memref<!tpu.dma_semaphore, #tpu.memory_space<semaphore_mem>>)
      %dma_wait3A_48 = arith.constant 0 : i32
      %dma_wait3A_49 = tpu.memref_slice %arg6[%arg0, %mul3A_41, %dma_wait3A_48] : memref<2x10112x64xf32, #tpu.memory_space<hbm>> -> memref<1x632x64xf32, #tpu.memory_space<hbm>>
      %dma_wait3A_50 = tpu.memref_squeeze %dma_wait3A_49 : memref<1x632x64xf32, #tpu.memory_space<hbm>> -> memref<632x64xf32, #tpu.memory_space<hbm>>
      %dma_wait3A_51 = arith.constant 0 : i32
      %dma_wait3A_52 = tpu.memref_slice %arg10[%mul3A_39, %dma_wait3A_51] : memref<10112x64xf32, #tpu.memory_space<vmem_shared>> -> memref<632x64xf32, #tpu.memory_space<vmem_shared>>
      tpu.wait_dma2 semaphore(%run_scoped3A_42 : memref<!tpu.dma_semaphore, #tpu.memory_space<semaphore_mem>>) src(%dma_wait3A_52 : memref<632x64xf32, #tpu.memory_space<vmem_shared>>) dst(%dma_wait3A_50 : memref<632x64xf32, #tpu.memory_space<hbm>>)
      tpu.yield
    }) : () -> ()
    return
  }
}

#map = affine_map<(d0, d1) -> (0, 0)>
#map1 = affine_map<(d0, d1) -> (0, 0, 0)>
module attributes {stable_mosaic.version = 14 : i64} {
  func.func @_agg_body(%arg0: i32, %arg1: i32, %arg2: memref<10112x64xf32, #tpu.memory_space<hbm>>, %arg3: memref<32x80x128xi32, #tpu.memory_space<hbm>>, %arg4: memref<32x80x128xi32, #tpu.memory_space<hbm>>, %arg5: memref<10112x64xf32, #tpu.memory_space<hbm>>, %arg6: memref<2x10112x64xf32, #tpu.memory_space<hbm>>, %arg7: memref<80x128xi32, #tpu.memory_space<vmem>>, %arg8: memref<80x128xi32, #tpu.memory_space<vmem>>, %arg9: memref<2x128x64xf32, #tpu.memory_space<vmem>>, %arg10: memref<10112x64xf32, #tpu.memory_space<vmem_shared>>, %arg11: memref<10112x64xf32, #tpu.memory_space<vmem_shared>>, %arg12: memref<!tpu.dma_semaphore, #tpu.memory_space<semaphore_mem>>) attributes {dimension_semantics = [#tpu.dimension_semantics<core_parallel>, #tpu.dimension_semantics<subcore_parallel>], iteration_bounds = array<i64: 2, 16>, scalar_prefetch = 0 : i64, scratch_operands = 6 : i64, tpu.core_type = #tpu.core_type<sc_vector_subcore>, window_params = [{transform_indices = #map}, {transform_indices = #map1}, {transform_indices = #map1}, {transform_indices = #map}, {transform_indices = #map1}]} {
    %mul3A = arith.constant 16 : i32
    %mul3A_0 = arith.muli %arg0, %mul3A : i32
    %add3A = arith.addi %mul3A_0, %arg1 : i32
    %mul3A_1 = arith.constant 632 : i32
    %mul3A_2 = arith.muli %arg1, %mul3A_1 : i32
    %mul3A_3 = arith.constant 632 : i32
    %mul3A_4 = arith.muli %arg1, %mul3A_3 : i32
    "tpu.region"() ({
      %run_scoped3A_42 = tpu.sem_alloc : memref<!tpu.dma_semaphore, #tpu.memory_space<semaphore_mem>>
      %dma_start3A_43 = arith.constant 0 : i32
      %dma_start3A_44 = tpu.memref_slice %arg10[%mul3A_4, %dma_start3A_43] : memref<10112x64xf32, #tpu.memory_space<vmem_shared>> -> memref<632x64xf32, #tpu.memory_space<vmem_shared>>
      %dma_start3A_45 = arith.constant 0 : i32
      %dma_start3A_46 = tpu.memref_slice %arg5[%mul3A_2, %dma_start3A_45] : memref<10112x64xf32, #tpu.memory_space<hbm>> -> memref<632x64xf32, #tpu.memory_space<hbm>>
      tpu.enqueue_dma source(%dma_start3A_46 : memref<632x64xf32, #tpu.memory_space<hbm>>) target(%dma_start3A_44 : memref<632x64xf32, #tpu.memory_space<vmem_shared>>) target_semaphore(%run_scoped3A_42 : memref<!tpu.dma_semaphore, #tpu.memory_space<semaphore_mem>>)
      %dma_wait3A_47 = arith.constant 0 : i32
      %dma_wait3A_48 = tpu.memref_slice %arg10[%mul3A_4, %dma_wait3A_47] : memref<10112x64xf32, #tpu.memory_space<vmem_shared>> -> memref<632x64xf32, #tpu.memory_space<vmem_shared>>
      %dma_wait3A_49 = arith.constant 0 : i32
      %dma_wait3A_50 = tpu.memref_slice %arg5[%mul3A_2, %dma_wait3A_49] : memref<10112x64xf32, #tpu.memory_space<hbm>> -> memref<632x64xf32, #tpu.memory_space<hbm>>
      tpu.wait_dma2 semaphore(%run_scoped3A_42 : memref<!tpu.dma_semaphore, #tpu.memory_space<semaphore_mem>>) src(%dma_wait3A_50 : memref<632x64xf32, #tpu.memory_space<hbm>>) dst(%dma_wait3A_48 : memref<632x64xf32, #tpu.memory_space<vmem_shared>>)
      tpu.yield
    }) : () -> ()
    %mul3A_5 = arith.constant 632 : i32
    %mul3A_6 = arith.muli %arg1, %mul3A_5 : i32
    %mul3A_7 = arith.constant 632 : i32
    %mul3A_8 = arith.muli %arg1, %mul3A_7 : i32
    "tpu.region"() ({
      %run_scoped3A_42 = tpu.sem_alloc : memref<!tpu.dma_semaphore, #tpu.memory_space<semaphore_mem>>
      %dma_start3A_43 = arith.constant 0 : i32
      %dma_start3A_44 = tpu.memref_slice %arg11[%mul3A_8, %dma_start3A_43] : memref<10112x64xf32, #tpu.memory_space<vmem_shared>> -> memref<632x64xf32, #tpu.memory_space<vmem_shared>>
      %dma_start3A_45 = arith.constant 0 : i32
      %dma_start3A_46 = tpu.memref_slice %arg2[%mul3A_6, %dma_start3A_45] : memref<10112x64xf32, #tpu.memory_space<hbm>> -> memref<632x64xf32, #tpu.memory_space<hbm>>
      tpu.enqueue_dma source(%dma_start3A_46 : memref<632x64xf32, #tpu.memory_space<hbm>>) target(%dma_start3A_44 : memref<632x64xf32, #tpu.memory_space<vmem_shared>>) target_semaphore(%run_scoped3A_42 : memref<!tpu.dma_semaphore, #tpu.memory_space<semaphore_mem>>)
      %dma_wait3A_47 = arith.constant 0 : i32
      %dma_wait3A_48 = tpu.memref_slice %arg11[%mul3A_8, %dma_wait3A_47] : memref<10112x64xf32, #tpu.memory_space<vmem_shared>> -> memref<632x64xf32, #tpu.memory_space<vmem_shared>>
      %dma_wait3A_49 = arith.constant 0 : i32
      %dma_wait3A_50 = tpu.memref_slice %arg2[%mul3A_6, %dma_wait3A_49] : memref<10112x64xf32, #tpu.memory_space<hbm>> -> memref<632x64xf32, #tpu.memory_space<hbm>>
      tpu.wait_dma2 semaphore(%run_scoped3A_42 : memref<!tpu.dma_semaphore, #tpu.memory_space<semaphore_mem>>) src(%dma_wait3A_50 : memref<632x64xf32, #tpu.memory_space<hbm>>) dst(%dma_wait3A_48 : memref<632x64xf32, #tpu.memory_space<vmem_shared>>)
      tpu.yield
    }) : () -> ()
    "tpu.region"() ({
      %run_scoped3A_42 = tpu.sem_alloc : memref<!tpu.dma_semaphore, #tpu.memory_space<semaphore_mem>>
      %dma_start3A_43 = arith.constant 0 : i32
      %dma_start3A_44 = arith.constant 0 : i32
      %dma_start3A_45 = tpu.memref_slice %arg3[%add3A, %dma_start3A_43, %dma_start3A_44] : memref<32x80x128xi32, #tpu.memory_space<hbm>> -> memref<1x80x128xi32, #tpu.memory_space<hbm>>
      %dma_start3A_46 = tpu.memref_squeeze %dma_start3A_45 : memref<1x80x128xi32, #tpu.memory_space<hbm>> -> memref<80x128xi32, #tpu.memory_space<hbm>>
      %dma_start3A_47 = arith.constant 0 : i32
      %dma_start3A_48 = arith.constant 0 : i32
      %dma_start3A_49 = tpu.memref_slice %arg3[%add3A, %dma_start3A_47, %dma_start3A_48] : memref<32x80x128xi32, #tpu.memory_space<hbm>> -> memref<1x80x128xi32, #tpu.memory_space<hbm>>
      %dma_start3A_50 = tpu.memref_squeeze %dma_start3A_49 : memref<1x80x128xi32, #tpu.memory_space<hbm>> -> memref<80x128xi32, #tpu.memory_space<hbm>>
      tpu.enqueue_dma source(%dma_start3A_50 : memref<80x128xi32, #tpu.memory_space<hbm>>) target(%arg7 : memref<80x128xi32, #tpu.memory_space<vmem>>) target_semaphore(%run_scoped3A_42 : memref<!tpu.dma_semaphore, #tpu.memory_space<semaphore_mem>>)
      %dma_wait3A_51 = arith.constant 0 : i32
      %dma_wait3A_52 = arith.constant 0 : i32
      %dma_wait3A_53 = tpu.memref_slice %arg3[%add3A, %dma_wait3A_51, %dma_wait3A_52] : memref<32x80x128xi32, #tpu.memory_space<hbm>> -> memref<1x80x128xi32, #tpu.memory_space<hbm>>
      %dma_wait3A_54 = tpu.memref_squeeze %dma_wait3A_53 : memref<1x80x128xi32, #tpu.memory_space<hbm>> -> memref<80x128xi32, #tpu.memory_space<hbm>>
      %dma_wait3A_55 = arith.constant 0 : i32
      %dma_wait3A_56 = arith.constant 0 : i32
      %dma_wait3A_57 = tpu.memref_slice %arg3[%add3A, %dma_wait3A_55, %dma_wait3A_56] : memref<32x80x128xi32, #tpu.memory_space<hbm>> -> memref<1x80x128xi32, #tpu.memory_space<hbm>>
      %dma_wait3A_58 = tpu.memref_squeeze %dma_wait3A_57 : memref<1x80x128xi32, #tpu.memory_space<hbm>> -> memref<80x128xi32, #tpu.memory_space<hbm>>
      tpu.wait_dma2 semaphore(%run_scoped3A_42 : memref<!tpu.dma_semaphore, #tpu.memory_space<semaphore_mem>>) src(%dma_wait3A_58 : memref<80x128xi32, #tpu.memory_space<hbm>>) dst(%arg7 : memref<80x128xi32, #tpu.memory_space<vmem>>)
      tpu.yield
    }) : () -> ()
    "tpu.region"() ({
      %run_scoped3A_42 = tpu.sem_alloc : memref<!tpu.dma_semaphore, #tpu.memory_space<semaphore_mem>>
      %dma_start3A_43 = arith.constant 0 : i32
      %dma_start3A_44 = arith.constant 0 : i32
      %dma_start3A_45 = tpu.memref_slice %arg4[%add3A, %dma_start3A_43, %dma_start3A_44] : memref<32x80x128xi32, #tpu.memory_space<hbm>> -> memref<1x80x128xi32, #tpu.memory_space<hbm>>
      %dma_start3A_46 = tpu.memref_squeeze %dma_start3A_45 : memref<1x80x128xi32, #tpu.memory_space<hbm>> -> memref<80x128xi32, #tpu.memory_space<hbm>>
      %dma_start3A_47 = arith.constant 0 : i32
      %dma_start3A_48 = arith.constant 0 : i32
      %dma_start3A_49 = tpu.memref_slice %arg4[%add3A, %dma_start3A_47, %dma_start3A_48] : memref<32x80x128xi32, #tpu.memory_space<hbm>> -> memref<1x80x128xi32, #tpu.memory_space<hbm>>
      %dma_start3A_50 = tpu.memref_squeeze %dma_start3A_49 : memref<1x80x128xi32, #tpu.memory_space<hbm>> -> memref<80x128xi32, #tpu.memory_space<hbm>>
      tpu.enqueue_dma source(%dma_start3A_50 : memref<80x128xi32, #tpu.memory_space<hbm>>) target(%arg8 : memref<80x128xi32, #tpu.memory_space<vmem>>) target_semaphore(%run_scoped3A_42 : memref<!tpu.dma_semaphore, #tpu.memory_space<semaphore_mem>>)
      %dma_wait3A_51 = arith.constant 0 : i32
      %dma_wait3A_52 = arith.constant 0 : i32
      %dma_wait3A_53 = tpu.memref_slice %arg4[%add3A, %dma_wait3A_51, %dma_wait3A_52] : memref<32x80x128xi32, #tpu.memory_space<hbm>> -> memref<1x80x128xi32, #tpu.memory_space<hbm>>
      %dma_wait3A_54 = tpu.memref_squeeze %dma_wait3A_53 : memref<1x80x128xi32, #tpu.memory_space<hbm>> -> memref<80x128xi32, #tpu.memory_space<hbm>>
      %dma_wait3A_55 = arith.constant 0 : i32
      %dma_wait3A_56 = arith.constant 0 : i32
      %dma_wait3A_57 = tpu.memref_slice %arg4[%add3A, %dma_wait3A_55, %dma_wait3A_56] : memref<32x80x128xi32, #tpu.memory_space<hbm>> -> memref<1x80x128xi32, #tpu.memory_space<hbm>>
      %dma_wait3A_58 = tpu.memref_squeeze %dma_wait3A_57 : memref<1x80x128xi32, #tpu.memory_space<hbm>> -> memref<80x128xi32, #tpu.memory_space<hbm>>
      tpu.wait_dma2 semaphore(%run_scoped3A_42 : memref<!tpu.dma_semaphore, #tpu.memory_space<semaphore_mem>>) src(%dma_wait3A_58 : memref<80x128xi32, #tpu.memory_space<hbm>>) dst(%arg8 : memref<80x128xi32, #tpu.memory_space<vmem>>)
      tpu.yield
    }) : () -> ()
    %barrier3A = arith.constant 0 : index
    tpu.barrier barrier_id(%barrier3A)
    %dma_start3A = arith.constant 0 : i32
    %dma_start3A_9 = arith.constant 0 : i32
    %dma_start3A_10 = arith.constant 0 : i32
    %dma_start3A_11 = arith.constant 0 : i32
    %dma_start3A_12 = tpu.memref_slice %arg9[%dma_start3A_9, %dma_start3A_10, %dma_start3A_11] : memref<2x128x64xf32, #tpu.memory_space<vmem>> -> memref<1x128x64xf32, #tpu.memory_space<vmem>>
    %dma_start3A_13 = tpu.memref_squeeze %dma_start3A_12 : memref<1x128x64xf32, #tpu.memory_space<vmem>> -> memref<128x64xf32, #tpu.memory_space<vmem>>
    %dma_start3A_14 = arith.constant 0 : i32
    %dma_start3A_15 = tpu.memref_slice %arg7[%dma_start3A, %dma_start3A_14] : memref<80x128xi32, #tpu.memory_space<vmem>> -> memref<1x128xi32, #tpu.memory_space<vmem>>
    %dma_start3A_16 = tpu.memref_squeeze %dma_start3A_15 : memref<1x128xi32, #tpu.memory_space<vmem>> -> memref<128xi32, #tpu.memory_space<vmem>>
    %dma_start3A_17 = arith.constant 0 : i32
    %dma_start3A_18 = arith.constant 0 : i32
    %dma_start3A_19 = tpu.memref_slice %arg11[%dma_start3A_17, %dma_start3A_18] : memref<10112x64xf32, #tpu.memory_space<vmem_shared>> -> memref<10112x64xf32, #tpu.memory_space<vmem_shared>>
    tpu.enqueue_indirect_dma source(%dma_start3A_19 : memref<10112x64xf32, #tpu.memory_space<vmem_shared>>) target(%dma_start3A_13 : memref<128x64xf32, #tpu.memory_space<vmem>>) offsets(%dma_start3A_16 : memref<128xi32, #tpu.memory_space<vmem>>) semaphore(%arg12 : memref<!tpu.dma_semaphore, #tpu.memory_space<semaphore_mem>>)
    %scan3A = arith.constant 0 : i32
    %scan3A_20 = arith.constant 0 : i32
    %scan3A_21 = arith.constant 79 : i32
    %scan3A_22 = arith.addi %scan3A_20, %scan3A_21 : i32
    %scan3A_23 = arith.constant 1 : i32
    scf.for %scan3A_42 = %scan3A_20 to %scan3A_22 step %scan3A_23  : i32 {
      %rem3A = arith.constant 2 : i32
      %rem3A_43 = arith.remsi %scan3A_42, %rem3A : i32
      %dma_wait3A_44 = arith.constant 0 : i32
      %dma_wait3A_45 = arith.constant 0 : i32
      %dma_wait3A_46 = tpu.memref_slice %arg9[%rem3A_43, %dma_wait3A_44, %dma_wait3A_45] : memref<2x128x64xf32, #tpu.memory_space<vmem>> -> memref<1x128x64xf32, #tpu.memory_space<vmem>>
      %dma_wait3A_47 = tpu.memref_squeeze %dma_wait3A_46 : memref<1x128x64xf32, #tpu.memory_space<vmem>> -> memref<128x64xf32, #tpu.memory_space<vmem>>
      %dma_wait3A_48 = arith.constant 0 : i32
      %dma_wait3A_49 = tpu.memref_slice %arg7[%scan3A_42, %dma_wait3A_48] : memref<80x128xi32, #tpu.memory_space<vmem>> -> memref<1x128xi32, #tpu.memory_space<vmem>>
      %dma_wait3A_50 = tpu.memref_squeeze %dma_wait3A_49 : memref<1x128xi32, #tpu.memory_space<vmem>> -> memref<128xi32, #tpu.memory_space<vmem>>
      %dma_wait3A_51 = arith.constant 0 : i32
      %dma_wait3A_52 = arith.constant 0 : i32
      %dma_wait3A_53 = tpu.memref_slice %arg11[%dma_wait3A_51, %dma_wait3A_52] : memref<10112x64xf32, #tpu.memory_space<vmem_shared>> -> memref<10112x64xf32, #tpu.memory_space<vmem_shared>>
      tpu.wait_indirect_dma semaphore(%arg12 : memref<!tpu.dma_semaphore, #tpu.memory_space<semaphore_mem>>) src(%dma_wait3A_53 : memref<10112x64xf32, #tpu.memory_space<vmem_shared>>) dst(%dma_wait3A_47 : memref<128x64xf32, #tpu.memory_space<vmem>>)
      %add3A_54 = arith.constant 1 : i32
      %add3A_55 = arith.addi %scan3A_42, %add3A_54 : i32
      %sub3A = arith.constant 1 : i32
      %sub3A_56 = arith.subi %sub3A, %rem3A_43 : i32
      %dma_start3A_57 = arith.constant 0 : i32
      %dma_start3A_58 = arith.constant 0 : i32
      %dma_start3A_59 = tpu.memref_slice %arg9[%sub3A_56, %dma_start3A_57, %dma_start3A_58] : memref<2x128x64xf32, #tpu.memory_space<vmem>> -> memref<1x128x64xf32, #tpu.memory_space<vmem>>
      %dma_start3A_60 = tpu.memref_squeeze %dma_start3A_59 : memref<1x128x64xf32, #tpu.memory_space<vmem>> -> memref<128x64xf32, #tpu.memory_space<vmem>>
      %dma_start3A_61 = arith.constant 0 : i32
      %dma_start3A_62 = tpu.memref_slice %arg7[%add3A_55, %dma_start3A_61] : memref<80x128xi32, #tpu.memory_space<vmem>> -> memref<1x128xi32, #tpu.memory_space<vmem>>
      %dma_start3A_63 = tpu.memref_squeeze %dma_start3A_62 : memref<1x128xi32, #tpu.memory_space<vmem>> -> memref<128xi32, #tpu.memory_space<vmem>>
      %dma_start3A_64 = arith.constant 0 : i32
      %dma_start3A_65 = arith.constant 0 : i32
      %dma_start3A_66 = tpu.memref_slice %arg11[%dma_start3A_64, %dma_start3A_65] : memref<10112x64xf32, #tpu.memory_space<vmem_shared>> -> memref<10112x64xf32, #tpu.memory_space<vmem_shared>>
      tpu.enqueue_indirect_dma source(%dma_start3A_66 : memref<10112x64xf32, #tpu.memory_space<vmem_shared>>) target(%dma_start3A_60 : memref<128x64xf32, #tpu.memory_space<vmem>>) offsets(%dma_start3A_63 : memref<128xi32, #tpu.memory_space<vmem>>) semaphore(%arg12 : memref<!tpu.dma_semaphore, #tpu.memory_space<semaphore_mem>>)
      "tpu.region"() ({
        %run_scoped3A_67 = tpu.sem_alloc : memref<!tpu.dma_semaphore, #tpu.memory_space<semaphore_mem>>
        %dma_start3A_68 = arith.constant 0 : i32
        %dma_start3A_69 = arith.constant 0 : i32
        %dma_start3A_70 = tpu.memref_slice %arg9[%rem3A_43, %dma_start3A_68, %dma_start3A_69] : memref<2x128x64xf32, #tpu.memory_space<vmem>> -> memref<1x128x64xf32, #tpu.memory_space<vmem>>
        %dma_start3A_71 = tpu.memref_squeeze %dma_start3A_70 : memref<1x128x64xf32, #tpu.memory_space<vmem>> -> memref<128x64xf32, #tpu.memory_space<vmem>>
        %dma_start3A_72 = arith.constant 0 : i32
        %dma_start3A_73 = tpu.memref_slice %arg8[%scan3A_42, %dma_start3A_72] : memref<80x128xi32, #tpu.memory_space<vmem>> -> memref<1x128xi32, #tpu.memory_space<vmem>>
        %dma_start3A_74 = tpu.memref_squeeze %dma_start3A_73 : memref<1x128xi32, #tpu.memory_space<vmem>> -> memref<128xi32, #tpu.memory_space<vmem>>
        %dma_start3A_75 = arith.constant 0 : i32
        %dma_start3A_76 = arith.constant 0 : i32
        %dma_start3A_77 = tpu.memref_slice %arg10[%dma_start3A_75, %dma_start3A_76] : memref<10112x64xf32, #tpu.memory_space<vmem_shared>> -> memref<10112x64xf32, #tpu.memory_space<vmem_shared>>
        tpu.enqueue_indirect_dma source(%dma_start3A_71 : memref<128x64xf32, #tpu.memory_space<vmem>>) target(%dma_start3A_77 : memref<10112x64xf32, #tpu.memory_space<vmem_shared>>) offsets(%dma_start3A_74 : memref<128xi32, #tpu.memory_space<vmem>>) semaphore(%run_scoped3A_67 : memref<!tpu.dma_semaphore, #tpu.memory_space<semaphore_mem>>) {add = true}
        %dma_wait3A_78 = arith.constant 0 : i32
        %dma_wait3A_79 = arith.constant 0 : i32
        %dma_wait3A_80 = tpu.memref_slice %arg9[%rem3A_43, %dma_wait3A_78, %dma_wait3A_79] : memref<2x128x64xf32, #tpu.memory_space<vmem>> -> memref<1x128x64xf32, #tpu.memory_space<vmem>>
        %dma_wait3A_81 = tpu.memref_squeeze %dma_wait3A_80 : memref<1x128x64xf32, #tpu.memory_space<vmem>> -> memref<128x64xf32, #tpu.memory_space<vmem>>
        %dma_wait3A_82 = arith.constant 0 : i32
        %dma_wait3A_83 = tpu.memref_slice %arg8[%scan3A_42, %dma_wait3A_82] : memref<80x128xi32, #tpu.memory_space<vmem>> -> memref<1x128xi32, #tpu.memory_space<vmem>>
        %dma_wait3A_84 = tpu.memref_squeeze %dma_wait3A_83 : memref<1x128xi32, #tpu.memory_space<vmem>> -> memref<128xi32, #tpu.memory_space<vmem>>
        %dma_wait3A_85 = arith.constant 0 : i32
        %dma_wait3A_86 = arith.constant 0 : i32
        %dma_wait3A_87 = tpu.memref_slice %arg10[%dma_wait3A_85, %dma_wait3A_86] : memref<10112x64xf32, #tpu.memory_space<vmem_shared>> -> memref<10112x64xf32, #tpu.memory_space<vmem_shared>>
        tpu.wait_indirect_dma semaphore(%run_scoped3A_67 : memref<!tpu.dma_semaphore, #tpu.memory_space<semaphore_mem>>) src(%dma_wait3A_81 : memref<128x64xf32, #tpu.memory_space<vmem>>) dst(%dma_wait3A_87 : memref<10112x64xf32, #tpu.memory_space<vmem_shared>>)
        tpu.yield
      }) : () -> ()
    }
    %scan3A_24 = arith.constant 79 : i32
    %dma_wait3A = arith.constant 79 : i32
    %dma_wait3A_25 = arith.constant 1 : i32
    %dma_wait3A_26 = arith.constant 0 : i32
    %dma_wait3A_27 = arith.constant 0 : i32
    %dma_wait3A_28 = tpu.memref_slice %arg9[%dma_wait3A_25, %dma_wait3A_26, %dma_wait3A_27] : memref<2x128x64xf32, #tpu.memory_space<vmem>> -> memref<1x128x64xf32, #tpu.memory_space<vmem>>
    %dma_wait3A_29 = tpu.memref_squeeze %dma_wait3A_28 : memref<1x128x64xf32, #tpu.memory_space<vmem>> -> memref<128x64xf32, #tpu.memory_space<vmem>>
    %dma_wait3A_30 = arith.constant 0 : i32
    %dma_wait3A_31 = tpu.memref_slice %arg7[%dma_wait3A, %dma_wait3A_30] : memref<80x128xi32, #tpu.memory_space<vmem>> -> memref<1x128xi32, #tpu.memory_space<vmem>>
    %dma_wait3A_32 = tpu.memref_squeeze %dma_wait3A_31 : memref<1x128xi32, #tpu.memory_space<vmem>> -> memref<128xi32, #tpu.memory_space<vmem>>
    %dma_wait3A_33 = arith.constant 0 : i32
    %dma_wait3A_34 = arith.constant 0 : i32
    %dma_wait3A_35 = tpu.memref_slice %arg11[%dma_wait3A_33, %dma_wait3A_34] : memref<10112x64xf32, #tpu.memory_space<vmem_shared>> -> memref<10112x64xf32, #tpu.memory_space<vmem_shared>>
    tpu.wait_indirect_dma semaphore(%arg12 : memref<!tpu.dma_semaphore, #tpu.memory_space<semaphore_mem>>) src(%dma_wait3A_35 : memref<10112x64xf32, #tpu.memory_space<vmem_shared>>) dst(%dma_wait3A_29 : memref<128x64xf32, #tpu.memory_space<vmem>>)
    %run_scoped3A = arith.constant 1 : i32
    %run_scoped3A_36 = arith.constant 79 : i32
    "tpu.region"() ({
      %run_scoped3A_42 = tpu.sem_alloc : memref<!tpu.dma_semaphore, #tpu.memory_space<semaphore_mem>>
      %dma_start3A_43 = arith.constant 0 : i32
      %dma_start3A_44 = arith.constant 0 : i32
      %dma_start3A_45 = tpu.memref_slice %arg9[%run_scoped3A, %dma_start3A_43, %dma_start3A_44] : memref<2x128x64xf32, #tpu.memory_space<vmem>> -> memref<1x128x64xf32, #tpu.memory_space<vmem>>
      %dma_start3A_46 = tpu.memref_squeeze %dma_start3A_45 : memref<1x128x64xf32, #tpu.memory_space<vmem>> -> memref<128x64xf32, #tpu.memory_space<vmem>>
      %dma_start3A_47 = arith.constant 0 : i32
      %dma_start3A_48 = tpu.memref_slice %arg8[%run_scoped3A_36, %dma_start3A_47] : memref<80x128xi32, #tpu.memory_space<vmem>> -> memref<1x128xi32, #tpu.memory_space<vmem>>
      %dma_start3A_49 = tpu.memref_squeeze %dma_start3A_48 : memref<1x128xi32, #tpu.memory_space<vmem>> -> memref<128xi32, #tpu.memory_space<vmem>>
      %dma_start3A_50 = arith.constant 0 : i32
      %dma_start3A_51 = arith.constant 0 : i32
      %dma_start3A_52 = tpu.memref_slice %arg10[%dma_start3A_50, %dma_start3A_51] : memref<10112x64xf32, #tpu.memory_space<vmem_shared>> -> memref<10112x64xf32, #tpu.memory_space<vmem_shared>>
      tpu.enqueue_indirect_dma source(%dma_start3A_46 : memref<128x64xf32, #tpu.memory_space<vmem>>) target(%dma_start3A_52 : memref<10112x64xf32, #tpu.memory_space<vmem_shared>>) offsets(%dma_start3A_49 : memref<128xi32, #tpu.memory_space<vmem>>) semaphore(%run_scoped3A_42 : memref<!tpu.dma_semaphore, #tpu.memory_space<semaphore_mem>>) {add = true}
      %dma_wait3A_53 = arith.constant 0 : i32
      %dma_wait3A_54 = arith.constant 0 : i32
      %dma_wait3A_55 = tpu.memref_slice %arg9[%run_scoped3A, %dma_wait3A_53, %dma_wait3A_54] : memref<2x128x64xf32, #tpu.memory_space<vmem>> -> memref<1x128x64xf32, #tpu.memory_space<vmem>>
      %dma_wait3A_56 = tpu.memref_squeeze %dma_wait3A_55 : memref<1x128x64xf32, #tpu.memory_space<vmem>> -> memref<128x64xf32, #tpu.memory_space<vmem>>
      %dma_wait3A_57 = arith.constant 0 : i32
      %dma_wait3A_58 = tpu.memref_slice %arg8[%run_scoped3A_36, %dma_wait3A_57] : memref<80x128xi32, #tpu.memory_space<vmem>> -> memref<1x128xi32, #tpu.memory_space<vmem>>
      %dma_wait3A_59 = tpu.memref_squeeze %dma_wait3A_58 : memref<1x128xi32, #tpu.memory_space<vmem>> -> memref<128xi32, #tpu.memory_space<vmem>>
      %dma_wait3A_60 = arith.constant 0 : i32
      %dma_wait3A_61 = arith.constant 0 : i32
      %dma_wait3A_62 = tpu.memref_slice %arg10[%dma_wait3A_60, %dma_wait3A_61] : memref<10112x64xf32, #tpu.memory_space<vmem_shared>> -> memref<10112x64xf32, #tpu.memory_space<vmem_shared>>
      tpu.wait_indirect_dma semaphore(%run_scoped3A_42 : memref<!tpu.dma_semaphore, #tpu.memory_space<semaphore_mem>>) src(%dma_wait3A_56 : memref<128x64xf32, #tpu.memory_space<vmem>>) dst(%dma_wait3A_62 : memref<10112x64xf32, #tpu.memory_space<vmem_shared>>)
      tpu.yield
    }) : () -> ()
    %barrier3A_37 = arith.constant 0 : index
    tpu.barrier barrier_id(%barrier3A_37)
    %mul3A_38 = arith.constant 632 : i32
    %mul3A_39 = arith.muli %arg1, %mul3A_38 : i32
    %mul3A_40 = arith.constant 632 : i32
    %mul3A_41 = arith.muli %arg1, %mul3A_40 : i32
    "tpu.region"() ({
      %run_scoped3A_42 = tpu.sem_alloc : memref<!tpu.dma_semaphore, #tpu.memory_space<semaphore_mem>>
      %dma_start3A_43 = arith.constant 0 : i32
      %dma_start3A_44 = tpu.memref_slice %arg6[%arg0, %mul3A_41, %dma_start3A_43] : memref<2x10112x64xf32, #tpu.memory_space<hbm>> -> memref<1x632x64xf32, #tpu.memory_space<hbm>>
      %dma_start3A_45 = tpu.memref_squeeze %dma_start3A_44 : memref<1x632x64xf32, #tpu.memory_space<hbm>> -> memref<632x64xf32, #tpu.memory_space<hbm>>
      %dma_start3A_46 = arith.constant 0 : i32
      %dma_start3A_47 = tpu.memref_slice %arg10[%mul3A_39, %dma_start3A_46] : memref<10112x64xf32, #tpu.memory_space<vmem_shared>> -> memref<632x64xf32, #tpu.memory_space<vmem_shared>>
      tpu.enqueue_dma source(%dma_start3A_47 : memref<632x64xf32, #tpu.memory_space<vmem_shared>>) target(%dma_start3A_45 : memref<632x64xf32, #tpu.memory_space<hbm>>) target_semaphore(%run_scoped3A_42 : memref<!tpu.dma_semaphore, #tpu.memory_space<semaphore_mem>>)
      %dma_wait3A_48 = arith.constant 0 : i32
      %dma_wait3A_49 = tpu.memref_slice %arg6[%arg0, %mul3A_41, %dma_wait3A_48] : memref<2x10112x64xf32, #tpu.memory_space<hbm>> -> memref<1x632x64xf32, #tpu.memory_space<hbm>>
      %dma_wait3A_50 = tpu.memref_squeeze %dma_wait3A_49 : memref<1x632x64xf32, #tpu.memory_space<hbm>> -> memref<632x64xf32, #tpu.memory_space<hbm>>
      %dma_wait3A_51 = arith.constant 0 : i32
      %dma_wait3A_52 = tpu.memref_slice %arg10[%mul3A_39, %dma_wait3A_51] : memref<10112x64xf32, #tpu.memory_space<vmem_shared>> -> memref<632x64xf32, #tpu.memory_space<vmem_shared>>
      tpu.wait_dma2 semaphore(%run_scoped3A_42 : memref<!tpu.dma_semaphore, #tpu.memory_space<semaphore_mem>>) src(%dma_wait3A_52 : memref<632x64xf32, #tpu.memory_space<vmem_shared>>) dst(%dma_wait3A_50 : memref<632x64xf32, #tpu.memory_space<hbm>>)
      tpu.yield
    }) : () -> ()
    return
  }
}

module attributes {stable_mosaic.version = 14 : i64} {
  func.func @_l0_body(%arg0: i32, %arg1: memref<2528x128xf32, #tpu.memory_space<vmem>>, %arg2: memref<128x64xf32, #tpu.memory_space<vmem>>, %arg3: memref<2528x16xf32, #tpu.memory_space<vmem>>, %arg4: memref<2528x16xf32, #tpu.memory_space<vmem>>, %arg5: memref<2528x16xf32, #tpu.memory_space<vmem>>, %arg6: memref<2528x16xf32, #tpu.memory_space<vmem>>, %arg7: memref<2528x1xf32, #tpu.memory_space<vmem>>, %arg8: memref<2528x64xf32, #tpu.memory_space<vmem>>, %arg9: memref<2528x1xf32, #tpu.memory_space<vmem>>, %arg10: memref<2528x1xf32, #tpu.memory_space<vmem>>) attributes {dimension_semantics = [#tpu.dimension_semantics<arbitrary>], iteration_bounds = array<i64: 4>, scalar_prefetch = 0 : i64, scratch_operands = 0 : i64, tpu.core_type = #tpu.core_type<tc>, window_params = [{transform_indices = @transform_0, window_bounds = array<i64: 2528, 128>}, {pipeline_mode = #tpu.pipeline_mode<synchronous>, transform_indices = @transform_1, window_bounds = array<i64: 128, 64>}, {transform_indices = @transform_2, window_bounds = array<i64: 2528, 16>}, {transform_indices = @transform_3, window_bounds = array<i64: 2528, 16>}, {transform_indices = @transform_4, window_bounds = array<i64: 2528, 16>}, {transform_indices = @transform_5, window_bounds = array<i64: 2528, 16>}, {transform_indices = @transform_6, window_bounds = array<i64: 2528, 1>}, {transform_indices = @transform_7, window_bounds = array<i64: 2528, 64>}, {transform_indices = @transform_8, window_bounds = array<i64: 2528, 1>}, {transform_indices = @transform_9, window_bounds = array<i64: 2528, 1>}]} {
    %get3A = arith.constant 0 : index
    %get3A_0 = arith.constant 0 : index
    %get3A_1 = vector.load %arg7[%get3A, %get3A_0] : memref<2528x1xf32, #tpu.memory_space<vmem>>, vector<2528x1xf32>
    %get3A_2 = arith.constant 0 : index
    %get3A_3 = arith.constant 0 : index
    %get3A_4 = vector.load %arg3[%get3A_2, %get3A_3] : memref<2528x16xf32, #tpu.memory_space<vmem>>, vector<2528x1xf32>
    %get3A_5 = arith.constant 0 : index
    %get3A_6 = arith.constant 0 : index
    %get3A_7 = vector.load %arg4[%get3A_5, %get3A_6] : memref<2528x16xf32, #tpu.memory_space<vmem>>, vector<2528x1xf32>
    %add3A = arith.addf %get3A_4, %get3A_7 : vector<2528x1xf32>
    %max3A = arith.constant 1.000000e+00 : f32
    %max3A_8 = vector.broadcast %max3A : f32 to vector<2528x1xf32>
    %max3A_9 = arith.maximumf %add3A, %max3A_8 : vector<2528x1xf32>
    %rsqrt3A = math.rsqrt %max3A_9 : vector<2528x1xf32>
    %mul3A = arith.mulf %rsqrt3A, %get3A_1 : vector<2528x1xf32>
    %get3A_10 = arith.constant 0 : index
    %get3A_11 = arith.constant 0 : index
    %get3A_12 = vector.load %arg5[%get3A_10, %get3A_11] : memref<2528x16xf32, #tpu.memory_space<vmem>>, vector<2528x1xf32>
    %get3A_13 = arith.constant 0 : index
    %get3A_14 = arith.constant 0 : index
    %get3A_15 = vector.load %arg6[%get3A_13, %get3A_14] : memref<2528x16xf32, #tpu.memory_space<vmem>>, vector<2528x1xf32>
    %add3A_16 = arith.addf %get3A_12, %get3A_15 : vector<2528x1xf32>
    %max3A_17 = arith.constant 1.000000e+00 : f32
    %max3A_18 = vector.broadcast %max3A_17 : f32 to vector<2528x1xf32>
    %max3A_19 = arith.maximumf %add3A_16, %max3A_18 : vector<2528x1xf32>
    %rsqrt3A_20 = math.rsqrt %max3A_19 : vector<2528x1xf32>
    %mul3A_21 = arith.mulf %rsqrt3A_20, %get3A_1 : vector<2528x1xf32>
    %swap3A = arith.constant 0 : index
    %swap3A_22 = arith.constant 0 : index
    %swap3A_23 = vector.load %arg9[%swap3A, %swap3A_22] : memref<2528x1xf32, #tpu.memory_space<vmem>>, vector<2528x1xf32>
    tpu.vector_store %arg9[%swap3A, %swap3A_22], %mul3A {strides = array<i32>} : memref<2528x1xf32, #tpu.memory_space<vmem>>, vector<2528x1xf32>,
    %swap3A_24 = arith.constant 0 : index
    %swap3A_25 = arith.constant 0 : index
    %swap3A_26 = vector.load %arg10[%swap3A_24, %swap3A_25] : memref<2528x1xf32, #tpu.memory_space<vmem>>, vector<2528x1xf32>
    tpu.vector_store %arg10[%swap3A_24, %swap3A_25], %mul3A_21 {strides = array<i32>} : memref<2528x1xf32, #tpu.memory_space<vmem>>, vector<2528x1xf32>,
    %get3A_27 = arith.constant 0 : index
    %get3A_28 = arith.constant 0 : index
    %get3A_29 = vector.load %arg1[%get3A_27, %get3A_28] : memref<2528x128xf32, #tpu.memory_space<vmem>>, vector<2528x128xf32>
    %mul3A_30 = vector.broadcast %mul3A : vector<2528x1xf32> to vector<2528x128xf32>
    %mul3A_31 = arith.mulf %get3A_29, %mul3A_30 : vector<2528x128xf32>
    %get3A_32 = arith.constant 0 : index
    %get3A_33 = arith.constant 0 : index
    %get3A_34 = vector.load %arg2[%get3A_32, %get3A_33] : memref<128x64xf32, #tpu.memory_space<vmem>>, vector<128x64xf32>
    %dot_general3A = arith.constant dense<0.000000e+00> : vector<2528x64xf32>
    %dot_general3A_35 = tpu.matmul %mul3A_31, %get3A_34, %dot_general3A {dimension_numbers = #tpu.dot_dimension_numbers<[1], [0], [0], [1], [0, 0, 1, 1], [], []>, transpose_lhs_hint = false} : vector<2528x128xf32>, vector<128x64xf32>, vector<2528x64xf32> -> vector<2528x64xf32>
    %swap3A_36 = arith.constant 0 : index
    %swap3A_37 = arith.constant 0 : index
    %swap3A_38 = vector.load %arg8[%swap3A_36, %swap3A_37] : memref<2528x64xf32, #tpu.memory_space<vmem>>, vector<2528x64xf32>
    tpu.vector_store %arg8[%swap3A_36, %swap3A_37], %dot_general3A_35 {strides = array<i32>} : memref<2528x64xf32, #tpu.memory_space<vmem>>, vector<2528x64xf32>,
    return
  }
  func.func @transform_0(%arg0: i32) -> (i32, i32) {
    %c0_i32 = arith.constant 0 : i32
    %c0_i32_0 = arith.constant 0 : i32
    return %arg0, %c0_i32 : i32, i32
  }
  func.func @transform_1(%arg0: i32) -> (i32, i32) {
    %c0_i32 = arith.constant 0 : i32
    %c0_i32_0 = arith.constant 0 : i32
    %c0_i32_1 = arith.constant 0 : i32
    return %c0_i32, %c0_i32_0 : i32, i32
  }
  func.func @transform_2(%arg0: i32) -> (i32, i32) {
    %c0_i32 = arith.constant 0 : i32
    %c0_i32_0 = arith.constant 0 : i32
    return %arg0, %c0_i32 : i32, i32
  }
  func.func @transform_3(%arg0: i32) -> (i32, i32) {
    %c0_i32 = arith.constant 0 : i32
    %c0_i32_0 = arith.constant 0 : i32
    return %arg0, %c0_i32 : i32, i32
  }
  func.func @transform_4(%arg0: i32) -> (i32, i32) {
    %c0_i32 = arith.constant 0 : i32
    %c0_i32_0 = arith.constant 0 : i32
    return %arg0, %c0_i32 : i32, i32
  }
  func.func @transform_5(%arg0: i32) -> (i32, i32) {
    %c0_i32 = arith.constant 0 : i32
    %c0_i32_0 = arith.constant 0 : i32
    return %arg0, %c0_i32 : i32, i32
  }
  func.func @transform_6(%arg0: i32) -> (i32, i32) {
    %c0_i32 = arith.constant 0 : i32
    %c0_i32_0 = arith.constant 0 : i32
    return %arg0, %c0_i32 : i32, i32
  }
  func.func @transform_7(%arg0: i32) -> (i32, i32) {
    %c0_i32 = arith.constant 0 : i32
    %c0_i32_0 = arith.constant 0 : i32
    return %arg0, %c0_i32 : i32, i32
  }
  func.func @transform_8(%arg0: i32) -> (i32, i32) {
    %c0_i32 = arith.constant 0 : i32
    %c0_i32_0 = arith.constant 0 : i32
    return %arg0, %c0_i32 : i32, i32
  }
  func.func @transform_9(%arg0: i32) -> (i32, i32) {
    %c0_i32 = arith.constant 0 : i32
    %c0_i32_0 = arith.constant 0 : i32
    return %arg0, %c0_i32 : i32, i32
  }
}

module attributes {stable_mosaic.version = 14 : i64} {
  func.func @_mid_body(%arg0: i32, %arg1: memref<2528x64xf32, #tpu.memory_space<vmem>>, %arg2: memref<2528x64xf32, #tpu.memory_space<vmem>>, %arg3: memref<2528x1xf32, #tpu.memory_space<vmem>>, %arg4: memref<1x64xf32, #tpu.memory_space<vmem>>, %arg5: memref<2528x1xf32, #tpu.memory_space<vmem>>, %arg6: memref<64x64xf32, #tpu.memory_space<vmem>>, %arg7: memref<2528x64xf32, #tpu.memory_space<vmem>>) attributes {dimension_semantics = [#tpu.dimension_semantics<arbitrary>], iteration_bounds = array<i64: 4>, scalar_prefetch = 0 : i64, scratch_operands = 0 : i64, tpu.core_type = #tpu.core_type<tc>, window_params = [{transform_indices = @transform_0, window_bounds = array<i64: 2528, 64>}, {transform_indices = @transform_1, window_bounds = array<i64: 2528, 64>}, {transform_indices = @transform_2, window_bounds = array<i64: 2528, 1>}, {pipeline_mode = #tpu.pipeline_mode<synchronous>, transform_indices = @transform_3, window_bounds = array<i64: 1, 64>}, {transform_indices = @transform_4, window_bounds = array<i64: 2528, 1>}, {pipeline_mode = #tpu.pipeline_mode<synchronous>, transform_indices = @transform_5, window_bounds = array<i64: 64, 64>}, {transform_indices = @transform_6, window_bounds = array<i64: 2528, 64>}]} {
    %get3A = arith.constant 0 : index
    %get3A_0 = arith.constant 0 : index
    %get3A_1 = vector.load %arg1[%get3A, %get3A_0] : memref<2528x64xf32, #tpu.memory_space<vmem>>, vector<2528x64xf32>
    %get3A_2 = arith.constant 0 : index
    %get3A_3 = arith.constant 0 : index
    %get3A_4 = vector.load %arg2[%get3A_2, %get3A_3] : memref<2528x64xf32, #tpu.memory_space<vmem>>, vector<2528x64xf32>
    %add3A = arith.addf %get3A_1, %get3A_4 : vector<2528x64xf32>
    %get3A_5 = arith.constant 0 : index
    %get3A_6 = arith.constant 0 : index
    %get3A_7 = vector.load %arg3[%get3A_5, %get3A_6] : memref<2528x1xf32, #tpu.memory_space<vmem>>, vector<2528x1xf32>
    %mul3A = vector.broadcast %get3A_7 : vector<2528x1xf32> to vector<2528x64xf32>
    %mul3A_8 = arith.mulf %add3A, %mul3A : vector<2528x64xf32>
    %get3A_9 = arith.constant 0 : index
    %get3A_10 = arith.constant 0 : index
    %get3A_11 = vector.load %arg4[%get3A_9, %get3A_10] : memref<1x64xf32, #tpu.memory_space<vmem>>, vector<1x64xf32>
    %add3A_12 = vector.broadcast %get3A_11 : vector<1x64xf32> to vector<2528x64xf32>
    %add3A_13 = arith.addf %mul3A_8, %add3A_12 : vector<2528x64xf32>
    %max3A = arith.constant 0.000000e+00 : f32
    %max3A_14 = vector.broadcast %max3A : f32 to vector<2528x64xf32>
    %max3A_15 = arith.maximumf %add3A_13, %max3A_14 : vector<2528x64xf32>
    %get3A_16 = arith.constant 0 : index
    %get3A_17 = arith.constant 0 : index
    %get3A_18 = vector.load %arg5[%get3A_16, %get3A_17] : memref<2528x1xf32, #tpu.memory_space<vmem>>, vector<2528x1xf32>
    %mul3A_19 = vector.broadcast %get3A_18 : vector<2528x1xf32> to vector<2528x64xf32>
    %mul3A_20 = arith.mulf %max3A_15, %mul3A_19 : vector<2528x64xf32>
    %get3A_21 = arith.constant 0 : index
    %get3A_22 = arith.constant 0 : index
    %get3A_23 = vector.load %arg6[%get3A_21, %get3A_22] : memref<64x64xf32, #tpu.memory_space<vmem>>, vector<64x64xf32>
    %dot_general3A = arith.constant dense<0.000000e+00> : vector<2528x64xf32>
    %dot_general3A_24 = tpu.matmul %mul3A_20, %get3A_23, %dot_general3A {dimension_numbers = #tpu.dot_dimension_numbers<[1], [0], [0], [1], [0, 0, 1, 1], [], []>, transpose_lhs_hint = false} : vector<2528x64xf32>, vector<64x64xf32>, vector<2528x64xf32> -> vector<2528x64xf32>
    %swap3A = arith.constant 0 : index
    %swap3A_25 = arith.constant 0 : index
    %swap3A_26 = vector.load %arg7[%swap3A, %swap3A_25] : memref<2528x64xf32, #tpu.memory_space<vmem>>, vector<2528x64xf32>
    tpu.vector_store %arg7[%swap3A, %swap3A_25], %dot_general3A_24 {strides = array<i32>} : memref<2528x64xf32, #tpu.memory_space<vmem>>, vector<2528x64xf32>,
    return
  }
  func.func @transform_0(%arg0: i32) -> (i32, i32) {
    %c0_i32 = arith.constant 0 : i32
    %c0_i32_0 = arith.constant 0 : i32
    return %arg0, %c0_i32 : i32, i32
  }
  func.func @transform_1(%arg0: i32) -> (i32, i32) {
    %c0_i32 = arith.constant 0 : i32
    %c0_i32_0 = arith.constant 0 : i32
    return %arg0, %c0_i32 : i32, i32
  }
  func.func @transform_2(%arg0: i32) -> (i32, i32) {
    %c0_i32 = arith.constant 0 : i32
    %c0_i32_0 = arith.constant 0 : i32
    return %arg0, %c0_i32 : i32, i32
  }
  func.func @transform_3(%arg0: i32) -> (i32, i32) {
    %c0_i32 = arith.constant 0 : i32
    %c0_i32_0 = arith.constant 0 : i32
    %c0_i32_1 = arith.constant 0 : i32
    return %c0_i32, %c0_i32_0 : i32, i32
  }
  func.func @transform_4(%arg0: i32) -> (i32, i32) {
    %c0_i32 = arith.constant 0 : i32
    %c0_i32_0 = arith.constant 0 : i32
    return %arg0, %c0_i32 : i32, i32
  }
  func.func @transform_5(%arg0: i32) -> (i32, i32) {
    %c0_i32 = arith.constant 0 : i32
    %c0_i32_0 = arith.constant 0 : i32
    %c0_i32_1 = arith.constant 0 : i32
    return %c0_i32, %c0_i32_0 : i32, i32
  }
  func.func @transform_6(%arg0: i32) -> (i32, i32) {
    %c0_i32 = arith.constant 0 : i32
    %c0_i32_0 = arith.constant 0 : i32
    return %arg0, %c0_i32 : i32, i32
  }
}

module attributes {stable_mosaic.version = 14 : i64} {
  func.func @_last_body(%arg0: i32, %arg1: memref<2528x64xf32, #tpu.memory_space<vmem>>, %arg2: memref<2528x64xf32, #tpu.memory_space<vmem>>, %arg3: memref<2528x1xf32, #tpu.memory_space<vmem>>, %arg4: memref<64x128xf32, #tpu.memory_space<vmem>>, %arg5: memref<1x128xf32, #tpu.memory_space<vmem>>, %arg6: memref<2528x128xf32, #tpu.memory_space<vmem>>) attributes {dimension_semantics = [#tpu.dimension_semantics<arbitrary>], iteration_bounds = array<i64: 4>, scalar_prefetch = 0 : i64, scratch_operands = 0 : i64, tpu.core_type = #tpu.core_type<tc>, window_params = [{transform_indices = @transform_0, window_bounds = array<i64: 2528, 64>}, {transform_indices = @transform_1, window_bounds = array<i64: 2528, 64>}, {transform_indices = @transform_2, window_bounds = array<i64: 2528, 1>}, {pipeline_mode = #tpu.pipeline_mode<synchronous>, transform_indices = @transform_3, window_bounds = array<i64: 64, 128>}, {pipeline_mode = #tpu.pipeline_mode<synchronous>, transform_indices = @transform_4, window_bounds = array<i64: 1, 128>}, {transform_indices = @transform_5, window_bounds = array<i64: 2528, 128>}]} {
    %get3A = arith.constant 0 : index
    %get3A_0 = arith.constant 0 : index
    %get3A_1 = vector.load %arg1[%get3A, %get3A_0] : memref<2528x64xf32, #tpu.memory_space<vmem>>, vector<2528x64xf32>
    %get3A_2 = arith.constant 0 : index
    %get3A_3 = arith.constant 0 : index
    %get3A_4 = vector.load %arg2[%get3A_2, %get3A_3] : memref<2528x64xf32, #tpu.memory_space<vmem>>, vector<2528x64xf32>
    %add3A = arith.addf %get3A_1, %get3A_4 : vector<2528x64xf32>
    %get3A_5 = arith.constant 0 : index
    %get3A_6 = arith.constant 0 : index
    %get3A_7 = vector.load %arg3[%get3A_5, %get3A_6] : memref<2528x1xf32, #tpu.memory_space<vmem>>, vector<2528x1xf32>
    %mul3A = vector.broadcast %get3A_7 : vector<2528x1xf32> to vector<2528x64xf32>
    %mul3A_8 = arith.mulf %add3A, %mul3A : vector<2528x64xf32>
    %get3A_9 = arith.constant 0 : index
    %get3A_10 = arith.constant 0 : index
    %get3A_11 = vector.load %arg4[%get3A_9, %get3A_10] : memref<64x128xf32, #tpu.memory_space<vmem>>, vector<64x128xf32>
    %dot_general3A = arith.constant dense<0.000000e+00> : vector<2528x128xf32>
    %dot_general3A_12 = tpu.matmul %mul3A_8, %get3A_11, %dot_general3A {dimension_numbers = #tpu.dot_dimension_numbers<[1], [0], [0], [1], [0, 0, 1, 1], [], []>, transpose_lhs_hint = false} : vector<2528x64xf32>, vector<64x128xf32>, vector<2528x128xf32> -> vector<2528x128xf32>
    %get3A_13 = arith.constant 0 : index
    %get3A_14 = arith.constant 0 : index
    %get3A_15 = vector.load %arg5[%get3A_13, %get3A_14] : memref<1x128xf32, #tpu.memory_space<vmem>>, vector<1x128xf32>
    %add3A_16 = vector.broadcast %get3A_15 : vector<1x128xf32> to vector<2528x128xf32>
    %add3A_17 = arith.addf %dot_general3A_12, %add3A_16 : vector<2528x128xf32>
    %logistic3A = arith.negf %add3A_17 : vector<2528x128xf32>
    %logistic3A_18 = math.exp %logistic3A : vector<2528x128xf32>
    %logistic3A_19 = arith.constant 1.000000e+00 : f32
    %logistic3A_20 = vector.broadcast %logistic3A_19 : f32 to vector<2528x128xf32>
    %logistic3A_21 = arith.addf %logistic3A_20, %logistic3A_18 : vector<2528x128xf32>
    %logistic3A_22 = arith.divf %logistic3A_20, %logistic3A_21 : vector<2528x128xf32>
    %swap3A = arith.constant 0 : index
    %swap3A_23 = arith.constant 0 : index
    %swap3A_24 = vector.load %arg6[%swap3A, %swap3A_23] : memref<2528x128xf32, #tpu.memory_space<vmem>>, vector<2528x128xf32>
    tpu.vector_store %arg6[%swap3A, %swap3A_23], %logistic3A_22 {strides = array<i32>} : memref<2528x128xf32, #tpu.memory_space<vmem>>, vector<2528x128xf32>,
    return
  }
  func.func @transform_0(%arg0: i32) -> (i32, i32) {
    %c0_i32 = arith.constant 0 : i32
    %c0_i32_0 = arith.constant 0 : i32
    return %arg0, %c0_i32 : i32, i32
  }
  func.func @transform_1(%arg0: i32) -> (i32, i32) {
    %c0_i32 = arith.constant 0 : i32
    %c0_i32_0 = arith.constant 0 : i32
    return %arg0, %c0_i32 : i32, i32
  }
  func.func @transform_2(%arg0: i32) -> (i32, i32) {
    %c0_i32 = arith.constant 0 : i32
    %c0_i32_0 = arith.constant 0 : i32
    return %arg0, %c0_i32 : i32, i32
  }
  func.func @transform_3(%arg0: i32) -> (i32, i32) {
    %c0_i32 = arith.constant 0 : i32
    %c0_i32_0 = arith.constant 0 : i32
    %c0_i32_1 = arith.constant 0 : i32
    return %c0_i32, %c0_i32_0 : i32, i32
  }
  func.func @transform_4(%arg0: i32) -> (i32, i32) {
    %c0_i32 = arith.constant 0 : i32
    %c0_i32_0 = arith.constant 0 : i32
    %c0_i32_1 = arith.constant 0 : i32
    return %c0_i32, %c0_i32_0 : i32, i32
  }
  func.func @transform_5(%arg0: i32) -> (i32, i32) {
    %c0_i32 = arith.constant 0 : i32
    %c0_i32_0 = arith.constant 0 : i32
    return %arg0, %c0_i32 : i32, i32
  }
}

</mosaic_0001>

<sc_bundles>
// kernel: kernel.20.cloned.1.call-start
scs
__scs_entry_jumppad:
0x0: {  	(pc) =	sbr.rel $0x88, $3  }
0x1: {  	(tag) =	ssettag $0x0;
	lr =	simm.s32 $0x1  }
0x2: {  	[smem:$0x3F8F] =	sst lr;
	_ =	strace $0xD0000000  }
0x3: {  	_ = 	snop  }
0x4: {  	_ = 	snop  }
0x5: {  	_ = 	snop  }
0x6: {  	_ = 	snop  }
0x7: {  	_ = 	snop  }
__scs_overlays_trampoline_lowered:
0x8: {  	[smem:$0x3F9E] =	sst s0  }
0x9: {  	[smem:$0x3F9F] =	sst s1  }
0xa: {  	[smem:$0x3FA0] =	sst s2  }
0xb: {  	[smem:$0x3FA1] =	sst s3  }
0xc: {  	[smem:$0x3FA2] =	sst s4  }
0xd: {  	[smem:$0x3FA3] =	sst s5  }
0xe: {  	[smem:$0x3FA4] =	sst s6  }
0xf: {  	[smem:$0x3FA5] =	sst s7  }
0x10: {  	[smem:$0x3FA6] =	sst s8  }
0x11: {  	[smem:$0x3FA7] =	sst s9;
	s0 =	simm.s32 @!p0 $0x0  }
0x12: {  	s1 =	sld [smem:$0x3F8D];
	s0 =	simm.s32 @p0 $0x1  }
0x13: {  	[smem:$0x3FA8] =	sst s0;
	s0 =	simm.s32 @!p1 $0x0  }
0x14: {  	s2 =	sld [smem:$0x3F8C];
	s0 =	simm.s32 @p1 $0x1  }
0x15: {  	[smem:$0x3FA9] =	sst s0;
	s0 =	simm.s32 @!p2 $0x0  }
0x16: {  	s3 =	sld [smem:$0x3FDB];
	s0 =	simm.s32 @p2 $0x1  }
0x17: {  	s4 =	simm.s32 $0x1BF5;
	[smem:$0x3FAB] =	sst s0  }
0x18: {  	s0 =	sld [smem:$0x3F8E];
	_ =	swait.ge [sflag:s4], $0x0  }
0x19: {  	s7 =	sld [smem:$0x3F8F]  }
0x1a: {  	s8 =	sadd.s32 $0xFFFFE003, lr  }
0x1b: {  	s9 =	sadd.s32 $0xFFFFFEF7, lr;
	s5 =	simm.s32 $0xFFFFFFFF;
	p2 =	slt.u32 s8, $0xFFFFF086  }
0x1c: {  	p1 =	slt.u32 s9, $0xF7A;
	s5 =	simm.s32 @!p2 $0x0  }
0x1d: {  	s5 =	simm.s32 @p1 $0x1;
	p0 =	seq.s32 s7, s2  }
0x1e: {  	s7 =	smul.u32 @!p0 $0xF7A, s2;
	p2 =	seq.s32 @!p0 s5, $0x0  }
0x1f: {  	s9 =	smul.u32 $0xF7A, s1;
	s8 =	simm.s32 @!p0 $0x1BF5;
	p2 =	por !p2, p0  }
0x20: {  	[sflag:s8] =	ssyncset.s32 @!p0 $0xFFFFF086;
	s6 =	sadd.s32 @!p0 s3, s7;
	s7 =	simm.s32 @!p0 $0x108  }
0x21: {  	s3 =	sadd.s32 s3, s9;
	s6 =	sadd.s32 @!p0 $0x88, s6;
	s7 =	simm.s32 @p2 $0x1082  }
0x22: {  	[simem:s7], [sflag:s8] =	dma.local @!p0 [hbm:s6], $0xF7A  }
0x23: {  	s9 =	sor.u32 $0xD0000000, s2;
	s6 =	simm.s32 $0x108;
	_ =	swait.ge @!p0 [sflag:s8], $0x0  }
0x24: {  	s3 =	sadd.s32 $0x88, s3;
	s6 =	simm.s32 @!p1 $0x1082;
	[sflag:s4] =	ssyncset.s32 $0xFFFFF086  }
0x25: {  	[simem:s6], [sflag:s4] =	dma.local [hbm:s3], $0xF7A  }
0x26: {  	[smem:$0x3F8F] =	sst s1;
	(tag) =	ssettag s2;
	_ =	strace s9  }
0x27: {  	s1 =	sld [smem:$0x3F9F]  }
0x28: {  	s2 =	sld [smem:$0x3FA0]  }
0x29: {  	s4 =	sld [smem:$0x3FA2]  }
0x2a: {  	p0 =	seq.s32 s5, $0x0;
	s5 =	sld [smem:$0x3FA3]  }
0x2b: {  	s6 =	sld [smem:$0x3FA4]  }
0x2c: {  	s7 =	sld [smem:$0x3FA5]  }
0x2d: {  	s3 =	simm.s32 $0x108;
	s8 =	sld [smem:$0x3FA6]  }
0x2e: {  	s3 =	simm.s32 @!p0 $0x1082;
	s9 =	sld [smem:$0x3FA7]  }
0x2f: {  	lr =	sadd.s32 s0, s3;
	s0 =	sld [smem:$0x3F9E]  }
0x30: {  	s3 =	sld [smem:$0x3FA1]  }
0x31: {  	[smem:$0x3FAA] =	sst s10  }
0x32: {  	s10 =	sld [smem:$0x3FA8];
	_ =	sdelay $0x3  }
0x33: {  	p0 =	seq.s32 s10, $0x1;
	s10 =	sld [smem:$0x3FAA];
	_ =	sdelay $0x3  }
0x34: {  	[smem:$0x3FAA] =	sst s10  }
0x35: {  	s10 =	sld [smem:$0x3FA9];
	_ =	sdelay $0x3  }
0x36: {  	p1 =	seq.s32 s10, $0x1;
	s10 =	sld [smem:$0x3FAA];
	_ =	sdelay $0x3  }
0x37: {  	[smem:$0x3FAA] =	sst s10  }
0x38: {  	s10 =	sld [smem:$0x3FAB]  }
0x39: {  	_ = 	snop;
	(pc) =	sbr.ind lr, $3  }
0x3a: {  	_ = 	snop  }
0x3b: {  	_ = 	snop  }
0x3c: {  	p2 =	seq.s32 s10, $0x1;
	s10 =	sld [smem:$0x3FAA]  }
0x3d: {  	_ =	shalt  }
0x3e: {  	_ =	shalt  }
0x3f: {  	_ =	shalt  }
0x40: {  	_ =	shalt  }
0x41: {  	_ =	shalt  }
0x42: {  	_ =	shalt  }
0x43: {  	_ =	shalt  }
0x44: {  	_ =	shalt  }
0x45: {  	_ =	shalt  }
0x46: {  	_ =	shalt  }
0x47: {  	_ =	shalt  }
0x48: {  	_ =	shalt  }
0x49: {  	_ =	shalt  }
0x4a: {  	_ =	shalt  }
0x4b: {  	_ =	shalt  }
0x4c: {  	_ =	shalt  }
0x4d: {  	_ =	shalt  }
0x4e: {  	_ =	shalt  }
0x4f: {  	_ =	shalt  }
0x50: {  	_ =	shalt  }
0x51: {  	_ =	shalt  }
0x52: {  	_ =	shalt  }
0x53: {  	_ =	shalt  }
0x54: {  	_ =	shalt  }
0x55: {  	_ =	shalt  }
0x56: {  	_ =	shalt  }
0x57: {  	_ =	shalt  }
0x58: {  	_ =	shalt  }
0x59: {  	_ =	shalt  }
0x5a: {  	_ =	shalt  }
0x5b: {  	_ =	shalt  }
0x5c: {  	_ =	shalt  }
0x5d: {  	_ =	shalt  }
0x5e: {  	_ =	shalt  }
0x5f: {  	_ =	shalt  }
0x60: {  	_ =	shalt  }
0x61: {  	_ =	shalt  }
0x62: {  	_ =	shalt  }
0x63: {  	_ =	shalt  }
0x64: {  	_ =	shalt  }
0x65: {  	_ =	shalt  }
0x66: {  	_ =	shalt  }
0x67: {  	_ =	shalt  }
0x68: {  	_ =	shalt  }
0x69: {  	_ =	shalt  }
0x6a: {  	_ =	shalt  }
0x6b: {  	_ =	shalt  }
0x6c: {  	_ =	shalt  }
0x6d: {  	_ =	shalt  }
0x6e: {  	_ =	shalt  }
0x6f: {  	_ =	shalt  }
0x70: {  	_ =	shalt  }
0x71: {  	_ =	shalt  }
0x72: {  	_ =	shalt  }
0x73: {  	_ =	shalt  }
0x74: {  	_ =	shalt  }
0x75: {  	_ =	shalt  }
0x76: {  	_ =	shalt  }
0x77: {  	_ =	shalt  }
0x78: {  	_ =	shalt  }
0x79: {  	_ =	shalt  }
0x7a: {  	_ =	shalt  }
0x7b: {  	_ =	shalt  }
0x7c: {  	_ =	shalt  }
0x7d: {  	_ =	shalt  }
0x7e: {  	_ =	shalt  }
0x7f: {  	_ =	shalt  }
0x80: {  	_ =	shalt  }
0x81: {  	_ =	shalt  }
0x82: {  	_ =	shalt  }
0x83: {  	_ =	shalt  }
0x84: {  	_ =	shalt  }
0x85: {  	_ =	shalt  }
0x86: {  	_ =	shalt  }
0x87: {  	_ =	shalt  }
.Lfunc_end0:
.L_simem_size_0:
called_computation_lowered:
.L_overlay_start_0:
0x88: {  	s2 =	sld [smem:$0x3FD9]  }
0x89: {  	s3 =	sld [smem:$0x3FFE];
	_ =	sdelay $0x1  }
0x8a: {  	s1 =	srdreg.scid  }
0x8b: {  	s0 =	sand.u32 $0x1, s1  }
0x8c: {  	s17 =	sshll.u32 s0, $0xA;
	s2 =	sadd.s32 s3, s2  }
0x8d: {  	s2 =	sadd.s32 s2, s17  }
0x8e: {  	[smem:$0x3FB6] =	sst s2  }
0x8f: {  	_ = 	snop  }
0x90: {  	s2 =	sld [smem:$0x3FD0];
	(tm) =	ssettm $0x1  }
0x91: {  	s18 =	sld [smem:$0x3FFB];
	_ =	sdelay $0x3  }
0x92: {  	_ =	strace s18  }
0x93: {  	s3 =	sld [smem:$0x3FFC];
	_ =	sdelay $0x3  }
0x94: {  	_ =	strace s3  }
0x95: {  	s3 =	sld [smem:$0x3FFD];
	_ =	sdelay $0x3  }
0x96: {  	_ =	strace s3  }
0x97: {  	_ =	strace $0x8FFFFFFF  }
0x98: {  	s19 =	sld [smem:$0x3FDB];
	_ =	sdelay $0x1  }
0x99: {  	s4 =	simm.s32 $_scs_section_size  }
0x9a: {  	s5 =	simm.s32 $_size__tile_overlayer_lowered;
	s6 =	simm.s32 $_tile_overlayer_lowered  }
0x9b: {  	s22 =	simm.s32 $0x1BFF;
	s21 =	sshll.u32 s6, $0x1;
	s3 =	sadd.s32 s4, s19  }
0x9c: {  	s7 =	simm.s32 $0x0;
	s20 =	sshll.u32 s5, $0x1;
	s5 =	sadd.s32 s21, s3  }
0x9d: {  	[timem:s7], [sflag:s22] =	dma.local [hbm:s5], s20  }
0x9e: {  	_ =	swait.ge [sflag:s22], s20  }
0x9f: {  	s4 =	ssub.s32 $0x0, s20;
	[sflag:s22] =	ssyncset.done $0x0  }
0xa0: {  	[sflag:s22] =	ssyncadd.s32 s4;
	_ =	sdelay $0x1  }
0xa1: {  	s23 =	simm.s32 $0x1B8B  }
0xa2: {  	_ =	swait.ge [sflag:s23], $0x1  }
0xa3: {  	[sflag:s23] =	ssyncset.done $0x0  }
0xa4: {  	s25 =	simm.s32 $0x1B8E;
	s24 =	sld [smem:$0x3FFE];
	[sflag:s23] =	ssyncadd.s32 $0xFFFFFFFF  }
0xa5: {  	s26 =	simm.s32 $execute0_lowered;
	[smem:$0x3FD2] =	sst s25  }
0xa6: {  	s5 =	sshll.u32 s26, $0x1;
	_ =	strace $0x80000046;
	[dreg:$0x1] =	wrdreg $0xFFFFFFFF  }
0xa7: {  	s28 =	simm.s32 $_size_execute0_lowered;
	s3 =	sadd.s32 s3, s5;
	[dreg:$0x0] =	wrdreg $0x0  }
0xa8: {  	s5 =	sshll.u32 s28, $0x1;
	[dreg:$0x2] =	wrdreg s3  }
0xa9: {  	[dreg:$0x3] =	wrdreg s5  }
0xaa: {  	[dreg:$0x4] =	wrdreg $0xC0  }
0xab: {  	_ =	task [dreg:s7], $0x5FFFF  }
0xac: {  	[dreg:$0x1] =	wrdreg $0xFFFFFFFF  }
0xad: {  	[dreg:$0x0] =	wrdreg $0x60  }
0xae: {  	[dreg:$0x2] =	wrdreg s24  }
0xaf: {  	[dreg:$0x3] =	wrdreg s2  }
0xb0: {  	[dreg:$0x4] =	wrdreg $0x70000  }
0xb1: {  	[dreg:$0x5] =	wrdreg $0x97800  }
0xb2: {  	[dreg:$0x6] =	wrdreg $0x9  }
0xb3: {  	_ =	task.clear_ibuf [dreg:s7], $0x7FFFF;
	_ =	strace $0x90000046  }
0xb4: {  	s29 =	simm.s32 $0x9;
	_ =	strace $0x80000048  }
0xb5: {  	_ =	swait.ge [sflag:s29], $0x1  }
0xb6: {  	[sflag:s29] =	ssyncadd.s32 $0xFFFFFFFF  }
0xb7: {  	_ =	strace $0x90000048  }
0xb8: {  	_ =	sfence  }
0xb9: {  	s30 =	sld [smem:$0x0];
	_ =	sdelay $0x2  }
0xba: {  	s31 =	sshll.u32 s1, $0xD;
	s1 =	sshrl.u32 s1, $0x2  }
0xbb: {  	s3 =	sand.u32 $0x4000, s31;
	s1 =	sadd.s32 s1, s30  }
0xbc: {  	s0 =	sor.u32 s3, s0;
	s1 =	sshll.u32 s1, $0x11  }
0xbd: {  	s0 =	sor.u32 s1, s0  }
0xbe: {  	s0 =	sadd.s32 $0x8F2B, s0  }
0xbf: {  	[sflag:s0] =	ssyncadd.remote.s32 $0x1  }
0xc0: {  	_ =	sfence.sel $0xFFFF  }
0xc1: {  	[dreg:$0x0] =	wrdreg $0xFFFFFFFF;
	(pc) =	sbr.abs _section_cstart, $3  }
0xc2: {  	[dreg:$0x1] =	wrdreg $0xFFFFFFFF  }
0xc3: {  	_ =	task.clear_ibuf [dreg:s7], $0x2FFFF;
	_ =	strace $0x9FFFFFFF  }
0xc4: {  	(tm) =	ssettm $0x7FFFFFFF  }
0xc5: {  	_ =	shalt  }
tec
execute0_lowered:
.L_overlay_start_1:
0x0: {  	(tag) =	ssettag $0x1  }
0x1: {  	s0 =	rddreg [dreg:$0x0]  }
0x2: {  	s1 =	srdreg.scid;
	s9 =	rddreg [dreg:$0x1]  }
0x3: {  	s2 =	rddreg [dreg:$0x2];
	s14 =	stileid.u32  }
0x4: {  	s3 =	rddreg [dreg:$0x3];
	s16 =	simm.s32 $0x2800;
	s17 =	simm.s32 $0x5000  }
0x5: {  	s18 =	simm.s32 $0x200;
	s19 =	simm.s32 $0x4600;
	s20 =	simm.s32 $0x2000  }
0x6: {  	s21 =	simm.s32 $0x4800;
	s22 =	simm.s32 $0x2200;
	s23 =	simm.s32 $0x4A00  }
0x7: {  	s24 =	simm.s32 $0x2400;
	s28 =	simm.s32 $0x4E00;
	s29 =	simm.s32 $0x1  }
0x8: {  	s30 =	simm.s32 $0x0;
	s1 =	sand.u32 $0x1, s1;
	s8 =	smul.u32 $0x2780, s14  }
0x9: {  	s25 =	sshll.u32 s14, $0x6;
	s4 =	sshll.u32 s1, $0x4;
	s6 =	ssub.s32 $0x2, s1  }
0xa: {  	s1 =	smul.u32 $0x4F000, s1;
	s5 =	sor.u32 s14, s4;
	s4 =	simm.s32 $0x0  }
0xb: {  	s7 =	sshrl.u32 s8, $0x3;
	s11 =	sshrl.u32 s6, $0x1;
	s13 =	sadd.s32 s8, s2  }
0xc: {  	s31 =	sadd.s32 s8, s3;
	s14 =	simm.s32 $0x2;
	s5 =	smul.u32 $0x500, s5  }
0xd: {  	[smem:$0x7FF] =	sst s4;
	s12 =	ssub.s32 s6, s11;
	s1 =	sadd.s32 s8, s1  }
0xe: {  	s13 =	sshrl.u32 s13, $0x3;
	s15 =	sshrl.u32 s31, $0x3;
	_ =	strace $0x80000047  }
0xf: {  	s26 =	sshrl.u32 s1, $0x3;
	s12 =	smax.u32 s12, $0x1;
	s1 =	simm.s32 $0x4400  }
0x10: {  	s10 =	sadd.s32 s5, s0;
	s5 =	sadd.s32 $0x1EA00, s0;
	s0 =	sadd.s32 s7, s0  }
0x11: {  	s7 =	sor.u32 $0x1C02, s25;
	s9 =	sadd.s32 s9, s26;
	s25 =	simm.s32 $0x4C00  }
0x12: {  	s26 =	simm.s32 $0x2600;
	s6 =	sadd.s32 $0x19A00, s0;
	s8 =	sadd.s32 $0xFA00, s10  }
0x13: {  	s10 =	sadd.s32 $0x5A00, s10;
	s11 =	sadd.s32 $0x4F00, s9;
	s0 =	simm.s32 $0x1E00  }
.LBB2_1:
0x14: {  	[spmem:s13], [sflag:s7] =	dma.local [hbm:s6], $0x4F0  }
0x15: {  	_ =	swait.ge [sflag:s14], $0x4F0  }
0x16: {  	[sflag:s14] =	ssyncset.done $0x0  }
0x17: {  	[sflag:s14] =	ssyncadd.s32 $0xFFFFFB10  }
0x18: {  	[spmem:s15], [sflag:s7] =	dma.local [hbm:s6], $0x4F0  }
0x19: {  	_ =	swait.ge [sflag:s14], $0x4F0  }
0x1a: {  	[sflag:s14] =	ssyncset.done $0x0  }
0x1b: {  	[sflag:s14] =	ssyncadd.s32 $0xFFFFFB10  }
0x1c: {  	[tilespmem:s4], [sflag:$0x2] =	stream.linear.gather [hbm4b:s8+s4], $0x2800, $0x38;
	[tilespmem:$0xBF00] =	vst v63  }
0x1d: {  	_ =	swait.ge [sflag:s14], $0x2800  }
0x1e: {  	[sflag:s14] =	ssyncset.done $0x0  }
0x1f: {  	[sflag:s14] =	ssyncadd.s32 $0xFFFFD800  }
0x20: {  	[tilespmem:s16], [sflag:$0x2] =	stream.linear.gather [hbm4b:s10+s4], $0x2800, $0x38;
	[tilespmem:$0xBF00] =	vst v63  }
0x21: {  	_ =	swait.ge [sflag:s14], $0x2800  }
0x22: {  	[sflag:s14] =	ssyncset.done $0x0  }
0x23: {  	[sflag:s14] =	ssyncadd.s32 $0xFFFFD800  }
0x24: {  	[tilespmem:s17], [sflag:$0x2] =	stream.linear.gather [hbm4b:s5+s4], $0x2000, $0x38;
	[tilespmem:$0xBF00] =	vst v63  }
0x25: {  	_ =	swait.ge [sflag:s14], $0x2000  }
0x26: {  	[sflag:s14] =	ssyncset.done $0x0  }
0x27: {  	[sflag:s14] =	ssyncadd.s32 $0xFFFFE000  }
0x28: {  	[bflag:$0x0] =	sbarrier.arrive $0xFFFF  }
0x29: {  	[spmem:s2] =	stream.indirect.scatter.add.f32 [tilespmem:s17], [sflag:$0x1], $0x10, s4, s18, $0xb8;
	[tilespmem:$0xBF00] =	vst v63  }
0x2a: {  	_ = 	snop  }
0x2b: {  	[spmem:s3] =	stream.indirect.scatter.add.f32 [tilespmem:s17], [sflag:$0x1], $0x10, s16, s18, $0xb8;
	[tilespmem:$0xBF00] =	vst v63  }
0x2c: {  	_ = 	snop  }
0x2d: {  	[spmem:s2] =	stream.indirect.scatter.add.f32 [tilespmem:s17], [sflag:$0x1], $0x10, s18, s18, $0xb8;
	[tilespmem:$0xBF00] =	vst v63  }
0x2e: {  	s31 =	simm.s32 $0x2A00  }
0x2f: {  	[spmem:s3] =	stream.indirect.scatter.add.f32 [tilespmem:s17], [sflag:$0x1], $0x10, s31, s18, $0xb8;
	[tilespmem:$0xBF00] =	vst v63  }
0x30: {  	s31 =	simm.s32 $0x400  }
0x31: {  	[spmem:s2] =	stream.indirect.scatter.add.f32 [tilespmem:s17], [sflag:$0x1], $0x10, s31, s18, $0xb8;
	[tilespmem:$0xBF00] =	vst v63  }
0x32: {  	s31 =	simm.s32 $0x2C00  }
0x33: {  	[spmem:s3] =	stream.indirect.scatter.add.f32 [tilespmem:s17], [sflag:$0x1], $0x10, s31, s18, $0xb8;
	[tilespmem:$0xBF00] =	vst v63  }
0x34: {  	s31 =	simm.s32 $0x600  }
0x35: {  	[spmem:s2] =	stream.indirect.scatter.add.f32 [tilespmem:s17], [sflag:$0x1], $0x10, s31, s18, $0xb8;
	[tilespmem:$0xBF00] =	vst v63  }
0x36: {  	s31 =	simm.s32 $0x2E00  }
0x37: {  	[spmem:s3] =	stream.indirect.scatter.add.f32 [tilespmem:s17], [sflag:$0x1], $0x10, s31, s18, $0xb8;
	[tilespmem:$0xBF00] =	vst v63  }
0x38: {  	s31 =	simm.s32 $0x800  }
0x39: {  	[spmem:s2] =	stream.indirect.scatter.add.f32 [tilespmem:s17], [sflag:$0x1], $0x10, s31, s18, $0xb8;
	[tilespmem:$0xBF00] =	vst v63  }
0x3a: {  	s31 =	simm.s32 $0x3000  }
0x3b: {  	[spmem:s3] =	stream.indirect.scatter.add.f32 [tilespmem:s17], [sflag:$0x1], $0x10, s31, s18, $0xb8;
	[tilespmem:$0xBF00] =	vst v63  }
0x3c: {  	s31 =	simm.s32 $0xA00  }
0x3d: {  	[spmem:s2] =	stream.indirect.scatter.add.f32 [tilespmem:s17], [sflag:$0x1], $0x10, s31, s18, $0xb8;
	[tilespmem:$0xBF00] =	vst v63  }
0x3e: {  	s31 =	simm.s32 $0x3200  }
0x3f: {  	[spmem:s3] =	stream.indirect.scatter.add.f32 [tilespmem:s17], [sflag:$0x1], $0x10, s31, s18, $0xb8;
	[tilespmem:$0xBF00] =	vst v63  }
0x40: {  	s31 =	simm.s32 $0xC00  }
0x41: {  	[spmem:s2] =	stream.indirect.scatter.add.f32 [tilespmem:s17], [sflag:$0x1], $0x10, s31, s18, $0xb8;
	[tilespmem:$0xBF00] =	vst v63  }
0x42: {  	s31 =	simm.s32 $0x3400  }
0x43: {  	[spmem:s3] =	stream.indirect.scatter.add.f32 [tilespmem:s17], [sflag:$0x1], $0x10, s31, s18, $0xb8;
	[tilespmem:$0xBF00] =	vst v63  }
0x44: {  	s31 =	simm.s32 $0xE00  }
0x45: {  	[spmem:s2] =	stream.indirect.scatter.add.f32 [tilespmem:s17], [sflag:$0x1], $0x10, s31, s18, $0xb8;
	[tilespmem:$0xBF00] =	vst v63  }
0x46: {  	s31 =	simm.s32 $0x3600  }
0x47: {  	[spmem:s3] =	stream.indirect.scatter.add.f32 [tilespmem:s17], [sflag:$0x1], $0x10, s31, s18, $0xb8;
	[tilespmem:$0xBF00] =	vst v63  }
0x48: {  	s31 =	simm.s32 $0x1000  }
0x49: {  	[spmem:s2] =	stream.indirect.scatter.add.f32 [tilespmem:s17], [sflag:$0x1], $0x10, s31, s18, $0xb8;
	[tilespmem:$0xBF00] =	vst v63  }
0x4a: {  	s31 =	simm.s32 $0x3800  }
0x4b: {  	[spmem:s3] =	stream.indirect.scatter.add.f32 [tilespmem:s17], [sflag:$0x1], $0x10, s31, s18, $0xb8;
	[tilespmem:$0xBF00] =	vst v63  }
0x4c: {  	s31 =	simm.s32 $0x1200  }
0x4d: {  	[spmem:s2] =	stream.indirect.scatter.add.f32 [tilespmem:s17], [sflag:$0x1], $0x10, s31, s18, $0xb8;
	[tilespmem:$0xBF00] =	vst v63  }
0x4e: {  	s31 =	simm.s32 $0x3A00  }
0x4f: {  	[spmem:s3] =	stream.indirect.scatter.add.f32 [tilespmem:s17], [sflag:$0x1], $0x10, s31, s18, $0xb8;
	[tilespmem:$0xBF00] =	vst v63  }
0x50: {  	s31 =	simm.s32 $0x1400  }
0x51: {  	[spmem:s2] =	stream.indirect.scatter.add.f32 [tilespmem:s17], [sflag:$0x1], $0x10, s31, s18, $0xb8;
	[tilespmem:$0xBF00] =	vst v63  }
0x52: {  	s31 =	simm.s32 $0x3C00  }
0x53: {  	[spmem:s3] =	stream.indirect.scatter.add.f32 [tilespmem:s17], [sflag:$0x1], $0x10, s31, s18, $0xb8;
	[tilespmem:$0xBF00] =	vst v63  }
0x54: {  	s31 =	simm.s32 $0x1600  }
0x55: {  	[spmem:s2] =	stream.indirect.scatter.add.f32 [tilespmem:s17], [sflag:$0x1], $0x10, s31, s18, $0xb8;
	[tilespmem:$0xBF00] =	vst v63  }
0x56: {  	s31 =	simm.s32 $0x3E00  }
0x57: {  	[spmem:s3] =	stream.indirect.scatter.add.f32 [tilespmem:s17], [sflag:$0x1], $0x10, s31, s18, $0xb8;
	[tilespmem:$0xBF00] =	vst v63  }
0x58: {  	s31 =	simm.s32 $0x1800  }
0x59: {  	[spmem:s2] =	stream.indirect.scatter.add.f32 [tilespmem:s17], [sflag:$0x1], $0x10, s31, s18, $0xb8;
	[tilespmem:$0xBF00] =	vst v63  }
0x5a: {  	s31 =	simm.s32 $0x4000  }
0x5b: {  	[spmem:s3] =	stream.indirect.scatter.add.f32 [tilespmem:s17], [sflag:$0x1], $0x10, s31, s18, $0xb8;
	[tilespmem:$0xBF00] =	vst v63  }
0x5c: {  	s31 =	simm.s32 $0x1A00  }
0x5d: {  	[spmem:s2] =	stream.indirect.scatter.add.f32 [tilespmem:s17], [sflag:$0x1], $0x10, s31, s18, $0xb8;
	[tilespmem:$0xBF00] =	vst v63  }
0x5e: {  	s31 =	simm.s32 $0x4200  }
0x5f: {  	[spmem:s3] =	stream.indirect.scatter.add.f32 [tilespmem:s17], [sflag:$0x1], $0x10, s31, s18, $0xb8;
	[tilespmem:$0xBF00] =	vst v63  }
0x60: {  	s31 =	simm.s32 $0x1C00  }
0x61: {  	[spmem:s2] =	stream.indirect.scatter.add.f32 [tilespmem:s17], [sflag:$0x1], $0x10, s31, s18, $0xb8;
	[tilespmem:$0xBF00] =	vst v63  }
0x62: {  	_ = 	snop  }
0x63: {  	[spmem:s3] =	stream.indirect.scatter.add.f32 [tilespmem:s17], [sflag:$0x1], $0x10, s1, s18, $0xb8;
	[tilespmem:$0xBF00] =	vst v63  }
0x64: {  	_ = 	snop  }
0x65: {  	[spmem:s2] =	stream.indirect.scatter.add.f32 [tilespmem:s17], [sflag:$0x1], $0x10, s0, s18, $0xb8;
	[tilespmem:$0xBF00] =	vst v63  }
0x66: {  	_ = 	snop  }
0x67: {  	[spmem:s3] =	stream.indirect.scatter.add.f32 [tilespmem:s17], [sflag:$0x1], $0x10, s19, s18, $0xb8;
	[tilespmem:$0xBF00] =	vst v63  }
0x68: {  	_ = 	snop  }
0x69: {  	[spmem:s2] =	stream.indirect.scatter.add.f32 [tilespmem:s17], [sflag:$0x1], $0x10, s20, s18, $0xb8;
	[tilespmem:$0xBF00] =	vst v63  }
0x6a: {  	_ = 	snop  }
0x6b: {  	[spmem:s3] =	stream.indirect.scatter.add.f32 [tilespmem:s17], [sflag:$0x1], $0x10, s21, s18, $0xb8;
	[tilespmem:$0xBF00] =	vst v63  }
0x6c: {  	_ = 	snop  }
0x6d: {  	[spmem:s2] =	stream.indirect.scatter.add.f32 [tilespmem:s17], [sflag:$0x1], $0x10, s22, s18, $0xb8;
	[tilespmem:$0xBF00] =	vst v63  }
0x6e: {  	_ = 	snop  }
0x6f: {  	[spmem:s3] =	stream.indirect.scatter.add.f32 [tilespmem:s17], [sflag:$0x1], $0x10, s23, s18, $0xb8;
	[tilespmem:$0xBF00] =	vst v63  }
0x70: {  	_ = 	snop  }
0x71: {  	[spmem:s2] =	stream.indirect.scatter.add.f32 [tilespmem:s17], [sflag:$0x1], $0x10, s24, s18, $0xb8;
	[tilespmem:$0xBF00] =	vst v63  }
0x72: {  	_ = 	snop  }
0x73: {  	[spmem:s3] =	stream.indirect.scatter.add.f32 [tilespmem:s17], [sflag:$0x1], $0x10, s25, s18, $0xb8;
	[tilespmem:$0xBF00] =	vst v63  }
0x74: {  	_ = 	snop  }
0x75: {  	[spmem:s2] =	stream.indirect.scatter.add.f32 [tilespmem:s17], [sflag:$0x1], $0x10, s26, s18, $0xb8;
	[tilespmem:$0xBF00] =	vst v63  }
0x76: {  	_ = 	snop  }
0x77: {  	[spmem:s3] =	stream.indirect.scatter.add.f32 [tilespmem:s17], [sflag:$0x1], $0x10, s28, s18, $0xb8;
	[tilespmem:$0xBF00] =	vst v63  }
0x78: {  	_ =	swait.ge [sflag:s29], $0x2000  }
0x79: {  	s31 =	simm.s32 $0x27;
	[sflag:s29] =	ssyncset.done $0x0  }
.LBB2_2:
0x7a: {  	p0 =	sne.s32 s31, $0x1;
	s31 =	sadd.s32 $0xFFFFFFFF, s31;
	[sflag:s29] =	ssyncadd.s32 $0xFFFFE000  }
.Ltmp0:
0x7b: {  	(pc) =	sbr.rel @p0 .LBB2_2-.Ltmp0, $3  }
0x7c: {  	_ =	sdelay $0x1  }
0x7d: {  	_ =	swait.ge [sflag:s29], $0x2000  }
0x7e: {  	[sflag:s29] =	ssyncset.done $0x0  }
0x7f: {  	[sflag:s29] =	ssyncadd.s32 $0xFFFFE000  }
0x80: {  	[bflag:$0x0] =	sbarrier.arrive $0xFFFF  }
0x81: {  	[hbm:s9], [sflag:s7] =	dma.local [spmem:s13], $0x4F0  }
0x82: {  	s30 =	sadd.s32 $0x1, s30;
	_ =	swait.ge [sflag:s14], $0x4F0  }
0x83: {  	p0 =	sne.s32 s30, s12;
	[sflag:s14] =	ssyncset.done $0x0  }
.Ltmp1:
0x84: {  	[sflag:s14] =	ssyncadd.s32 $0xFFFFFB10;
	(pc) =	sbr.rel @p0 .LBB2_1-.Ltmp1, $4  }
0x85: {  	[hbm:s11], [sflag:s7] =	dma.local [spmem:s15], $0x4F0  }
0x86: {  	_ =	swait.ge [sflag:s14], $0x4F0  }
0x87: {  	[sflag:s14] =	ssyncset.done $0x0  }
0x88: {  	[sflag:s14] =	ssyncadd.s32 $0xFFFFFB10  }
0x89: {  	_ =	sfence.sel $0x180000  }
0x8a: {  	[bflag:$0x0] =	sbarrier.arrive $0xFFFF  }
0x8b: {  	_ =	strace $0x90000047  }
0x8c: {  	s0 =	stileid.u32;
	[bflag:$0x2] =	sbarrier.arrive $0xFFFF  }
0x8d: {  	p0 =	sne.s32 s0, $0x0;
	s0 =	rddreg [dreg:$0x4]  }
0x8e: {  	s0 =	sadd.s32 @!p0 $0x100000, s0  }
0x8f: {  	[sflag:s0] =	ssyncadd.tile.s32 @!p0 $0x1;
	_ =	shalt  }
.Lfunc_end2:
_tile_overlayer_lowered:
.L_overlay_start_2:
0x90: {  	(tag) =	ssettag $0x2  }
0x91: {  	s0 =	rddreg [dreg:$0x0];
	s2 =	stileid.u32  }
0x92: {  	s1 =	rddreg [dreg:$0x1];
	p0 =	sne.s32 s2, $0x0  }
0x93: {  	s3 =	rddreg [dreg:$0x2];
	[bflag:$0x3] =	sbarrier.arrive $0xFFFF;
	s2 =	simm.s32 @!p0 $0x1C02  }
0x94: {  	[timem:s3], [sflag:s2] =	dma.local @!p0 [hbm:s0], s1  }
0x95: {  	s0 =	simm.s32 @!p0 $0x2  }
0x96: {  	_ =	swait.ge @!p0 [sflag:s0], s1  }
0x97: {  	s1 =	ssub.s32 @!p0 $0x0, s1;
	[sflag:s0] =	ssyncset.done @!p0 $0x0  }
0x98: {  	[sflag:s0] =	ssyncadd.s32 @!p0 s1  }
0x99: {  	[bflag:$0x3] =	sbarrier.arrive $0xFFFF  }
0x9a: {  	_ =	shalt  }

// kernel: kernel.23.cloned.1.call-start
scs
__scs_entry_jumppad:
0x0: {  	(pc) =	sbr.rel $0x88, $3  }
0x1: {  	(tag) =	ssettag $0x0;
	lr =	simm.s32 $0x1  }
0x2: {  	[smem:$0x3F8F] =	sst lr;
	_ =	strace $0xD0000000  }
0x3: {  	_ = 	snop  }
0x4: {  	_ = 	snop  }
0x5: {  	_ = 	snop  }
0x6: {  	_ = 	snop  }
0x7: {  	_ = 	snop  }
__scs_overlays_trampoline_lowered:
0x8: {  	[smem:$0x3F9E] =	sst s0  }
0x9: {  	[smem:$0x3F9F] =	sst s1  }
0xa: {  	[smem:$0x3FA0] =	sst s2  }
0xb: {  	[smem:$0x3FA1] =	sst s3  }
0xc: {  	[smem:$0x3FA2] =	sst s4  }
0xd: {  	[smem:$0x3FA3] =	sst s5  }
0xe: {  	[smem:$0x3FA4] =	sst s6  }
0xf: {  	[smem:$0x3FA5] =	sst s7  }
0x10: {  	[smem:$0x3FA6] =	sst s8  }
0x11: {  	[smem:$0x3FA7] =	sst s9;
	s0 =	simm.s32 @!p0 $0x0  }
0x12: {  	s1 =	sld [smem:$0x3F8D];
	s0 =	simm.s32 @p0 $0x1  }
0x13: {  	[smem:$0x3FA8] =	sst s0;
	s0 =	simm.s32 @!p1 $0x0  }
0x14: {  	s2 =	sld [smem:$0x3F8C];
	s0 =	simm.s32 @p1 $0x1  }
0x15: {  	[smem:$0x3FA9] =	sst s0;
	s0 =	simm.s32 @!p2 $0x0  }
0x16: {  	s3 =	sld [smem:$0x3FDB];
	s0 =	simm.s32 @p2 $0x1  }
0x17: {  	s4 =	simm.s32 $0x1BF5;
	[smem:$0x3FAB] =	sst s0  }
0x18: {  	s0 =	sld [smem:$0x3F8E];
	_ =	swait.ge [sflag:s4], $0x0  }
0x19: {  	s7 =	sld [smem:$0x3F8F]  }
0x1a: {  	s8 =	sadd.s32 $0xFFFFE003, lr  }
0x1b: {  	s9 =	sadd.s32 $0xFFFFFEF7, lr;
	s5 =	simm.s32 $0xFFFFFFFF;
	p2 =	slt.u32 s8, $0xFFFFF086  }
0x1c: {  	p1 =	slt.u32 s9, $0xF7A;
	s5 =	simm.s32 @!p2 $0x0  }
0x1d: {  	s5 =	simm.s32 @p1 $0x1;
	p0 =	seq.s32 s7, s2  }
0x1e: {  	s7 =	smul.u32 @!p0 $0xF7A, s2;
	p2 =	seq.s32 @!p0 s5, $0x0  }
0x1f: {  	s9 =	smul.u32 $0xF7A, s1;
	s8 =	simm.s32 @!p0 $0x1BF5;
	p2 =	por !p2, p0  }
0x20: {  	[sflag:s8] =	ssyncset.s32 @!p0 $0xFFFFF086;
	s6 =	sadd.s32 @!p0 s3, s7;
	s7 =	simm.s32 @!p0 $0x108  }
0x21: {  	s3 =	sadd.s32 s3, s9;
	s6 =	sadd.s32 @!p0 $0x88, s6;
	s7 =	simm.s32 @p2 $0x1082  }
0x22: {  	[simem:s7], [sflag:s8] =	dma.local @!p0 [hbm:s6], $0xF7A  }
0x23: {  	s9 =	sor.u32 $0xD0000000, s2;
	s6 =	simm.s32 $0x108;
	_ =	swait.ge @!p0 [sflag:s8], $0x0  }
0x24: {  	s3 =	sadd.s32 $0x88, s3;
	s6 =	simm.s32 @!p1 $0x1082;
	[sflag:s4] =	ssyncset.s32 $0xFFFFF086  }
0x25: {  	[simem:s6], [sflag:s4] =	dma.local [hbm:s3], $0xF7A  }
0x26: {  	[smem:$0x3F8F] =	sst s1;
	(tag) =	ssettag s2;
	_ =	strace s9  }
0x27: {  	s1 =	sld [smem:$0x3F9F]  }
0x28: {  	s2 =	sld [smem:$0x3FA0]  }
0x29: {  	s4 =	sld [smem:$0x3FA2]  }
0x2a: {  	p0 =	seq.s32 s5, $0x0;
	s5 =	sld [smem:$0x3FA3]  }
0x2b: {  	s6 =	sld [smem:$0x3FA4]  }
0x2c: {  	s7 =	sld [smem:$0x3FA5]  }
0x2d: {  	s3 =	simm.s32 $0x108;
	s8 =	sld [smem:$0x3FA6]  }
0x2e: {  	s3 =	simm.s32 @!p0 $0x1082;
	s9 =	sld [smem:$0x3FA7]  }
0x2f: {  	lr =	sadd.s32 s0, s3;
	s0 =	sld [smem:$0x3F9E]  }
0x30: {  	s3 =	sld [smem:$0x3FA1]  }
0x31: {  	[smem:$0x3FAA] =	sst s10  }
0x32: {  	s10 =	sld [smem:$0x3FA8];
	_ =	sdelay $0x3  }
0x33: {  	p0 =	seq.s32 s10, $0x1;
	s10 =	sld [smem:$0x3FAA];
	_ =	sdelay $0x3  }
0x34: {  	[smem:$0x3FAA] =	sst s10  }
0x35: {  	s10 =	sld [smem:$0x3FA9];
	_ =	sdelay $0x3  }
0x36: {  	p1 =	seq.s32 s10, $0x1;
	s10 =	sld [smem:$0x3FAA];
	_ =	sdelay $0x3  }
0x37: {  	[smem:$0x3FAA] =	sst s10  }
0x38: {  	s10 =	sld [smem:$0x3FAB]  }
0x39: {  	_ = 	snop;
	(pc) =	sbr.ind lr, $3  }
0x3a: {  	_ = 	snop  }
0x3b: {  	_ = 	snop  }
0x3c: {  	p2 =	seq.s32 s10, $0x1;
	s10 =	sld [smem:$0x3FAA]  }
0x3d: {  	_ =	shalt  }
0x3e: {  	_ =	shalt  }
0x3f: {  	_ =	shalt  }
0x40: {  	_ =	shalt  }
0x41: {  	_ =	shalt  }
0x42: {  	_ =	shalt  }
0x43: {  	_ =	shalt  }
0x44: {  	_ =	shalt  }
0x45: {  	_ =	shalt  }
0x46: {  	_ =	shalt  }
0x47: {  	_ =	shalt  }
0x48: {  	_ =	shalt  }
0x49: {  	_ =	shalt  }
0x4a: {  	_ =	shalt  }
0x4b: {  	_ =	shalt  }
0x4c: {  	_ =	shalt  }
0x4d: {  	_ =	shalt  }
0x4e: {  	_ =	shalt  }
0x4f: {  	_ =	shalt  }
0x50: {  	_ =	shalt  }
0x51: {  	_ =	shalt  }
0x52: {  	_ =	shalt  }
0x53: {  	_ =	shalt  }
0x54: {  	_ =	shalt  }
0x55: {  	_ =	shalt  }
0x56: {  	_ =	shalt  }
0x57: {  	_ =	shalt  }
0x58: {  	_ =	shalt  }
0x59: {  	_ =	shalt  }
0x5a: {  	_ =	shalt  }
0x5b: {  	_ =	shalt  }
0x5c: {  	_ =	shalt  }
0x5d: {  	_ =	shalt  }
0x5e: {  	_ =	shalt  }
0x5f: {  	_ =	shalt  }
0x60: {  	_ =	shalt  }
0x61: {  	_ =	shalt  }
0x62: {  	_ =	shalt  }
0x63: {  	_ =	shalt  }
0x64: {  	_ =	shalt  }
0x65: {  	_ =	shalt  }
0x66: {  	_ =	shalt  }
0x67: {  	_ =	shalt  }
0x68: {  	_ =	shalt  }
0x69: {  	_ =	shalt  }
0x6a: {  	_ =	shalt  }
0x6b: {  	_ =	shalt  }
0x6c: {  	_ =	shalt  }
0x6d: {  	_ =	shalt  }
0x6e: {  	_ =	shalt  }
0x6f: {  	_ =	shalt  }
0x70: {  	_ =	shalt  }
0x71: {  	_ =	shalt  }
0x72: {  	_ =	shalt  }
0x73: {  	_ =	shalt  }
0x74: {  	_ =	shalt  }
0x75: {  	_ =	shalt  }
0x76: {  	_ =	shalt  }
0x77: {  	_ =	shalt  }
0x78: {  	_ =	shalt  }
0x79: {  	_ =	shalt  }
0x7a: {  	_ =	shalt  }
0x7b: {  	_ =	shalt  }
0x7c: {  	_ =	shalt  }
0x7d: {  	_ =	shalt  }
0x7e: {  	_ =	shalt  }
0x7f: {  	_ =	shalt  }
0x80: {  	_ =	shalt  }
0x81: {  	_ =	shalt  }
0x82: {  	_ =	shalt  }
0x83: {  	_ =	shalt  }
0x84: {  	_ =	shalt  }
0x85: {  	_ =	shalt  }
0x86: {  	_ =	shalt  }
0x87: {  	_ =	shalt  }
.Lfunc_end0:
.L_simem_size_0:
called_computation.1_lowered:
.L_overlay_start_0:
0x88: {  	s2 =	sld [smem:$0x3FD9]  }
0x89: {  	s3 =	sld [smem:$0x3FFE];
	_ =	sdelay $0x1  }
0x8a: {  	s1 =	srdreg.scid  }
0x8b: {  	s0 =	sand.u32 $0x1, s1  }
0x8c: {  	s17 =	sshll.u32 s0, $0xA;
	s2 =	sadd.s32 s3, s2  }
0x8d: {  	s2 =	sadd.s32 s2, s17  }
0x8e: {  	[smem:$0x3FB6] =	sst s2  }
0x8f: {  	_ = 	snop  }
0x90: {  	s2 =	sld [smem:$0x3FD0];
	(tm) =	ssettm $0x1  }
0x91: {  	s18 =	sld [smem:$0x3FFB];
	_ =	sdelay $0x3  }
0x92: {  	_ =	strace s18  }
0x93: {  	s3 =	sld [smem:$0x3FFC];
	_ =	sdelay $0x3  }
0x94: {  	_ =	strace s3  }
0x95: {  	s3 =	sld [smem:$0x3FFD];
	_ =	sdelay $0x3  }
0x96: {  	_ =	strace s3  }
0x97: {  	_ =	strace $0x8FFFFFFF  }
0x98: {  	s19 =	sld [smem:$0x3FDB];
	_ =	sdelay $0x1  }
0x99: {  	s4 =	simm.s32 $_scs_section_size  }
0x9a: {  	s5 =	simm.s32 $_size__tile_overlayer_lowered;
	s6 =	simm.s32 $_tile_overlayer_lowered  }
0x9b: {  	s22 =	simm.s32 $0x1BFF;
	s21 =	sshll.u32 s6, $0x1;
	s3 =	sadd.s32 s4, s19  }
0x9c: {  	s7 =	simm.s32 $0x0;
	s20 =	sshll.u32 s5, $0x1;
	s5 =	sadd.s32 s21, s3  }
0x9d: {  	[timem:s7], [sflag:s22] =	dma.local [hbm:s5], s20  }
0x9e: {  	_ =	swait.ge [sflag:s22], s20  }
0x9f: {  	s4 =	ssub.s32 $0x0, s20;
	[sflag:s22] =	ssyncset.done $0x0  }
0xa0: {  	[sflag:s22] =	ssyncadd.s32 s4;
	_ =	sdelay $0x1  }
0xa1: {  	s23 =	simm.s32 $0x1B8B  }
0xa2: {  	_ =	swait.ge [sflag:s23], $0x1  }
0xa3: {  	[sflag:s23] =	ssyncset.done $0x0  }
0xa4: {  	s25 =	simm.s32 $0x1B8E;
	s24 =	sld [smem:$0x3FFE];
	[sflag:s23] =	ssyncadd.s32 $0xFFFFFFFF  }
0xa5: {  	s26 =	simm.s32 $execute0_lowered;
	[smem:$0x3FD2] =	sst s25  }
0xa6: {  	s5 =	sshll.u32 s26, $0x1;
	_ =	strace $0x80000049;
	[dreg:$0x1] =	wrdreg $0xFFFFFFFF  }
0xa7: {  	s28 =	simm.s32 $_size_execute0_lowered;
	s3 =	sadd.s32 s3, s5;
	[dreg:$0x0] =	wrdreg $0x0  }
0xa8: {  	s5 =	sshll.u32 s28, $0x1;
	[dreg:$0x2] =	wrdreg s3  }
0xa9: {  	[dreg:$0x3] =	wrdreg s5  }
0xaa: {  	[dreg:$0x4] =	wrdreg $0xC0  }
0xab: {  	_ =	task [dreg:s7], $0x5FFFF  }
0xac: {  	[dreg:$0x1] =	wrdreg $0xFFFFFFFF  }
0xad: {  	[dreg:$0x0] =	wrdreg $0x60  }
0xae: {  	[dreg:$0x2] =	wrdreg s2  }
0xaf: {  	[dreg:$0x3] =	wrdreg s24  }
0xb0: {  	[dreg:$0x4] =	wrdreg $0x90000  }
0xb1: {  	[dreg:$0x5] =	wrdreg $0x12E000  }
0xb2: {  	[dreg:$0x6] =	wrdreg $0x9  }
0xb3: {  	_ =	task.clear_ibuf [dreg:s7], $0x7FFFF;
	_ =	strace $0x90000049  }
0xb4: {  	s29 =	simm.s32 $0x9;
	_ =	strace $0x8000004B  }
0xb5: {  	_ =	swait.ge [sflag:s29], $0x1  }
0xb6: {  	[sflag:s29] =	ssyncadd.s32 $0xFFFFFFFF  }
0xb7: {  	_ =	strace $0x9000004B  }
0xb8: {  	_ =	sfence  }
0xb9: {  	s30 =	sld [smem:$0x0];
	_ =	sdelay $0x2  }
0xba: {  	s31 =	sshll.u32 s1, $0xD;
	s1 =	sshrl.u32 s1, $0x2  }
0xbb: {  	s3 =	sand.u32 $0x4000, s31;
	s1 =	sadd.s32 s1, s30  }
0xbc: {  	s0 =	sor.u32 s3, s0;
	s1 =	sshll.u32 s1, $0x11  }
0xbd: {  	s0 =	sor.u32 s1, s0  }
0xbe: {  	s0 =	sadd.s32 $0x8F2B, s0  }
0xbf: {  	[sflag:s0] =	ssyncadd.remote.s32 $0x1  }
0xc0: {  	_ =	sfence.sel $0xFFFF  }
0xc1: {  	[dreg:$0x0] =	wrdreg $0xFFFFFFFF;
	(pc) =	sbr.abs _section_cstart, $3  }
0xc2: {  	[dreg:$0x1] =	wrdreg $0xFFFFFFFF  }
0xc3: {  	_ =	task.clear_ibuf [dreg:s7], $0x2FFFF;
	_ =	strace $0x9FFFFFFF  }
0xc4: {  	(tm) =	ssettm $0x7FFFFFFF  }
0xc5: {  	_ =	shalt  }
tec
execute0_lowered:
.L_overlay_start_1:
0x0: {  	(tag) =	ssettag $0x1  }
0x1: {  	s7 =	rddreg [dreg:$0x0]  }
0x2: {  	s6 =	rddreg [dreg:$0x1]  }
0x3: {  	s2 =	rddreg [dreg:$0x2]  }
0x4: {  	s0 =	srdreg.scid;
	s3 =	rddreg [dreg:$0x3]  }
0x5: {  	s4 =	simm.s32 $0x0;
	s16 =	simm.s32 $0x1;
	s17 =	simm.s32 $0x80  }
0x6: {  	s18 =	simm.s32 $0x4F80;
	s5 =	sand.u32 $0x1, s0;
	s0 =	stileid.u32  }
0x7: {  	s19 =	simm.s32 $0x7000;
	s20 =	simm.s32 $0x0;
	s9 =	smul.u32 $0x9E00, s0  }
0x8: {  	[smem:$0x7FF] =	sst s4;
	s1 =	sshll.u32 s5, $0x4;
	s10 =	smul.u32 $0x9E000, s5  }
0x9: {  	s5 =	ssub.s32 $0x2, s5;
	s31 =	sshll.u32 s0, $0x6;
	s1 =	sor.u32 s0, s1  }
0xa: {  	s13 =	sshrl.u32 s5, $0x1;
	s8 =	smul.u32 $0x500, s1;
	s1 =	rddreg [dreg:$0x4]  }
0xb: {  	_ =	strace $0x8000004A;
	s30 =	sshrl.u32 s9, $0x3;
	s10 =	sadd.s32 s9, s10  }
0xc: {  	s13 =	ssub.s32 s5, s13;
	s14 =	sadd.s32 s9, s2;
	s15 =	sadd.s32 s9, s3  }
0xd: {  	s12 =	sadd.s32 s30, s6;
	s10 =	sshrl.u32 s10, $0x3;
	s7 =	sadd.s32 s7, s30  }
0xe: {  	s11 =	sadd.s32 s8, s6;
	s10 =	sadd.s32 s10, s6;
	s5 =	sadd.s32 $0x41200, s12  }
0xf: {  	s6 =	sor.u32 $0x1C02, s31;
	s12 =	sshrl.u32 s14, $0x3;
	s14 =	sshrl.u32 s15, $0x3  }
0x10: {  	s15 =	simm.s32 $0x5000;
	s8 =	sadd.s32 $0xFA00, s11;
	s9 =	sadd.s32 $0x5A00, s11  }
0x11: {  	s10 =	sadd.s32 $0x54E00, s10;
	s11 =	smax.u32 s13, $0x1;
	s13 =	simm.s32 $0x2  }
.LBB2_1:
0x12: {  	[spmem:s12], [sflag:s6] =	dma.local [hbm:s5], $0x13C0  }
0x13: {  	_ =	swait.ge [sflag:s13], $0x13C0  }
0x14: {  	[sflag:s13] =	ssyncset.done $0x0  }
0x15: {  	[sflag:s13] =	ssyncadd.s32 $0xFFFFEC40  }
0x16: {  	[spmem:s14], [sflag:s6] =	dma.local [hbm:s7], $0x13C0  }
0x17: {  	_ =	swait.ge [sflag:s13], $0x13C0  }
0x18: {  	[sflag:s13] =	ssyncset.done $0x0  }
0x19: {  	[sflag:s13] =	ssyncadd.s32 $0xFFFFEC40  }
0x1a: {  	[tilespmem:s4], [sflag:$0x2] =	stream.linear.gather [hbm4b:s8+s4], $0x2800, $0x38;
	[tilespmem:$0x1CC00] =	vst v63  }
0x1b: {  	_ =	swait.ge [sflag:s13], $0x2800  }
0x1c: {  	[sflag:s13] =	ssyncset.done $0x0  }
0x1d: {  	s21 =	simm.s32 $0x2800;
	[sflag:s13] =	ssyncadd.s32 $0xFFFFD800  }
0x1e: {  	[tilespmem:s21], [sflag:$0x2] =	stream.linear.gather [hbm4b:s9+s4], $0x2800, $0x38;
	[tilespmem:$0x1CC00] =	vst v63  }
0x1f: {  	_ =	swait.ge [sflag:s13], $0x2800  }
0x20: {  	[sflag:s13] =	ssyncset.done $0x0  }
0x21: {  	[sflag:s13] =	ssyncadd.s32 $0xFFFFD800  }
0x22: {  	[bflag:$0x0] =	sbarrier.arrive $0xFFFF  }
0x23: {  	[tilespmem:s15], [sflag:$0x1] =	stream.indirect.gather [spmem:s3], $0x40, s4, s17, $0xb8;
	[tilespmem:$0x1CC00] =	vst v63  }
0x24: {  	s22 =	simm.s32 $0x0;
	_ =	swait.ge [sflag:s16], $0x2000  }
0x25: {  	s22 =	sand.u32 $0x2000, s22;
	[sflag:s16] =	ssyncset.done $0x0  }
0x26: {  	s23 =	sxor.u32 $0x7000, s22;
	[sflag:s16] =	ssyncadd.s32 $0xFFFFE000  }
0x27: {  	[tilespmem:s23], [sflag:$0x1] =	stream.indirect.gather [spmem:s3], $0x40, s17, s17, $0xb8;
	[tilespmem:$0x1CC00] =	vst v63  }
0x28: {  	s22 =	sor.u32 $0x5000, s22  }
0x29: {  	[spmem:s2] =	stream.indirect.scatter.add.f32 [tilespmem:s22], [sflag:$0x2], $0x40, s21, s17, $0xb8;
	[tilespmem:$0x1CC00] =	vst v63  }
0x2a: {  	_ =	swait.ge [sflag:s13], $0x2000  }
0x2b: {  	s23 =	simm.s32 $0x80;
	s22 =	simm.s32 $0x1;
	[sflag:s13] =	ssyncset.done $0x0  }
.LBB2_2:
0x2c: {  	[sflag:s13] =	ssyncadd.s32 $0xFFFFE000;
	s21 =	sadd.s32 $0x80, s21;
	s23 =	sadd.s32 $0x80, s23  }
0x2d: {  	p0 =	sne.s32 s22, $0x4E;
	s24 =	smov.u32 s22;
	s22 =	sadd.s32 $0x1, s22  }
0x2e: {  	s24 =	sshll.u32 s24, $0xD;
	_ =	swait.ge [sflag:s16], $0x2000  }
0x2f: {  	s24 =	sand.u32 $0x2000, s24;
	[sflag:s16] =	ssyncset.done $0x0  }
0x30: {  	s25 =	sxor.u32 $0x7000, s24;
	[sflag:s16] =	ssyncadd.s32 $0xFFFFE000  }
0x31: {  	[tilespmem:s25], [sflag:$0x1] =	stream.indirect.gather [spmem:s3], $0x40, s23, s17, $0xb8;
	[tilespmem:$0x1CC00] =	vst v63  }
.Ltmp0:
0x32: {  	_ = 	snop;
	(pc) =	sbr.rel @p0 .LBB2_2-.Ltmp0, $4  }
0x33: {  	s24 =	sor.u32 $0x5000, s24  }
0x34: {  	[spmem:s2] =	stream.indirect.scatter.add.f32 [tilespmem:s24], [sflag:$0x2], $0x40, s21, s17, $0xb8;
	[tilespmem:$0x1CC00] =	vst v63  }
0x35: {  	_ =	swait.ge [sflag:s13], $0x2000  }
0x36: {  	[sflag:s13] =	ssyncset.done $0x0  }
0x37: {  	[sflag:s13] =	ssyncadd.s32 $0xFFFFE000  }
0x38: {  	_ =	swait.ge [sflag:s16], $0x2000  }
0x39: {  	[sflag:s16] =	ssyncset.done $0x0  }
0x3a: {  	[sflag:s16] =	ssyncadd.s32 $0xFFFFE000  }
0x3b: {  	[spmem:s2] =	stream.indirect.scatter.add.f32 [tilespmem:s19], [sflag:$0x2], $0x40, s18, s17, $0xb8;
	[tilespmem:$0x1CC00] =	vst v63  }
0x3c: {  	_ =	swait.ge [sflag:s13], $0x2000  }
0x3d: {  	s20 =	sadd.s32 $0x1, s20;
	[sflag:s13] =	ssyncset.done $0x0  }
0x3e: {  	p0 =	sne.s32 s20, s11;
	[sflag:s13] =	ssyncadd.s32 $0xFFFFE000  }
.Ltmp1:
0x3f: {  	[bflag:$0x0] =	sbarrier.arrive $0xFFFF;
	(pc) =	sbr.rel @p0 .LBB2_1-.Ltmp1, $4  }
0x40: {  	[hbm:s10], [sflag:s6] =	dma.local [spmem:s12], $0x13C0  }
0x41: {  	_ =	swait.ge [sflag:s13], $0x13C0  }
0x42: {  	[sflag:s13] =	ssyncset.done $0x0  }
0x43: {  	[sflag:s13] =	ssyncadd.s32 $0xFFFFEC40  }
0x44: {  	_ =	sfence.sel $0x180000  }
0x45: {  	[bflag:$0x0] =	sbarrier.arrive $0xFFFF  }
0x46: {  	p0 =	sne.s32 s0, $0x0;
	_ =	strace $0x9000004A  }
0x47: {  	s0 =	sadd.s32 @!p0 $0x100000, s1;
	[bflag:$0x2] =	sbarrier.arrive $0xFFFF  }
0x48: {  	[sflag:s0] =	ssyncadd.tile.s32 @!p0 $0x1;
	_ =	shalt  }
.Lfunc_end2:
_tile_overlayer_lowered:
.L_overlay_start_2:
0x49: {  	(tag) =	ssettag $0x2  }
0x4a: {  	s0 =	rddreg [dreg:$0x0];
	s2 =	stileid.u32  }
0x4b: {  	s1 =	rddreg [dreg:$0x1];
	p0 =	sne.s32 s2, $0x0  }
0x4c: {  	s3 =	rddreg [dreg:$0x2];
	[bflag:$0x3] =	sbarrier.arrive $0xFFFF;
	s2 =	simm.s32 @!p0 $0x1C02  }
0x4d: {  	[timem:s3], [sflag:s2] =	dma.local @!p0 [hbm:s0], s1  }
0x4e: {  	s0 =	simm.s32 @!p0 $0x2  }
0x4f: {  	_ =	swait.ge @!p0 [sflag:s0], s1  }
0x50: {  	s1 =	ssub.s32 @!p0 $0x0, s1;
	[sflag:s0] =	ssyncset.done @!p0 $0x0  }
0x51: {  	[sflag:s0] =	ssyncadd.s32 @!p0 s1  }
0x52: {  	[bflag:$0x3] =	sbarrier.arrive $0xFFFF  }
0x53: {  	_ =	shalt  }

// kernel: kernel.26.cloned.1.call-start
scs
__scs_entry_jumppad:
0x0: {  	(pc) =	sbr.rel $0x88, $3  }
0x1: {  	(tag) =	ssettag $0x0;
	lr =	simm.s32 $0x1  }
0x2: {  	[smem:$0x3F8F] =	sst lr;
	_ =	strace $0xD0000000  }
0x3: {  	_ = 	snop  }
0x4: {  	_ = 	snop  }
0x5: {  	_ = 	snop  }
0x6: {  	_ = 	snop  }
0x7: {  	_ = 	snop  }
__scs_overlays_trampoline_lowered:
0x8: {  	[smem:$0x3F9E] =	sst s0  }
0x9: {  	[smem:$0x3F9F] =	sst s1  }
0xa: {  	[smem:$0x3FA0] =	sst s2  }
0xb: {  	[smem:$0x3FA1] =	sst s3  }
0xc: {  	[smem:$0x3FA2] =	sst s4  }
0xd: {  	[smem:$0x3FA3] =	sst s5  }
0xe: {  	[smem:$0x3FA4] =	sst s6  }
0xf: {  	[smem:$0x3FA5] =	sst s7  }
0x10: {  	[smem:$0x3FA6] =	sst s8  }
0x11: {  	[smem:$0x3FA7] =	sst s9;
	s0 =	simm.s32 @!p0 $0x0  }
0x12: {  	s1 =	sld [smem:$0x3F8D];
	s0 =	simm.s32 @p0 $0x1  }
0x13: {  	[smem:$0x3FA8] =	sst s0;
	s0 =	simm.s32 @!p1 $0x0  }
0x14: {  	s2 =	sld [smem:$0x3F8C];
	s0 =	simm.s32 @p1 $0x1  }
0x15: {  	[smem:$0x3FA9] =	sst s0;
	s0 =	simm.s32 @!p2 $0x0  }
0x16: {  	s3 =	sld [smem:$0x3FDB];
	s0 =	simm.s32 @p2 $0x1  }
0x17: {  	s4 =	simm.s32 $0x1BF5;
	[smem:$0x3FAB] =	sst s0  }
0x18: {  	s0 =	sld [smem:$0x3F8E];
	_ =	swait.ge [sflag:s4], $0x0  }
0x19: {  	s7 =	sld [smem:$0x3F8F]  }
0x1a: {  	s8 =	sadd.s32 $0xFFFFE003, lr  }
0x1b: {  	s9 =	sadd.s32 $0xFFFFFEF7, lr;
	s5 =	simm.s32 $0xFFFFFFFF;
	p2 =	slt.u32 s8, $0xFFFFF086  }
0x1c: {  	p1 =	slt.u32 s9, $0xF7A;
	s5 =	simm.s32 @!p2 $0x0  }
0x1d: {  	s5 =	simm.s32 @p1 $0x1;
	p0 =	seq.s32 s7, s2  }
0x1e: {  	s7 =	smul.u32 @!p0 $0xF7A, s2;
	p2 =	seq.s32 @!p0 s5, $0x0  }
0x1f: {  	s9 =	smul.u32 $0xF7A, s1;
	s8 =	simm.s32 @!p0 $0x1BF5;
	p2 =	por !p2, p0  }
0x20: {  	[sflag:s8] =	ssyncset.s32 @!p0 $0xFFFFF086;
	s6 =	sadd.s32 @!p0 s3, s7;
	s7 =	simm.s32 @!p0 $0x108  }
0x21: {  	s3 =	sadd.s32 s3, s9;
	s6 =	sadd.s32 @!p0 $0x88, s6;
	s7 =	simm.s32 @p2 $0x1082  }
0x22: {  	[simem:s7], [sflag:s8] =	dma.local @!p0 [hbm:s6], $0xF7A  }
0x23: {  	s9 =	sor.u32 $0xD0000000, s2;
	s6 =	simm.s32 $0x108;
	_ =	swait.ge @!p0 [sflag:s8], $0x0  }
0x24: {  	s3 =	sadd.s32 $0x88, s3;
	s6 =	simm.s32 @!p1 $0x1082;
	[sflag:s4] =	ssyncset.s32 $0xFFFFF086  }
0x25: {  	[simem:s6], [sflag:s4] =	dma.local [hbm:s3], $0xF7A  }
0x26: {  	[smem:$0x3F8F] =	sst s1;
	(tag) =	ssettag s2;
	_ =	strace s9  }
0x27: {  	s1 =	sld [smem:$0x3F9F]  }
0x28: {  	s2 =	sld [smem:$0x3FA0]  }
0x29: {  	s4 =	sld [smem:$0x3FA2]  }
0x2a: {  	p0 =	seq.s32 s5, $0x0;
	s5 =	sld [smem:$0x3FA3]  }
0x2b: {  	s6 =	sld [smem:$0x3FA4]  }
0x2c: {  	s7 =	sld [smem:$0x3FA5]  }
0x2d: {  	s3 =	simm.s32 $0x108;
	s8 =	sld [smem:$0x3FA6]  }
0x2e: {  	s3 =	simm.s32 @!p0 $0x1082;
	s9 =	sld [smem:$0x3FA7]  }
0x2f: {  	lr =	sadd.s32 s0, s3;
	s0 =	sld [smem:$0x3F9E]  }
0x30: {  	s3 =	sld [smem:$0x3FA1]  }
0x31: {  	[smem:$0x3FAA] =	sst s10  }
0x32: {  	s10 =	sld [smem:$0x3FA8];
	_ =	sdelay $0x3  }
0x33: {  	p0 =	seq.s32 s10, $0x1;
	s10 =	sld [smem:$0x3FAA];
	_ =	sdelay $0x3  }
0x34: {  	[smem:$0x3FAA] =	sst s10  }
0x35: {  	s10 =	sld [smem:$0x3FA9];
	_ =	sdelay $0x3  }
0x36: {  	p1 =	seq.s32 s10, $0x1;
	s10 =	sld [smem:$0x3FAA];
	_ =	sdelay $0x3  }
0x37: {  	[smem:$0x3FAA] =	sst s10  }
0x38: {  	s10 =	sld [smem:$0x3FAB]  }
0x39: {  	_ = 	snop;
	(pc) =	sbr.ind lr, $3  }
0x3a: {  	_ = 	snop  }
0x3b: {  	_ = 	snop  }
0x3c: {  	p2 =	seq.s32 s10, $0x1;
	s10 =	sld [smem:$0x3FAA]  }
0x3d: {  	_ =	shalt  }
0x3e: {  	_ =	shalt  }
0x3f: {  	_ =	shalt  }
0x40: {  	_ =	shalt  }
0x41: {  	_ =	shalt  }
0x42: {  	_ =	shalt  }
0x43: {  	_ =	shalt  }
0x44: {  	_ =	shalt  }
0x45: {  	_ =	shalt  }
0x46: {  	_ =	shalt  }
0x47: {  	_ =	shalt  }
0x48: {  	_ =	shalt  }
0x49: {  	_ =	shalt  }
0x4a: {  	_ =	shalt  }
0x4b: {  	_ =	shalt  }
0x4c: {  	_ =	shalt  }
0x4d: {  	_ =	shalt  }
0x4e: {  	_ =	shalt  }
0x4f: {  	_ =	shalt  }
0x50: {  	_ =	shalt  }
0x51: {  	_ =	shalt  }
0x52: {  	_ =	shalt  }
0x53: {  	_ =	shalt  }
0x54: {  	_ =	shalt  }
0x55: {  	_ =	shalt  }
0x56: {  	_ =	shalt  }
0x57: {  	_ =	shalt  }
0x58: {  	_ =	shalt  }
0x59: {  	_ =	shalt  }
0x5a: {  	_ =	shalt  }
0x5b: {  	_ =	shalt  }
0x5c: {  	_ =	shalt  }
0x5d: {  	_ =	shalt  }
0x5e: {  	_ =	shalt  }
0x5f: {  	_ =	shalt  }
0x60: {  	_ =	shalt  }
0x61: {  	_ =	shalt  }
0x62: {  	_ =	shalt  }
0x63: {  	_ =	shalt  }
0x64: {  	_ =	shalt  }
0x65: {  	_ =	shalt  }
0x66: {  	_ =	shalt  }
0x67: {  	_ =	shalt  }
0x68: {  	_ =	shalt  }
0x69: {  	_ =	shalt  }
0x6a: {  	_ =	shalt  }
0x6b: {  	_ =	shalt  }
0x6c: {  	_ =	shalt  }
0x6d: {  	_ =	shalt  }
0x6e: {  	_ =	shalt  }
0x6f: {  	_ =	shalt  }
0x70: {  	_ =	shalt  }
0x71: {  	_ =	shalt  }
0x72: {  	_ =	shalt  }
0x73: {  	_ =	shalt  }
0x74: {  	_ =	shalt  }
0x75: {  	_ =	shalt  }
0x76: {  	_ =	shalt  }
0x77: {  	_ =	shalt  }
0x78: {  	_ =	shalt  }
0x79: {  	_ =	shalt  }
0x7a: {  	_ =	shalt  }
0x7b: {  	_ =	shalt  }
0x7c: {  	_ =	shalt  }
0x7d: {  	_ =	shalt  }
0x7e: {  	_ =	shalt  }
0x7f: {  	_ =	shalt  }
0x80: {  	_ =	shalt  }
0x81: {  	_ =	shalt  }
0x82: {  	_ =	shalt  }
0x83: {  	_ =	shalt  }
0x84: {  	_ =	shalt  }
0x85: {  	_ =	shalt  }
0x86: {  	_ =	shalt  }
0x87: {  	_ =	shalt  }
.Lfunc_end0:
.L_simem_size_0:
called_computation.2_lowered:
.L_overlay_start_0:
0x88: {  	s2 =	sld [smem:$0x3FD9]  }
0x89: {  	s3 =	sld [smem:$0x3FFE];
	_ =	sdelay $0x1  }
0x8a: {  	s1 =	srdreg.scid  }
0x8b: {  	s0 =	sand.u32 $0x1, s1  }
0x8c: {  	s17 =	sshll.u32 s0, $0xA;
	s2 =	sadd.s32 s3, s2  }
0x8d: {  	s2 =	sadd.s32 s2, s17  }
0x8e: {  	[smem:$0x3FB6] =	sst s2  }
0x8f: {  	_ = 	snop  }
0x90: {  	s2 =	sld [smem:$0x3FD0];
	(tm) =	ssettm $0x1  }
0x91: {  	s18 =	sld [smem:$0x3FFB];
	_ =	sdelay $0x3  }
0x92: {  	_ =	strace s18  }
0x93: {  	s3 =	sld [smem:$0x3FFC];
	_ =	sdelay $0x3  }
0x94: {  	_ =	strace s3  }
0x95: {  	s3 =	sld [smem:$0x3FFD];
	_ =	sdelay $0x3  }
0x96: {  	_ =	strace s3  }
0x97: {  	_ =	strace $0x8FFFFFFF  }
0x98: {  	s19 =	sld [smem:$0x3FDB];
	_ =	sdelay $0x1  }
0x99: {  	s4 =	simm.s32 $_scs_section_size  }
0x9a: {  	s5 =	simm.s32 $_size__tile_overlayer_lowered;
	s6 =	simm.s32 $_tile_overlayer_lowered  }
0x9b: {  	s22 =	simm.s32 $0x1BFF;
	s21 =	sshll.u32 s6, $0x1;
	s3 =	sadd.s32 s4, s19  }
0x9c: {  	s7 =	simm.s32 $0x0;
	s20 =	sshll.u32 s5, $0x1;
	s5 =	sadd.s32 s21, s3  }
0x9d: {  	[timem:s7], [sflag:s22] =	dma.local [hbm:s5], s20  }
0x9e: {  	_ =	swait.ge [sflag:s22], s20  }
0x9f: {  	s4 =	ssub.s32 $0x0, s20;
	[sflag:s22] =	ssyncset.done $0x0  }
0xa0: {  	[sflag:s22] =	ssyncadd.s32 s4;
	_ =	sdelay $0x1  }
0xa1: {  	s23 =	simm.s32 $0x1B8B  }
0xa2: {  	_ =	swait.ge [sflag:s23], $0x1  }
0xa3: {  	[sflag:s23] =	ssyncset.done $0x0  }
0xa4: {  	s25 =	simm.s32 $0x1B8E;
	s24 =	sld [smem:$0x3FFE];
	[sflag:s23] =	ssyncadd.s32 $0xFFFFFFFF  }
0xa5: {  	s26 =	simm.s32 $execute0_lowered;
	[smem:$0x3FD2] =	sst s25  }
0xa6: {  	s5 =	sshll.u32 s26, $0x1;
	_ =	strace $0x8000004C;
	[dreg:$0x1] =	wrdreg $0xFFFFFFFF  }
0xa7: {  	s28 =	simm.s32 $_size_execute0_lowered;
	s3 =	sadd.s32 s3, s5;
	[dreg:$0x0] =	wrdreg $0x0  }
0xa8: {  	s5 =	sshll.u32 s28, $0x1;
	[dreg:$0x2] =	wrdreg s3  }
0xa9: {  	[dreg:$0x3] =	wrdreg s5  }
0xaa: {  	[dreg:$0x4] =	wrdreg $0xC0  }
0xab: {  	_ =	task [dreg:s7], $0x5FFFF  }
0xac: {  	[dreg:$0x1] =	wrdreg $0xFFFFFFFF  }
0xad: {  	[dreg:$0x0] =	wrdreg $0x60  }
0xae: {  	[dreg:$0x2] =	wrdreg s2  }
0xaf: {  	[dreg:$0x3] =	wrdreg s24  }
0xb0: {  	[dreg:$0x4] =	wrdreg $0x90000  }
0xb1: {  	[dreg:$0x5] =	wrdreg $0x12E000  }
0xb2: {  	[dreg:$0x6] =	wrdreg $0x9  }
0xb3: {  	_ =	task.clear_ibuf [dreg:s7], $0x7FFFF;
	_ =	strace $0x9000004C  }
0xb4: {  	s29 =	simm.s32 $0x9;
	_ =	strace $0x8000004E  }
0xb5: {  	_ =	swait.ge [sflag:s29], $0x1  }
0xb6: {  	[sflag:s29] =	ssyncadd.s32 $0xFFFFFFFF  }
0xb7: {  	_ =	strace $0x9000004E  }
0xb8: {  	_ =	sfence  }
0xb9: {  	s30 =	sld [smem:$0x0];
	_ =	sdelay $0x2  }
0xba: {  	s31 =	sshll.u32 s1, $0xD;
	s1 =	sshrl.u32 s1, $0x2  }
0xbb: {  	s3 =	sand.u32 $0x4000, s31;
	s1 =	sadd.s32 s1, s30  }
0xbc: {  	s0 =	sor.u32 s3, s0;
	s1 =	sshll.u32 s1, $0x11  }
0xbd: {  	s0 =	sor.u32 s1, s0  }
0xbe: {  	s0 =	sadd.s32 $0x8F2B, s0  }
0xbf: {  	[sflag:s0] =	ssyncadd.remote.s32 $0x1  }
0xc0: {  	_ =	sfence.sel $0xFFFF  }
0xc1: {  	[dreg:$0x0] =	wrdreg $0xFFFFFFFF;
	(pc) =	sbr.abs _section_cstart, $3  }
0xc2: {  	[dreg:$0x1] =	wrdreg $0xFFFFFFFF  }
0xc3: {  	_ =	task.clear_ibuf [dreg:s7], $0x2FFFF;
	_ =	strace $0x9FFFFFFF  }
0xc4: {  	(tm) =	ssettm $0x7FFFFFFF  }
0xc5: {  	_ =	shalt  }
tec
execute0_lowered:
.L_overlay_start_1:
0x0: {  	(tag) =	ssettag $0x1  }
0x1: {  	s7 =	rddreg [dreg:$0x0]  }
0x2: {  	s6 =	rddreg [dreg:$0x1]  }
0x3: {  	s2 =	rddreg [dreg:$0x2]  }
0x4: {  	s0 =	srdreg.scid;
	s3 =	rddreg [dreg:$0x3]  }
0x5: {  	s4 =	simm.s32 $0x0;
	s16 =	simm.s32 $0x1;
	s17 =	simm.s32 $0x80  }
0x6: {  	s18 =	simm.s32 $0x4F80;
	s5 =	sand.u32 $0x1, s0;
	s0 =	stileid.u32  }
0x7: {  	s19 =	simm.s32 $0x7000;
	s20 =	simm.s32 $0x0;
	s9 =	smul.u32 $0x9E00, s0  }
0x8: {  	[smem:$0x7FF] =	sst s4;
	s1 =	sshll.u32 s5, $0x4;
	s10 =	smul.u32 $0x9E000, s5  }
0x9: {  	s5 =	ssub.s32 $0x2, s5;
	s31 =	sshll.u32 s0, $0x6;
	s1 =	sor.u32 s0, s1  }
0xa: {  	s13 =	sshrl.u32 s5, $0x1;
	s8 =	smul.u32 $0x500, s1;
	s1 =	rddreg [dreg:$0x4]  }
0xb: {  	_ =	strace $0x8000004D;
	s30 =	sshrl.u32 s9, $0x3;
	s10 =	sadd.s32 s9, s10  }
0xc: {  	s13 =	ssub.s32 s5, s13;
	s14 =	sadd.s32 s9, s2;
	s15 =	sadd.s32 s9, s3  }
0xd: {  	s12 =	sadd.s32 s30, s6;
	s10 =	sshrl.u32 s10, $0x3;
	s7 =	sadd.s32 s7, s30  }
0xe: {  	s11 =	sadd.s32 s8, s6;
	s10 =	sadd.s32 s10, s6;
	s5 =	sadd.s32 $0x41200, s12  }
0xf: {  	s6 =	sor.u32 $0x1C02, s31;
	s12 =	sshrl.u32 s14, $0x3;
	s14 =	sshrl.u32 s15, $0x3  }
0x10: {  	s15 =	simm.s32 $0x5000;
	s8 =	sadd.s32 $0xFA00, s11;
	s9 =	sadd.s32 $0x5A00, s11  }
0x11: {  	s10 =	sadd.s32 $0x54E00, s10;
	s11 =	smax.u32 s13, $0x1;
	s13 =	simm.s32 $0x2  }
.LBB2_1:
0x12: {  	[spmem:s12], [sflag:s6] =	dma.local [hbm:s5], $0x13C0  }
0x13: {  	_ =	swait.ge [sflag:s13], $0x13C0  }
0x14: {  	[sflag:s13] =	ssyncset.done $0x0  }
0x15: {  	[sflag:s13] =	ssyncadd.s32 $0xFFFFEC40  }
0x16: {  	[spmem:s14], [sflag:s6] =	dma.local [hbm:s7], $0x13C0  }
0x17: {  	_ =	swait.ge [sflag:s13], $0x13C0  }
0x18: {  	[sflag:s13] =	ssyncset.done $0x0  }
0x19: {  	[sflag:s13] =	ssyncadd.s32 $0xFFFFEC40  }
0x1a: {  	[tilespmem:s4], [sflag:$0x2] =	stream.linear.gather [hbm4b:s8+s4], $0x2800, $0x38;
	[tilespmem:$0x1CC00] =	vst v63  }
0x1b: {  	_ =	swait.ge [sflag:s13], $0x2800  }
0x1c: {  	[sflag:s13] =	ssyncset.done $0x0  }
0x1d: {  	s21 =	simm.s32 $0x2800;
	[sflag:s13] =	ssyncadd.s32 $0xFFFFD800  }
0x1e: {  	[tilespmem:s21], [sflag:$0x2] =	stream.linear.gather [hbm4b:s9+s4], $0x2800, $0x38;
	[tilespmem:$0x1CC00] =	vst v63  }
0x1f: {  	_ =	swait.ge [sflag:s13], $0x2800  }
0x20: {  	[sflag:s13] =	ssyncset.done $0x0  }
0x21: {  	[sflag:s13] =	ssyncadd.s32 $0xFFFFD800  }
0x22: {  	[bflag:$0x0] =	sbarrier.arrive $0xFFFF  }
0x23: {  	[tilespmem:s15], [sflag:$0x1] =	stream.indirect.gather [spmem:s3], $0x40, s4, s17, $0xb8;
	[tilespmem:$0x1CC00] =	vst v63  }
0x24: {  	s22 =	simm.s32 $0x0;
	_ =	swait.ge [sflag:s16], $0x2000  }
0x25: {  	s22 =	sand.u32 $0x2000, s22;
	[sflag:s16] =	ssyncset.done $0x0  }
0x26: {  	s23 =	sxor.u32 $0x7000, s22;
	[sflag:s16] =	ssyncadd.s32 $0xFFFFE000  }
0x27: {  	[tilespmem:s23], [sflag:$0x1] =	stream.indirect.gather [spmem:s3], $0x40, s17, s17, $0xb8;
	[tilespmem:$0x1CC00] =	vst v63  }
0x28: {  	s22 =	sor.u32 $0x5000, s22  }
0x29: {  	[spmem:s2] =	stream.indirect.scatter.add.f32 [tilespmem:s22], [sflag:$0x2], $0x40, s21, s17, $0xb8;
	[tilespmem:$0x1CC00] =	vst v63  }
0x2a: {  	_ =	swait.ge [sflag:s13], $0x2000  }
0x2b: {  	s23 =	simm.s32 $0x80;
	s22 =	simm.s32 $0x1;
	[sflag:s13] =	ssyncset.done $0x0  }
.LBB2_2:
0x2c: {  	[sflag:s13] =	ssyncadd.s32 $0xFFFFE000;
	s21 =	sadd.s32 $0x80, s21;
	s23 =	sadd.s32 $0x80, s23  }
0x2d: {  	p0 =	sne.s32 s22, $0x4E;
	s24 =	smov.u32 s22;
	s22 =	sadd.s32 $0x1, s22  }
0x2e: {  	s24 =	sshll.u32 s24, $0xD;
	_ =	swait.ge [sflag:s16], $0x2000  }
0x2f: {  	s24 =	sand.u32 $0x2000, s24;
	[sflag:s16] =	ssyncset.done $0x0  }
0x30: {  	s25 =	sxor.u32 $0x7000, s24;
	[sflag:s16] =	ssyncadd.s32 $0xFFFFE000  }
0x31: {  	[tilespmem:s25], [sflag:$0x1] =	stream.indirect.gather [spmem:s3], $0x40, s23, s17, $0xb8;
	[tilespmem:$0x1CC00] =	vst v63  }
.Ltmp0:
0x32: {  	_ = 	snop;
	(pc) =	sbr.rel @p0 .LBB2_2-.Ltmp0, $4  }
0x33: {  	s24 =	sor.u32 $0x5000, s24  }
0x34: {  	[spmem:s2] =	stream.indirect.scatter.add.f32 [tilespmem:s24], [sflag:$0x2], $0x40, s21, s17, $0xb8;
	[tilespmem:$0x1CC00] =	vst v63  }
0x35: {  	_ =	swait.ge [sflag:s13], $0x2000  }
0x36: {  	[sflag:s13] =	ssyncset.done $0x0  }
0x37: {  	[sflag:s13] =	ssyncadd.s32 $0xFFFFE000  }
0x38: {  	_ =	swait.ge [sflag:s16], $0x2000  }
0x39: {  	[sflag:s16] =	ssyncset.done $0x0  }
0x3a: {  	[sflag:s16] =	ssyncadd.s32 $0xFFFFE000  }
0x3b: {  	[spmem:s2] =	stream.indirect.scatter.add.f32 [tilespmem:s19], [sflag:$0x2], $0x40, s18, s17, $0xb8;
	[tilespmem:$0x1CC00] =	vst v63  }
0x3c: {  	_ =	swait.ge [sflag:s13], $0x2000  }
0x3d: {  	s20 =	sadd.s32 $0x1, s20;
	[sflag:s13] =	ssyncset.done $0x0  }
0x3e: {  	p0 =	sne.s32 s20, s11;
	[sflag:s13] =	ssyncadd.s32 $0xFFFFE000  }
.Ltmp1:
0x3f: {  	[bflag:$0x0] =	sbarrier.arrive $0xFFFF;
	(pc) =	sbr.rel @p0 .LBB2_1-.Ltmp1, $4  }
0x40: {  	[hbm:s10], [sflag:s6] =	dma.local [spmem:s12], $0x13C0  }
0x41: {  	_ =	swait.ge [sflag:s13], $0x13C0  }
0x42: {  	[sflag:s13] =	ssyncset.done $0x0  }
0x43: {  	[sflag:s13] =	ssyncadd.s32 $0xFFFFEC40  }
0x44: {  	_ =	sfence.sel $0x180000  }
0x45: {  	[bflag:$0x0] =	sbarrier.arrive $0xFFFF  }
0x46: {  	p0 =	sne.s32 s0, $0x0;
	_ =	strace $0x9000004D  }
0x47: {  	s0 =	sadd.s32 @!p0 $0x100000, s1;
	[bflag:$0x2] =	sbarrier.arrive $0xFFFF  }
0x48: {  	[sflag:s0] =	ssyncadd.tile.s32 @!p0 $0x1;
	_ =	shalt  }
.Lfunc_end2:
_tile_overlayer_lowered:
.L_overlay_start_2:
0x49: {  	(tag) =	ssettag $0x2  }
0x4a: {  	s0 =	rddreg [dreg:$0x0];
	s2 =	stileid.u32  }
0x4b: {  	s1 =	rddreg [dreg:$0x1];
	p0 =	sne.s32 s2, $0x0  }
0x4c: {  	s3 =	rddreg [dreg:$0x2];
	[bflag:$0x3] =	sbarrier.arrive $0xFFFF;
	s2 =	simm.s32 @!p0 $0x1C02  }
0x4d: {  	[timem:s3], [sflag:s2] =	dma.local @!p0 [hbm:s0], s1  }
0x4e: {  	s0 =	simm.s32 @!p0 $0x2  }
0x4f: {  	_ =	swait.ge @!p0 [sflag:s0], s1  }
0x50: {  	s1 =	ssub.s32 @!p0 $0x0, s1;
	[sflag:s0] =	ssyncset.done @!p0 $0x0  }
0x51: {  	[sflag:s0] =	ssyncadd.s32 @!p0 s1  }
0x52: {  	[bflag:$0x3] =	sbarrier.arrive $0xFFFF  }
0x53: {  	_ =	shalt  }

// kernel: kernel.29.cloned.1.call-start
scs
__scs_entry_jumppad:
0x0: {  	(pc) =	sbr.rel $0x88, $3  }
0x1: {  	(tag) =	ssettag $0x0;
	lr =	simm.s32 $0x1  }
0x2: {  	[smem:$0x3F8F] =	sst lr;
	_ =	strace $0xD0000000  }
0x3: {  	_ = 	snop  }
0x4: {  	_ = 	snop  }
0x5: {  	_ = 	snop  }
0x6: {  	_ = 	snop  }
0x7: {  	_ = 	snop  }
__scs_overlays_trampoline_lowered:
0x8: {  	[smem:$0x3F9E] =	sst s0  }
0x9: {  	[smem:$0x3F9F] =	sst s1  }
0xa: {  	[smem:$0x3FA0] =	sst s2  }
0xb: {  	[smem:$0x3FA1] =	sst s3  }
0xc: {  	[smem:$0x3FA2] =	sst s4  }
0xd: {  	[smem:$0x3FA3] =	sst s5  }
0xe: {  	[smem:$0x3FA4] =	sst s6  }
0xf: {  	[smem:$0x3FA5] =	sst s7  }
0x10: {  	[smem:$0x3FA6] =	sst s8  }
0x11: {  	[smem:$0x3FA7] =	sst s9;
	s0 =	simm.s32 @!p0 $0x0  }
0x12: {  	s1 =	sld [smem:$0x3F8D];
	s0 =	simm.s32 @p0 $0x1  }
0x13: {  	[smem:$0x3FA8] =	sst s0;
	s0 =	simm.s32 @!p1 $0x0  }
0x14: {  	s2 =	sld [smem:$0x3F8C];
	s0 =	simm.s32 @p1 $0x1  }
0x15: {  	[smem:$0x3FA9] =	sst s0;
	s0 =	simm.s32 @!p2 $0x0  }
0x16: {  	s3 =	sld [smem:$0x3FDB];
	s0 =	simm.s32 @p2 $0x1  }
0x17: {  	s4 =	simm.s32 $0x1BF5;
	[smem:$0x3FAB] =	sst s0  }
0x18: {  	s0 =	sld [smem:$0x3F8E];
	_ =	swait.ge [sflag:s4], $0x0  }
0x19: {  	s7 =	sld [smem:$0x3F8F]  }
0x1a: {  	s8 =	sadd.s32 $0xFFFFE003, lr  }
0x1b: {  	s9 =	sadd.s32 $0xFFFFFEF7, lr;
	s5 =	simm.s32 $0xFFFFFFFF;
	p2 =	slt.u32 s8, $0xFFFFF086  }
0x1c: {  	p1 =	slt.u32 s9, $0xF7A;
	s5 =	simm.s32 @!p2 $0x0  }
0x1d: {  	s5 =	simm.s32 @p1 $0x1;
	p0 =	seq.s32 s7, s2  }
0x1e: {  	s7 =	smul.u32 @!p0 $0xF7A, s2;
	p2 =	seq.s32 @!p0 s5, $0x0  }
0x1f: {  	s9 =	smul.u32 $0xF7A, s1;
	s8 =	simm.s32 @!p0 $0x1BF5;
	p2 =	por !p2, p0  }
0x20: {  	[sflag:s8] =	ssyncset.s32 @!p0 $0xFFFFF086;
	s6 =	sadd.s32 @!p0 s3, s7;
	s7 =	simm.s32 @!p0 $0x108  }
0x21: {  	s3 =	sadd.s32 s3, s9;
	s6 =	sadd.s32 @!p0 $0x88, s6;
	s7 =	simm.s32 @p2 $0x1082  }
0x22: {  	[simem:s7], [sflag:s8] =	dma.local @!p0 [hbm:s6], $0xF7A  }
0x23: {  	s9 =	sor.u32 $0xD0000000, s2;
	s6 =	simm.s32 $0x108;
	_ =	swait.ge @!p0 [sflag:s8], $0x0  }
0x24: {  	s3 =	sadd.s32 $0x88, s3;
	s6 =	simm.s32 @!p1 $0x1082;
	[sflag:s4] =	ssyncset.s32 $0xFFFFF086  }
0x25: {  	[simem:s6], [sflag:s4] =	dma.local [hbm:s3], $0xF7A  }
0x26: {  	[smem:$0x3F8F] =	sst s1;
	(tag) =	ssettag s2;
	_ =	strace s9  }
0x27: {  	s1 =	sld [smem:$0x3F9F]  }
0x28: {  	s2 =	sld [smem:$0x3FA0]  }
0x29: {  	s4 =	sld [smem:$0x3FA2]  }
0x2a: {  	p0 =	seq.s32 s5, $0x0;
	s5 =	sld [smem:$0x3FA3]  }
0x2b: {  	s6 =	sld [smem:$0x3FA4]  }
0x2c: {  	s7 =	sld [smem:$0x3FA5]  }
0x2d: {  	s3 =	simm.s32 $0x108;
	s8 =	sld [smem:$0x3FA6]  }
0x2e: {  	s3 =	simm.s32 @!p0 $0x1082;
	s9 =	sld [smem:$0x3FA7]  }
0x2f: {  	lr =	sadd.s32 s0, s3;
	s0 =	sld [smem:$0x3F9E]  }
0x30: {  	s3 =	sld [smem:$0x3FA1]  }
0x31: {  	[smem:$0x3FAA] =	sst s10  }
0x32: {  	s10 =	sld [smem:$0x3FA8];
	_ =	sdelay $0x3  }
0x33: {  	p0 =	seq.s32 s10, $0x1;
	s10 =	sld [smem:$0x3FAA];
	_ =	sdelay $0x3  }
0x34: {  	[smem:$0x3FAA] =	sst s10  }
0x35: {  	s10 =	sld [smem:$0x3FA9];
	_ =	sdelay $0x3  }
0x36: {  	p1 =	seq.s32 s10, $0x1;
	s10 =	sld [smem:$0x3FAA];
	_ =	sdelay $0x3  }
0x37: {  	[smem:$0x3FAA] =	sst s10  }
0x38: {  	s10 =	sld [smem:$0x3FAB]  }
0x39: {  	_ = 	snop;
	(pc) =	sbr.ind lr, $3  }
0x3a: {  	_ = 	snop  }
0x3b: {  	_ = 	snop  }
0x3c: {  	p2 =	seq.s32 s10, $0x1;
	s10 =	sld [smem:$0x3FAA]  }
0x3d: {  	_ =	shalt  }
0x3e: {  	_ =	shalt  }
0x3f: {  	_ =	shalt  }
0x40: {  	_ =	shalt  }
0x41: {  	_ =	shalt  }
0x42: {  	_ =	shalt  }
0x43: {  	_ =	shalt  }
0x44: {  	_ =	shalt  }
0x45: {  	_ =	shalt  }
0x46: {  	_ =	shalt  }
0x47: {  	_ =	shalt  }
0x48: {  	_ =	shalt  }
0x49: {  	_ =	shalt  }
0x4a: {  	_ =	shalt  }
0x4b: {  	_ =	shalt  }
0x4c: {  	_ =	shalt  }
0x4d: {  	_ =	shalt  }
0x4e: {  	_ =	shalt  }
0x4f: {  	_ =	shalt  }
0x50: {  	_ =	shalt  }
0x51: {  	_ =	shalt  }
0x52: {  	_ =	shalt  }
0x53: {  	_ =	shalt  }
0x54: {  	_ =	shalt  }
0x55: {  	_ =	shalt  }
0x56: {  	_ =	shalt  }
0x57: {  	_ =	shalt  }
0x58: {  	_ =	shalt  }
0x59: {  	_ =	shalt  }
0x5a: {  	_ =	shalt  }
0x5b: {  	_ =	shalt  }
0x5c: {  	_ =	shalt  }
0x5d: {  	_ =	shalt  }
0x5e: {  	_ =	shalt  }
0x5f: {  	_ =	shalt  }
0x60: {  	_ =	shalt  }
0x61: {  	_ =	shalt  }
0x62: {  	_ =	shalt  }
0x63: {  	_ =	shalt  }
0x64: {  	_ =	shalt  }
0x65: {  	_ =	shalt  }
0x66: {  	_ =	shalt  }
0x67: {  	_ =	shalt  }
0x68: {  	_ =	shalt  }
0x69: {  	_ =	shalt  }
0x6a: {  	_ =	shalt  }
0x6b: {  	_ =	shalt  }
0x6c: {  	_ =	shalt  }
0x6d: {  	_ =	shalt  }
0x6e: {  	_ =	shalt  }
0x6f: {  	_ =	shalt  }
0x70: {  	_ =	shalt  }
0x71: {  	_ =	shalt  }
0x72: {  	_ =	shalt  }
0x73: {  	_ =	shalt  }
0x74: {  	_ =	shalt  }
0x75: {  	_ =	shalt  }
0x76: {  	_ =	shalt  }
0x77: {  	_ =	shalt  }
0x78: {  	_ =	shalt  }
0x79: {  	_ =	shalt  }
0x7a: {  	_ =	shalt  }
0x7b: {  	_ =	shalt  }
0x7c: {  	_ =	shalt  }
0x7d: {  	_ =	shalt  }
0x7e: {  	_ =	shalt  }
0x7f: {  	_ =	shalt  }
0x80: {  	_ =	shalt  }
0x81: {  	_ =	shalt  }
0x82: {  	_ =	shalt  }
0x83: {  	_ =	shalt  }
0x84: {  	_ =	shalt  }
0x85: {  	_ =	shalt  }
0x86: {  	_ =	shalt  }
0x87: {  	_ =	shalt  }
.Lfunc_end0:
.L_simem_size_0:
called_computation.3_lowered:
.L_overlay_start_0:
0x88: {  	s2 =	sld [smem:$0x3FD9]  }
0x89: {  	s3 =	sld [smem:$0x3FFE];
	_ =	sdelay $0x1  }
0x8a: {  	s1 =	srdreg.scid  }
0x8b: {  	s0 =	sand.u32 $0x1, s1  }
0x8c: {  	s17 =	sshll.u32 s0, $0xA;
	s2 =	sadd.s32 s3, s2  }
0x8d: {  	s2 =	sadd.s32 s2, s17  }
0x8e: {  	[smem:$0x3FB6] =	sst s2  }
0x8f: {  	_ = 	snop  }
0x90: {  	s2 =	sld [smem:$0x3FD0];
	(tm) =	ssettm $0x1  }
0x91: {  	s18 =	sld [smem:$0x3FFB];
	_ =	sdelay $0x3  }
0x92: {  	_ =	strace s18  }
0x93: {  	s3 =	sld [smem:$0x3FFC];
	_ =	sdelay $0x3  }
0x94: {  	_ =	strace s3  }
0x95: {  	s3 =	sld [smem:$0x3FFD];
	_ =	sdelay $0x3  }
0x96: {  	_ =	strace s3  }
0x97: {  	_ =	strace $0x8FFFFFFF  }
0x98: {  	s19 =	sld [smem:$0x3FDB];
	_ =	sdelay $0x1  }
0x99: {  	s4 =	simm.s32 $_scs_section_size  }
0x9a: {  	s5 =	simm.s32 $_size__tile_overlayer_lowered;
	s6 =	simm.s32 $_tile_overlayer_lowered  }
0x9b: {  	s22 =	simm.s32 $0x1BFF;
	s21 =	sshll.u32 s6, $0x1;
	s3 =	sadd.s32 s4, s19  }
0x9c: {  	s7 =	simm.s32 $0x0;
	s20 =	sshll.u32 s5, $0x1;
	s5 =	sadd.s32 s21, s3  }
0x9d: {  	[timem:s7], [sflag:s22] =	dma.local [hbm:s5], s20  }
0x9e: {  	_ =	swait.ge [sflag:s22], s20  }
0x9f: {  	s4 =	ssub.s32 $0x0, s20;
	[sflag:s22] =	ssyncset.done $0x0  }
0xa0: {  	[sflag:s22] =	ssyncadd.s32 s4;
	_ =	sdelay $0x1  }
0xa1: {  	s23 =	simm.s32 $0x1B8B  }
0xa2: {  	_ =	swait.ge [sflag:s23], $0x1  }
0xa3: {  	[sflag:s23] =	ssyncset.done $0x0  }
0xa4: {  	s25 =	simm.s32 $0x1B8E;
	s24 =	sld [smem:$0x3FFE];
	[sflag:s23] =	ssyncadd.s32 $0xFFFFFFFF  }
0xa5: {  	s26 =	simm.s32 $execute0_lowered;
	[smem:$0x3FD2] =	sst s25  }
0xa6: {  	s5 =	sshll.u32 s26, $0x1;
	_ =	strace $0x8000004F;
	[dreg:$0x1] =	wrdreg $0xFFFFFFFF  }
0xa7: {  	s28 =	simm.s32 $_size_execute0_lowered;
	s3 =	sadd.s32 s3, s5;
	[dreg:$0x0] =	wrdreg $0x0  }
0xa8: {  	s5 =	sshll.u32 s28, $0x1;
	[dreg:$0x2] =	wrdreg s3  }
0xa9: {  	[dreg:$0x3] =	wrdreg s5  }
0xaa: {  	[dreg:$0x4] =	wrdreg $0xC0  }
0xab: {  	_ =	task [dreg:s7], $0x5FFFF  }
0xac: {  	[dreg:$0x1] =	wrdreg $0xFFFFFFFF  }
0xad: {  	[dreg:$0x0] =	wrdreg $0x60  }
0xae: {  	[dreg:$0x2] =	wrdreg s2  }
0xaf: {  	[dreg:$0x3] =	wrdreg s24  }
0xb0: {  	[dreg:$0x4] =	wrdreg $0x90000  }
0xb1: {  	[dreg:$0x5] =	wrdreg $0x12E000  }
0xb2: {  	[dreg:$0x6] =	wrdreg $0x9  }
0xb3: {  	_ =	task.clear_ibuf [dreg:s7], $0x7FFFF;
	_ =	strace $0x9000004F  }
0xb4: {  	s29 =	simm.s32 $0x9;
	_ =	strace $0x80000051  }
0xb5: {  	_ =	swait.ge [sflag:s29], $0x1  }
0xb6: {  	[sflag:s29] =	ssyncadd.s32 $0xFFFFFFFF  }
0xb7: {  	_ =	strace $0x90000051  }
0xb8: {  	_ =	sfence  }
0xb9: {  	s30 =	sld [smem:$0x0];
	_ =	sdelay $0x2  }
0xba: {  	s31 =	sshll.u32 s1, $0xD;
	s1 =	sshrl.u32 s1, $0x2  }
0xbb: {  	s3 =	sand.u32 $0x4000, s31;
	s1 =	sadd.s32 s1, s30  }
0xbc: {  	s0 =	sor.u32 s3, s0;
	s1 =	sshll.u32 s1, $0x11  }
0xbd: {  	s0 =	sor.u32 s1, s0  }
0xbe: {  	s0 =	sadd.s32 $0x8F2B, s0  }
0xbf: {  	[sflag:s0] =	ssyncadd.remote.s32 $0x1  }
0xc0: {  	_ =	sfence.sel $0xFFFF  }
0xc1: {  	[dreg:$0x0] =	wrdreg $0xFFFFFFFF;
	(pc) =	sbr.abs _section_cstart, $3  }
0xc2: {  	[dreg:$0x1] =	wrdreg $0xFFFFFFFF  }
0xc3: {  	_ =	task.clear_ibuf [dreg:s7], $0x2FFFF;
	_ =	strace $0x9FFFFFFF  }
0xc4: {  	(tm) =	ssettm $0x7FFFFFFF  }
0xc5: {  	_ =	shalt  }
tec
execute0_lowered:
.L_overlay_start_1:
0x0: {  	(tag) =	ssettag $0x1  }
0x1: {  	s7 =	rddreg [dreg:$0x0]  }
0x2: {  	s6 =	rddreg [dreg:$0x1]  }
0x3: {  	s2 =	rddreg [dreg:$0x2]  }
0x4: {  	s0 =	srdreg.scid;
	s3 =	rddreg [dreg:$0x3]  }
0x5: {  	s4 =	simm.s32 $0x0;
	s16 =	simm.s32 $0x1;
	s17 =	simm.s32 $0x80  }
0x6: {  	s18 =	simm.s32 $0x4F80;
	s5 =	sand.u32 $0x1, s0;
	s0 =	stileid.u32  }
0x7: {  	s19 =	simm.s32 $0x7000;
	s20 =	simm.s32 $0x0;
	s9 =	smul.u32 $0x9E00, s0  }
0x8: {  	[smem:$0x7FF] =	sst s4;
	s1 =	sshll.u32 s5, $0x4;
	s10 =	smul.u32 $0x9E000, s5  }
0x9: {  	s5 =	ssub.s32 $0x2, s5;
	s31 =	sshll.u32 s0, $0x6;
	s1 =	sor.u32 s0, s1  }
0xa: {  	s13 =	sshrl.u32 s5, $0x1;
	s8 =	smul.u32 $0x500, s1;
	s1 =	rddreg [dreg:$0x4]  }
0xb: {  	_ =	strace $0x80000050;
	s30 =	sshrl.u32 s9, $0x3;
	s10 =	sadd.s32 s9, s10  }
0xc: {  	s13 =	ssub.s32 s5, s13;
	s14 =	sadd.s32 s9, s2;
	s15 =	sadd.s32 s9, s3  }
0xd: {  	s12 =	sadd.s32 s30, s6;
	s10 =	sshrl.u32 s10, $0x3;
	s7 =	sadd.s32 s7, s30  }
0xe: {  	s11 =	sadd.s32 s8, s6;
	s10 =	sadd.s32 s10, s6;
	s5 =	sadd.s32 $0x41200, s12  }
0xf: {  	s6 =	sor.u32 $0x1C02, s31;
	s12 =	sshrl.u32 s14, $0x3;
	s14 =	sshrl.u32 s15, $0x3  }
0x10: {  	s15 =	simm.s32 $0x5000;
	s8 =	sadd.s32 $0xFA00, s11;
	s9 =	sadd.s32 $0x5A00, s11  }
0x11: {  	s10 =	sadd.s32 $0x54E00, s10;
	s11 =	smax.u32 s13, $0x1;
	s13 =	simm.s32 $0x2  }
.LBB2_1:
0x12: {  	[spmem:s12], [sflag:s6] =	dma.local [hbm:s5], $0x13C0  }
0x13: {  	_ =	swait.ge [sflag:s13], $0x13C0  }
0x14: {  	[sflag:s13] =	ssyncset.done $0x0  }
0x15: {  	[sflag:s13] =	ssyncadd.s32 $0xFFFFEC40  }
0x16: {  	[spmem:s14], [sflag:s6] =	dma.local [hbm:s7], $0x13C0  }
0x17: {  	_ =	swait.ge [sflag:s13], $0x13C0  }
0x18: {  	[sflag:s13] =	ssyncset.done $0x0  }
0x19: {  	[sflag:s13] =	ssyncadd.s32 $0xFFFFEC40  }
0x1a: {  	[tilespmem:s4], [sflag:$0x2] =	stream.linear.gather [hbm4b:s8+s4], $0x2800, $0x38;
	[tilespmem:$0x1CC00] =	vst v63  }
0x1b: {  	_ =	swait.ge [sflag:s13], $0x2800  }
0x1c: {  	[sflag:s13] =	ssyncset.done $0x0  }
0x1d: {  	s21 =	simm.s32 $0x2800;
	[sflag:s13] =	ssyncadd.s32 $0xFFFFD800  }
0x1e: {  	[tilespmem:s21], [sflag:$0x2] =	stream.linear.gather [hbm4b:s9+s4], $0x2800, $0x38;
	[tilespmem:$0x1CC00] =	vst v63  }
0x1f: {  	_ =	swait.ge [sflag:s13], $0x2800  }
0x20: {  	[sflag:s13] =	ssyncset.done $0x0  }
0x21: {  	[sflag:s13] =	ssyncadd.s32 $0xFFFFD800  }
0x22: {  	[bflag:$0x0] =	sbarrier.arrive $0xFFFF  }
0x23: {  	[tilespmem:s15], [sflag:$0x1] =	stream.indirect.gather [spmem:s3], $0x40, s4, s17, $0xb8;
	[tilespmem:$0x1CC00] =	vst v63  }
0x24: {  	s22 =	simm.s32 $0x0;
	_ =	swait.ge [sflag:s16], $0x2000  }
0x25: {  	s22 =	sand.u32 $0x2000, s22;
	[sflag:s16] =	ssyncset.done $0x0  }
0x26: {  	s23 =	sxor.u32 $0x7000, s22;
	[sflag:s16] =	ssyncadd.s32 $0xFFFFE000  }
0x27: {  	[tilespmem:s23], [sflag:$0x1] =	stream.indirect.gather [spmem:s3], $0x40, s17, s17, $0xb8;
	[tilespmem:$0x1CC00] =	vst v63  }
0x28: {  	s22 =	sor.u32 $0x5000, s22  }
0x29: {  	[spmem:s2] =	stream.indirect.scatter.add.f32 [tilespmem:s22], [sflag:$0x2], $0x40, s21, s17, $0xb8;
	[tilespmem:$0x1CC00] =	vst v63  }
0x2a: {  	_ =	swait.ge [sflag:s13], $0x2000  }
0x2b: {  	s23 =	simm.s32 $0x80;
	s22 =	simm.s32 $0x1;
	[sflag:s13] =	ssyncset.done $0x0  }
.LBB2_2:
0x2c: {  	[sflag:s13] =	ssyncadd.s32 $0xFFFFE000;
	s21 =	sadd.s32 $0x80, s21;
	s23 =	sadd.s32 $0x80, s23  }
0x2d: {  	p0 =	sne.s32 s22, $0x4E;
	s24 =	smov.u32 s22;
	s22 =	sadd.s32 $0x1, s22  }
0x2e: {  	s24 =	sshll.u32 s24, $0xD;
	_ =	swait.ge [sflag:s16], $0x2000  }
0x2f: {  	s24 =	sand.u32 $0x2000, s24;
	[sflag:s16] =	ssyncset.done $0x0  }
0x30: {  	s25 =	sxor.u32 $0x7000, s24;
	[sflag:s16] =	ssyncadd.s32 $0xFFFFE000  }
0x31: {  	[tilespmem:s25], [sflag:$0x1] =	stream.indirect.gather [spmem:s3], $0x40, s23, s17, $0xb8;
	[tilespmem:$0x1CC00] =	vst v63  }
.Ltmp0:
0x32: {  	_ = 	snop;
	(pc) =	sbr.rel @p0 .LBB2_2-.Ltmp0, $4  }
0x33: {  	s24 =	sor.u32 $0x5000, s24  }
0x34: {  	[spmem:s2] =	stream.indirect.scatter.add.f32 [tilespmem:s24], [sflag:$0x2], $0x40, s21, s17, $0xb8;
	[tilespmem:$0x1CC00] =	vst v63  }
0x35: {  	_ =	swait.ge [sflag:s13], $0x2000  }
0x36: {  	[sflag:s13] =	ssyncset.done $0x0  }
0x37: {  	[sflag:s13] =	ssyncadd.s32 $0xFFFFE000  }
0x38: {  	_ =	swait.ge [sflag:s16], $0x2000  }
0x39: {  	[sflag:s16] =	ssyncset.done $0x0  }
0x3a: {  	[sflag:s16] =	ssyncadd.s32 $0xFFFFE000  }
0x3b: {  	[spmem:s2] =	stream.indirect.scatter.add.f32 [tilespmem:s19], [sflag:$0x2], $0x40, s18, s17, $0xb8;
	[tilespmem:$0x1CC00] =	vst v63  }
0x3c: {  	_ =	swait.ge [sflag:s13], $0x2000  }
0x3d: {  	s20 =	sadd.s32 $0x1, s20;
	[sflag:s13] =	ssyncset.done $0x0  }
0x3e: {  	p0 =	sne.s32 s20, s11;
	[sflag:s13] =	ssyncadd.s32 $0xFFFFE000  }
.Ltmp1:
0x3f: {  	[bflag:$0x0] =	sbarrier.arrive $0xFFFF;
	(pc) =	sbr.rel @p0 .LBB2_1-.Ltmp1, $4  }
0x40: {  	[hbm:s10], [sflag:s6] =	dma.local [spmem:s12], $0x13C0  }
0x41: {  	_ =	swait.ge [sflag:s13], $0x13C0  }
0x42: {  	[sflag:s13] =	ssyncset.done $0x0  }
0x43: {  	[sflag:s13] =	ssyncadd.s32 $0xFFFFEC40  }
0x44: {  	_ =	sfence.sel $0x180000  }
0x45: {  	[bflag:$0x0] =	sbarrier.arrive $0xFFFF  }
0x46: {  	p0 =	sne.s32 s0, $0x0;
	_ =	strace $0x90000050  }
0x47: {  	s0 =	sadd.s32 @!p0 $0x100000, s1;
	[bflag:$0x2] =	sbarrier.arrive $0xFFFF  }
0x48: {  	[sflag:s0] =	ssyncadd.tile.s32 @!p0 $0x1;
	_ =	shalt  }
.Lfunc_end2:
_tile_overlayer_lowered:
.L_overlay_start_2:
0x49: {  	(tag) =	ssettag $0x2  }
0x4a: {  	s0 =	rddreg [dreg:$0x0];
	s2 =	stileid.u32  }
0x4b: {  	s1 =	rddreg [dreg:$0x1];
	p0 =	sne.s32 s2, $0x0  }
0x4c: {  	s3 =	rddreg [dreg:$0x2];
	[bflag:$0x3] =	sbarrier.arrive $0xFFFF;
	s2 =	simm.s32 @!p0 $0x1C02  }
0x4d: {  	[timem:s3], [sflag:s2] =	dma.local @!p0 [hbm:s0], s1  }
0x4e: {  	s0 =	simm.s32 @!p0 $0x2  }
0x4f: {  	_ =	swait.ge @!p0 [sflag:s0], s1  }
0x50: {  	s1 =	ssub.s32 @!p0 $0x0, s1;
	[sflag:s0] =	ssyncset.done @!p0 $0x0  }
0x51: {  	[sflag:s0] =	ssyncadd.s32 @!p0 s1  }
0x52: {  	[bflag:$0x3] =	sbarrier.arrive $0xFFFF  }
0x53: {  	_ =	shalt  }

// kernel: kernel.32.cloned.1.call-start
scs
__scs_entry_jumppad:
0x0: {  	(pc) =	sbr.rel $0x88, $3  }
0x1: {  	(tag) =	ssettag $0x0;
	lr =	simm.s32 $0x1  }
0x2: {  	[smem:$0x3F8F] =	sst lr;
	_ =	strace $0xD0000000  }
0x3: {  	_ = 	snop  }
0x4: {  	_ = 	snop  }
0x5: {  	_ = 	snop  }
0x6: {  	_ = 	snop  }
0x7: {  	_ = 	snop  }
__scs_overlays_trampoline_lowered:
0x8: {  	[smem:$0x3F9E] =	sst s0  }
0x9: {  	[smem:$0x3F9F] =	sst s1  }
0xa: {  	[smem:$0x3FA0] =	sst s2  }
0xb: {  	[smem:$0x3FA1] =	sst s3  }
0xc: {  	[smem:$0x3FA2] =	sst s4  }
0xd: {  	[smem:$0x3FA3] =	sst s5  }
0xe: {  	[smem:$0x3FA4] =	sst s6  }
0xf: {  	[smem:$0x3FA5] =	sst s7  }
0x10: {  	[smem:$0x3FA6] =	sst s8  }
0x11: {  	[smem:$0x3FA7] =	sst s9;
	s0 =	simm.s32 @!p0 $0x0  }
0x12: {  	s1 =	sld [smem:$0x3F8D];
	s0 =	simm.s32 @p0 $0x1  }
0x13: {  	[smem:$0x3FA8] =	sst s0;
	s0 =	simm.s32 @!p1 $0x0  }
0x14: {  	s2 =	sld [smem:$0x3F8C];
	s0 =	simm.s32 @p1 $0x1  }
0x15: {  	[smem:$0x3FA9] =	sst s0;
	s0 =	simm.s32 @!p2 $0x0  }
0x16: {  	s3 =	sld [smem:$0x3FDB];
	s0 =	simm.s32 @p2 $0x1  }
0x17: {  	s4 =	simm.s32 $0x1BF5;
	[smem:$0x3FAB] =	sst s0  }
0x18: {  	s0 =	sld [smem:$0x3F8E];
	_ =	swait.ge [sflag:s4], $0x0  }
0x19: {  	s7 =	sld [smem:$0x3F8F]  }
0x1a: {  	s8 =	sadd.s32 $0xFFFFE003, lr  }
0x1b: {  	s9 =	sadd.s32 $0xFFFFFEF7, lr;
	s5 =	simm.s32 $0xFFFFFFFF;
	p2 =	slt.u32 s8, $0xFFFFF086  }
0x1c: {  	p1 =	slt.u32 s9, $0xF7A;
	s5 =	simm.s32 @!p2 $0x0  }
0x1d: {  	s5 =	simm.s32 @p1 $0x1;
	p0 =	seq.s32 s7, s2  }
0x1e: {  	s7 =	smul.u32 @!p0 $0xF7A, s2;
	p2 =	seq.s32 @!p0 s5, $0x0  }
0x1f: {  	s9 =	smul.u32 $0xF7A, s1;
	s8 =	simm.s32 @!p0 $0x1BF5;
	p2 =	por !p2, p0  }
0x20: {  	[sflag:s8] =	ssyncset.s32 @!p0 $0xFFFFF086;
	s6 =	sadd.s32 @!p0 s3, s7;
	s7 =	simm.s32 @!p0 $0x108  }
0x21: {  	s3 =	sadd.s32 s3, s9;
	s6 =	sadd.s32 @!p0 $0x88, s6;
	s7 =	simm.s32 @p2 $0x1082  }
0x22: {  	[simem:s7], [sflag:s8] =	dma.local @!p0 [hbm:s6], $0xF7A  }
0x23: {  	s9 =	sor.u32 $0xD0000000, s2;
	s6 =	simm.s32 $0x108;
	_ =	swait.ge @!p0 [sflag:s8], $0x0  }
0x24: {  	s3 =	sadd.s32 $0x88, s3;
	s6 =	simm.s32 @!p1 $0x1082;
	[sflag:s4] =	ssyncset.s32 $0xFFFFF086  }
0x25: {  	[simem:s6], [sflag:s4] =	dma.local [hbm:s3], $0xF7A  }
0x26: {  	[smem:$0x3F8F] =	sst s1;
	(tag) =	ssettag s2;
	_ =	strace s9  }
0x27: {  	s1 =	sld [smem:$0x3F9F]  }
0x28: {  	s2 =	sld [smem:$0x3FA0]  }
0x29: {  	s4 =	sld [smem:$0x3FA2]  }
0x2a: {  	p0 =	seq.s32 s5, $0x0;
	s5 =	sld [smem:$0x3FA3]  }
0x2b: {  	s6 =	sld [smem:$0x3FA4]  }
0x2c: {  	s7 =	sld [smem:$0x3FA5]  }
0x2d: {  	s3 =	simm.s32 $0x108;
	s8 =	sld [smem:$0x3FA6]  }
0x2e: {  	s3 =	simm.s32 @!p0 $0x1082;
	s9 =	sld [smem:$0x3FA7]  }
0x2f: {  	lr =	sadd.s32 s0, s3;
	s0 =	sld [smem:$0x3F9E]  }
0x30: {  	s3 =	sld [smem:$0x3FA1]  }
0x31: {  	[smem:$0x3FAA] =	sst s10  }
0x32: {  	s10 =	sld [smem:$0x3FA8];
	_ =	sdelay $0x3  }
0x33: {  	p0 =	seq.s32 s10, $0x1;
	s10 =	sld [smem:$0x3FAA];
	_ =	sdelay $0x3  }
0x34: {  	[smem:$0x3FAA] =	sst s10  }
0x35: {  	s10 =	sld [smem:$0x3FA9];
	_ =	sdelay $0x3  }
0x36: {  	p1 =	seq.s32 s10, $0x1;
	s10 =	sld [smem:$0x3FAA];
	_ =	sdelay $0x3  }
0x37: {  	[smem:$0x3FAA] =	sst s10  }
0x38: {  	s10 =	sld [smem:$0x3FAB]  }
0x39: {  	_ = 	snop;
	(pc) =	sbr.ind lr, $3  }
0x3a: {  	_ = 	snop  }
0x3b: {  	_ = 	snop  }
0x3c: {  	p2 =	seq.s32 s10, $0x1;
	s10 =	sld [smem:$0x3FAA]  }
0x3d: {  	_ =	shalt  }
0x3e: {  	_ =	shalt  }
0x3f: {  	_ =	shalt  }
0x40: {  	_ =	shalt  }
0x41: {  	_ =	shalt  }
0x42: {  	_ =	shalt  }
0x43: {  	_ =	shalt  }
0x44: {  	_ =	shalt  }
0x45: {  	_ =	shalt  }
0x46: {  	_ =	shalt  }
0x47: {  	_ =	shalt  }
0x48: {  	_ =	shalt  }
0x49: {  	_ =	shalt  }
0x4a: {  	_ =	shalt  }
0x4b: {  	_ =	shalt  }
0x4c: {  	_ =	shalt  }
0x4d: {  	_ =	shalt  }
0x4e: {  	_ =	shalt  }
0x4f: {  	_ =	shalt  }
0x50: {  	_ =	shalt  }
0x51: {  	_ =	shalt  }
0x52: {  	_ =	shalt  }
0x53: {  	_ =	shalt  }
0x54: {  	_ =	shalt  }
0x55: {  	_ =	shalt  }
0x56: {  	_ =	shalt  }
0x57: {  	_ =	shalt  }
0x58: {  	_ =	shalt  }
0x59: {  	_ =	shalt  }
0x5a: {  	_ =	shalt  }
0x5b: {  	_ =	shalt  }
0x5c: {  	_ =	shalt  }
0x5d: {  	_ =	shalt  }
0x5e: {  	_ =	shalt  }
0x5f: {  	_ =	shalt  }
0x60: {  	_ =	shalt  }
0x61: {  	_ =	shalt  }
0x62: {  	_ =	shalt  }
0x63: {  	_ =	shalt  }
0x64: {  	_ =	shalt  }
0x65: {  	_ =	shalt  }
0x66: {  	_ =	shalt  }
0x67: {  	_ =	shalt  }
0x68: {  	_ =	shalt  }
0x69: {  	_ =	shalt  }
0x6a: {  	_ =	shalt  }
0x6b: {  	_ =	shalt  }
0x6c: {  	_ =	shalt  }
0x6d: {  	_ =	shalt  }
0x6e: {  	_ =	shalt  }
0x6f: {  	_ =	shalt  }
0x70: {  	_ =	shalt  }
0x71: {  	_ =	shalt  }
0x72: {  	_ =	shalt  }
0x73: {  	_ =	shalt  }
0x74: {  	_ =	shalt  }
0x75: {  	_ =	shalt  }
0x76: {  	_ =	shalt  }
0x77: {  	_ =	shalt  }
0x78: {  	_ =	shalt  }
0x79: {  	_ =	shalt  }
0x7a: {  	_ =	shalt  }
0x7b: {  	_ =	shalt  }
0x7c: {  	_ =	shalt  }
0x7d: {  	_ =	shalt  }
0x7e: {  	_ =	shalt  }
0x7f: {  	_ =	shalt  }
0x80: {  	_ =	shalt  }
0x81: {  	_ =	shalt  }
0x82: {  	_ =	shalt  }
0x83: {  	_ =	shalt  }
0x84: {  	_ =	shalt  }
0x85: {  	_ =	shalt  }
0x86: {  	_ =	shalt  }
0x87: {  	_ =	shalt  }
.Lfunc_end0:
.L_simem_size_0:
called_computation.4_lowered:
.L_overlay_start_0:
0x88: {  	s2 =	sld [smem:$0x3FD9]  }
0x89: {  	s3 =	sld [smem:$0x3FFE];
	_ =	sdelay $0x1  }
0x8a: {  	s1 =	srdreg.scid  }
0x8b: {  	s0 =	sand.u32 $0x1, s1  }
0x8c: {  	s17 =	sshll.u32 s0, $0xA;
	s2 =	sadd.s32 s3, s2  }
0x8d: {  	s2 =	sadd.s32 s2, s17  }
0x8e: {  	[smem:$0x3FB6] =	sst s2  }
0x8f: {  	_ = 	snop  }
0x90: {  	s2 =	sld [smem:$0x3FD0];
	(tm) =	ssettm $0x1  }
0x91: {  	s18 =	sld [smem:$0x3FFB];
	_ =	sdelay $0x3  }
0x92: {  	_ =	strace s18  }
0x93: {  	s3 =	sld [smem:$0x3FFC];
	_ =	sdelay $0x3  }
0x94: {  	_ =	strace s3  }
0x95: {  	s3 =	sld [smem:$0x3FFD];
	_ =	sdelay $0x3  }
0x96: {  	_ =	strace s3  }
0x97: {  	_ =	strace $0x8FFFFFFF  }
0x98: {  	s19 =	sld [smem:$0x3FDB];
	_ =	sdelay $0x1  }
0x99: {  	s4 =	simm.s32 $_scs_section_size  }
0x9a: {  	s5 =	simm.s32 $_size__tile_overlayer_lowered;
	s6 =	simm.s32 $_tile_overlayer_lowered  }
0x9b: {  	s22 =	simm.s32 $0x1BFF;
	s21 =	sshll.u32 s6, $0x1;
	s3 =	sadd.s32 s4, s19  }
0x9c: {  	s7 =	simm.s32 $0x0;
	s20 =	sshll.u32 s5, $0x1;
	s5 =	sadd.s32 s21, s3  }
0x9d: {  	[timem:s7], [sflag:s22] =	dma.local [hbm:s5], s20  }
0x9e: {  	_ =	swait.ge [sflag:s22], s20  }
0x9f: {  	s4 =	ssub.s32 $0x0, s20;
	[sflag:s22] =	ssyncset.done $0x0  }
0xa0: {  	[sflag:s22] =	ssyncadd.s32 s4;
	_ =	sdelay $0x1  }
0xa1: {  	s23 =	simm.s32 $0x1B8B  }
0xa2: {  	_ =	swait.ge [sflag:s23], $0x1  }
0xa3: {  	[sflag:s23] =	ssyncset.done $0x0  }
0xa4: {  	s25 =	simm.s32 $0x1B8E;
	s24 =	sld [smem:$0x3FFE];
	[sflag:s23] =	ssyncadd.s32 $0xFFFFFFFF  }
0xa5: {  	s26 =	simm.s32 $execute0_lowered;
	[smem:$0x3FD2] =	sst s25  }
0xa6: {  	s5 =	sshll.u32 s26, $0x1;
	_ =	strace $0x80000052;
	[dreg:$0x1] =	wrdreg $0xFFFFFFFF  }
0xa7: {  	s28 =	simm.s32 $_size_execute0_lowered;
	s3 =	sadd.s32 s3, s5;
	[dreg:$0x0] =	wrdreg $0x0  }
0xa8: {  	s5 =	sshll.u32 s28, $0x1;
	[dreg:$0x2] =	wrdreg s3  }
0xa9: {  	[dreg:$0x3] =	wrdreg s5  }
0xaa: {  	[dreg:$0x4] =	wrdreg $0xC0  }
0xab: {  	_ =	task [dreg:s7], $0x5FFFF  }
0xac: {  	[dreg:$0x1] =	wrdreg $0xFFFFFFFF  }
0xad: {  	[dreg:$0x0] =	wrdreg $0x60  }
0xae: {  	[dreg:$0x2] =	wrdreg s2  }
0xaf: {  	[dreg:$0x3] =	wrdreg s24  }
0xb0: {  	[dreg:$0x4] =	wrdreg $0x90000  }
0xb1: {  	[dreg:$0x5] =	wrdreg $0x12E000  }
0xb2: {  	[dreg:$0x6] =	wrdreg $0x9  }
0xb3: {  	_ =	task.clear_ibuf [dreg:s7], $0x7FFFF;
	_ =	strace $0x90000052  }
0xb4: {  	s29 =	simm.s32 $0x9;
	_ =	strace $0x80000054  }
0xb5: {  	_ =	swait.ge [sflag:s29], $0x1  }
0xb6: {  	[sflag:s29] =	ssyncadd.s32 $0xFFFFFFFF  }
0xb7: {  	_ =	strace $0x90000054  }
0xb8: {  	_ =	sfence  }
0xb9: {  	s30 =	sld [smem:$0x0];
	_ =	sdelay $0x2  }
0xba: {  	s31 =	sshll.u32 s1, $0xD;
	s1 =	sshrl.u32 s1, $0x2  }
0xbb: {  	s3 =	sand.u32 $0x4000, s31;
	s1 =	sadd.s32 s1, s30  }
0xbc: {  	s0 =	sor.u32 s3, s0;
	s1 =	sshll.u32 s1, $0x11  }
0xbd: {  	s0 =	sor.u32 s1, s0  }
0xbe: {  	s0 =	sadd.s32 $0x8F2B, s0  }
0xbf: {  	[sflag:s0] =	ssyncadd.remote.s32 $0x1  }
0xc0: {  	_ =	sfence.sel $0xFFFF  }
0xc1: {  	[dreg:$0x0] =	wrdreg $0xFFFFFFFF;
	(pc) =	sbr.abs _section_cstart, $3  }
0xc2: {  	[dreg:$0x1] =	wrdreg $0xFFFFFFFF  }
0xc3: {  	_ =	task.clear_ibuf [dreg:s7], $0x2FFFF;
	_ =	strace $0x9FFFFFFF  }
0xc4: {  	(tm) =	ssettm $0x7FFFFFFF  }
0xc5: {  	_ =	shalt  }
tec
execute0_lowered:
.L_overlay_start_1:
0x0: {  	(tag) =	ssettag $0x1  }
0x1: {  	s7 =	rddreg [dreg:$0x0]  }
0x2: {  	s6 =	rddreg [dreg:$0x1]  }
0x3: {  	s2 =	rddreg [dreg:$0x2]  }
0x4: {  	s0 =	srdreg.scid;
	s3 =	rddreg [dreg:$0x3]  }
0x5: {  	s4 =	simm.s32 $0x0;
	s16 =	simm.s32 $0x1;
	s17 =	simm.s32 $0x80  }
0x6: {  	s18 =	simm.s32 $0x4F80;
	s5 =	sand.u32 $0x1, s0;
	s0 =	stileid.u32  }
0x7: {  	s19 =	simm.s32 $0x7000;
	s20 =	simm.s32 $0x0;
	s9 =	smul.u32 $0x9E00, s0  }
0x8: {  	[smem:$0x7FF] =	sst s4;
	s1 =	sshll.u32 s5, $0x4;
	s10 =	smul.u32 $0x9E000, s5  }
0x9: {  	s5 =	ssub.s32 $0x2, s5;
	s31 =	sshll.u32 s0, $0x6;
	s1 =	sor.u32 s0, s1  }
0xa: {  	s13 =	sshrl.u32 s5, $0x1;
	s8 =	smul.u32 $0x500, s1;
	s1 =	rddreg [dreg:$0x4]  }
0xb: {  	_ =	strace $0x80000053;
	s30 =	sshrl.u32 s9, $0x3;
	s10 =	sadd.s32 s9, s10  }
0xc: {  	s13 =	ssub.s32 s5, s13;
	s14 =	sadd.s32 s9, s2;
	s15 =	sadd.s32 s9, s3  }
0xd: {  	s12 =	sadd.s32 s30, s6;
	s10 =	sshrl.u32 s10, $0x3;
	s7 =	sadd.s32 s7, s30  }
0xe: {  	s11 =	sadd.s32 s8, s6;
	s10 =	sadd.s32 s10, s6;
	s5 =	sadd.s32 $0x41200, s12  }
0xf: {  	s6 =	sor.u32 $0x1C02, s31;
	s12 =	sshrl.u32 s14, $0x3;
	s14 =	sshrl.u32 s15, $0x3  }
0x10: {  	s15 =	simm.s32 $0x5000;
	s8 =	sadd.s32 $0xFA00, s11;
	s9 =	sadd.s32 $0x5A00, s11  }
0x11: {  	s10 =	sadd.s32 $0x54E00, s10;
	s11 =	smax.u32 s13, $0x1;
	s13 =	simm.s32 $0x2  }
.LBB2_1:
0x12: {  	[spmem:s12], [sflag:s6] =	dma.local [hbm:s5], $0x13C0  }
0x13: {  	_ =	swait.ge [sflag:s13], $0x13C0  }
0x14: {  	[sflag:s13] =	ssyncset.done $0x0  }
0x15: {  	[sflag:s13] =	ssyncadd.s32 $0xFFFFEC40  }
0x16: {  	[spmem:s14], [sflag:s6] =	dma.local [hbm:s7], $0x13C0  }
0x17: {  	_ =	swait.ge [sflag:s13], $0x13C0  }
0x18: {  	[sflag:s13] =	ssyncset.done $0x0  }
0x19: {  	[sflag:s13] =	ssyncadd.s32 $0xFFFFEC40  }
0x1a: {  	[tilespmem:s4], [sflag:$0x2] =	stream.linear.gather [hbm4b:s8+s4], $0x2800, $0x38;
	[tilespmem:$0x1CC00] =	vst v63  }
0x1b: {  	_ =	swait.ge [sflag:s13], $0x2800  }
0x1c: {  	[sflag:s13] =	ssyncset.done $0x0  }
0x1d: {  	s21 =	simm.s32 $0x2800;
	[sflag:s13] =	ssyncadd.s32 $0xFFFFD800  }
0x1e: {  	[tilespmem:s21], [sflag:$0x2] =	stream.linear.gather [hbm4b:s9+s4], $0x2800, $0x38;
	[tilespmem:$0x1CC00] =	vst v63  }
0x1f: {  	_ =	swait.ge [sflag:s13], $0x2800  }
0x20: {  	[sflag:s13] =	ssyncset.done $0x0  }
0x21: {  	[sflag:s13] =	ssyncadd.s32 $0xFFFFD800  }
0x22: {  	[bflag:$0x0] =	sbarrier.arrive $0xFFFF  }
0x23: {  	[tilespmem:s15], [sflag:$0x1] =	stream.indirect.gather [spmem:s3], $0x40, s4, s17, $0xb8;
	[tilespmem:$0x1CC00] =	vst v63  }
0x24: {  	s22 =	simm.s32 $0x0;
	_ =	swait.ge [sflag:s16], $0x2000  }
0x25: {  	s22 =	sand.u32 $0x2000, s22;
	[sflag:s16] =	ssyncset.done $0x0  }
0x26: {  	s23 =	sxor.u32 $0x7000, s22;
	[sflag:s16] =	ssyncadd.s32 $0xFFFFE000  }
0x27: {  	[tilespmem:s23], [sflag:$0x1] =	stream.indirect.gather [spmem:s3], $0x40, s17, s17, $0xb8;
	[tilespmem:$0x1CC00] =	vst v63  }
0x28: {  	s22 =	sor.u32 $0x5000, s22  }
0x29: {  	[spmem:s2] =	stream.indirect.scatter.add.f32 [tilespmem:s22], [sflag:$0x2], $0x40, s21, s17, $0xb8;
	[tilespmem:$0x1CC00] =	vst v63  }
0x2a: {  	_ =	swait.ge [sflag:s13], $0x2000  }
0x2b: {  	s23 =	simm.s32 $0x80;
	s22 =	simm.s32 $0x1;
	[sflag:s13] =	ssyncset.done $0x0  }
.LBB2_2:
0x2c: {  	[sflag:s13] =	ssyncadd.s32 $0xFFFFE000;
	s21 =	sadd.s32 $0x80, s21;
	s23 =	sadd.s32 $0x80, s23  }
0x2d: {  	p0 =	sne.s32 s22, $0x4E;
	s24 =	smov.u32 s22;
	s22 =	sadd.s32 $0x1, s22  }
0x2e: {  	s24 =	sshll.u32 s24, $0xD;
	_ =	swait.ge [sflag:s16], $0x2000  }
0x2f: {  	s24 =	sand.u32 $0x2000, s24;
	[sflag:s16] =	ssyncset.done $0x0  }
0x30: {  	s25 =	sxor.u32 $0x7000, s24;
	[sflag:s16] =	ssyncadd.s32 $0xFFFFE000  }
0x31: {  	[tilespmem:s25], [sflag:$0x1] =	stream.indirect.gather [spmem:s3], $0x40, s23, s17, $0xb8;
	[tilespmem:$0x1CC00] =	vst v63  }
.Ltmp0:
0x32: {  	_ = 	snop;
	(pc) =	sbr.rel @p0 .LBB2_2-.Ltmp0, $4  }
0x33: {  	s24 =	sor.u32 $0x5000, s24  }
0x34: {  	[spmem:s2] =	stream.indirect.scatter.add.f32 [tilespmem:s24], [sflag:$0x2], $0x40, s21, s17, $0xb8;
	[tilespmem:$0x1CC00] =	vst v63  }
0x35: {  	_ =	swait.ge [sflag:s13], $0x2000  }
0x36: {  	[sflag:s13] =	ssyncset.done $0x0  }
0x37: {  	[sflag:s13] =	ssyncadd.s32 $0xFFFFE000  }
0x38: {  	_ =	swait.ge [sflag:s16], $0x2000  }
0x39: {  	[sflag:s16] =	ssyncset.done $0x0  }
0x3a: {  	[sflag:s16] =	ssyncadd.s32 $0xFFFFE000  }
0x3b: {  	[spmem:s2] =	stream.indirect.scatter.add.f32 [tilespmem:s19], [sflag:$0x2], $0x40, s18, s17, $0xb8;
	[tilespmem:$0x1CC00] =	vst v63  }
0x3c: {  	_ =	swait.ge [sflag:s13], $0x2000  }
0x3d: {  	s20 =	sadd.s32 $0x1, s20;
	[sflag:s13] =	ssyncset.done $0x0  }
0x3e: {  	p0 =	sne.s32 s20, s11;
	[sflag:s13] =	ssyncadd.s32 $0xFFFFE000  }
.Ltmp1:
0x3f: {  	[bflag:$0x0] =	sbarrier.arrive $0xFFFF;
	(pc) =	sbr.rel @p0 .LBB2_1-.Ltmp1, $4  }
0x40: {  	[hbm:s10], [sflag:s6] =	dma.local [spmem:s12], $0x13C0  }
0x41: {  	_ =	swait.ge [sflag:s13], $0x13C0  }
0x42: {  	[sflag:s13] =	ssyncset.done $0x0  }
0x43: {  	[sflag:s13] =	ssyncadd.s32 $0xFFFFEC40  }
0x44: {  	_ =	sfence.sel $0x180000  }
0x45: {  	[bflag:$0x0] =	sbarrier.arrive $0xFFFF  }
0x46: {  	p0 =	sne.s32 s0, $0x0;
	_ =	strace $0x90000053  }
0x47: {  	s0 =	sadd.s32 @!p0 $0x100000, s1;
	[bflag:$0x2] =	sbarrier.arrive $0xFFFF  }
0x48: {  	[sflag:s0] =	ssyncadd.tile.s32 @!p0 $0x1;
	_ =	shalt  }
.Lfunc_end2:
_tile_overlayer_lowered:
.L_overlay_start_2:
0x49: {  	(tag) =	ssettag $0x2  }
0x4a: {  	s0 =	rddreg [dreg:$0x0];
	s2 =	stileid.u32  }
0x4b: {  	s1 =	rddreg [dreg:$0x1];
	p0 =	sne.s32 s2, $0x0  }
0x4c: {  	s3 =	rddreg [dreg:$0x2];
	[bflag:$0x3] =	sbarrier.arrive $0xFFFF;
	s2 =	simm.s32 @!p0 $0x1C02  }
0x4d: {  	[timem:s3], [sflag:s2] =	dma.local @!p0 [hbm:s0], s1  }
0x4e: {  	s0 =	simm.s32 @!p0 $0x2  }
0x4f: {  	_ =	swait.ge @!p0 [sflag:s0], s1  }
0x50: {  	s1 =	ssub.s32 @!p0 $0x0, s1;
	[sflag:s0] =	ssyncset.done @!p0 $0x0  }
0x51: {  	[sflag:s0] =	ssyncadd.s32 @!p0 s1  }
0x52: {  	[bflag:$0x3] =	sbarrier.arrive $0xFFFF  }
0x53: {  	_ =	shalt  }

// kernel: kernel.35.cloned.1.call-start
scs
__scs_entry_jumppad:
0x0: {  	(pc) =	sbr.rel $0x88, $3  }
0x1: {  	(tag) =	ssettag $0x0;
	lr =	simm.s32 $0x1  }
0x2: {  	[smem:$0x3F8F] =	sst lr;
	_ =	strace $0xD0000000  }
0x3: {  	_ = 	snop  }
0x4: {  	_ = 	snop  }
0x5: {  	_ = 	snop  }
0x6: {  	_ = 	snop  }
0x7: {  	_ = 	snop  }
__scs_overlays_trampoline_lowered:
0x8: {  	[smem:$0x3F9E] =	sst s0  }
0x9: {  	[smem:$0x3F9F] =	sst s1  }
0xa: {  	[smem:$0x3FA0] =	sst s2  }
0xb: {  	[smem:$0x3FA1] =	sst s3  }
0xc: {  	[smem:$0x3FA2] =	sst s4  }
0xd: {  	[smem:$0x3FA3] =	sst s5  }
0xe: {  	[smem:$0x3FA4] =	sst s6  }
0xf: {  	[smem:$0x3FA5] =	sst s7  }
0x10: {  	[smem:$0x3FA6] =	sst s8  }
0x11: {  	[smem:$0x3FA7] =	sst s9;
	s0 =	simm.s32 @!p0 $0x0  }
0x12: {  	s1 =	sld [smem:$0x3F8D];
	s0 =	simm.s32 @p0 $0x1  }
0x13: {  	[smem:$0x3FA8] =	sst s0;
	s0 =	simm.s32 @!p1 $0x0  }
0x14: {  	s2 =	sld [smem:$0x3F8C];
	s0 =	simm.s32 @p1 $0x1  }
0x15: {  	[smem:$0x3FA9] =	sst s0;
	s0 =	simm.s32 @!p2 $0x0  }
0x16: {  	s3 =	sld [smem:$0x3FDB];
	s0 =	simm.s32 @p2 $0x1  }
0x17: {  	s4 =	simm.s32 $0x1BF5;
	[smem:$0x3FAB] =	sst s0  }
0x18: {  	s0 =	sld [smem:$0x3F8E];
	_ =	swait.ge [sflag:s4], $0x0  }
0x19: {  	s7 =	sld [smem:$0x3F8F]  }
0x1a: {  	s8 =	sadd.s32 $0xFFFFE003, lr  }
0x1b: {  	s9 =	sadd.s32 $0xFFFFFEF7, lr;
	s5 =	simm.s32 $0xFFFFFFFF;
	p2 =	slt.u32 s8, $0xFFFFF086  }
0x1c: {  	p1 =	slt.u32 s9, $0xF7A;
	s5 =	simm.s32 @!p2 $0x0  }
0x1d: {  	s5 =	simm.s32 @p1 $0x1;
	p0 =	seq.s32 s7, s2  }
0x1e: {  	s7 =	smul.u32 @!p0 $0xF7A, s2;
	p2 =	seq.s32 @!p0 s5, $0x0  }
0x1f: {  	s9 =	smul.u32 $0xF7A, s1;
	s8 =	simm.s32 @!p0 $0x1BF5;
	p2 =	por !p2, p0  }
0x20: {  	[sflag:s8] =	ssyncset.s32 @!p0 $0xFFFFF086;
	s6 =	sadd.s32 @!p0 s3, s7;
	s7 =	simm.s32 @!p0 $0x108  }
0x21: {  	s3 =	sadd.s32 s3, s9;
	s6 =	sadd.s32 @!p0 $0x88, s6;
	s7 =	simm.s32 @p2 $0x1082  }
0x22: {  	[simem:s7], [sflag:s8] =	dma.local @!p0 [hbm:s6], $0xF7A  }
0x23: {  	s9 =	sor.u32 $0xD0000000, s2;
	s6 =	simm.s32 $0x108;
	_ =	swait.ge @!p0 [sflag:s8], $0x0  }
0x24: {  	s3 =	sadd.s32 $0x88, s3;
	s6 =	simm.s32 @!p1 $0x1082;
	[sflag:s4] =	ssyncset.s32 $0xFFFFF086  }
0x25: {  	[simem:s6], [sflag:s4] =	dma.local [hbm:s3], $0xF7A  }
0x26: {  	[smem:$0x3F8F] =	sst s1;
	(tag) =	ssettag s2;
	_ =	strace s9  }
0x27: {  	s1 =	sld [smem:$0x3F9F]  }
0x28: {  	s2 =	sld [smem:$0x3FA0]  }
0x29: {  	s4 =	sld [smem:$0x3FA2]  }
0x2a: {  	p0 =	seq.s32 s5, $0x0;
	s5 =	sld [smem:$0x3FA3]  }
0x2b: {  	s6 =	sld [smem:$0x3FA4]  }
0x2c: {  	s7 =	sld [smem:$0x3FA5]  }
0x2d: {  	s3 =	simm.s32 $0x108;
	s8 =	sld [smem:$0x3FA6]  }
0x2e: {  	s3 =	simm.s32 @!p0 $0x1082;
	s9 =	sld [smem:$0x3FA7]  }
0x2f: {  	lr =	sadd.s32 s0, s3;
	s0 =	sld [smem:$0x3F9E]  }
0x30: {  	s3 =	sld [smem:$0x3FA1]  }
0x31: {  	[smem:$0x3FAA] =	sst s10  }
0x32: {  	s10 =	sld [smem:$0x3FA8];
	_ =	sdelay $0x3  }
0x33: {  	p0 =	seq.s32 s10, $0x1;
	s10 =	sld [smem:$0x3FAA];
	_ =	sdelay $0x3  }
0x34: {  	[smem:$0x3FAA] =	sst s10  }
0x35: {  	s10 =	sld [smem:$0x3FA9];
	_ =	sdelay $0x3  }
0x36: {  	p1 =	seq.s32 s10, $0x1;
	s10 =	sld [smem:$0x3FAA];
	_ =	sdelay $0x3  }
0x37: {  	[smem:$0x3FAA] =	sst s10  }
0x38: {  	s10 =	sld [smem:$0x3FAB]  }
0x39: {  	_ = 	snop;
	(pc) =	sbr.ind lr, $3  }
0x3a: {  	_ = 	snop  }
0x3b: {  	_ = 	snop  }
0x3c: {  	p2 =	seq.s32 s10, $0x1;
	s10 =	sld [smem:$0x3FAA]  }
0x3d: {  	_ =	shalt  }
0x3e: {  	_ =	shalt  }
0x3f: {  	_ =	shalt  }
0x40: {  	_ =	shalt  }
0x41: {  	_ =	shalt  }
0x42: {  	_ =	shalt  }
0x43: {  	_ =	shalt  }
0x44: {  	_ =	shalt  }
0x45: {  	_ =	shalt  }
0x46: {  	_ =	shalt  }
0x47: {  	_ =	shalt  }
0x48: {  	_ =	shalt  }
0x49: {  	_ =	shalt  }
0x4a: {  	_ =	shalt  }
0x4b: {  	_ =	shalt  }
0x4c: {  	_ =	shalt  }
0x4d: {  	_ =	shalt  }
0x4e: {  	_ =	shalt  }
0x4f: {  	_ =	shalt  }
0x50: {  	_ =	shalt  }
0x51: {  	_ =	shalt  }
0x52: {  	_ =	shalt  }
0x53: {  	_ =	shalt  }
0x54: {  	_ =	shalt  }
0x55: {  	_ =	shalt  }
0x56: {  	_ =	shalt  }
0x57: {  	_ =	shalt  }
0x58: {  	_ =	shalt  }
0x59: {  	_ =	shalt  }
0x5a: {  	_ =	shalt  }
0x5b: {  	_ =	shalt  }
0x5c: {  	_ =	shalt  }
0x5d: {  	_ =	shalt  }
0x5e: {  	_ =	shalt  }
0x5f: {  	_ =	shalt  }
0x60: {  	_ =	shalt  }
0x61: {  	_ =	shalt  }
0x62: {  	_ =	shalt  }
0x63: {  	_ =	shalt  }
0x64: {  	_ =	shalt  }
0x65: {  	_ =	shalt  }
0x66: {  	_ =	shalt  }
0x67: {  	_ =	shalt  }
0x68: {  	_ =	shalt  }
0x69: {  	_ =	shalt  }
0x6a: {  	_ =	shalt  }
0x6b: {  	_ =	shalt  }
0x6c: {  	_ =	shalt  }
0x6d: {  	_ =	shalt  }
0x6e: {  	_ =	shalt  }
0x6f: {  	_ =	shalt  }
0x70: {  	_ =	shalt  }
0x71: {  	_ =	shalt  }
0x72: {  	_ =	shalt  }
0x73: {  	_ =	shalt  }
0x74: {  	_ =	shalt  }
0x75: {  	_ =	shalt  }
0x76: {  	_ =	shalt  }
0x77: {  	_ =	shalt  }
0x78: {  	_ =	shalt  }
0x79: {  	_ =	shalt  }
0x7a: {  	_ =	shalt  }
0x7b: {  	_ =	shalt  }
0x7c: {  	_ =	shalt  }
0x7d: {  	_ =	shalt  }
0x7e: {  	_ =	shalt  }
0x7f: {  	_ =	shalt  }
0x80: {  	_ =	shalt  }
0x81: {  	_ =	shalt  }
0x82: {  	_ =	shalt  }
0x83: {  	_ =	shalt  }
0x84: {  	_ =	shalt  }
0x85: {  	_ =	shalt  }
0x86: {  	_ =	shalt  }
0x87: {  	_ =	shalt  }
.Lfunc_end0:
.L_simem_size_0:
called_computation.5_lowered:
.L_overlay_start_0:
0x88: {  	s2 =	sld [smem:$0x3FD9]  }
0x89: {  	s3 =	sld [smem:$0x3FFE];
	_ =	sdelay $0x1  }
0x8a: {  	s1 =	srdreg.scid  }
0x8b: {  	s0 =	sand.u32 $0x1, s1  }
0x8c: {  	s17 =	sshll.u32 s0, $0xA;
	s2 =	sadd.s32 s3, s2  }
0x8d: {  	s2 =	sadd.s32 s2, s17  }
0x8e: {  	[smem:$0x3FB6] =	sst s2  }
0x8f: {  	_ = 	snop  }
0x90: {  	s2 =	sld [smem:$0x3FD0];
	(tm) =	ssettm $0x1  }
0x91: {  	s18 =	sld [smem:$0x3FFB];
	_ =	sdelay $0x3  }
0x92: {  	_ =	strace s18  }
0x93: {  	s3 =	sld [smem:$0x3FFC];
	_ =	sdelay $0x3  }
0x94: {  	_ =	strace s3  }
0x95: {  	s3 =	sld [smem:$0x3FFD];
	_ =	sdelay $0x3  }
0x96: {  	_ =	strace s3  }
0x97: {  	_ =	strace $0x8FFFFFFF  }
0x98: {  	s19 =	sld [smem:$0x3FDB];
	_ =	sdelay $0x1  }
0x99: {  	s4 =	simm.s32 $_scs_section_size  }
0x9a: {  	s5 =	simm.s32 $_size__tile_overlayer_lowered;
	s6 =	simm.s32 $_tile_overlayer_lowered  }
0x9b: {  	s22 =	simm.s32 $0x1BFF;
	s21 =	sshll.u32 s6, $0x1;
	s3 =	sadd.s32 s4, s19  }
0x9c: {  	s7 =	simm.s32 $0x0;
	s20 =	sshll.u32 s5, $0x1;
	s5 =	sadd.s32 s21, s3  }
0x9d: {  	[timem:s7], [sflag:s22] =	dma.local [hbm:s5], s20  }
0x9e: {  	_ =	swait.ge [sflag:s22], s20  }
0x9f: {  	s4 =	ssub.s32 $0x0, s20;
	[sflag:s22] =	ssyncset.done $0x0  }
0xa0: {  	[sflag:s22] =	ssyncadd.s32 s4;
	_ =	sdelay $0x1  }
0xa1: {  	s23 =	simm.s32 $0x1B8B  }
0xa2: {  	_ =	swait.ge [sflag:s23], $0x1  }
0xa3: {  	[sflag:s23] =	ssyncset.done $0x0  }
0xa4: {  	s25 =	simm.s32 $0x1B8E;
	s24 =	sld [smem:$0x3FFE];
	[sflag:s23] =	ssyncadd.s32 $0xFFFFFFFF  }
0xa5: {  	s26 =	simm.s32 $execute0_lowered;
	[smem:$0x3FD2] =	sst s25  }
0xa6: {  	s5 =	sshll.u32 s26, $0x1;
	_ =	strace $0x80000055;
	[dreg:$0x1] =	wrdreg $0xFFFFFFFF  }
0xa7: {  	s28 =	simm.s32 $_size_execute0_lowered;
	s3 =	sadd.s32 s3, s5;
	[dreg:$0x0] =	wrdreg $0x0  }
0xa8: {  	s5 =	sshll.u32 s28, $0x1;
	[dreg:$0x2] =	wrdreg s3  }
0xa9: {  	[dreg:$0x3] =	wrdreg s5  }
0xaa: {  	[dreg:$0x4] =	wrdreg $0xC0  }
0xab: {  	_ =	task [dreg:s7], $0x5FFFF  }
0xac: {  	[dreg:$0x1] =	wrdreg $0xFFFFFFFF  }
0xad: {  	[dreg:$0x0] =	wrdreg $0x60  }
0xae: {  	[dreg:$0x2] =	wrdreg s2  }
0xaf: {  	[dreg:$0x3] =	wrdreg s24  }
0xb0: {  	[dreg:$0x4] =	wrdreg $0x90000  }
0xb1: {  	[dreg:$0x5] =	wrdreg $0x12E000  }
0xb2: {  	[dreg:$0x6] =	wrdreg $0x9  }
0xb3: {  	_ =	task.clear_ibuf [dreg:s7], $0x7FFFF;
	_ =	strace $0x90000055  }
0xb4: {  	s29 =	simm.s32 $0x9;
	_ =	strace $0x80000057  }
0xb5: {  	_ =	swait.ge [sflag:s29], $0x1  }
0xb6: {  	[sflag:s29] =	ssyncadd.s32 $0xFFFFFFFF  }
0xb7: {  	_ =	strace $0x90000057  }
0xb8: {  	_ =	sfence  }
0xb9: {  	s30 =	sld [smem:$0x0];
	_ =	sdelay $0x2  }
0xba: {  	s31 =	sshll.u32 s1, $0xD;
	s1 =	sshrl.u32 s1, $0x2  }
0xbb: {  	s3 =	sand.u32 $0x4000, s31;
	s1 =	sadd.s32 s1, s30  }
0xbc: {  	s0 =	sor.u32 s3, s0;
	s1 =	sshll.u32 s1, $0x11  }
0xbd: {  	s0 =	sor.u32 s1, s0  }
0xbe: {  	s0 =	sadd.s32 $0x8F2B, s0  }
0xbf: {  	[sflag:s0] =	ssyncadd.remote.s32 $0x1  }
0xc0: {  	_ =	sfence.sel $0xFFFF  }
0xc1: {  	[dreg:$0x0] =	wrdreg $0xFFFFFFFF;
	(pc) =	sbr.abs _section_cstart, $3  }
0xc2: {  	[dreg:$0x1] =	wrdreg $0xFFFFFFFF  }
0xc3: {  	_ =	task.clear_ibuf [dreg:s7], $0x2FFFF;
	_ =	strace $0x9FFFFFFF  }
0xc4: {  	(tm) =	ssettm $0x7FFFFFFF  }
0xc5: {  	_ =	shalt  }
tec
execute0_lowered:
.L_overlay_start_1:
0x0: {  	(tag) =	ssettag $0x1  }
0x1: {  	s7 =	rddreg [dreg:$0x0]  }
0x2: {  	s6 =	rddreg [dreg:$0x1]  }
0x3: {  	s2 =	rddreg [dreg:$0x2]  }
0x4: {  	s0 =	srdreg.scid;
	s3 =	rddreg [dreg:$0x3]  }
0x5: {  	s4 =	simm.s32 $0x0;
	s16 =	simm.s32 $0x1;
	s17 =	simm.s32 $0x80  }
0x6: {  	s18 =	simm.s32 $0x4F80;
	s5 =	sand.u32 $0x1, s0;
	s0 =	stileid.u32  }
0x7: {  	s19 =	simm.s32 $0x7000;
	s20 =	simm.s32 $0x0;
	s9 =	smul.u32 $0x9E00, s0  }
0x8: {  	[smem:$0x7FF] =	sst s4;
	s1 =	sshll.u32 s5, $0x4;
	s10 =	smul.u32 $0x9E000, s5  }
0x9: {  	s5 =	ssub.s32 $0x2, s5;
	s31 =	sshll.u32 s0, $0x6;
	s1 =	sor.u32 s0, s1  }
0xa: {  	s13 =	sshrl.u32 s5, $0x1;
	s8 =	smul.u32 $0x500, s1;
	s1 =	rddreg [dreg:$0x4]  }
0xb: {  	_ =	strace $0x80000056;
	s30 =	sshrl.u32 s9, $0x3;
	s10 =	sadd.s32 s9, s10  }
0xc: {  	s13 =	ssub.s32 s5, s13;
	s14 =	sadd.s32 s9, s2;
	s15 =	sadd.s32 s9, s3  }
0xd: {  	s12 =	sadd.s32 s30, s6;
	s10 =	sshrl.u32 s10, $0x3;
	s7 =	sadd.s32 s7, s30  }
0xe: {  	s11 =	sadd.s32 s8, s6;
	s10 =	sadd.s32 s10, s6;
	s5 =	sadd.s32 $0x41200, s12  }
0xf: {  	s6 =	sor.u32 $0x1C02, s31;
	s12 =	sshrl.u32 s14, $0x3;
	s14 =	sshrl.u32 s15, $0x3  }
0x10: {  	s15 =	simm.s32 $0x5000;
	s8 =	sadd.s32 $0xFA00, s11;
	s9 =	sadd.s32 $0x5A00, s11  }
0x11: {  	s10 =	sadd.s32 $0x54E00, s10;
	s11 =	smax.u32 s13, $0x1;
	s13 =	simm.s32 $0x2  }
.LBB2_1:
0x12: {  	[spmem:s12], [sflag:s6] =	dma.local [hbm:s5], $0x13C0  }
0x13: {  	_ =	swait.ge [sflag:s13], $0x13C0  }
0x14: {  	[sflag:s13] =	ssyncset.done $0x0  }
0x15: {  	[sflag:s13] =	ssyncadd.s32 $0xFFFFEC40  }
0x16: {  	[spmem:s14], [sflag:s6] =	dma.local [hbm:s7], $0x13C0  }
0x17: {  	_ =	swait.ge [sflag:s13], $0x13C0  }
0x18: {  	[sflag:s13] =	ssyncset.done $0x0  }
0x19: {  	[sflag:s13] =	ssyncadd.s32 $0xFFFFEC40  }
0x1a: {  	[tilespmem:s4], [sflag:$0x2] =	stream.linear.gather [hbm4b:s8+s4], $0x2800, $0x38;
	[tilespmem:$0x1CC00] =	vst v63  }
0x1b: {  	_ =	swait.ge [sflag:s13], $0x2800  }
0x1c: {  	[sflag:s13] =	ssyncset.done $0x0  }
0x1d: {  	s21 =	simm.s32 $0x2800;
	[sflag:s13] =	ssyncadd.s32 $0xFFFFD800  }
0x1e: {  	[tilespmem:s21], [sflag:$0x2] =	stream.linear.gather [hbm4b:s9+s4], $0x2800, $0x38;
	[tilespmem:$0x1CC00] =	vst v63  }
0x1f: {  	_ =	swait.ge [sflag:s13], $0x2800  }
0x20: {  	[sflag:s13] =	ssyncset.done $0x0  }
0x21: {  	[sflag:s13] =	ssyncadd.s32 $0xFFFFD800  }
0x22: {  	[bflag:$0x0] =	sbarrier.arrive $0xFFFF  }
0x23: {  	[tilespmem:s15], [sflag:$0x1] =	stream.indirect.gather [spmem:s3], $0x40, s4, s17, $0xb8;
	[tilespmem:$0x1CC00] =	vst v63  }
0x24: {  	s22 =	simm.s32 $0x0;
	_ =	swait.ge [sflag:s16], $0x2000  }
0x25: {  	s22 =	sand.u32 $0x2000, s22;
	[sflag:s16] =	ssyncset.done $0x0  }
0x26: {  	s23 =	sxor.u32 $0x7000, s22;
	[sflag:s16] =	ssyncadd.s32 $0xFFFFE000  }
0x27: {  	[tilespmem:s23], [sflag:$0x1] =	stream.indirect.gather [spmem:s3], $0x40, s17, s17, $0xb8;
	[tilespmem:$0x1CC00] =	vst v63  }
0x28: {  	s22 =	sor.u32 $0x5000, s22  }
0x29: {  	[spmem:s2] =	stream.indirect.scatter.add.f32 [tilespmem:s22], [sflag:$0x2], $0x40, s21, s17, $0xb8;
	[tilespmem:$0x1CC00] =	vst v63  }
0x2a: {  	_ =	swait.ge [sflag:s13], $0x2000  }
0x2b: {  	s23 =	simm.s32 $0x80;
	s22 =	simm.s32 $0x1;
	[sflag:s13] =	ssyncset.done $0x0  }
.LBB2_2:
0x2c: {  	[sflag:s13] =	ssyncadd.s32 $0xFFFFE000;
	s21 =	sadd.s32 $0x80, s21;
	s23 =	sadd.s32 $0x80, s23  }
0x2d: {  	p0 =	sne.s32 s22, $0x4E;
	s24 =	smov.u32 s22;
	s22 =	sadd.s32 $0x1, s22  }
0x2e: {  	s24 =	sshll.u32 s24, $0xD;
	_ =	swait.ge [sflag:s16], $0x2000  }
0x2f: {  	s24 =	sand.u32 $0x2000, s24;
	[sflag:s16] =	ssyncset.done $0x0  }
0x30: {  	s25 =	sxor.u32 $0x7000, s24;
	[sflag:s16] =	ssyncadd.s32 $0xFFFFE000  }
0x31: {  	[tilespmem:s25], [sflag:$0x1] =	stream.indirect.gather [spmem:s3], $0x40, s23, s17, $0xb8;
	[tilespmem:$0x1CC00] =	vst v63  }
.Ltmp0:
0x32: {  	_ = 	snop;
	(pc) =	sbr.rel @p0 .LBB2_2-.Ltmp0, $4  }
0x33: {  	s24 =	sor.u32 $0x5000, s24  }
0x34: {  	[spmem:s2] =	stream.indirect.scatter.add.f32 [tilespmem:s24], [sflag:$0x2], $0x40, s21, s17, $0xb8;
	[tilespmem:$0x1CC00] =	vst v63  }
0x35: {  	_ =	swait.ge [sflag:s13], $0x2000  }
0x36: {  	[sflag:s13] =	ssyncset.done $0x0  }
0x37: {  	[sflag:s13] =	ssyncadd.s32 $0xFFFFE000  }
0x38: {  	_ =	swait.ge [sflag:s16], $0x2000  }
0x39: {  	[sflag:s16] =	ssyncset.done $0x0  }
0x3a: {  	[sflag:s16] =	ssyncadd.s32 $0xFFFFE000  }
0x3b: {  	[spmem:s2] =	stream.indirect.scatter.add.f32 [tilespmem:s19], [sflag:$0x2], $0x40, s18, s17, $0xb8;
	[tilespmem:$0x1CC00] =	vst v63  }
0x3c: {  	_ =	swait.ge [sflag:s13], $0x2000  }
0x3d: {  	s20 =	sadd.s32 $0x1, s20;
	[sflag:s13] =	ssyncset.done $0x0  }
0x3e: {  	p0 =	sne.s32 s20, s11;
	[sflag:s13] =	ssyncadd.s32 $0xFFFFE000  }
.Ltmp1:
0x3f: {  	[bflag:$0x0] =	sbarrier.arrive $0xFFFF;
	(pc) =	sbr.rel @p0 .LBB2_1-.Ltmp1, $4  }
0x40: {  	[hbm:s10], [sflag:s6] =	dma.local [spmem:s12], $0x13C0  }
0x41: {  	_ =	swait.ge [sflag:s13], $0x13C0  }
0x42: {  	[sflag:s13] =	ssyncset.done $0x0  }
0x43: {  	[sflag:s13] =	ssyncadd.s32 $0xFFFFEC40  }
0x44: {  	_ =	sfence.sel $0x180000  }
0x45: {  	[bflag:$0x0] =	sbarrier.arrive $0xFFFF  }
0x46: {  	p0 =	sne.s32 s0, $0x0;
	_ =	strace $0x90000056  }
0x47: {  	s0 =	sadd.s32 @!p0 $0x100000, s1;
	[bflag:$0x2] =	sbarrier.arrive $0xFFFF  }
0x48: {  	[sflag:s0] =	ssyncadd.tile.s32 @!p0 $0x1;
	_ =	shalt  }
.Lfunc_end2:
_tile_overlayer_lowered:
.L_overlay_start_2:
0x49: {  	(tag) =	ssettag $0x2  }
0x4a: {  	s0 =	rddreg [dreg:$0x0];
	s2 =	stileid.u32  }
0x4b: {  	s1 =	rddreg [dreg:$0x1];
	p0 =	sne.s32 s2, $0x0  }
0x4c: {  	s3 =	rddreg [dreg:$0x2];
	[bflag:$0x3] =	sbarrier.arrive $0xFFFF;
	s2 =	simm.s32 @!p0 $0x1C02  }
0x4d: {  	[timem:s3], [sflag:s2] =	dma.local @!p0 [hbm:s0], s1  }
0x4e: {  	s0 =	simm.s32 @!p0 $0x2  }
0x4f: {  	_ =	swait.ge @!p0 [sflag:s0], s1  }
0x50: {  	s1 =	ssub.s32 @!p0 $0x0, s1;
	[sflag:s0] =	ssyncset.done @!p0 $0x0  }
0x51: {  	[sflag:s0] =	ssyncadd.s32 @!p0 s1  }
0x52: {  	[bflag:$0x3] =	sbarrier.arrive $0xFFFF  }
0x53: {  	_ =	shalt  }

// kernel: kernel.38.cloned.1.call-start
scs
__scs_entry_jumppad:
0x0: {  	(pc) =	sbr.rel $0x88, $3  }
0x1: {  	(tag) =	ssettag $0x0;
	lr =	simm.s32 $0x1  }
0x2: {  	[smem:$0x3F8F] =	sst lr;
	_ =	strace $0xD0000000  }
0x3: {  	_ = 	snop  }
0x4: {  	_ = 	snop  }
0x5: {  	_ = 	snop  }
0x6: {  	_ = 	snop  }
0x7: {  	_ = 	snop  }
__scs_overlays_trampoline_lowered:
0x8: {  	[smem:$0x3F9E] =	sst s0  }
0x9: {  	[smem:$0x3F9F] =	sst s1  }
0xa: {  	[smem:$0x3FA0] =	sst s2  }
0xb: {  	[smem:$0x3FA1] =	sst s3  }
0xc: {  	[smem:$0x3FA2] =	sst s4  }
0xd: {  	[smem:$0x3FA3] =	sst s5  }
0xe: {  	[smem:$0x3FA4] =	sst s6  }
0xf: {  	[smem:$0x3FA5] =	sst s7  }
0x10: {  	[smem:$0x3FA6] =	sst s8  }
0x11: {  	[smem:$0x3FA7] =	sst s9;
	s0 =	simm.s32 @!p0 $0x0  }
0x12: {  	s1 =	sld [smem:$0x3F8D];
	s0 =	simm.s32 @p0 $0x1  }
0x13: {  	[smem:$0x3FA8] =	sst s0;
	s0 =	simm.s32 @!p1 $0x0  }
0x14: {  	s2 =	sld [smem:$0x3F8C];
	s0 =	simm.s32 @p1 $0x1  }
0x15: {  	[smem:$0x3FA9] =	sst s0;
	s0 =	simm.s32 @!p2 $0x0  }
0x16: {  	s3 =	sld [smem:$0x3FDB];
	s0 =	simm.s32 @p2 $0x1  }
0x17: {  	s4 =	simm.s32 $0x1BF5;
	[smem:$0x3FAB] =	sst s0  }
0x18: {  	s0 =	sld [smem:$0x3F8E];
	_ =	swait.ge [sflag:s4], $0x0  }
0x19: {  	s7 =	sld [smem:$0x3F8F]  }
0x1a: {  	s8 =	sadd.s32 $0xFFFFE003, lr  }
0x1b: {  	s9 =	sadd.s32 $0xFFFFFEF7, lr;
	s5 =	simm.s32 $0xFFFFFFFF;
	p2 =	slt.u32 s8, $0xFFFFF086  }
0x1c: {  	p1 =	slt.u32 s9, $0xF7A;
	s5 =	simm.s32 @!p2 $0x0  }
0x1d: {  	s5 =	simm.s32 @p1 $0x1;
	p0 =	seq.s32 s7, s2  }
0x1e: {  	s7 =	smul.u32 @!p0 $0xF7A, s2;
	p2 =	seq.s32 @!p0 s5, $0x0  }
0x1f: {  	s9 =	smul.u32 $0xF7A, s1;
	s8 =	simm.s32 @!p0 $0x1BF5;
	p2 =	por !p2, p0  }
0x20: {  	[sflag:s8] =	ssyncset.s32 @!p0 $0xFFFFF086;
	s6 =	sadd.s32 @!p0 s3, s7;
	s7 =	simm.s32 @!p0 $0x108  }
0x21: {  	s3 =	sadd.s32 s3, s9;
	s6 =	sadd.s32 @!p0 $0x88, s6;
	s7 =	simm.s32 @p2 $0x1082  }
0x22: {  	[simem:s7], [sflag:s8] =	dma.local @!p0 [hbm:s6], $0xF7A  }
0x23: {  	s9 =	sor.u32 $0xD0000000, s2;
	s6 =	simm.s32 $0x108;
	_ =	swait.ge @!p0 [sflag:s8], $0x0  }
0x24: {  	s3 =	sadd.s32 $0x88, s3;
	s6 =	simm.s32 @!p1 $0x1082;
	[sflag:s4] =	ssyncset.s32 $0xFFFFF086  }
0x25: {  	[simem:s6], [sflag:s4] =	dma.local [hbm:s3], $0xF7A  }
0x26: {  	[smem:$0x3F8F] =	sst s1;
	(tag) =	ssettag s2;
	_ =	strace s9  }
0x27: {  	s1 =	sld [smem:$0x3F9F]  }
0x28: {  	s2 =	sld [smem:$0x3FA0]  }
0x29: {  	s4 =	sld [smem:$0x3FA2]  }
0x2a: {  	p0 =	seq.s32 s5, $0x0;
	s5 =	sld [smem:$0x3FA3]  }
0x2b: {  	s6 =	sld [smem:$0x3FA4]  }
0x2c: {  	s7 =	sld [smem:$0x3FA5]  }
0x2d: {  	s3 =	simm.s32 $0x108;
	s8 =	sld [smem:$0x3FA6]  }
0x2e: {  	s3 =	simm.s32 @!p0 $0x1082;
	s9 =	sld [smem:$0x3FA7]  }
0x2f: {  	lr =	sadd.s32 s0, s3;
	s0 =	sld [smem:$0x3F9E]  }
0x30: {  	s3 =	sld [smem:$0x3FA1]  }
0x31: {  	[smem:$0x3FAA] =	sst s10  }
0x32: {  	s10 =	sld [smem:$0x3FA8];
	_ =	sdelay $0x3  }
0x33: {  	p0 =	seq.s32 s10, $0x1;
	s10 =	sld [smem:$0x3FAA];
	_ =	sdelay $0x3  }
0x34: {  	[smem:$0x3FAA] =	sst s10  }
0x35: {  	s10 =	sld [smem:$0x3FA9];
	_ =	sdelay $0x3  }
0x36: {  	p1 =	seq.s32 s10, $0x1;
	s10 =	sld [smem:$0x3FAA];
	_ =	sdelay $0x3  }
0x37: {  	[smem:$0x3FAA] =	sst s10  }
0x38: {  	s10 =	sld [smem:$0x3FAB]  }
0x39: {  	_ = 	snop;
	(pc) =	sbr.ind lr, $3  }
0x3a: {  	_ = 	snop  }
0x3b: {  	_ = 	snop  }
0x3c: {  	p2 =	seq.s32 s10, $0x1;
	s10 =	sld [smem:$0x3FAA]  }
0x3d: {  	_ =	shalt  }
0x3e: {  	_ =	shalt  }
0x3f: {  	_ =	shalt  }
0x40: {  	_ =	shalt  }
0x41: {  	_ =	shalt  }
0x42: {  	_ =	shalt  }
0x43: {  	_ =	shalt  }
0x44: {  	_ =	shalt  }
0x45: {  	_ =	shalt  }
0x46: {  	_ =	shalt  }
0x47: {  	_ =	shalt  }
0x48: {  	_ =	shalt  }
0x49: {  	_ =	shalt  }
0x4a: {  	_ =	shalt  }
0x4b: {  	_ =	shalt  }
0x4c: {  	_ =	shalt  }
0x4d: {  	_ =	shalt  }
0x4e: {  	_ =	shalt  }
0x4f: {  	_ =	shalt  }
0x50: {  	_ =	shalt  }
0x51: {  	_ =	shalt  }
0x52: {  	_ =	shalt  }
0x53: {  	_ =	shalt  }
0x54: {  	_ =	shalt  }
0x55: {  	_ =	shalt  }
0x56: {  	_ =	shalt  }
0x57: {  	_ =	shalt  }
0x58: {  	_ =	shalt  }
0x59: {  	_ =	shalt  }
0x5a: {  	_ =	shalt  }
0x5b: {  	_ =	shalt  }
0x5c: {  	_ =	shalt  }
0x5d: {  	_ =	shalt  }
0x5e: {  	_ =	shalt  }
0x5f: {  	_ =	shalt  }
0x60: {  	_ =	shalt  }
0x61: {  	_ =	shalt  }
0x62: {  	_ =	shalt  }
0x63: {  	_ =	shalt  }
0x64: {  	_ =	shalt  }
0x65: {  	_ =	shalt  }
0x66: {  	_ =	shalt  }
0x67: {  	_ =	shalt  }
0x68: {  	_ =	shalt  }
0x69: {  	_ =	shalt  }
0x6a: {  	_ =	shalt  }
0x6b: {  	_ =	shalt  }
0x6c: {  	_ =	shalt  }
0x6d: {  	_ =	shalt  }
0x6e: {  	_ =	shalt  }
0x6f: {  	_ =	shalt  }
0x70: {  	_ =	shalt  }
0x71: {  	_ =	shalt  }
0x72: {  	_ =	shalt  }
0x73: {  	_ =	shalt  }
0x74: {  	_ =	shalt  }
0x75: {  	_ =	shalt  }
0x76: {  	_ =	shalt  }
0x77: {  	_ =	shalt  }
0x78: {  	_ =	shalt  }
0x79: {  	_ =	shalt  }
0x7a: {  	_ =	shalt  }
0x7b: {  	_ =	shalt  }
0x7c: {  	_ =	shalt  }
0x7d: {  	_ =	shalt  }
0x7e: {  	_ =	shalt  }
0x7f: {  	_ =	shalt  }
0x80: {  	_ =	shalt  }
0x81: {  	_ =	shalt  }
0x82: {  	_ =	shalt  }
0x83: {  	_ =	shalt  }
0x84: {  	_ =	shalt  }
0x85: {  	_ =	shalt  }
0x86: {  	_ =	shalt  }
0x87: {  	_ =	shalt  }
.Lfunc_end0:
.L_simem_size_0:
called_computation.6_lowered:
.L_overlay_start_0:
0x88: {  	s2 =	sld [smem:$0x3FD9]  }
0x89: {  	s3 =	sld [smem:$0x3FFE];
	_ =	sdelay $0x1  }
0x8a: {  	s1 =	srdreg.scid  }
0x8b: {  	s0 =	sand.u32 $0x1, s1  }
0x8c: {  	s17 =	sshll.u32 s0, $0xA;
	s2 =	sadd.s32 s3, s2  }
0x8d: {  	s2 =	sadd.s32 s2, s17  }
0x8e: {  	[smem:$0x3FB6] =	sst s2  }
0x8f: {  	_ = 	snop  }
0x90: {  	s2 =	sld [smem:$0x3FD0];
	(tm) =	ssettm $0x1  }
0x91: {  	s18 =	sld [smem:$0x3FFB];
	_ =	sdelay $0x3  }
0x92: {  	_ =	strace s18  }
0x93: {  	s3 =	sld [smem:$0x3FFC];
	_ =	sdelay $0x3  }
0x94: {  	_ =	strace s3  }
0x95: {  	s3 =	sld [smem:$0x3FFD];
	_ =	sdelay $0x3  }
0x96: {  	_ =	strace s3  }
0x97: {  	_ =	strace $0x8FFFFFFF  }
0x98: {  	s19 =	sld [smem:$0x3FDB];
	_ =	sdelay $0x1  }
0x99: {  	s4 =	simm.s32 $_scs_section_size  }
0x9a: {  	s5 =	simm.s32 $_size__tile_overlayer_lowered;
	s6 =	simm.s32 $_tile_overlayer_lowered  }
0x9b: {  	s22 =	simm.s32 $0x1BFF;
	s21 =	sshll.u32 s6, $0x1;
	s3 =	sadd.s32 s4, s19  }
0x9c: {  	s7 =	simm.s32 $0x0;
	s20 =	sshll.u32 s5, $0x1;
	s5 =	sadd.s32 s21, s3  }
0x9d: {  	[timem:s7], [sflag:s22] =	dma.local [hbm:s5], s20  }
0x9e: {  	_ =	swait.ge [sflag:s22], s20  }
0x9f: {  	s4 =	ssub.s32 $0x0, s20;
	[sflag:s22] =	ssyncset.done $0x0  }
0xa0: {  	[sflag:s22] =	ssyncadd.s32 s4;
	_ =	sdelay $0x1  }
0xa1: {  	s23 =	simm.s32 $0x1B8B  }
0xa2: {  	_ =	swait.ge [sflag:s23], $0x1  }
0xa3: {  	[sflag:s23] =	ssyncset.done $0x0  }
0xa4: {  	s25 =	simm.s32 $0x1B8E;
	s24 =	sld [smem:$0x3FFE];
	[sflag:s23] =	ssyncadd.s32 $0xFFFFFFFF  }
0xa5: {  	s26 =	simm.s32 $execute0_lowered;
	[smem:$0x3FD2] =	sst s25  }
0xa6: {  	s5 =	sshll.u32 s26, $0x1;
	_ =	strace $0x80000058;
	[dreg:$0x1] =	wrdreg $0xFFFFFFFF  }
0xa7: {  	s28 =	simm.s32 $_size_execute0_lowered;
	s3 =	sadd.s32 s3, s5;
	[dreg:$0x0] =	wrdreg $0x0  }
0xa8: {  	s5 =	sshll.u32 s28, $0x1;
	[dreg:$0x2] =	wrdreg s3  }
0xa9: {  	[dreg:$0x3] =	wrdreg s5  }
0xaa: {  	[dreg:$0x4] =	wrdreg $0xC0  }
0xab: {  	_ =	task [dreg:s7], $0x5FFFF  }
0xac: {  	[dreg:$0x1] =	wrdreg $0xFFFFFFFF  }
0xad: {  	[dreg:$0x0] =	wrdreg $0x60  }
0xae: {  	[dreg:$0x2] =	wrdreg s2  }
0xaf: {  	[dreg:$0x3] =	wrdreg s24  }
0xb0: {  	[dreg:$0x4] =	wrdreg $0x90000  }
0xb1: {  	[dreg:$0x5] =	wrdreg $0x12E000  }
0xb2: {  	[dreg:$0x6] =	wrdreg $0x9  }
0xb3: {  	_ =	task.clear_ibuf [dreg:s7], $0x7FFFF;
	_ =	strace $0x90000058  }
0xb4: {  	s29 =	simm.s32 $0x9;
	_ =	strace $0x8000005A  }
0xb5: {  	_ =	swait.ge [sflag:s29], $0x1  }
0xb6: {  	[sflag:s29] =	ssyncadd.s32 $0xFFFFFFFF  }
0xb7: {  	_ =	strace $0x9000005A  }
0xb8: {  	_ =	sfence  }
0xb9: {  	s30 =	sld [smem:$0x0];
	_ =	sdelay $0x2  }
0xba: {  	s31 =	sshll.u32 s1, $0xD;
	s1 =	sshrl.u32 s1, $0x2  }
0xbb: {  	s3 =	sand.u32 $0x4000, s31;
	s1 =	sadd.s32 s1, s30  }
0xbc: {  	s0 =	sor.u32 s3, s0;
	s1 =	sshll.u32 s1, $0x11  }
0xbd: {  	s0 =	sor.u32 s1, s0  }
0xbe: {  	s0 =	sadd.s32 $0x8F2B, s0  }
0xbf: {  	[sflag:s0] =	ssyncadd.remote.s32 $0x1  }
0xc0: {  	_ =	sfence.sel $0xFFFF  }
0xc1: {  	[dreg:$0x0] =	wrdreg $0xFFFFFFFF;
	(pc) =	sbr.abs _section_cstart, $3  }
0xc2: {  	[dreg:$0x1] =	wrdreg $0xFFFFFFFF  }
0xc3: {  	_ =	task.clear_ibuf [dreg:s7], $0x2FFFF;
	_ =	strace $0x9FFFFFFF  }
0xc4: {  	(tm) =	ssettm $0x7FFFFFFF  }
0xc5: {  	_ =	shalt  }
tec
execute0_lowered:
.L_overlay_start_1:
0x0: {  	(tag) =	ssettag $0x1  }
0x1: {  	s7 =	rddreg [dreg:$0x0]  }
0x2: {  	s6 =	rddreg [dreg:$0x1]  }
0x3: {  	s2 =	rddreg [dreg:$0x2]  }
0x4: {  	s0 =	srdreg.scid;
	s3 =	rddreg [dreg:$0x3]  }
0x5: {  	s4 =	simm.s32 $0x0;
	s16 =	simm.s32 $0x1;
	s17 =	simm.s32 $0x80  }
0x6: {  	s18 =	simm.s32 $0x4F80;
	s5 =	sand.u32 $0x1, s0;
	s0 =	stileid.u32  }
0x7: {  	s19 =	simm.s32 $0x7000;
	s20 =	simm.s32 $0x0;
	s9 =	smul.u32 $0x9E00, s0  }
0x8: {  	[smem:$0x7FF] =	sst s4;
	s1 =	sshll.u32 s5, $0x4;
	s10 =	smul.u32 $0x9E000, s5  }
0x9: {  	s5 =	ssub.s32 $0x2, s5;
	s31 =	sshll.u32 s0, $0x6;
	s1 =	sor.u32 s0, s1  }
0xa: {  	s13 =	sshrl.u32 s5, $0x1;
	s8 =	smul.u32 $0x500, s1;
	s1 =	rddreg [dreg:$0x4]  }
0xb: {  	_ =	strace $0x80000059;
	s30 =	sshrl.u32 s9, $0x3;
	s10 =	sadd.s32 s9, s10  }
0xc: {  	s13 =	ssub.s32 s5, s13;
	s14 =	sadd.s32 s9, s2;
	s15 =	sadd.s32 s9, s3  }
0xd: {  	s12 =	sadd.s32 s30, s6;
	s10 =	sshrl.u32 s10, $0x3;
	s7 =	sadd.s32 s7, s30  }
0xe: {  	s11 =	sadd.s32 s8, s6;
	s10 =	sadd.s32 s10, s6;
	s5 =	sadd.s32 $0x41200, s12  }
0xf: {  	s6 =	sor.u32 $0x1C02, s31;
	s12 =	sshrl.u32 s14, $0x3;
	s14 =	sshrl.u32 s15, $0x3  }
0x10: {  	s15 =	simm.s32 $0x5000;
	s8 =	sadd.s32 $0xFA00, s11;
	s9 =	sadd.s32 $0x5A00, s11  }
0x11: {  	s10 =	sadd.s32 $0x54E00, s10;
	s11 =	smax.u32 s13, $0x1;
	s13 =	simm.s32 $0x2  }
.LBB2_1:
0x12: {  	[spmem:s12], [sflag:s6] =	dma.local [hbm:s5], $0x13C0  }
0x13: {  	_ =	swait.ge [sflag:s13], $0x13C0  }
0x14: {  	[sflag:s13] =	ssyncset.done $0x0  }
0x15: {  	[sflag:s13] =	ssyncadd.s32 $0xFFFFEC40  }
0x16: {  	[spmem:s14], [sflag:s6] =	dma.local [hbm:s7], $0x13C0  }
0x17: {  	_ =	swait.ge [sflag:s13], $0x13C0  }
0x18: {  	[sflag:s13] =	ssyncset.done $0x0  }
0x19: {  	[sflag:s13] =	ssyncadd.s32 $0xFFFFEC40  }
0x1a: {  	[tilespmem:s4], [sflag:$0x2] =	stream.linear.gather [hbm4b:s8+s4], $0x2800, $0x38;
	[tilespmem:$0x1CC00] =	vst v63  }
0x1b: {  	_ =	swait.ge [sflag:s13], $0x2800  }
0x1c: {  	[sflag:s13] =	ssyncset.done $0x0  }
0x1d: {  	s21 =	simm.s32 $0x2800;
	[sflag:s13] =	ssyncadd.s32 $0xFFFFD800  }
0x1e: {  	[tilespmem:s21], [sflag:$0x2] =	stream.linear.gather [hbm4b:s9+s4], $0x2800, $0x38;
	[tilespmem:$0x1CC00] =	vst v63  }
0x1f: {  	_ =	swait.ge [sflag:s13], $0x2800  }
0x20: {  	[sflag:s13] =	ssyncset.done $0x0  }
0x21: {  	[sflag:s13] =	ssyncadd.s32 $0xFFFFD800  }
0x22: {  	[bflag:$0x0] =	sbarrier.arrive $0xFFFF  }
0x23: {  	[tilespmem:s15], [sflag:$0x1] =	stream.indirect.gather [spmem:s3], $0x40, s4, s17, $0xb8;
	[tilespmem:$0x1CC00] =	vst v63  }
0x24: {  	s22 =	simm.s32 $0x0;
	_ =	swait.ge [sflag:s16], $0x2000  }
0x25: {  	s22 =	sand.u32 $0x2000, s22;
	[sflag:s16] =	ssyncset.done $0x0  }
0x26: {  	s23 =	sxor.u32 $0x7000, s22;
	[sflag:s16] =	ssyncadd.s32 $0xFFFFE000  }
0x27: {  	[tilespmem:s23], [sflag:$0x1] =	stream.indirect.gather [spmem:s3], $0x40, s17, s17, $0xb8;
	[tilespmem:$0x1CC00] =	vst v63  }
0x28: {  	s22 =	sor.u32 $0x5000, s22  }
0x29: {  	[spmem:s2] =	stream.indirect.scatter.add.f32 [tilespmem:s22], [sflag:$0x2], $0x40, s21, s17, $0xb8;
	[tilespmem:$0x1CC00] =	vst v63  }
0x2a: {  	_ =	swait.ge [sflag:s13], $0x2000  }
0x2b: {  	s23 =	simm.s32 $0x80;
	s22 =	simm.s32 $0x1;
	[sflag:s13] =	ssyncset.done $0x0  }
.LBB2_2:
0x2c: {  	[sflag:s13] =	ssyncadd.s32 $0xFFFFE000;
	s21 =	sadd.s32 $0x80, s21;
	s23 =	sadd.s32 $0x80, s23  }
0x2d: {  	p0 =	sne.s32 s22, $0x4E;
	s24 =	smov.u32 s22;
	s22 =	sadd.s32 $0x1, s22  }
0x2e: {  	s24 =	sshll.u32 s24, $0xD;
	_ =	swait.ge [sflag:s16], $0x2000  }
0x2f: {  	s24 =	sand.u32 $0x2000, s24;
	[sflag:s16] =	ssyncset.done $0x0  }
0x30: {  	s25 =	sxor.u32 $0x7000, s24;
	[sflag:s16] =	ssyncadd.s32 $0xFFFFE000  }
0x31: {  	[tilespmem:s25], [sflag:$0x1] =	stream.indirect.gather [spmem:s3], $0x40, s23, s17, $0xb8;
	[tilespmem:$0x1CC00] =	vst v63  }
.Ltmp0:
0x32: {  	_ = 	snop;
	(pc) =	sbr.rel @p0 .LBB2_2-.Ltmp0, $4  }
0x33: {  	s24 =	sor.u32 $0x5000, s24  }
0x34: {  	[spmem:s2] =	stream.indirect.scatter.add.f32 [tilespmem:s24], [sflag:$0x2], $0x40, s21, s17, $0xb8;
	[tilespmem:$0x1CC00] =	vst v63  }
0x35: {  	_ =	swait.ge [sflag:s13], $0x2000  }
0x36: {  	[sflag:s13] =	ssyncset.done $0x0  }
0x37: {  	[sflag:s13] =	ssyncadd.s32 $0xFFFFE000  }
0x38: {  	_ =	swait.ge [sflag:s16], $0x2000  }
0x39: {  	[sflag:s16] =	ssyncset.done $0x0  }
0x3a: {  	[sflag:s16] =	ssyncadd.s32 $0xFFFFE000  }
0x3b: {  	[spmem:s2] =	stream.indirect.scatter.add.f32 [tilespmem:s19], [sflag:$0x2], $0x40, s18, s17, $0xb8;
	[tilespmem:$0x1CC00] =	vst v63  }
0x3c: {  	_ =	swait.ge [sflag:s13], $0x2000  }
0x3d: {  	s20 =	sadd.s32 $0x1, s20;
	[sflag:s13] =	ssyncset.done $0x0  }
0x3e: {  	p0 =	sne.s32 s20, s11;
	[sflag:s13] =	ssyncadd.s32 $0xFFFFE000  }
.Ltmp1:
0x3f: {  	[bflag:$0x0] =	sbarrier.arrive $0xFFFF;
	(pc) =	sbr.rel @p0 .LBB2_1-.Ltmp1, $4  }
0x40: {  	[hbm:s10], [sflag:s6] =	dma.local [spmem:s12], $0x13C0  }
0x41: {  	_ =	swait.ge [sflag:s13], $0x13C0  }
0x42: {  	[sflag:s13] =	ssyncset.done $0x0  }
0x43: {  	[sflag:s13] =	ssyncadd.s32 $0xFFFFEC40  }
0x44: {  	_ =	sfence.sel $0x180000  }
0x45: {  	[bflag:$0x0] =	sbarrier.arrive $0xFFFF  }
0x46: {  	p0 =	sne.s32 s0, $0x0;
	_ =	strace $0x90000059  }
0x47: {  	s0 =	sadd.s32 @!p0 $0x100000, s1;
	[bflag:$0x2] =	sbarrier.arrive $0xFFFF  }
0x48: {  	[sflag:s0] =	ssyncadd.tile.s32 @!p0 $0x1;
	_ =	shalt  }
.Lfunc_end2:
_tile_overlayer_lowered:
.L_overlay_start_2:
0x49: {  	(tag) =	ssettag $0x2  }
0x4a: {  	s0 =	rddreg [dreg:$0x0];
	s2 =	stileid.u32  }
0x4b: {  	s1 =	rddreg [dreg:$0x1];
	p0 =	sne.s32 s2, $0x0  }
0x4c: {  	s3 =	rddreg [dreg:$0x2];
	[bflag:$0x3] =	sbarrier.arrive $0xFFFF;
	s2 =	simm.s32 @!p0 $0x1C02  }
0x4d: {  	[timem:s3], [sflag:s2] =	dma.local @!p0 [hbm:s0], s1  }
0x4e: {  	s0 =	simm.s32 @!p0 $0x2  }
0x4f: {  	_ =	swait.ge @!p0 [sflag:s0], s1  }
0x50: {  	s1 =	ssub.s32 @!p0 $0x0, s1;
	[sflag:s0] =	ssyncset.done @!p0 $0x0  }
0x51: {  	[sflag:s0] =	ssyncadd.s32 @!p0 s1  }
0x52: {  	[bflag:$0x3] =	sbarrier.arrive $0xFFFF  }
0x53: {  	_ =	shalt  }

// kernel: kernel.41.cloned.1.call-start
scs
__scs_entry_jumppad:
0x0: {  	(pc) =	sbr.rel $0x88, $3  }
0x1: {  	(tag) =	ssettag $0x0;
	lr =	simm.s32 $0x1  }
0x2: {  	[smem:$0x3F8F] =	sst lr;
	_ =	strace $0xD0000000  }
0x3: {  	_ = 	snop  }
0x4: {  	_ = 	snop  }
0x5: {  	_ = 	snop  }
0x6: {  	_ = 	snop  }
0x7: {  	_ = 	snop  }
__scs_overlays_trampoline_lowered:
0x8: {  	[smem:$0x3F9E] =	sst s0  }
0x9: {  	[smem:$0x3F9F] =	sst s1  }
0xa: {  	[smem:$0x3FA0] =	sst s2  }
0xb: {  	[smem:$0x3FA1] =	sst s3  }
0xc: {  	[smem:$0x3FA2] =	sst s4  }
0xd: {  	[smem:$0x3FA3] =	sst s5  }
0xe: {  	[smem:$0x3FA4] =	sst s6  }
0xf: {  	[smem:$0x3FA5] =	sst s7  }
0x10: {  	[smem:$0x3FA6] =	sst s8  }
0x11: {  	[smem:$0x3FA7] =	sst s9;
	s0 =	simm.s32 @!p0 $0x0  }
0x12: {  	s1 =	sld [smem:$0x3F8D];
	s0 =	simm.s32 @p0 $0x1  }
0x13: {  	[smem:$0x3FA8] =	sst s0;
	s0 =	simm.s32 @!p1 $0x0  }
0x14: {  	s2 =	sld [smem:$0x3F8C];
	s0 =	simm.s32 @p1 $0x1  }
0x15: {  	[smem:$0x3FA9] =	sst s0;
	s0 =	simm.s32 @!p2 $0x0  }
0x16: {  	s3 =	sld [smem:$0x3FDB];
	s0 =	simm.s32 @p2 $0x1  }
0x17: {  	s4 =	simm.s32 $0x1BF5;
	[smem:$0x3FAB] =	sst s0  }
0x18: {  	s0 =	sld [smem:$0x3F8E];
	_ =	swait.ge [sflag:s4], $0x0  }
0x19: {  	s7 =	sld [smem:$0x3F8F]  }
0x1a: {  	s8 =	sadd.s32 $0xFFFFE003, lr  }
0x1b: {  	s9 =	sadd.s32 $0xFFFFFEF7, lr;
	s5 =	simm.s32 $0xFFFFFFFF;
	p2 =	slt.u32 s8, $0xFFFFF086  }
0x1c: {  	p1 =	slt.u32 s9, $0xF7A;
	s5 =	simm.s32 @!p2 $0x0  }
0x1d: {  	s5 =	simm.s32 @p1 $0x1;
	p0 =	seq.s32 s7, s2  }
0x1e: {  	s7 =	smul.u32 @!p0 $0xF7A, s2;
	p2 =	seq.s32 @!p0 s5, $0x0  }
0x1f: {  	s9 =	smul.u32 $0xF7A, s1;
	s8 =	simm.s32 @!p0 $0x1BF5;
	p2 =	por !p2, p0  }
0x20: {  	[sflag:s8] =	ssyncset.s32 @!p0 $0xFFFFF086;
	s6 =	sadd.s32 @!p0 s3, s7;
	s7 =	simm.s32 @!p0 $0x108  }
0x21: {  	s3 =	sadd.s32 s3, s9;
	s6 =	sadd.s32 @!p0 $0x88, s6;
	s7 =	simm.s32 @p2 $0x1082  }
0x22: {  	[simem:s7], [sflag:s8] =	dma.local @!p0 [hbm:s6], $0xF7A  }
0x23: {  	s9 =	sor.u32 $0xD0000000, s2;
	s6 =	simm.s32 $0x108;
	_ =	swait.ge @!p0 [sflag:s8], $0x0  }
0x24: {  	s3 =	sadd.s32 $0x88, s3;
	s6 =	simm.s32 @!p1 $0x1082;
	[sflag:s4] =	ssyncset.s32 $0xFFFFF086  }
0x25: {  	[simem:s6], [sflag:s4] =	dma.local [hbm:s3], $0xF7A  }
0x26: {  	[smem:$0x3F8F] =	sst s1;
	(tag) =	ssettag s2;
	_ =	strace s9  }
0x27: {  	s1 =	sld [smem:$0x3F9F]  }
0x28: {  	s2 =	sld [smem:$0x3FA0]  }
0x29: {  	s4 =	sld [smem:$0x3FA2]  }
0x2a: {  	p0 =	seq.s32 s5, $0x0;
	s5 =	sld [smem:$0x3FA3]  }
0x2b: {  	s6 =	sld [smem:$0x3FA4]  }
0x2c: {  	s7 =	sld [smem:$0x3FA5]  }
0x2d: {  	s3 =	simm.s32 $0x108;
	s8 =	sld [smem:$0x3FA6]  }
0x2e: {  	s3 =	simm.s32 @!p0 $0x1082;
	s9 =	sld [smem:$0x3FA7]  }
0x2f: {  	lr =	sadd.s32 s0, s3;
	s0 =	sld [smem:$0x3F9E]  }
0x30: {  	s3 =	sld [smem:$0x3FA1]  }
0x31: {  	[smem:$0x3FAA] =	sst s10  }
0x32: {  	s10 =	sld [smem:$0x3FA8];
	_ =	sdelay $0x3  }
0x33: {  	p0 =	seq.s32 s10, $0x1;
	s10 =	sld [smem:$0x3FAA];
	_ =	sdelay $0x3  }
0x34: {  	[smem:$0x3FAA] =	sst s10  }
0x35: {  	s10 =	sld [smem:$0x3FA9];
	_ =	sdelay $0x3  }
0x36: {  	p1 =	seq.s32 s10, $0x1;
	s10 =	sld [smem:$0x3FAA];
	_ =	sdelay $0x3  }
0x37: {  	[smem:$0x3FAA] =	sst s10  }
0x38: {  	s10 =	sld [smem:$0x3FAB]  }
0x39: {  	_ = 	snop;
	(pc) =	sbr.ind lr, $3  }
0x3a: {  	_ = 	snop  }
0x3b: {  	_ = 	snop  }
0x3c: {  	p2 =	seq.s32 s10, $0x1;
	s10 =	sld [smem:$0x3FAA]  }
0x3d: {  	_ =	shalt  }
0x3e: {  	_ =	shalt  }
0x3f: {  	_ =	shalt  }
0x40: {  	_ =	shalt  }
0x41: {  	_ =	shalt  }
0x42: {  	_ =	shalt  }
0x43: {  	_ =	shalt  }
0x44: {  	_ =	shalt  }
0x45: {  	_ =	shalt  }
0x46: {  	_ =	shalt  }
0x47: {  	_ =	shalt  }
0x48: {  	_ =	shalt  }
0x49: {  	_ =	shalt  }
0x4a: {  	_ =	shalt  }
0x4b: {  	_ =	shalt  }
0x4c: {  	_ =	shalt  }
0x4d: {  	_ =	shalt  }
0x4e: {  	_ =	shalt  }
0x4f: {  	_ =	shalt  }
0x50: {  	_ =	shalt  }
0x51: {  	_ =	shalt  }
0x52: {  	_ =	shalt  }
0x53: {  	_ =	shalt  }
0x54: {  	_ =	shalt  }
0x55: {  	_ =	shalt  }
0x56: {  	_ =	shalt  }
0x57: {  	_ =	shalt  }
0x58: {  	_ =	shalt  }
0x59: {  	_ =	shalt  }
0x5a: {  	_ =	shalt  }
0x5b: {  	_ =	shalt  }
0x5c: {  	_ =	shalt  }
0x5d: {  	_ =	shalt  }
0x5e: {  	_ =	shalt  }
0x5f: {  	_ =	shalt  }
0x60: {  	_ =	shalt  }
0x61: {  	_ =	shalt  }
0x62: {  	_ =	shalt  }
0x63: {  	_ =	shalt  }
0x64: {  	_ =	shalt  }
0x65: {  	_ =	shalt  }
0x66: {  	_ =	shalt  }
0x67: {  	_ =	shalt  }
0x68: {  	_ =	shalt  }
0x69: {  	_ =	shalt  }
0x6a: {  	_ =	shalt  }
0x6b: {  	_ =	shalt  }
0x6c: {  	_ =	shalt  }
0x6d: {  	_ =	shalt  }
0x6e: {  	_ =	shalt  }
0x6f: {  	_ =	shalt  }
0x70: {  	_ =	shalt  }
0x71: {  	_ =	shalt  }
0x72: {  	_ =	shalt  }
0x73: {  	_ =	shalt  }
0x74: {  	_ =	shalt  }
0x75: {  	_ =	shalt  }
0x76: {  	_ =	shalt  }
0x77: {  	_ =	shalt  }
0x78: {  	_ =	shalt  }
0x79: {  	_ =	shalt  }
0x7a: {  	_ =	shalt  }
0x7b: {  	_ =	shalt  }
0x7c: {  	_ =	shalt  }
0x7d: {  	_ =	shalt  }
0x7e: {  	_ =	shalt  }
0x7f: {  	_ =	shalt  }
0x80: {  	_ =	shalt  }
0x81: {  	_ =	shalt  }
0x82: {  	_ =	shalt  }
0x83: {  	_ =	shalt  }
0x84: {  	_ =	shalt  }
0x85: {  	_ =	shalt  }
0x86: {  	_ =	shalt  }
0x87: {  	_ =	shalt  }
.Lfunc_end0:
.L_simem_size_0:
called_computation.7_lowered:
.L_overlay_start_0:
0x88: {  	s2 =	sld [smem:$0x3FD9]  }
0x89: {  	s3 =	sld [smem:$0x3FFE];
	_ =	sdelay $0x1  }
0x8a: {  	s1 =	srdreg.scid  }
0x8b: {  	s0 =	sand.u32 $0x1, s1  }
0x8c: {  	s17 =	sshll.u32 s0, $0xA;
	s2 =	sadd.s32 s3, s2  }
0x8d: {  	s2 =	sadd.s32 s2, s17  }
0x8e: {  	[smem:$0x3FB6] =	sst s2  }
0x8f: {  	_ = 	snop  }
0x90: {  	s2 =	sld [smem:$0x3FD0];
	(tm) =	ssettm $0x1  }
0x91: {  	s18 =	sld [smem:$0x3FFB];
	_ =	sdelay $0x3  }
0x92: {  	_ =	strace s18  }
0x93: {  	s3 =	sld [smem:$0x3FFC];
	_ =	sdelay $0x3  }
0x94: {  	_ =	strace s3  }
0x95: {  	s3 =	sld [smem:$0x3FFD];
	_ =	sdelay $0x3  }
0x96: {  	_ =	strace s3  }
0x97: {  	_ =	strace $0x8FFFFFFF  }
0x98: {  	s19 =	sld [smem:$0x3FDB];
	_ =	sdelay $0x1  }
0x99: {  	s4 =	simm.s32 $_scs_section_size  }
0x9a: {  	s5 =	simm.s32 $_size__tile_overlayer_lowered;
	s6 =	simm.s32 $_tile_overlayer_lowered  }
0x9b: {  	s22 =	simm.s32 $0x1BFF;
	s21 =	sshll.u32 s6, $0x1;
	s3 =	sadd.s32 s4, s19  }
0x9c: {  	s7 =	simm.s32 $0x0;
	s20 =	sshll.u32 s5, $0x1;
	s5 =	sadd.s32 s21, s3  }
0x9d: {  	[timem:s7], [sflag:s22] =	dma.local [hbm:s5], s20  }
0x9e: {  	_ =	swait.ge [sflag:s22], s20  }
0x9f: {  	s4 =	ssub.s32 $0x0, s20;
	[sflag:s22] =	ssyncset.done $0x0  }
0xa0: {  	[sflag:s22] =	ssyncadd.s32 s4;
	_ =	sdelay $0x1  }
0xa1: {  	s23 =	simm.s32 $0x1B8B  }
0xa2: {  	_ =	swait.ge [sflag:s23], $0x1  }
0xa3: {  	[sflag:s23] =	ssyncset.done $0x0  }
0xa4: {  	s25 =	simm.s32 $0x1B8E;
	s24 =	sld [smem:$0x3FFE];
	[sflag:s23] =	ssyncadd.s32 $0xFFFFFFFF  }
0xa5: {  	s26 =	simm.s32 $execute0_lowered;
	[smem:$0x3FD2] =	sst s25  }
0xa6: {  	s5 =	sshll.u32 s26, $0x1;
	_ =	strace $0x8000005B;
	[dreg:$0x1] =	wrdreg $0xFFFFFFFF  }
0xa7: {  	s28 =	simm.s32 $_size_execute0_lowered;
	s3 =	sadd.s32 s3, s5;
	[dreg:$0x0] =	wrdreg $0x0  }
0xa8: {  	s5 =	sshll.u32 s28, $0x1;
	[dreg:$0x2] =	wrdreg s3  }
0xa9: {  	[dreg:$0x3] =	wrdreg s5  }
0xaa: {  	[dreg:$0x4] =	wrdreg $0xC0  }
0xab: {  	_ =	task [dreg:s7], $0x5FFFF  }
0xac: {  	[dreg:$0x1] =	wrdreg $0xFFFFFFFF  }
0xad: {  	[dreg:$0x0] =	wrdreg $0x60  }
0xae: {  	[dreg:$0x2] =	wrdreg s2  }
0xaf: {  	[dreg:$0x3] =	wrdreg s24  }
0xb0: {  	[dreg:$0x4] =	wrdreg $0x90000  }
0xb1: {  	[dreg:$0x5] =	wrdreg $0x12E000  }
0xb2: {  	[dreg:$0x6] =	wrdreg $0x9  }
0xb3: {  	_ =	task.clear_ibuf [dreg:s7], $0x7FFFF;
	_ =	strace $0x9000005B  }
0xb4: {  	s29 =	simm.s32 $0x9;
	_ =	strace $0x8000005D  }
0xb5: {  	_ =	swait.ge [sflag:s29], $0x1  }
0xb6: {  	[sflag:s29] =	ssyncadd.s32 $0xFFFFFFFF  }
0xb7: {  	_ =	strace $0x9000005D  }
0xb8: {  	_ =	sfence  }
0xb9: {  	s30 =	sld [smem:$0x0];
	_ =	sdelay $0x2  }
0xba: {  	s31 =	sshll.u32 s1, $0xD;
	s1 =	sshrl.u32 s1, $0x2  }
0xbb: {  	s3 =	sand.u32 $0x4000, s31;
	s1 =	sadd.s32 s1, s30  }
0xbc: {  	s0 =	sor.u32 s3, s0;
	s1 =	sshll.u32 s1, $0x11  }
0xbd: {  	s0 =	sor.u32 s1, s0  }
0xbe: {  	s0 =	sadd.s32 $0x8F2B, s0  }
0xbf: {  	[sflag:s0] =	ssyncadd.remote.s32 $0x1  }
0xc0: {  	_ =	sfence.sel $0xFFFF  }
0xc1: {  	[dreg:$0x0] =	wrdreg $0xFFFFFFFF;
	(pc) =	sbr.abs _section_cstart, $3  }
0xc2: {  	[dreg:$0x1] =	wrdreg $0xFFFFFFFF  }
0xc3: {  	_ =	task.clear_ibuf [dreg:s7], $0x2FFFF;
	_ =	strace $0x9FFFFFFF  }
0xc4: {  	(tm) =	ssettm $0x7FFFFFFF  }
0xc5: {  	_ =	shalt  }
tec
execute0_lowered:
.L_overlay_start_1:
0x0: {  	(tag) =	ssettag $0x1  }
0x1: {  	s7 =	rddreg [dreg:$0x0]  }
0x2: {  	s6 =	rddreg [dreg:$0x1]  }
0x3: {  	s2 =	rddreg [dreg:$0x2]  }
0x4: {  	s0 =	srdreg.scid;
	s3 =	rddreg [dreg:$0x3]  }
0x5: {  	s4 =	simm.s32 $0x0;
	s16 =	simm.s32 $0x1;
	s17 =	simm.s32 $0x80  }
0x6: {  	s18 =	simm.s32 $0x4F80;
	s5 =	sand.u32 $0x1, s0;
	s0 =	stileid.u32  }
0x7: {  	s19 =	simm.s32 $0x7000;
	s20 =	simm.s32 $0x0;
	s9 =	smul.u32 $0x9E00, s0  }
0x8: {  	[smem:$0x7FF] =	sst s4;
	s1 =	sshll.u32 s5, $0x4;
	s10 =	smul.u32 $0x9E000, s5  }
0x9: {  	s5 =	ssub.s32 $0x2, s5;
	s31 =	sshll.u32 s0, $0x6;
	s1 =	sor.u32 s0, s1  }
0xa: {  	s13 =	sshrl.u32 s5, $0x1;
	s8 =	smul.u32 $0x500, s1;
	s1 =	rddreg [dreg:$0x4]  }
0xb: {  	_ =	strace $0x8000005C;
	s30 =	sshrl.u32 s9, $0x3;
	s10 =	sadd.s32 s9, s10  }
0xc: {  	s13 =	ssub.s32 s5, s13;
	s14 =	sadd.s32 s9, s2;
	s15 =	sadd.s32 s9, s3  }
0xd: {  	s12 =	sadd.s32 s30, s6;
	s10 =	sshrl.u32 s10, $0x3;
	s7 =	sadd.s32 s7, s30  }
0xe: {  	s11 =	sadd.s32 s8, s6;
	s10 =	sadd.s32 s10, s6;
	s5 =	sadd.s32 $0x41200, s12  }
0xf: {  	s6 =	sor.u32 $0x1C02, s31;
	s12 =	sshrl.u32 s14, $0x3;
	s14 =	sshrl.u32 s15, $0x3  }
0x10: {  	s15 =	simm.s32 $0x5000;
	s8 =	sadd.s32 $0xFA00, s11;
	s9 =	sadd.s32 $0x5A00, s11  }
0x11: {  	s10 =	sadd.s32 $0x54E00, s10;
	s11 =	smax.u32 s13, $0x1;
	s13 =	simm.s32 $0x2  }
.LBB2_1:
0x12: {  	[spmem:s12], [sflag:s6] =	dma.local [hbm:s5], $0x13C0  }
0x13: {  	_ =	swait.ge [sflag:s13], $0x13C0  }
0x14: {  	[sflag:s13] =	ssyncset.done $0x0  }
0x15: {  	[sflag:s13] =	ssyncadd.s32 $0xFFFFEC40  }
0x16: {  	[spmem:s14], [sflag:s6] =	dma.local [hbm:s7], $0x13C0  }
0x17: {  	_ =	swait.ge [sflag:s13], $0x13C0  }
0x18: {  	[sflag:s13] =	ssyncset.done $0x0  }
0x19: {  	[sflag:s13] =	ssyncadd.s32 $0xFFFFEC40  }
0x1a: {  	[tilespmem:s4], [sflag:$0x2] =	stream.linear.gather [hbm4b:s8+s4], $0x2800, $0x38;
	[tilespmem:$0x1CC00] =	vst v63  }
0x1b: {  	_ =	swait.ge [sflag:s13], $0x2800  }
0x1c: {  	[sflag:s13] =	ssyncset.done $0x0  }
0x1d: {  	s21 =	simm.s32 $0x2800;
	[sflag:s13] =	ssyncadd.s32 $0xFFFFD800  }
0x1e: {  	[tilespmem:s21], [sflag:$0x2] =	stream.linear.gather [hbm4b:s9+s4], $0x2800, $0x38;
	[tilespmem:$0x1CC00] =	vst v63  }
0x1f: {  	_ =	swait.ge [sflag:s13], $0x2800  }
0x20: {  	[sflag:s13] =	ssyncset.done $0x0  }
0x21: {  	[sflag:s13] =	ssyncadd.s32 $0xFFFFD800  }
0x22: {  	[bflag:$0x0] =	sbarrier.arrive $0xFFFF  }
0x23: {  	[tilespmem:s15], [sflag:$0x1] =	stream.indirect.gather [spmem:s3], $0x40, s4, s17, $0xb8;
	[tilespmem:$0x1CC00] =	vst v63  }
0x24: {  	s22 =	simm.s32 $0x0;
	_ =	swait.ge [sflag:s16], $0x2000  }
0x25: {  	s22 =	sand.u32 $0x2000, s22;
	[sflag:s16] =	ssyncset.done $0x0  }
0x26: {  	s23 =	sxor.u32 $0x7000, s22;
	[sflag:s16] =	ssyncadd.s32 $0xFFFFE000  }
0x27: {  	[tilespmem:s23], [sflag:$0x1] =	stream.indirect.gather [spmem:s3], $0x40, s17, s17, $0xb8;
	[tilespmem:$0x1CC00] =	vst v63  }
0x28: {  	s22 =	sor.u32 $0x5000, s22  }
0x29: {  	[spmem:s2] =	stream.indirect.scatter.add.f32 [tilespmem:s22], [sflag:$0x2], $0x40, s21, s17, $0xb8;
	[tilespmem:$0x1CC00] =	vst v63  }
0x2a: {  	_ =	swait.ge [sflag:s13], $0x2000  }
0x2b: {  	s23 =	simm.s32 $0x80;
	s22 =	simm.s32 $0x1;
	[sflag:s13] =	ssyncset.done $0x0  }
.LBB2_2:
0x2c: {  	[sflag:s13] =	ssyncadd.s32 $0xFFFFE000;
	s21 =	sadd.s32 $0x80, s21;
	s23 =	sadd.s32 $0x80, s23  }
0x2d: {  	p0 =	sne.s32 s22, $0x4E;
	s24 =	smov.u32 s22;
	s22 =	sadd.s32 $0x1, s22  }
0x2e: {  	s24 =	sshll.u32 s24, $0xD;
	_ =	swait.ge [sflag:s16], $0x2000  }
0x2f: {  	s24 =	sand.u32 $0x2000, s24;
	[sflag:s16] =	ssyncset.done $0x0  }
0x30: {  	s25 =	sxor.u32 $0x7000, s24;
	[sflag:s16] =	ssyncadd.s32 $0xFFFFE000  }
0x31: {  	[tilespmem:s25], [sflag:$0x1] =	stream.indirect.gather [spmem:s3], $0x40, s23, s17, $0xb8;
	[tilespmem:$0x1CC00] =	vst v63  }
.Ltmp0:
0x32: {  	_ = 	snop;
	(pc) =	sbr.rel @p0 .LBB2_2-.Ltmp0, $4  }
0x33: {  	s24 =	sor.u32 $0x5000, s24  }
0x34: {  	[spmem:s2] =	stream.indirect.scatter.add.f32 [tilespmem:s24], [sflag:$0x2], $0x40, s21, s17, $0xb8;
	[tilespmem:$0x1CC00] =	vst v63  }
0x35: {  	_ =	swait.ge [sflag:s13], $0x2000  }
0x36: {  	[sflag:s13] =	ssyncset.done $0x0  }
0x37: {  	[sflag:s13] =	ssyncadd.s32 $0xFFFFE000  }
0x38: {  	_ =	swait.ge [sflag:s16], $0x2000  }
0x39: {  	[sflag:s16] =	ssyncset.done $0x0  }
0x3a: {  	[sflag:s16] =	ssyncadd.s32 $0xFFFFE000  }
0x3b: {  	[spmem:s2] =	stream.indirect.scatter.add.f32 [tilespmem:s19], [sflag:$0x2], $0x40, s18, s17, $0xb8;
	[tilespmem:$0x1CC00] =	vst v63  }
0x3c: {  	_ =	swait.ge [sflag:s13], $0x2000  }
0x3d: {  	s20 =	sadd.s32 $0x1, s20;
	[sflag:s13] =	ssyncset.done $0x0  }
0x3e: {  	p0 =	sne.s32 s20, s11;
	[sflag:s13] =	ssyncadd.s32 $0xFFFFE000  }
.Ltmp1:
0x3f: {  	[bflag:$0x0] =	sbarrier.arrive $0xFFFF;
	(pc) =	sbr.rel @p0 .LBB2_1-.Ltmp1, $4  }
0x40: {  	[hbm:s10], [sflag:s6] =	dma.local [spmem:s12], $0x13C0  }
0x41: {  	_ =	swait.ge [sflag:s13], $0x13C0  }
0x42: {  	[sflag:s13] =	ssyncset.done $0x0  }
0x43: {  	[sflag:s13] =	ssyncadd.s32 $0xFFFFEC40  }
0x44: {  	_ =	sfence.sel $0x180000  }
0x45: {  	[bflag:$0x0] =	sbarrier.arrive $0xFFFF  }
0x46: {  	p0 =	sne.s32 s0, $0x0;
	_ =	strace $0x9000005C  }
0x47: {  	s0 =	sadd.s32 @!p0 $0x100000, s1;
	[bflag:$0x2] =	sbarrier.arrive $0xFFFF  }
0x48: {  	[sflag:s0] =	ssyncadd.tile.s32 @!p0 $0x1;
	_ =	shalt  }
.Lfunc_end2:
_tile_overlayer_lowered:
.L_overlay_start_2:
0x49: {  	(tag) =	ssettag $0x2  }
0x4a: {  	s0 =	rddreg [dreg:$0x0];
	s2 =	stileid.u32  }
0x4b: {  	s1 =	rddreg [dreg:$0x1];
	p0 =	sne.s32 s2, $0x0  }
0x4c: {  	s3 =	rddreg [dreg:$0x2];
	[bflag:$0x3] =	sbarrier.arrive $0xFFFF;
	s2 =	simm.s32 @!p0 $0x1C02  }
0x4d: {  	[timem:s3], [sflag:s2] =	dma.local @!p0 [hbm:s0], s1  }
0x4e: {  	s0 =	simm.s32 @!p0 $0x2  }
0x4f: {  	_ =	swait.ge @!p0 [sflag:s0], s1  }
0x50: {  	s1 =	ssub.s32 @!p0 $0x0, s1;
	[sflag:s0] =	ssyncset.done @!p0 $0x0  }
0x51: {  	[sflag:s0] =	ssyncadd.s32 @!p0 s1  }
0x52: {  	[bflag:$0x3] =	sbarrier.arrive $0xFFFF  }
0x53: {  	_ =	shalt  }

// kernel: kernel.44.cloned.1.call-start
scs
__scs_entry_jumppad:
0x0: {  	(pc) =	sbr.rel $0x88, $3  }
0x1: {  	(tag) =	ssettag $0x0;
	lr =	simm.s32 $0x1  }
0x2: {  	[smem:$0x3F8F] =	sst lr;
	_ =	strace $0xD0000000  }
0x3: {  	_ = 	snop  }
0x4: {  	_ = 	snop  }
0x5: {  	_ = 	snop  }
0x6: {  	_ = 	snop  }
0x7: {  	_ = 	snop  }
__scs_overlays_trampoline_lowered:
0x8: {  	[smem:$0x3F9E] =	sst s0  }
0x9: {  	[smem:$0x3F9F] =	sst s1  }
0xa: {  	[smem:$0x3FA0] =	sst s2  }
0xb: {  	[smem:$0x3FA1] =	sst s3  }
0xc: {  	[smem:$0x3FA2] =	sst s4  }
0xd: {  	[smem:$0x3FA3] =	sst s5  }
0xe: {  	[smem:$0x3FA4] =	sst s6  }
0xf: {  	[smem:$0x3FA5] =	sst s7  }
0x10: {  	[smem:$0x3FA6] =	sst s8  }
0x11: {  	[smem:$0x3FA7] =	sst s9;
	s0 =	simm.s32 @!p0 $0x0  }
0x12: {  	s1 =	sld [smem:$0x3F8D];
	s0 =	simm.s32 @p0 $0x1  }
0x13: {  	[smem:$0x3FA8] =	sst s0;
	s0 =	simm.s32 @!p1 $0x0  }
0x14: {  	s2 =	sld [smem:$0x3F8C];
	s0 =	simm.s32 @p1 $0x1  }
0x15: {  	[smem:$0x3FA9] =	sst s0;
	s0 =	simm.s32 @!p2 $0x0  }
0x16: {  	s3 =	sld [smem:$0x3FDB];
	s0 =	simm.s32 @p2 $0x1  }
0x17: {  	s4 =	simm.s32 $0x1BF5;
	[smem:$0x3FAB] =	sst s0  }
0x18: {  	s0 =	sld [smem:$0x3F8E];
	_ =	swait.ge [sflag:s4], $0x0  }
0x19: {  	s7 =	sld [smem:$0x3F8F]  }
0x1a: {  	s8 =	sadd.s32 $0xFFFFE003, lr  }
0x1b: {  	s9 =	sadd.s32 $0xFFFFFEF7, lr;
	s5 =	simm.s32 $0xFFFFFFFF;
	p2 =	slt.u32 s8, $0xFFFFF086  }
0x1c: {  	p1 =	slt.u32 s9, $0xF7A;
	s5 =	simm.s32 @!p2 $0x0  }
0x1d: {  	s5 =	simm.s32 @p1 $0x1;
	p0 =	seq.s32 s7, s2  }
0x1e: {  	s7 =	smul.u32 @!p0 $0xF7A, s2;
	p2 =	seq.s32 @!p0 s5, $0x0  }
0x1f: {  	s9 =	smul.u32 $0xF7A, s1;
	s8 =	simm.s32 @!p0 $0x1BF5;
	p2 =	por !p2, p0  }
0x20: {  	[sflag:s8] =	ssyncset.s32 @!p0 $0xFFFFF086;
	s6 =	sadd.s32 @!p0 s3, s7;
	s7 =	simm.s32 @!p0 $0x108  }
0x21: {  	s3 =	sadd.s32 s3, s9;
	s6 =	sadd.s32 @!p0 $0x88, s6;
	s7 =	simm.s32 @p2 $0x1082  }
0x22: {  	[simem:s7], [sflag:s8] =	dma.local @!p0 [hbm:s6], $0xF7A  }
0x23: {  	s9 =	sor.u32 $0xD0000000, s2;
	s6 =	simm.s32 $0x108;
	_ =	swait.ge @!p0 [sflag:s8], $0x0  }
0x24: {  	s3 =	sadd.s32 $0x88, s3;
	s6 =	simm.s32 @!p1 $0x1082;
	[sflag:s4] =	ssyncset.s32 $0xFFFFF086  }
0x25: {  	[simem:s6], [sflag:s4] =	dma.local [hbm:s3], $0xF7A  }
0x26: {  	[smem:$0x3F8F] =	sst s1;
	(tag) =	ssettag s2;
	_ =	strace s9  }
0x27: {  	s1 =	sld [smem:$0x3F9F]  }
0x28: {  	s2 =	sld [smem:$0x3FA0]  }
0x29: {  	s4 =	sld [smem:$0x3FA2]  }
0x2a: {  	p0 =	seq.s32 s5, $0x0;
	s5 =	sld [smem:$0x3FA3]  }
0x2b: {  	s6 =	sld [smem:$0x3FA4]  }
0x2c: {  	s7 =	sld [smem:$0x3FA5]  }
0x2d: {  	s3 =	simm.s32 $0x108;
	s8 =	sld [smem:$0x3FA6]  }
0x2e: {  	s3 =	simm.s32 @!p0 $0x1082;
	s9 =	sld [smem:$0x3FA7]  }
0x2f: {  	lr =	sadd.s32 s0, s3;
	s0 =	sld [smem:$0x3F9E]  }
0x30: {  	s3 =	sld [smem:$0x3FA1]  }
0x31: {  	[smem:$0x3FAA] =	sst s10  }
0x32: {  	s10 =	sld [smem:$0x3FA8];
	_ =	sdelay $0x3  }
0x33: {  	p0 =	seq.s32 s10, $0x1;
	s10 =	sld [smem:$0x3FAA];
	_ =	sdelay $0x3  }
0x34: {  	[smem:$0x3FAA] =	sst s10  }
0x35: {  	s10 =	sld [smem:$0x3FA9];
	_ =	sdelay $0x3  }
0x36: {  	p1 =	seq.s32 s10, $0x1;
	s10 =	sld [smem:$0x3FAA];
	_ =	sdelay $0x3  }
0x37: {  	[smem:$0x3FAA] =	sst s10  }
0x38: {  	s10 =	sld [smem:$0x3FAB]  }
0x39: {  	_ = 	snop;
	(pc) =	sbr.ind lr, $3  }
0x3a: {  	_ = 	snop  }
0x3b: {  	_ = 	snop  }
0x3c: {  	p2 =	seq.s32 s10, $0x1;
	s10 =	sld [smem:$0x3FAA]  }
0x3d: {  	_ =	shalt  }
0x3e: {  	_ =	shalt  }
0x3f: {  	_ =	shalt  }
0x40: {  	_ =	shalt  }
0x41: {  	_ =	shalt  }
0x42: {  	_ =	shalt  }
0x43: {  	_ =	shalt  }
0x44: {  	_ =	shalt  }
0x45: {  	_ =	shalt  }
0x46: {  	_ =	shalt  }
0x47: {  	_ =	shalt  }
0x48: {  	_ =	shalt  }
0x49: {  	_ =	shalt  }
0x4a: {  	_ =	shalt  }
0x4b: {  	_ =	shalt  }
0x4c: {  	_ =	shalt  }
0x4d: {  	_ =	shalt  }
0x4e: {  	_ =	shalt  }
0x4f: {  	_ =	shalt  }
0x50: {  	_ =	shalt  }
0x51: {  	_ =	shalt  }
0x52: {  	_ =	shalt  }
0x53: {  	_ =	shalt  }
0x54: {  	_ =	shalt  }
0x55: {  	_ =	shalt  }
0x56: {  	_ =	shalt  }
0x57: {  	_ =	shalt  }
0x58: {  	_ =	shalt  }
0x59: {  	_ =	shalt  }
0x5a: {  	_ =	shalt  }
0x5b: {  	_ =	shalt  }
0x5c: {  	_ =	shalt  }
0x5d: {  	_ =	shalt  }
0x5e: {  	_ =	shalt  }
0x5f: {  	_ =	shalt  }
0x60: {  	_ =	shalt  }
0x61: {  	_ =	shalt  }
0x62: {  	_ =	shalt  }
0x63: {  	_ =	shalt  }
0x64: {  	_ =	shalt  }
0x65: {  	_ =	shalt  }
0x66: {  	_ =	shalt  }
0x67: {  	_ =	shalt  }
0x68: {  	_ =	shalt  }
0x69: {  	_ =	shalt  }
0x6a: {  	_ =	shalt  }
0x6b: {  	_ =	shalt  }
0x6c: {  	_ =	shalt  }
0x6d: {  	_ =	shalt  }
0x6e: {  	_ =	shalt  }
0x6f: {  	_ =	shalt  }
0x70: {  	_ =	shalt  }
0x71: {  	_ =	shalt  }
0x72: {  	_ =	shalt  }
0x73: {  	_ =	shalt  }
0x74: {  	_ =	shalt  }
0x75: {  	_ =	shalt  }
0x76: {  	_ =	shalt  }
0x77: {  	_ =	shalt  }
0x78: {  	_ =	shalt  }
0x79: {  	_ =	shalt  }
0x7a: {  	_ =	shalt  }
0x7b: {  	_ =	shalt  }
0x7c: {  	_ =	shalt  }
0x7d: {  	_ =	shalt  }
0x7e: {  	_ =	shalt  }
0x7f: {  	_ =	shalt  }
0x80: {  	_ =	shalt  }
0x81: {  	_ =	shalt  }
0x82: {  	_ =	shalt  }
0x83: {  	_ =	shalt  }
0x84: {  	_ =	shalt  }
0x85: {  	_ =	shalt  }
0x86: {  	_ =	shalt  }
0x87: {  	_ =	shalt  }
.Lfunc_end0:
.L_simem_size_0:
called_computation.8_lowered:
.L_overlay_start_0:
0x88: {  	s2 =	sld [smem:$0x3FD9]  }
0x89: {  	s3 =	sld [smem:$0x3FFE];
	_ =	sdelay $0x1  }
0x8a: {  	s1 =	srdreg.scid  }
0x8b: {  	s0 =	sand.u32 $0x1, s1  }
0x8c: {  	s17 =	sshll.u32 s0, $0xA;
	s2 =	sadd.s32 s3, s2  }
0x8d: {  	s2 =	sadd.s32 s2, s17  }
0x8e: {  	[smem:$0x3FB6] =	sst s2  }
0x8f: {  	_ = 	snop  }
0x90: {  	s2 =	sld [smem:$0x3FD0];
	(tm) =	ssettm $0x1  }
0x91: {  	s18 =	sld [smem:$0x3FFB];
	_ =	sdelay $0x3  }
0x92: {  	_ =	strace s18  }
0x93: {  	s3 =	sld [smem:$0x3FFC];
	_ =	sdelay $0x3  }
0x94: {  	_ =	strace s3  }
0x95: {  	s3 =	sld [smem:$0x3FFD];
	_ =	sdelay $0x3  }
0x96: {  	_ =	strace s3  }
0x97: {  	_ =	strace $0x8FFFFFFF  }
0x98: {  	s19 =	sld [smem:$0x3FDB];
	_ =	sdelay $0x1  }
0x99: {  	s4 =	simm.s32 $_scs_section_size  }
0x9a: {  	s5 =	simm.s32 $_size__tile_overlayer_lowered;
	s6 =	simm.s32 $_tile_overlayer_lowered  }
0x9b: {  	s22 =	simm.s32 $0x1BFF;
	s21 =	sshll.u32 s6, $0x1;
	s3 =	sadd.s32 s4, s19  }
0x9c: {  	s7 =	simm.s32 $0x0;
	s20 =	sshll.u32 s5, $0x1;
	s5 =	sadd.s32 s21, s3  }
0x9d: {  	[timem:s7], [sflag:s22] =	dma.local [hbm:s5], s20  }
0x9e: {  	_ =	swait.ge [sflag:s22], s20  }
0x9f: {  	s4 =	ssub.s32 $0x0, s20;
	[sflag:s22] =	ssyncset.done $0x0  }
0xa0: {  	[sflag:s22] =	ssyncadd.s32 s4;
	_ =	sdelay $0x1  }
0xa1: {  	s23 =	simm.s32 $0x1B8B  }
0xa2: {  	_ =	swait.ge [sflag:s23], $0x1  }
0xa3: {  	[sflag:s23] =	ssyncset.done $0x0  }
0xa4: {  	s25 =	simm.s32 $0x1B8E;
	s24 =	sld [smem:$0x3FFE];
	[sflag:s23] =	ssyncadd.s32 $0xFFFFFFFF  }
0xa5: {  	s26 =	simm.s32 $execute0_lowered;
	[smem:$0x3FD2] =	sst s25  }
0xa6: {  	s5 =	sshll.u32 s26, $0x1;
	_ =	strace $0x8000005E;
	[dreg:$0x1] =	wrdreg $0xFFFFFFFF  }
0xa7: {  	s28 =	simm.s32 $_size_execute0_lowered;
	s3 =	sadd.s32 s3, s5;
	[dreg:$0x0] =	wrdreg $0x0  }
0xa8: {  	s5 =	sshll.u32 s28, $0x1;
	[dreg:$0x2] =	wrdreg s3  }
0xa9: {  	[dreg:$0x3] =	wrdreg s5  }
0xaa: {  	[dreg:$0x4] =	wrdreg $0xC0  }
0xab: {  	_ =	task [dreg:s7], $0x5FFFF  }
0xac: {  	[dreg:$0x1] =	wrdreg $0xFFFFFFFF  }
0xad: {  	[dreg:$0x0] =	wrdreg $0x60  }
0xae: {  	[dreg:$0x2] =	wrdreg s2  }
0xaf: {  	[dreg:$0x3] =	wrdreg s24  }
0xb0: {  	[dreg:$0x4] =	wrdreg $0x90000  }
0xb1: {  	[dreg:$0x5] =	wrdreg $0x12E000  }
0xb2: {  	[dreg:$0x6] =	wrdreg $0x9  }
0xb3: {  	_ =	task.clear_ibuf [dreg:s7], $0x7FFFF;
	_ =	strace $0x9000005E  }
0xb4: {  	s29 =	simm.s32 $0x9;
	_ =	strace $0x80000060  }
0xb5: {  	_ =	swait.ge [sflag:s29], $0x1  }
0xb6: {  	[sflag:s29] =	ssyncadd.s32 $0xFFFFFFFF  }
0xb7: {  	_ =	strace $0x90000060  }
0xb8: {  	_ =	sfence  }
0xb9: {  	s30 =	sld [smem:$0x0];
	_ =	sdelay $0x2  }
0xba: {  	s31 =	sshll.u32 s1, $0xD;
	s1 =	sshrl.u32 s1, $0x2  }
0xbb: {  	s3 =	sand.u32 $0x4000, s31;
	s1 =	sadd.s32 s1, s30  }
0xbc: {  	s0 =	sor.u32 s3, s0;
	s1 =	sshll.u32 s1, $0x11  }
0xbd: {  	s0 =	sor.u32 s1, s0  }
0xbe: {  	s0 =	sadd.s32 $0x8F2B, s0  }
0xbf: {  	[sflag:s0] =	ssyncadd.remote.s32 $0x1  }
0xc0: {  	_ =	sfence.sel $0xFFFF  }
0xc1: {  	[dreg:$0x0] =	wrdreg $0xFFFFFFFF;
	(pc) =	sbr.abs _section_cstart, $3  }
0xc2: {  	[dreg:$0x1] =	wrdreg $0xFFFFFFFF  }
0xc3: {  	_ =	task.clear_ibuf [dreg:s7], $0x2FFFF;
	_ =	strace $0x9FFFFFFF  }
0xc4: {  	(tm) =	ssettm $0x7FFFFFFF  }
0xc5: {  	_ =	shalt  }
tec
execute0_lowered:
.L_overlay_start_1:
0x0: {  	(tag) =	ssettag $0x1  }
0x1: {  	s7 =	rddreg [dreg:$0x0]  }
0x2: {  	s6 =	rddreg [dreg:$0x1]  }
0x3: {  	s2 =	rddreg [dreg:$0x2]  }
0x4: {  	s0 =	srdreg.scid;
	s3 =	rddreg [dreg:$0x3]  }
0x5: {  	s4 =	simm.s32 $0x0;
	s16 =	simm.s32 $0x1;
	s17 =	simm.s32 $0x80  }
0x6: {  	s18 =	simm.s32 $0x4F80;
	s5 =	sand.u32 $0x1, s0;
	s0 =	stileid.u32  }
0x7: {  	s19 =	simm.s32 $0x7000;
	s20 =	simm.s32 $0x0;
	s9 =	smul.u32 $0x9E00, s0  }
0x8: {  	[smem:$0x7FF] =	sst s4;
	s1 =	sshll.u32 s5, $0x4;
	s10 =	smul.u32 $0x9E000, s5  }
0x9: {  	s5 =	ssub.s32 $0x2, s5;
	s31 =	sshll.u32 s0, $0x6;
	s1 =	sor.u32 s0, s1  }
0xa: {  	s13 =	sshrl.u32 s5, $0x1;
	s8 =	smul.u32 $0x500, s1;
	s1 =	rddreg [dreg:$0x4]  }
0xb: {  	_ =	strace $0x8000005F;
	s30 =	sshrl.u32 s9, $0x3;
	s10 =	sadd.s32 s9, s10  }
0xc: {  	s13 =	ssub.s32 s5, s13;
	s14 =	sadd.s32 s9, s2;
	s15 =	sadd.s32 s9, s3  }
0xd: {  	s12 =	sadd.s32 s30, s6;
	s10 =	sshrl.u32 s10, $0x3;
	s7 =	sadd.s32 s7, s30  }
0xe: {  	s11 =	sadd.s32 s8, s6;
	s10 =	sadd.s32 s10, s6;
	s5 =	sadd.s32 $0x41200, s12  }
0xf: {  	s6 =	sor.u32 $0x1C02, s31;
	s12 =	sshrl.u32 s14, $0x3;
	s14 =	sshrl.u32 s15, $0x3  }
0x10: {  	s15 =	simm.s32 $0x5000;
	s8 =	sadd.s32 $0xFA00, s11;
	s9 =	sadd.s32 $0x5A00, s11  }
0x11: {  	s10 =	sadd.s32 $0x19A00, s10;
	s11 =	smax.u32 s13, $0x1;
	s13 =	simm.s32 $0x2  }
.LBB2_1:
0x12: {  	[spmem:s12], [sflag:s6] =	dma.local [hbm:s5], $0x13C0  }
0x13: {  	_ =	swait.ge [sflag:s13], $0x13C0  }
0x14: {  	[sflag:s13] =	ssyncset.done $0x0  }
0x15: {  	[sflag:s13] =	ssyncadd.s32 $0xFFFFEC40  }
0x16: {  	[spmem:s14], [sflag:s6] =	dma.local [hbm:s7], $0x13C0  }
0x17: {  	_ =	swait.ge [sflag:s13], $0x13C0  }
0x18: {  	[sflag:s13] =	ssyncset.done $0x0  }
0x19: {  	[sflag:s13] =	ssyncadd.s32 $0xFFFFEC40  }
0x1a: {  	[tilespmem:s4], [sflag:$0x2] =	stream.linear.gather [hbm4b:s8+s4], $0x2800, $0x38;
	[tilespmem:$0x1CC00] =	vst v63  }
0x1b: {  	_ =	swait.ge [sflag:s13], $0x2800  }
0x1c: {  	[sflag:s13] =	ssyncset.done $0x0  }
0x1d: {  	s21 =	simm.s32 $0x2800;
	[sflag:s13] =	ssyncadd.s32 $0xFFFFD800  }
0x1e: {  	[tilespmem:s21], [sflag:$0x2] =	stream.linear.gather [hbm4b:s9+s4], $0x2800, $0x38;
	[tilespmem:$0x1CC00] =	vst v63  }
0x1f: {  	_ =	swait.ge [sflag:s13], $0x2800  }
0x20: {  	[sflag:s13] =	ssyncset.done $0x0  }
0x21: {  	[sflag:s13] =	ssyncadd.s32 $0xFFFFD800  }
0x22: {  	[bflag:$0x0] =	sbarrier.arrive $0xFFFF  }
0x23: {  	[tilespmem:s15], [sflag:$0x1] =	stream.indirect.gather [spmem:s3], $0x40, s4, s17, $0xb8;
	[tilespmem:$0x1CC00] =	vst v63  }
0x24: {  	s22 =	simm.s32 $0x0;
	_ =	swait.ge [sflag:s16], $0x2000  }
0x25: {  	s22 =	sand.u32 $0x2000, s22;
	[sflag:s16] =	ssyncset.done $0x0  }
0x26: {  	s23 =	sxor.u32 $0x7000, s22;
	[sflag:s16] =	ssyncadd.s32 $0xFFFFE000  }
0x27: {  	[tilespmem:s23], [sflag:$0x1] =	stream.indirect.gather [spmem:s3], $0x40, s17, s17, $0xb8;
	[tilespmem:$0x1CC00] =	vst v63  }
0x28: {  	s22 =	sor.u32 $0x5000, s22  }
0x29: {  	[spmem:s2] =	stream.indirect.scatter.add.f32 [tilespmem:s22], [sflag:$0x2], $0x40, s21, s17, $0xb8;
	[tilespmem:$0x1CC00] =	vst v63  }
0x2a: {  	_ =	swait.ge [sflag:s13], $0x2000  }
0x2b: {  	s23 =	simm.s32 $0x80;
	s22 =	simm.s32 $0x1;
	[sflag:s13] =	ssyncset.done $0x0  }
.LBB2_2:
0x2c: {  	[sflag:s13] =	ssyncadd.s32 $0xFFFFE000;
	s21 =	sadd.s32 $0x80, s21;
	s23 =	sadd.s32 $0x80, s23  }
0x2d: {  	p0 =	sne.s32 s22, $0x4E;
	s24 =	smov.u32 s22;
	s22 =	sadd.s32 $0x1, s22  }
0x2e: {  	s24 =	sshll.u32 s24, $0xD;
	_ =	swait.ge [sflag:s16], $0x2000  }
0x2f: {  	s24 =	sand.u32 $0x2000, s24;
	[sflag:s16] =	ssyncset.done $0x0  }
0x30: {  	s25 =	sxor.u32 $0x7000, s24;
	[sflag:s16] =	ssyncadd.s32 $0xFFFFE000  }
0x31: {  	[tilespmem:s25], [sflag:$0x1] =	stream.indirect.gather [spmem:s3], $0x40, s23, s17, $0xb8;
	[tilespmem:$0x1CC00] =	vst v63  }
.Ltmp0:
0x32: {  	_ = 	snop;
	(pc) =	sbr.rel @p0 .LBB2_2-.Ltmp0, $4  }
0x33: {  	s24 =	sor.u32 $0x5000, s24  }
0x34: {  	[spmem:s2] =	stream.indirect.scatter.add.f32 [tilespmem:s24], [sflag:$0x2], $0x40, s21, s17, $0xb8;
	[tilespmem:$0x1CC00] =	vst v63  }
0x35: {  	_ =	swait.ge [sflag:s13], $0x2000  }
0x36: {  	[sflag:s13] =	ssyncset.done $0x0  }
0x37: {  	[sflag:s13] =	ssyncadd.s32 $0xFFFFE000  }
0x38: {  	_ =	swait.ge [sflag:s16], $0x2000  }
0x39: {  	[sflag:s16] =	ssyncset.done $0x0  }
0x3a: {  	[sflag:s16] =	ssyncadd.s32 $0xFFFFE000  }
0x3b: {  	[spmem:s2] =	stream.indirect.scatter.add.f32 [tilespmem:s19], [sflag:$0x2], $0x40, s18, s17, $0xb8;
	[tilespmem:$0x1CC00] =	vst v63  }
0x3c: {  	_ =	swait.ge [sflag:s13], $0x2000  }
0x3d: {  	s20 =	sadd.s32 $0x1, s20;
	[sflag:s13] =	ssyncset.done $0x0  }
0x3e: {  	p0 =	sne.s32 s20, s11;
	[sflag:s13] =	ssyncadd.s32 $0xFFFFE000  }
.Ltmp1:
0x3f: {  	[bflag:$0x0] =	sbarrier.arrive $0xFFFF;
	(pc) =	sbr.rel @p0 .LBB2_1-.Ltmp1, $4  }
0x40: {  	[hbm:s10], [sflag:s6] =	dma.local [spmem:s12], $0x13C0  }
0x41: {  	_ =	swait.ge [sflag:s13], $0x13C0  }
0x42: {  	[sflag:s13] =	ssyncset.done $0x0  }
0x43: {  	[sflag:s13] =	ssyncadd.s32 $0xFFFFEC40  }
0x44: {  	_ =	sfence.sel $0x180000  }
0x45: {  	[bflag:$0x0] =	sbarrier.arrive $0xFFFF  }
0x46: {  	p0 =	sne.s32 s0, $0x0;
	_ =	strace $0x9000005F  }
0x47: {  	s0 =	sadd.s32 @!p0 $0x100000, s1;
	[bflag:$0x2] =	sbarrier.arrive $0xFFFF  }
0x48: {  	[sflag:s0] =	ssyncadd.tile.s32 @!p0 $0x1;
	_ =	shalt  }
.Lfunc_end2:
_tile_overlayer_lowered:
.L_overlay_start_2:
0x49: {  	(tag) =	ssettag $0x2  }
0x4a: {  	s0 =	rddreg [dreg:$0x0];
	s2 =	stileid.u32  }
0x4b: {  	s1 =	rddreg [dreg:$0x1];
	p0 =	sne.s32 s2, $0x0  }
0x4c: {  	s3 =	rddreg [dreg:$0x2];
	[bflag:$0x3] =	sbarrier.arrive $0xFFFF;
	s2 =	simm.s32 @!p0 $0x1C02  }
0x4d: {  	[timem:s3], [sflag:s2] =	dma.local @!p0 [hbm:s0], s1  }
0x4e: {  	s0 =	simm.s32 @!p0 $0x2  }
0x4f: {  	_ =	swait.ge @!p0 [sflag:s0], s1  }
0x50: {  	s1 =	ssub.s32 @!p0 $0x0, s1;
	[sflag:s0] =	ssyncset.done @!p0 $0x0  }
0x51: {  	[sflag:s0] =	ssyncadd.s32 @!p0 s1  }
0x52: {  	[bflag:$0x3] =	sbarrier.arrive $0xFFFF  }
0x53: {  	_ =	shalt  }

</sc_bundles>
